<compile_context>
chip_gen: v7x
topology: tpu7x:2x2x1
jax: 0.10.2.dev20260603
libtpu: 0.0.44.dev20260713+nightly
codegen_flags: <defaults>
</compile_context>

<pallas_src>
import functools

import jax
import jax.numpy as jnp
from jax import lax
from jax.experimental import pallas as pl
from jax.experimental.pallas import tpu as pltpu
from jax.experimental.pallas import tpu_sc as plsc

_RELATION_NUM = 40
_DIM = 128
_B = 16384
_REG = 1e-05

_NSUB = 16
_NW = 32
_PW = _B // _NW
_NV = _PW // 16
_HALF = _B // 2
_CH = 128


def _make_sort_gather(n):
    mesh = plsc.VectorSubcoreMesh(core_axis_name="c", subcore_axis_name="s")
    pw = n // _NW
    nv = pw // 16
    half = n // 2
    nch = pw // _CH

    @functools.partial(
        pl.kernel,
        mesh=mesh,
        out_type=(
            jax.ShapeDtypeStruct((n, _DIM), jnp.float32),
            jax.ShapeDtypeStruct((n, _DIM), jnp.float32),
            jax.ShapeDtypeStruct((n, _DIM), jnp.float32),
            jax.ShapeDtypeStruct((n,), jnp.int32),
        ),
        scratch_types=[
            pltpu.VMEM((pw,), jnp.int32),
            pltpu.VMEM((pw,), jnp.int32),
            pltpu.VMEM((pw,), jnp.int32),
            pltpu.VMEM((pw,), jnp.int32),
            pltpu.VMEM((pw + 16,), jnp.int32),
            pltpu.VMEM((pw,), jnp.int32),
            pltpu.VMEM((16,), jnp.int32),
            pltpu.VMEM((16,), jnp.int32),
            pltpu.VMEM((48,), jnp.int32),
            pltpu.VMEM((48,), jnp.int32),
            pltpu.VMEM((48,), jnp.int32),
            pltpu.VMEM((nch, _CH), jnp.int32),
            pltpu.VMEM((pw,), jnp.int32),
            pltpu.VMEM((pw,), jnp.int32),
            pltpu.VMEM((pw,), jnp.int32),
            pltpu.VMEM((pw,), jnp.int32),
            pltpu.VMEM((_NSUB * 48,), jnp.int32),
            [pltpu.VMEM((_CH, _DIM), jnp.float32) for _ in range(6)],
            pltpu.VMEM_SHARED((_NSUB * 48,), jnp.int32),
            [pltpu.SemaphoreType.DMA for _ in range(6)],
            pltpu.SemaphoreType.DMA,
        ],
        compiler_params=pltpu.CompilerParams(needs_layout_passes=False),
    )
    def sg(table, heads, ptails, ntails, rels,
           out_h, out_p, out_n, out_r,
           relv, headv, ptv, ntv, ordbuf, rankbuf, tmp16, chg16, cnt48,
           lst48, delta48, pos2d,
           hsort, psort, nsort, rsort, hall, bufs, hists_sh, sems, lsem):
        c = lax.axis_index("c")
        s = lax.axis_index("s")
        gbase = c * half + s * pw
        ld_r = pltpu.async_copy(rels.at[pl.ds(gbase, pw)], relv, lsem)
        ld_h = pltpu.async_copy(heads.at[pl.ds(gbase, pw)], headv, sems[0])
        ld_p = pltpu.async_copy(ptails.at[pl.ds(gbase, pw)], ptv, sems[1])
        ld_n = pltpu.async_copy(ntails.at[pl.ds(gbase, pw)], ntv, sems[2])
        ld_r.wait()

        lane = lax.broadcasted_iota(jnp.int32, (16,), 0)
        zero = jnp.zeros((16,), jnp.int32)

        def bc(x):
            return jnp.broadcast_to(x, (16,))

        cnt48[pl.ds(0, 16)] = zero
        cnt48[pl.ds(16, 16)] = zero
        cnt48[pl.ds(32, 16)] = zero

        def pass1(j, carry):
            v = relv[pl.ds(j * 16, 16)]
            ks, vs = plsc.sort_key_val(v, lane)
            tmp16[...] = ks
            prev = plsc.load_gather(tmp16, [jnp.maximum(lane - 1, 0)])
            chg = ((ks != prev) | (lane == 0)).astype(jnp.int32)
            chg16[...] = chg
            nxt = plsc.load_gather(chg16, [jnp.minimum(lane + 1, 15)])
            lastchg = plsc.cummax(lane * chg)
            runrank = lane - lastchg
            base = plsc.load_gather(cnt48, [ks])
            localrank = base + runrank
            endm = (nxt == 1) | (lane == 15)
            plsc.store_scatter(cnt48, [ks], localrank + 1, mask=endm)
            plsc.store_scatter(rankbuf, [bc(j * 16) + vs], localrank)
            return carry

        lax.fori_loop(0, nv, pass1, 0)

        cnt0 = cnt48[pl.ds(0, 16)]
        cnt1 = cnt48[pl.ds(16, 16)]
        cnt2 = cnt48[pl.ds(32, 16)]
        cs0 = bc(jnp.sum(cnt0))
        cs1 = bc(jnp.sum(cnt1))
        lst0 = plsc.cumsum(cnt0) - cnt0
        lst1 = plsc.cumsum(cnt1) - cnt1 + cs0
        lst2 = plsc.cumsum(cnt2) - cnt2 + cs0 + cs1
        lst48[pl.ds(0, 16)] = lst0
        lst48[pl.ds(16, 16)] = lst1
        lst48[pl.ds(32, 16)] = lst2

        def pass2(j, carry):
            v = relv[pl.ds(j * 16, 16)]
            rk = rankbuf[pl.ds(j * 16, 16)]
            basel = plsc.load_gather(lst48, [v])
            plsc.store_scatter(ordbuf, [basel + rk], lane + bc(j * 16))
            return carry

        lax.fori_loop(0, nv, pass2, 0)

        pltpu.sync_copy(cnt48, hists_sh.at[pl.ds(s * 48, 48)])
        plsc.subcore_barrier()
        pltpu.sync_copy(hists_sh, hall)

        t0 = t1 = t2 = p0 = p1 = p2 = zero
        for w in range(_NSUB):
            h0 = hall[pl.ds(w * 48, 16)]
            h1 = hall[pl.ds(w * 48 + 16, 16)]
            h2 = hall[pl.ds(w * 48 + 32, 16)]
            use = bc((w < s).astype(jnp.int32))
            t0 += h0
            t1 += h1
            t2 += h2
            p0 += h0 * use
            p1 += h1 * use
            p2 += h2 * use
        s0 = bc(jnp.sum(t0))
        s1 = bc(jnp.sum(t1))
        e0 = plsc.cumsum(t0) - t0
        e1 = plsc.cumsum(t1) - t1 + s0
        e2 = plsc.cumsum(t2) - t2 + s0 + s1
        basev = bc(c * half)
        delta48[pl.ds(0, 16)] = e0 + p0 + basev - lst0
        delta48[pl.ds(16, 16)] = e1 + p1 + basev - lst1
        delta48[pl.ds(32, 16)] = e2 + p2 + basev - lst2

        ld_h.wait()
        ld_p.wait()
        ld_n.wait()
        for j in range(nv):
            ordv = ordbuf[pl.ds(j * 16, 16)]
            rsv = plsc.load_gather(relv, [ordv])
            dv = plsc.load_gather(delta48, [rsv])
            pos2d[j // 8, pl.ds((j % 8) * 16, 16)] = dv + lane + bc(j * 16)
            hsort[pl.ds(j * 16, 16)] = plsc.load_gather(headv, [ordv])
            psort[pl.ds(j * 16, 16)] = plsc.load_gather(ptv, [ordv])
            nsort[pl.ds(j * 16, 16)] = plsc.load_gather(ntv, [ordv])
            rsort[pl.ds(j * 16, 16)] = rsv

        rel_descs = [
            pltpu.async_copy(rsort.at[pl.ds(ch * _CH, _CH)],
                             out_r.at[pos2d.at[ch]], lsem)
            for ch in range(nch)
        ]

        srcs = [hsort, psort, nsort]
        outs = [out_h, out_p, out_n]
        njobs = 3 * nch

        def job(k):
            t, ch = k % 3, k // 3
            return srcs[t], outs[t], ch

        dg = {}
        dsc = {}
        for k in range(min(6, njobs)):
            src, _, ch = job(k)
            dg[k] = pltpu.async_copy(table.at[src.at[pl.ds(ch * _CH, _CH)]],
                                     bufs[k], sems[k])
        for k in range(njobs):
            slot = k % 6
            dg[k].wait()
            _, out, ch = job(k)
            dsc[k] = pltpu.async_copy(bufs[slot], out.at[pos2d.at[ch]],
                                      sems[slot])
            if k + 6 < njobs:
                dsc[k].wait()
                src, _, ch2 = job(k + 6)
                dg[k + 6] = pltpu.async_copy(
                    table.at[src.at[pl.ds(ch2 * _CH, _CH)]],
                    bufs[slot], sems[slot])
        for k in range(max(0, njobs - 6), njobs):
            dsc[k].wait()
        for dsc_rel in rel_descs:
            dsc_rel.wait()

    return sg


_BK = 1024
_NB = _B // _BK


def _tc_body(rel_ref, hb_ref, pb_ref, nb_ref, rtab_ref, trans_ref, out_ref,
             s_ref, acc_ref):
    i = pl.program_id(0)
    rel = rel_ref[0, 0, :]
    rel3 = jnp.concatenate([rel, rel, rel], axis=0)
    lo = jnp.min(rel)
    hi = jnp.max(rel)

    s_ref[0:_BK, :] = hb_ref[...]
    s_ref[_BK:2 * _BK, :] = pb_ref[...]
    s_ref[2 * _BK:3 * _BK, :] = nb_ref[...]
    acc_ref[...] = jnp.zeros((3 * _BK, _DIM), jnp.float32)

    def body(r, carry):
        m = (rel3 == r).astype(jnp.float32)[:, None]
        w_r = trans_ref[r, :, :]
        acc_ref[...] += jnp.dot(s_ref[...] * m, w_r,
                                preferred_element_type=jnp.float32)
        return carry

    lax.fori_loop(lo, hi + 1, body, 0)

    th = acc_ref[0:_BK, :]
    tp = acc_ref[_BK:2 * _BK, :]
    tn = acc_ref[2 * _BK:3 * _BK, :]

    oh = (rel[:, None] == lax.broadcasted_iota(jnp.int32, (1, _RELATION_NUM), 1)
          ).astype(jnp.float32)
    remb = jnp.dot(oh, rtab_ref[...], preferred_element_type=jnp.float32)

    pos = jnp.sum(jnp.square(th + remb - tp), axis=1)
    neg = jnp.sum(jnp.square(th + remb - tn), axis=1)
    d = neg - pos
    ls = jnp.minimum(d, 0.0) - jnp.log1p(jnp.exp(-jnp.abs(d)))

    rows = lax.broadcasted_iota(jnp.int32, (8, _DIM), 0)
    cols = lax.broadcasted_iota(jnp.int32, (8, _DIM), 1)
    partial = (jnp.sum(ls) * (rows == 0) + jnp.sum(th * th) * (rows == 1)
               + jnp.sum(remb * remb) * (rows == 2)
               + jnp.sum(tp * tp) * (rows == 3)
               + jnp.sum(tn * tn) * (rows == 4)).astype(jnp.float32)

    @pl.when(i == 0)
    def _():
        out_ref[...] = jnp.zeros((8, _DIM), jnp.float32)

    out_ref[...] += partial



def _tc_call(rows_h, rows_p, rows_n, rel3d, rtab, trans, nb):
    return pl.pallas_call(
        _tc_body,
        grid=(nb,),
        in_specs=[
            pl.BlockSpec((1, 1, _BK), lambda i: (i, 0, 0)),
            pl.BlockSpec((_BK, _DIM), lambda i: (i, 0)),
            pl.BlockSpec((_BK, _DIM), lambda i: (i, 0)),
            pl.BlockSpec((_BK, _DIM), lambda i: (i, 0)),
            pl.BlockSpec((_RELATION_NUM, _DIM), lambda i: (0, 0)),
            pl.BlockSpec((_RELATION_NUM, _DIM, _DIM), lambda i: (0, 0, 0)),
        ],
        out_specs=pl.BlockSpec((8, _DIM), lambda i: (0, 0)),
        out_shape=jax.ShapeDtypeStruct((8, _DIM), jnp.float32),
        scratch_shapes=[
            pltpu.VMEM((3 * _BK, _DIM), jnp.float32),
            pltpu.VMEM((3 * _BK, _DIM), jnp.float32),
        ],
    )(rel3d, rows_h, rows_p, rows_n, rtab, trans)


def kernel(user_entity_table, relation_table, trans_matrix, heads, relations,
           positive_tails, negative_tails):
    nh = _B // 2
    sg = _make_sort_gather(nh)
    heads = heads.astype(jnp.int32)
    ptails = positive_tails.astype(jnp.int32)
    ntails = negative_tails.astype(jnp.int32)
    rels = relations.astype(jnp.int32)
    parts = []
    for h in range(2):
        sl = slice(h * nh, (h + 1) * nh)
        rows_h, rows_p, rows_n, rel_s = sg(
            user_entity_table, heads[sl], ptails[sl], ntails[sl], rels[sl])
        rel3d = rel_s.reshape(nh // _BK, 1, _BK)
        parts.append(_tc_call(rows_h, rows_p, rows_n, rel3d, relation_table,
                              trans_matrix, nh // _BK))
    tot = parts[0] + parts[1]
    kg = -tot[0, 0] / _B
    l2 = (tot[1, 0] + tot[2, 0] + tot[3, 0] + tot[4, 0]) / (2.0 * _B)
    return kg + _REG * l2

# --- scband reference (transcript-rebuilt; emitter-appended) ---
"""Pipeline reference for scband-kgat-61701500175225 (READ-ONLY COPY).

The authoritative reference and input builder live on the scoring server;
editing this copy changes nothing except your own understanding.
"""

import jax, jax.numpy as jnp
import numpy as np

USER_NUM = 10000
ENTITY_NUM = 100000
RELATION_NUM = 40
CF_DIM = 128
KG_DIM = 128
B = 16384
REG = 1e-05


def _xavier(key, shape):
    fan_in, fan_out = shape[-2], shape[-1]
    if len(shape) == 3:
        fan_in, fan_out = shape[1], shape[2]
    limit = float(np.sqrt(6.0 / (fan_in + fan_out)))
    return jax.random.uniform(key, shape, minval=-limit, maxval=limit, dtype=jnp.float32)


def setup_inputs(seed: int = 0) -> dict:
    key = jax.random.key(seed)
    k1, k2, k3, k4, k5, k6, k7 = jax.random.split(key, 7)
    user_entity_table = _xavier(k1, (USER_NUM + ENTITY_NUM, CF_DIM))
    relation_table = _xavier(k2, (RELATION_NUM, KG_DIM))
    trans_matrix = _xavier(k3, (RELATION_NUM, CF_DIM, KG_DIM))
    heads = jax.random.randint(k4, (B,), 0, USER_NUM + ENTITY_NUM, dtype=jnp.int64 if jax.config.jax_enable_x64 else jnp.int32)
    relations = jax.random.randint(k5, (B,), 0, RELATION_NUM, dtype=heads.dtype)
    positive_tails = jax.random.randint(k6, (B,), 0, USER_NUM + ENTITY_NUM, dtype=heads.dtype)
    negative_tails = jax.random.randint(k7, (B,), 0, USER_NUM + ENTITY_NUM, dtype=heads.dtype)
    return {
        "user_entity_table": user_entity_table,
        "relation_table": relation_table,
        "trans_matrix": trans_matrix,
        "heads": heads,
        "relations": relations,
        "positive_tails": positive_tails,
        "negative_tails": negative_tails,
    }


def _l2_mean(e):
    return jnp.mean(jnp.sum(e * e, axis=1) / 2.0)


def reference(user_entity_table, relation_table, trans_matrix, heads, relations, positive_tails, negative_tails):
    # KGAT._calc_kg_loss (TRAIN_KG mode)
    r_emb = jnp.take(relation_table, relations, axis=0)                 # [B, KG]
    W = jnp.take(trans_matrix, relations, axis=0)                       # [B, CF, KG]
    h = jnp.take(user_entity_table, heads, axis=0)                      # [B, CF]
    pt = jnp.take(user_entity_table, positive_tails, axis=0)           # [B, CF]
    nt = jnp.take(user_entity_table, negative_tails, axis=0)           # [B, CF]
    # (1,CF) @ (CF,KG) batched matmul, squeeze -> [B, KG]
    th = jnp.einsum("bd,bdk->bk", h, W)
    tp = jnp.einsum("bd,bdk->bk", pt, W)
    tn = jnp.einsum("bd,bdk->bk", nt, W)
    pos_scores = jnp.sum(jnp.square(th + r_emb - tp), axis=1)
    neg_scores = jnp.sum(jnp.square(th + r_emb - tn), axis=1)
    kg_loss = -jnp.mean(jax.nn.log_sigmoid(neg_scores - pos_scores))
    l2_loss = _l2_mean(th) + _l2_mean(r_emb) + _l2_mean(tp) + _l2_mean(tn)
    return kg_loss + REG * l2_loss

if __name__ == "__main__":
    import jax
    _d = setup_inputs()
    print(jax.jit(kernel)(*tuple(_d.values())))

</pallas_src>

<mosaic_0001>
#map = affine_map<(d0, d1) -> (0, 0)>
#map1 = affine_map<(d0, d1) -> (0)>
module attributes {stable_mosaic.version = 14 : i64} {
  func.func @sg(%arg0: i32, %arg1: i32, %arg2: memref<110000x128xf32, #tpu.memory_space<hbm>>, %arg3: memref<8192xi32, #tpu.memory_space<hbm>>, %arg4: memref<8192xi32, #tpu.memory_space<hbm>>, %arg5: memref<8192xi32, #tpu.memory_space<hbm>>, %arg6: memref<8192xi32, #tpu.memory_space<hbm>>, %arg7: memref<8192x128xf32, #tpu.memory_space<hbm>>, %arg8: memref<8192x128xf32, #tpu.memory_space<hbm>>, %arg9: memref<8192x128xf32, #tpu.memory_space<hbm>>, %arg10: memref<8192xi32, #tpu.memory_space<hbm>>, %arg11: memref<256xi32, #tpu.memory_space<vmem>>, %arg12: memref<256xi32, #tpu.memory_space<vmem>>, %arg13: memref<256xi32, #tpu.memory_space<vmem>>, %arg14: memref<256xi32, #tpu.memory_space<vmem>>, %arg15: memref<272xi32, #tpu.memory_space<vmem>>, %arg16: memref<256xi32, #tpu.memory_space<vmem>>, %arg17: memref<16xi32, #tpu.memory_space<vmem>>, %arg18: memref<16xi32, #tpu.memory_space<vmem>>, %arg19: memref<48xi32, #tpu.memory_space<vmem>>, %arg20: memref<48xi32, #tpu.memory_space<vmem>>, %arg21: memref<48xi32, #tpu.memory_space<vmem>>, %arg22: memref<2x128xi32, #tpu.memory_space<vmem>>, %arg23: memref<256xi32, #tpu.memory_space<vmem>>, %arg24: memref<256xi32, #tpu.memory_space<vmem>>, %arg25: memref<256xi32, #tpu.memory_space<vmem>>, %arg26: memref<256xi32, #tpu.memory_space<vmem>>, %arg27: memref<768xi32, #tpu.memory_space<vmem>>, %arg28: memref<128x128xf32, #tpu.memory_space<vmem>>, %arg29: memref<128x128xf32, #tpu.memory_space<vmem>>, %arg30: memref<128x128xf32, #tpu.memory_space<vmem>>, %arg31: memref<128x128xf32, #tpu.memory_space<vmem>>, %arg32: memref<128x128xf32, #tpu.memory_space<vmem>>, %arg33: memref<128x128xf32, #tpu.memory_space<vmem>>, %arg34: memref<768xi32, #tpu.memory_space<vmem_shared>>, %arg35: memref<!tpu.dma_semaphore, #tpu.memory_space<semaphore_mem>>, %arg36: memref<!tpu.dma_semaphore, #tpu.memory_space<semaphore_mem>>, %arg37: memref<!tpu.dma_semaphore, #tpu.memory_space<semaphore_mem>>, %arg38: memref<!tpu.dma_semaphore, #tpu.memory_space<semaphore_mem>>, %arg39: memref<!tpu.dma_semaphore, #tpu.memory_space<semaphore_mem>>, %arg40: memref<!tpu.dma_semaphore, #tpu.memory_space<semaphore_mem>>, %arg41: memref<!tpu.dma_semaphore, #tpu.memory_space<semaphore_mem>>) attributes {dimension_semantics = [#tpu.dimension_semantics<core_parallel>, #tpu.dimension_semantics<subcore_parallel>], iteration_bounds = array<i64: 2, 16>, scalar_prefetch = 0 : i64, scratch_operands = 31 : i64, tpu.core_type = #tpu.core_type<sc_vector_subcore>, window_params = [{transform_indices = #map}, {transform_indices = #map1}, {transform_indices = #map1}, {transform_indices = #map1}, {transform_indices = #map1}, {transform_indices = #map}, {transform_indices = #map}, {transform_indices = #map}, {transform_indices = #map1}]} {
    %mul3A = arith.constant 4096 : i32
    %mul3A_0 = arith.muli %arg0, %mul3A : i32
    %mul3A_1 = arith.constant 256 : i32
    %mul3A_2 = arith.muli %arg1, %mul3A_1 : i32
    %add3A = arith.addi %mul3A_0, %mul3A_2 : i32
    %dma_start3A = tpu.memref_slice %arg6[%add3A] : memref<8192xi32, #tpu.memory_space<hbm>> -> memref<256xi32, #tpu.memory_space<hbm>>
    %dma_start3A_3 = tpu.memref_slice %arg6[%add3A] : memref<8192xi32, #tpu.memory_space<hbm>> -> memref<256xi32, #tpu.memory_space<hbm>>
    tpu.enqueue_dma source(%dma_start3A_3 : memref<256xi32, #tpu.memory_space<hbm>>) target(%arg11 : memref<256xi32, #tpu.memory_space<vmem>>) target_semaphore(%arg41 : memref<!tpu.dma_semaphore, #tpu.memory_space<semaphore_mem>>)
    %dma_start3A_4 = tpu.memref_slice %arg3[%add3A] : memref<8192xi32, #tpu.memory_space<hbm>> -> memref<256xi32, #tpu.memory_space<hbm>>
    %dma_start3A_5 = tpu.memref_slice %arg3[%add3A] : memref<8192xi32, #tpu.memory_space<hbm>> -> memref<256xi32, #tpu.memory_space<hbm>>
    tpu.enqueue_dma source(%dma_start3A_5 : memref<256xi32, #tpu.memory_space<hbm>>) target(%arg12 : memref<256xi32, #tpu.memory_space<vmem>>) target_semaphore(%arg35 : memref<!tpu.dma_semaphore, #tpu.memory_space<semaphore_mem>>)
    %dma_start3A_6 = tpu.memref_slice %arg4[%add3A] : memref<8192xi32, #tpu.memory_space<hbm>> -> memref<256xi32, #tpu.memory_space<hbm>>
    %dma_start3A_7 = tpu.memref_slice %arg4[%add3A] : memref<8192xi32, #tpu.memory_space<hbm>> -> memref<256xi32, #tpu.memory_space<hbm>>
    tpu.enqueue_dma source(%dma_start3A_7 : memref<256xi32, #tpu.memory_space<hbm>>) target(%arg13 : memref<256xi32, #tpu.memory_space<vmem>>) target_semaphore(%arg36 : memref<!tpu.dma_semaphore, #tpu.memory_space<semaphore_mem>>)
    %dma_start3A_8 = tpu.memref_slice %arg5[%add3A] : memref<8192xi32, #tpu.memory_space<hbm>> -> memref<256xi32, #tpu.memory_space<hbm>>
    %dma_start3A_9 = tpu.memref_slice %arg5[%add3A] : memref<8192xi32, #tpu.memory_space<hbm>> -> memref<256xi32, #tpu.memory_space<hbm>>
    tpu.enqueue_dma source(%dma_start3A_9 : memref<256xi32, #tpu.memory_space<hbm>>) target(%arg14 : memref<256xi32, #tpu.memory_space<vmem>>) target_semaphore(%arg37 : memref<!tpu.dma_semaphore, #tpu.memory_space<semaphore_mem>>)
    %dma_wait3A = tpu.memref_slice %arg6[%add3A] : memref<8192xi32, #tpu.memory_space<hbm>> -> memref<256xi32, #tpu.memory_space<hbm>>
    %dma_wait3A_10 = tpu.memref_slice %arg6[%add3A] : memref<8192xi32, #tpu.memory_space<hbm>> -> memref<256xi32, #tpu.memory_space<hbm>>
    tpu.wait_dma2 semaphore(%arg41 : memref<!tpu.dma_semaphore, #tpu.memory_space<semaphore_mem>>) src(%dma_wait3A_10 : memref<256xi32, #tpu.memory_space<hbm>>) dst(%arg11 : memref<256xi32, #tpu.memory_space<vmem>>)
    %iota3A = tpu.iota {dimensions = array<i32: 0>} : vector<16xi32>
    %broadcast_in_dim3A = arith.constant 0 : i32
    %broadcast_in_dim3A_11 = vector.broadcast %broadcast_in_dim3A : i32 to vector<16xi32>
    %swap3A = arith.constant 0 : index
    %swap3A_12 = tpu.vector_load %arg19[%swap3A] {strides = array<i32>} : memref<48xi32, #tpu.memory_space<vmem>>, vector<16xi32>,
    tpu.vector_store %arg19[%swap3A], %broadcast_in_dim3A_11 {strides = array<i32>} : memref<48xi32, #tpu.memory_space<vmem>>, vector<16xi32>,
    %swap3A_13 = arith.constant 16 : index
    %swap3A_14 = tpu.vector_load %arg19[%swap3A_13] {strides = array<i32>} : memref<48xi32, #tpu.memory_space<vmem>>, vector<16xi32>,
    tpu.vector_store %arg19[%swap3A_13], %broadcast_in_dim3A_11 {strides = array<i32>} : memref<48xi32, #tpu.memory_space<vmem>>, vector<16xi32>,
    %swap3A_15 = arith.constant 32 : index
    %swap3A_16 = tpu.vector_load %arg19[%swap3A_15] {strides = array<i32>} : memref<48xi32, #tpu.memory_space<vmem>>, vector<16xi32>,
    tpu.vector_store %arg19[%swap3A_15], %broadcast_in_dim3A_11 {strides = array<i32>} : memref<48xi32, #tpu.memory_space<vmem>>, vector<16xi32>,
    %scan3A = arith.constant 0 : i32
    %scan3A_17 = arith.constant 0 : i32
    %scan3A_18 = arith.constant 16 : i32
    %scan3A_19 = arith.addi %scan3A_17, %scan3A_18 : i32
    %scan3A_20 = arith.constant 1 : i32
    scf.for %scan3A_957 = %scan3A_17 to %scan3A_19 step %scan3A_20  : i32 {
      %mul3A_958 = arith.constant 16 : i32
      %mul3A_959 = arith.muli %scan3A_957, %mul3A_958 : i32
      %get3A_960 = arith.index_cast %mul3A_959 : i32 to index
      %get3A_961 = tpu.vector_load %arg11[%get3A_960] {strides = array<i32>} : memref<256xi32, #tpu.memory_space<vmem>>, vector<16xi32>,
      %masked_sort3A = arith.constant dense<true> : vector<16xi1>
      %masked_sort3A_962 = arith.constant -2147483648 : i32
      %masked_sort3A_963 = vector.broadcast %masked_sort3A_962 : i32 to vector<16xi32>
      %masked_sort3A_964 = arith.xori %get3A_961, %masked_sort3A_963 : vector<16xi32>
      %masked_sort3A_965, %masked_sort3A_966, %masked_sort3A_967 = tpu.sort %masked_sort3A_964, %iota3A masked %masked_sort3A : (vector<16xi32>, vector<16xi32>, vector<16xi1>) -> (vector<16xi1>, vector<16xi32>, vector<16xi32>)
      %masked_sort3A_968 = arith.xori %masked_sort3A_966, %masked_sort3A_963 : vector<16xi32>
      %swap3A_969 = arith.constant 0 : index
      %swap3A_970 = tpu.vector_load %arg17[%swap3A_969] {strides = array<i32>} : memref<16xi32, #tpu.memory_space<vmem>>, vector<16xi32>,
      tpu.vector_store %arg17[%swap3A_969], %masked_sort3A_968 {strides = array<i32>} : memref<16xi32, #tpu.memory_space<vmem>>, vector<16xi32>,
      %sub3A_971 = arith.constant 1 : i32
      %sub3A_972 = vector.broadcast %sub3A_971 : i32 to vector<16xi32>
      %sub3A_973 = arith.subi %iota3A, %sub3A_972 : vector<16xi32>
      %max3A = arith.constant 0 : i32
      %max3A_974 = vector.broadcast %max3A : i32 to vector<16xi32>
      %max3A_975 = arith.maxsi %sub3A_973, %max3A_974 : vector<16xi32>
      %gather3A_976 = tpu.vector_load_idx %arg17[%max3A_975] : memref<16xi32, #tpu.memory_space<vmem>>[vector<16xi32>], vector<16xi32>,
      %ne3A = arith.cmpi ne, %masked_sort3A_968, %gather3A_976 : vector<16xi32>
      %eq3A = arith.constant 0 : i32
      %eq3A_977 = vector.broadcast %eq3A : i32 to vector<16xi32>
      %eq3A_978 = arith.cmpi eq, %iota3A, %eq3A_977 : vector<16xi32>
      %or3A = arith.ori %ne3A, %eq3A_978 : vector<16xi1>
      %convert_element_type3A_979 = arith.extui %or3A : vector<16xi1> to vector<16xi32>
      %swap3A_980 = arith.constant 0 : index
      %swap3A_981 = tpu.vector_load %arg18[%swap3A_980] {strides = array<i32>} : memref<16xi32, #tpu.memory_space<vmem>>, vector<16xi32>,
      tpu.vector_store %arg18[%swap3A_980], %convert_element_type3A_979 {strides = array<i32>} : memref<16xi32, #tpu.memory_space<vmem>>, vector<16xi32>,
      %add3A_982 = arith.constant 1 : i32
      %add3A_983 = vector.broadcast %add3A_982 : i32 to vector<16xi32>
      %add3A_984 = arith.addi %iota3A, %add3A_983 : vector<16xi32>
      %min3A = arith.constant 15 : i32
      %min3A_985 = vector.broadcast %min3A : i32 to vector<16xi32>
      %min3A_986 = arith.minsi %add3A_984, %min3A_985 : vector<16xi32>
      %gather3A_987 = tpu.vector_load_idx %arg18[%min3A_986] : memref<16xi32, #tpu.memory_space<vmem>>[vector<16xi32>], vector<16xi32>,
      %mul3A_988 = arith.muli %iota3A, %convert_element_type3A_979 : vector<16xi32>
      %broadcast_in_dim3A_989 = arith.constant true
      %broadcast_in_dim3A_990 = vector.broadcast %broadcast_in_dim3A_989 : i1 to vector<16xi1>
      %masked_cummax3A = arith.constant -2147483648 : i32
      %masked_cummax3A_991 = vector.broadcast %masked_cummax3A : i32 to vector<16xi32>
      %masked_cummax3A_992 = arith.xori %mul3A_988, %masked_cummax3A_991 : vector<16xi32>
      %masked_cummax3A_993 = tpu.scan <max>, %masked_cummax3A_992 masked %broadcast_in_dim3A_990 : vector<16xi32>, vector<16xi1> -> vector<16xi32>
      %masked_cummax3A_994 = arith.xori %masked_cummax3A_993, %masked_cummax3A_991 : vector<16xi32>
      %sub3A_995 = arith.subi %iota3A, %masked_cummax3A_994 : vector<16xi32>
      %gather3A_996 = tpu.vector_load_idx %arg19[%masked_sort3A_968] : memref<48xi32, #tpu.memory_space<vmem>>[vector<16xi32>], vector<16xi32>,
      %add3A_997 = arith.addi %gather3A_996, %sub3A_995 : vector<16xi32>
      %eq3A_998 = arith.constant 1 : i32
      %eq3A_999 = vector.broadcast %eq3A_998 : i32 to vector<16xi32>
      %eq3A_1000 = arith.cmpi eq, %gather3A_987, %eq3A_999 : vector<16xi32>
      %eq3A_1001 = arith.constant 15 : i32
      %eq3A_1002 = vector.broadcast %eq3A_1001 : i32 to vector<16xi32>
      %eq3A_1003 = arith.cmpi eq, %iota3A, %eq3A_1002 : vector<16xi32>
      %or3A_1004 = arith.ori %eq3A_1000, %eq3A_1003 : vector<16xi1>
      %add3A_1005 = arith.constant 1 : i32
      %add3A_1006 = vector.broadcast %add3A_1005 : i32 to vector<16xi32>
      %add3A_1007 = arith.addi %add3A_997, %add3A_1006 : vector<16xi32>
      tpu.vector_store_idx %arg19[%masked_sort3A_968], %add3A_1007 masked %or3A_1004 : memref<48xi32, #tpu.memory_space<vmem>>[vector<16xi32>], vector<16xi32>, vector<16xi1>
      %mul3A_1008 = arith.constant 16 : i32
      %mul3A_1009 = arith.muli %scan3A_957, %mul3A_1008 : i32
      %broadcast_in_dim3A_1010 = vector.broadcast %mul3A_1009 : i32 to vector<16xi32>
      %add3A_1011 = arith.addi %broadcast_in_dim3A_1010, %masked_sort3A_967 : vector<16xi32>
      tpu.vector_store_idx %arg16[%add3A_1011], %add3A_997 : memref<256xi32, #tpu.memory_space<vmem>>[vector<16xi32>], vector<16xi32>,
    }
    %scan3A_21 = arith.constant 16 : i32
    %get3A = arith.constant 0 : index
    %get3A_22 = tpu.vector_load %arg19[%get3A] {strides = array<i32>} : memref<48xi32, #tpu.memory_space<vmem>>, vector<16xi32>,
    %get3A_23 = arith.constant 16 : index
    %get3A_24 = tpu.vector_load %arg19[%get3A_23] {strides = array<i32>} : memref<48xi32, #tpu.memory_space<vmem>>, vector<16xi32>,
    %get3A_25 = arith.constant 32 : index
    %get3A_26 = tpu.vector_load %arg19[%get3A_25] {strides = array<i32>} : memref<48xi32, #tpu.memory_space<vmem>>, vector<16xi32>,
    %reduce_sum3A = arith.constant true
    %reduce_sum3A_27 = vector.broadcast %reduce_sum3A : i1 to vector<16xi1>
    %reduce_sum3A_28 = tpu.scan <sum>, %get3A_22 masked %reduce_sum3A_27 : vector<16xi32>, vector<16xi1> -> vector<16xi32>
    %reduce_sum3A_29 = vector.extract %reduce_sum3A_28[15] : i32 from vector<16xi32>
    %broadcast_in_dim3A_30 = vector.broadcast %reduce_sum3A_29 : i32 to vector<16xi32>
    %reduce_sum3A_31 = arith.constant true
    %reduce_sum3A_32 = vector.broadcast %reduce_sum3A_31 : i1 to vector<16xi1>
    %reduce_sum3A_33 = tpu.scan <sum>, %get3A_24 masked %reduce_sum3A_32 : vector<16xi32>, vector<16xi1> -> vector<16xi32>
    %reduce_sum3A_34 = vector.extract %reduce_sum3A_33[15] : i32 from vector<16xi32>
    %broadcast_in_dim3A_35 = vector.broadcast %reduce_sum3A_34 : i32 to vector<16xi32>
    %broadcast_in_dim3A_36 = arith.constant true
    %broadcast_in_dim3A_37 = vector.broadcast %broadcast_in_dim3A_36 : i1 to vector<16xi1>
    %masked_cumsum3A = tpu.scan <sum>, %get3A_22 masked %broadcast_in_dim3A_37 : vector<16xi32>, vector<16xi1> -> vector<16xi32>
    %sub3A = arith.subi %masked_cumsum3A, %get3A_22 : vector<16xi32>
    %broadcast_in_dim3A_38 = arith.constant true
    %broadcast_in_dim3A_39 = vector.broadcast %broadcast_in_dim3A_38 : i1 to vector<16xi1>
    %masked_cumsum3A_40 = tpu.scan <sum>, %get3A_24 masked %broadcast_in_dim3A_39 : vector<16xi32>, vector<16xi1> -> vector<16xi32>
    %sub3A_41 = arith.subi %masked_cumsum3A_40, %get3A_24 : vector<16xi32>
    %add3A_42 = arith.addi %sub3A_41, %broadcast_in_dim3A_30 : vector<16xi32>
    %broadcast_in_dim3A_43 = arith.constant true
    %broadcast_in_dim3A_44 = vector.broadcast %broadcast_in_dim3A_43 : i1 to vector<16xi1>
    %masked_cumsum3A_45 = tpu.scan <sum>, %get3A_26 masked %broadcast_in_dim3A_44 : vector<16xi32>, vector<16xi1> -> vector<16xi32>
    %sub3A_46 = arith.subi %masked_cumsum3A_45, %get3A_26 : vector<16xi32>
    %add3A_47 = arith.addi %sub3A_46, %broadcast_in_dim3A_30 : vector<16xi32>
    %add3A_48 = arith.addi %add3A_47, %broadcast_in_dim3A_35 : vector<16xi32>
    %swap3A_49 = arith.constant 0 : index
    %swap3A_50 = tpu.vector_load %arg20[%swap3A_49] {strides = array<i32>} : memref<48xi32, #tpu.memory_space<vmem>>, vector<16xi32>,
    tpu.vector_store %arg20[%swap3A_49], %sub3A {strides = array<i32>} : memref<48xi32, #tpu.memory_space<vmem>>, vector<16xi32>,
    %swap3A_51 = arith.constant 16 : index
    %swap3A_52 = tpu.vector_load %arg20[%swap3A_51] {strides = array<i32>} : memref<48xi32, #tpu.memory_space<vmem>>, vector<16xi32>,
    tpu.vector_store %arg20[%swap3A_51], %add3A_42 {strides = array<i32>} : memref<48xi32, #tpu.memory_space<vmem>>, vector<16xi32>,
    %swap3A_53 = arith.constant 32 : index
    %swap3A_54 = tpu.vector_load %arg20[%swap3A_53] {strides = array<i32>} : memref<48xi32, #tpu.memory_space<vmem>>, vector<16xi32>,
    tpu.vector_store %arg20[%swap3A_53], %add3A_48 {strides = array<i32>} : memref<48xi32, #tpu.memory_space<vmem>>, vector<16xi32>,
    %scan3A_55 = arith.constant 0 : i32
    %scan3A_56 = arith.constant 0 : i32
    %scan3A_57 = arith.constant 16 : i32
    %scan3A_58 = arith.addi %scan3A_56, %scan3A_57 : i32
    %scan3A_59 = arith.constant 1 : i32
    scf.for %scan3A_957 = %scan3A_56 to %scan3A_58 step %scan3A_59  : i32 {
      %mul3A_958 = arith.constant 16 : i32
      %mul3A_959 = arith.muli %scan3A_957, %mul3A_958 : i32
      %get3A_960 = arith.index_cast %mul3A_959 : i32 to index
      %get3A_961 = tpu.vector_load %arg11[%get3A_960] {strides = array<i32>} : memref<256xi32, #tpu.memory_space<vmem>>, vector<16xi32>,
      %mul3A_962 = arith.constant 16 : i32
      %mul3A_963 = arith.muli %scan3A_957, %mul3A_962 : i32
      %get3A_964 = arith.index_cast %mul3A_963 : i32 to index
      %get3A_965 = tpu.vector_load %arg16[%get3A_964] {strides = array<i32>} : memref<256xi32, #tpu.memory_space<vmem>>, vector<16xi32>,
      %gather3A_966 = tpu.vector_load_idx %arg20[%get3A_961] : memref<48xi32, #tpu.memory_space<vmem>>[vector<16xi32>], vector<16xi32>,
      %add3A_967 = arith.addi %gather3A_966, %get3A_965 : vector<16xi32>
      %mul3A_968 = arith.constant 16 : i32
      %mul3A_969 = arith.muli %scan3A_957, %mul3A_968 : i32
      %broadcast_in_dim3A_970 = vector.broadcast %mul3A_969 : i32 to vector<16xi32>
      %add3A_971 = arith.addi %iota3A, %broadcast_in_dim3A_970 : vector<16xi32>
      tpu.vector_store_idx %arg15[%add3A_967], %add3A_971 : memref<272xi32, #tpu.memory_space<vmem>>[vector<16xi32>], vector<16xi32>,
    }
    %scan3A_60 = arith.constant 16 : i32
    %mul3A_61 = arith.constant 48 : i32
    %mul3A_62 = arith.muli %arg1, %mul3A_61 : i32
    "tpu.region"() ({
      %run_scoped3A = tpu.sem_alloc : memref<!tpu.dma_semaphore, #tpu.memory_space<semaphore_mem>>
      %dma_start3A_957 = tpu.memref_slice %arg34[%mul3A_62] : memref<768xi32, #tpu.memory_space<vmem_shared>> -> memref<48xi32, #tpu.memory_space<vmem_shared>>
      %dma_start3A_958 = tpu.memref_slice %arg34[%mul3A_62] : memref<768xi32, #tpu.memory_space<vmem_shared>> -> memref<48xi32, #tpu.memory_space<vmem_shared>>
      tpu.enqueue_dma source(%arg19 : memref<48xi32, #tpu.memory_space<vmem>>) target(%dma_start3A_958 : memref<48xi32, #tpu.memory_space<vmem_shared>>) target_semaphore(%run_scoped3A : memref<!tpu.dma_semaphore, #tpu.memory_space<semaphore_mem>>)
      %dma_wait3A_959 = tpu.memref_slice %arg34[%mul3A_62] : memref<768xi32, #tpu.memory_space<vmem_shared>> -> memref<48xi32, #tpu.memory_space<vmem_shared>>
      %dma_wait3A_960 = tpu.memref_slice %arg34[%mul3A_62] : memref<768xi32, #tpu.memory_space<vmem_shared>> -> memref<48xi32, #tpu.memory_space<vmem_shared>>
      tpu.wait_dma2 semaphore(%run_scoped3A : memref<!tpu.dma_semaphore, #tpu.memory_space<semaphore_mem>>) src(%arg19 : memref<48xi32, #tpu.memory_space<vmem>>) dst(%dma_wait3A_960 : memref<48xi32, #tpu.memory_space<vmem_shared>>)
      tpu.yield
    }) : () -> ()
    %barrier3A = arith.constant 0 : index
    tpu.barrier barrier_id(%barrier3A)
    "tpu.region"() ({
      %run_scoped3A = tpu.sem_alloc : memref<!tpu.dma_semaphore, #tpu.memory_space<semaphore_mem>>
      tpu.enqueue_dma source(%arg34 : memref<768xi32, #tpu.memory_space<vmem_shared>>) target(%arg27 : memref<768xi32, #tpu.memory_space<vmem>>) target_semaphore(%run_scoped3A : memref<!tpu.dma_semaphore, #tpu.memory_space<semaphore_mem>>)
      tpu.wait_dma2 semaphore(%run_scoped3A : memref<!tpu.dma_semaphore, #tpu.memory_space<semaphore_mem>>) src(%arg34 : memref<768xi32, #tpu.memory_space<vmem_shared>>) dst(%arg27 : memref<768xi32, #tpu.memory_space<vmem>>)
      tpu.yield
    }) : () -> ()
    %get3A_63 = arith.constant 0 : index
    %get3A_64 = tpu.vector_load %arg27[%get3A_63] {strides = array<i32>} : memref<768xi32, #tpu.memory_space<vmem>>, vector<16xi32>,
    %get3A_65 = arith.constant 16 : index
    %get3A_66 = tpu.vector_load %arg27[%get3A_65] {strides = array<i32>} : memref<768xi32, #tpu.memory_space<vmem>>, vector<16xi32>,
    %get3A_67 = arith.constant 32 : index
    %get3A_68 = tpu.vector_load %arg27[%get3A_67] {strides = array<i32>} : memref<768xi32, #tpu.memory_space<vmem>>, vector<16xi32>,
    %gt3A = arith.constant 0 : i32
    %gt3A_69 = arith.cmpi sgt, %arg1, %gt3A : i32
    %convert_element_type3A = arith.extui %gt3A_69 : i1 to i32
    %broadcast_in_dim3A_70 = vector.broadcast %convert_element_type3A : i32 to vector<16xi32>
    %add3A_71 = arith.addi %broadcast_in_dim3A_11, %get3A_64 : vector<16xi32>
    %add3A_72 = arith.addi %broadcast_in_dim3A_11, %get3A_66 : vector<16xi32>
    %add3A_73 = arith.addi %broadcast_in_dim3A_11, %get3A_68 : vector<16xi32>
    %mul3A_74 = arith.muli %get3A_64, %broadcast_in_dim3A_70 : vector<16xi32>
    %add3A_75 = arith.addi %broadcast_in_dim3A_11, %mul3A_74 : vector<16xi32>
    %mul3A_76 = arith.muli %get3A_66, %broadcast_in_dim3A_70 : vector<16xi32>
    %add3A_77 = arith.addi %broadcast_in_dim3A_11, %mul3A_76 : vector<16xi32>
    %mul3A_78 = arith.muli %get3A_68, %broadcast_in_dim3A_70 : vector<16xi32>
    %add3A_79 = arith.addi %broadcast_in_dim3A_11, %mul3A_78 : vector<16xi32>
    %get3A_80 = arith.constant 48 : index
    %get3A_81 = tpu.vector_load %arg27[%get3A_80] {strides = array<i32>} : memref<768xi32, #tpu.memory_space<vmem>>, vector<16xi32>,
    %get3A_82 = arith.constant 64 : index
    %get3A_83 = tpu.vector_load %arg27[%get3A_82] {strides = array<i32>} : memref<768xi32, #tpu.memory_space<vmem>>, vector<16xi32>,
    %get3A_84 = arith.constant 80 : index
    %get3A_85 = tpu.vector_load %arg27[%get3A_84] {strides = array<i32>} : memref<768xi32, #tpu.memory_space<vmem>>, vector<16xi32>,
    %gt3A_86 = arith.constant 1 : i32
    %gt3A_87 = arith.cmpi sgt, %arg1, %gt3A_86 : i32
    %convert_element_type3A_88 = arith.extui %gt3A_87 : i1 to i32
    %broadcast_in_dim3A_89 = vector.broadcast %convert_element_type3A_88 : i32 to vector<16xi32>
    %add3A_90 = arith.addi %add3A_71, %get3A_81 : vector<16xi32>
    %add3A_91 = arith.addi %add3A_72, %get3A_83 : vector<16xi32>
    %add3A_92 = arith.addi %add3A_73, %get3A_85 : vector<16xi32>
    %mul3A_93 = arith.muli %get3A_81, %broadcast_in_dim3A_89 : vector<16xi32>
    %add3A_94 = arith.addi %add3A_75, %mul3A_93 : vector<16xi32>
    %mul3A_95 = arith.muli %get3A_83, %broadcast_in_dim3A_89 : vector<16xi32>
    %add3A_96 = arith.addi %add3A_77, %mul3A_95 : vector<16xi32>
    %mul3A_97 = arith.muli %get3A_85, %broadcast_in_dim3A_89 : vector<16xi32>
    %add3A_98 = arith.addi %add3A_79, %mul3A_97 : vector<16xi32>
    %get3A_99 = arith.constant 96 : index
    %get3A_100 = tpu.vector_load %arg27[%get3A_99] {strides = array<i32>} : memref<768xi32, #tpu.memory_space<vmem>>, vector<16xi32>,
    %get3A_101 = arith.constant 112 : index
    %get3A_102 = tpu.vector_load %arg27[%get3A_101] {strides = array<i32>} : memref<768xi32, #tpu.memory_space<vmem>>, vector<16xi32>,
    %get3A_103 = arith.constant 128 : index
    %get3A_104 = tpu.vector_load %arg27[%get3A_103] {strides = array<i32>} : memref<768xi32, #tpu.memory_space<vmem>>, vector<16xi32>,
    %gt3A_105 = arith.constant 2 : i32
    %gt3A_106 = arith.cmpi sgt, %arg1, %gt3A_105 : i32
    %convert_element_type3A_107 = arith.extui %gt3A_106 : i1 to i32
    %broadcast_in_dim3A_108 = vector.broadcast %convert_element_type3A_107 : i32 to vector<16xi32>
    %add3A_109 = arith.addi %add3A_90, %get3A_100 : vector<16xi32>
    %add3A_110 = arith.addi %add3A_91, %get3A_102 : vector<16xi32>
    %add3A_111 = arith.addi %add3A_92, %get3A_104 : vector<16xi32>
    %mul3A_112 = arith.muli %get3A_100, %broadcast_in_dim3A_108 : vector<16xi32>
    %add3A_113 = arith.addi %add3A_94, %mul3A_112 : vector<16xi32>
    %mul3A_114 = arith.muli %get3A_102, %broadcast_in_dim3A_108 : vector<16xi32>
    %add3A_115 = arith.addi %add3A_96, %mul3A_114 : vector<16xi32>
    %mul3A_116 = arith.muli %get3A_104, %broadcast_in_dim3A_108 : vector<16xi32>
    %add3A_117 = arith.addi %add3A_98, %mul3A_116 : vector<16xi32>
    %get3A_118 = arith.constant 144 : index
    %get3A_119 = tpu.vector_load %arg27[%get3A_118] {strides = array<i32>} : memref<768xi32, #tpu.memory_space<vmem>>, vector<16xi32>,
    %get3A_120 = arith.constant 160 : index
    %get3A_121 = tpu.vector_load %arg27[%get3A_120] {strides = array<i32>} : memref<768xi32, #tpu.memory_space<vmem>>, vector<16xi32>,
    %get3A_122 = arith.constant 176 : index
    %get3A_123 = tpu.vector_load %arg27[%get3A_122] {strides = array<i32>} : memref<768xi32, #tpu.memory_space<vmem>>, vector<16xi32>,
    %gt3A_124 = arith.constant 3 : i32
    %gt3A_125 = arith.cmpi sgt, %arg1, %gt3A_124 : i32
    %convert_element_type3A_126 = arith.extui %gt3A_125 : i1 to i32
    %broadcast_in_dim3A_127 = vector.broadcast %convert_element_type3A_126 : i32 to vector<16xi32>
    %add3A_128 = arith.addi %add3A_109, %get3A_119 : vector<16xi32>
    %add3A_129 = arith.addi %add3A_110, %get3A_121 : vector<16xi32>
    %add3A_130 = arith.addi %add3A_111, %get3A_123 : vector<16xi32>
    %mul3A_131 = arith.muli %get3A_119, %broadcast_in_dim3A_127 : vector<16xi32>
    %add3A_132 = arith.addi %add3A_113, %mul3A_131 : vector<16xi32>
    %mul3A_133 = arith.muli %get3A_121, %broadcast_in_dim3A_127 : vector<16xi32>
    %add3A_134 = arith.addi %add3A_115, %mul3A_133 : vector<16xi32>
    %mul3A_135 = arith.muli %get3A_123, %broadcast_in_dim3A_127 : vector<16xi32>
    %add3A_136 = arith.addi %add3A_117, %mul3A_135 : vector<16xi32>
    %get3A_137 = arith.constant 192 : index
    %get3A_138 = tpu.vector_load %arg27[%get3A_137] {strides = array<i32>} : memref<768xi32, #tpu.memory_space<vmem>>, vector<16xi32>,
    %get3A_139 = arith.constant 208 : index
    %get3A_140 = tpu.vector_load %arg27[%get3A_139] {strides = array<i32>} : memref<768xi32, #tpu.memory_space<vmem>>, vector<16xi32>,
    %get3A_141 = arith.constant 224 : index
    %get3A_142 = tpu.vector_load %arg27[%get3A_141] {strides = array<i32>} : memref<768xi32, #tpu.memory_space<vmem>>, vector<16xi32>,
    %gt3A_143 = arith.constant 4 : i32
    %gt3A_144 = arith.cmpi sgt, %arg1, %gt3A_143 : i32
    %convert_element_type3A_145 = arith.extui %gt3A_144 : i1 to i32
    %broadcast_in_dim3A_146 = vector.broadcast %convert_element_type3A_145 : i32 to vector<16xi32>
    %add3A_147 = arith.addi %add3A_128, %get3A_138 : vector<16xi32>
    %add3A_148 = arith.addi %add3A_129, %get3A_140 : vector<16xi32>
    %add3A_149 = arith.addi %add3A_130, %get3A_142 : vector<16xi32>
    %mul3A_150 = arith.muli %get3A_138, %broadcast_in_dim3A_146 : vector<16xi32>
    %add3A_151 = arith.addi %add3A_132, %mul3A_150 : vector<16xi32>
    %mul3A_152 = arith.muli %get3A_140, %broadcast_in_dim3A_146 : vector<16xi32>
    %add3A_153 = arith.addi %add3A_134, %mul3A_152 : vector<16xi32>
    %mul3A_154 = arith.muli %get3A_142, %broadcast_in_dim3A_146 : vector<16xi32>
    %add3A_155 = arith.addi %add3A_136, %mul3A_154 : vector<16xi32>
    %get3A_156 = arith.constant 240 : index
    %get3A_157 = tpu.vector_load %arg27[%get3A_156] {strides = array<i32>} : memref<768xi32, #tpu.memory_space<vmem>>, vector<16xi32>,
    %get3A_158 = arith.constant 256 : index
    %get3A_159 = tpu.vector_load %arg27[%get3A_158] {strides = array<i32>} : memref<768xi32, #tpu.memory_space<vmem>>, vector<16xi32>,
    %get3A_160 = arith.constant 272 : index
    %get3A_161 = tpu.vector_load %arg27[%get3A_160] {strides = array<i32>} : memref<768xi32, #tpu.memory_space<vmem>>, vector<16xi32>,
    %gt3A_162 = arith.constant 5 : i32
    %gt3A_163 = arith.cmpi sgt, %arg1, %gt3A_162 : i32
    %convert_element_type3A_164 = arith.extui %gt3A_163 : i1 to i32
    %broadcast_in_dim3A_165 = vector.broadcast %convert_element_type3A_164 : i32 to vector<16xi32>
    %add3A_166 = arith.addi %add3A_147, %get3A_157 : vector<16xi32>
    %add3A_167 = arith.addi %add3A_148, %get3A_159 : vector<16xi32>
    %add3A_168 = arith.addi %add3A_149, %get3A_161 : vector<16xi32>
    %mul3A_169 = arith.muli %get3A_157, %broadcast_in_dim3A_165 : vector<16xi32>
    %add3A_170 = arith.addi %add3A_151, %mul3A_169 : vector<16xi32>
    %mul3A_171 = arith.muli %get3A_159, %broadcast_in_dim3A_165 : vector<16xi32>
    %add3A_172 = arith.addi %add3A_153, %mul3A_171 : vector<16xi32>
    %mul3A_173 = arith.muli %get3A_161, %broadcast_in_dim3A_165 : vector<16xi32>
    %add3A_174 = arith.addi %add3A_155, %mul3A_173 : vector<16xi32>
    %get3A_175 = arith.constant 288 : index
    %get3A_176 = tpu.vector_load %arg27[%get3A_175] {strides = array<i32>} : memref<768xi32, #tpu.memory_space<vmem>>, vector<16xi32>,
    %get3A_177 = arith.constant 304 : index
    %get3A_178 = tpu.vector_load %arg27[%get3A_177] {strides = array<i32>} : memref<768xi32, #tpu.memory_space<vmem>>, vector<16xi32>,
    %get3A_179 = arith.constant 320 : index
    %get3A_180 = tpu.vector_load %arg27[%get3A_179] {strides = array<i32>} : memref<768xi32, #tpu.memory_space<vmem>>, vector<16xi32>,
    %gt3A_181 = arith.constant 6 : i32
    %gt3A_182 = arith.cmpi sgt, %arg1, %gt3A_181 : i32
    %convert_element_type3A_183 = arith.extui %gt3A_182 : i1 to i32
    %broadcast_in_dim3A_184 = vector.broadcast %convert_element_type3A_183 : i32 to vector<16xi32>
    %add3A_185 = arith.addi %add3A_166, %get3A_176 : vector<16xi32>
    %add3A_186 = arith.addi %add3A_167, %get3A_178 : vector<16xi32>
    %add3A_187 = arith.addi %add3A_168, %get3A_180 : vector<16xi32>
    %mul3A_188 = arith.muli %get3A_176, %broadcast_in_dim3A_184 : vector<16xi32>
    %add3A_189 = arith.addi %add3A_170, %mul3A_188 : vector<16xi32>
    %mul3A_190 = arith.muli %get3A_178, %broadcast_in_dim3A_184 : vector<16xi32>
    %add3A_191 = arith.addi %add3A_172, %mul3A_190 : vector<16xi32>
    %mul3A_192 = arith.muli %get3A_180, %broadcast_in_dim3A_184 : vector<16xi32>
    %add3A_193 = arith.addi %add3A_174, %mul3A_192 : vector<16xi32>
    %get3A_194 = arith.constant 336 : index
    %get3A_195 = tpu.vector_load %arg27[%get3A_194] {strides = array<i32>} : memref<768xi32, #tpu.memory_space<vmem>>, vector<16xi32>,
    %get3A_196 = arith.constant 352 : index
    %get3A_197 = tpu.vector_load %arg27[%get3A_196] {strides = array<i32>} : memref<768xi32, #tpu.memory_space<vmem>>, vector<16xi32>,
    %get3A_198 = arith.constant 368 : index
    %get3A_199 = tpu.vector_load %arg27[%get3A_198] {strides = array<i32>} : memref<768xi32, #tpu.memory_space<vmem>>, vector<16xi32>,
    %gt3A_200 = arith.constant 7 : i32
    %gt3A_201 = arith.cmpi sgt, %arg1, %gt3A_200 : i32
    %convert_element_type3A_202 = arith.extui %gt3A_201 : i1 to i32
    %broadcast_in_dim3A_203 = vector.broadcast %convert_element_type3A_202 : i32 to vector<16xi32>
    %add3A_204 = arith.addi %add3A_185, %get3A_195 : vector<16xi32>
    %add3A_205 = arith.addi %add3A_186, %get3A_197 : vector<16xi32>
    %add3A_206 = arith.addi %add3A_187, %get3A_199 : vector<16xi32>
    %mul3A_207 = arith.muli %get3A_195, %broadcast_in_dim3A_203 : vector<16xi32>
    %add3A_208 = arith.addi %add3A_189, %mul3A_207 : vector<16xi32>
    %mul3A_209 = arith.muli %get3A_197, %broadcast_in_dim3A_203 : vector<16xi32>
    %add3A_210 = arith.addi %add3A_191, %mul3A_209 : vector<16xi32>
    %mul3A_211 = arith.muli %get3A_199, %broadcast_in_dim3A_203 : vector<16xi32>
    %add3A_212 = arith.addi %add3A_193, %mul3A_211 : vector<16xi32>
    %get3A_213 = arith.constant 384 : index
    %get3A_214 = tpu.vector_load %arg27[%get3A_213] {strides = array<i32>} : memref<768xi32, #tpu.memory_space<vmem>>, vector<16xi32>,
    %get3A_215 = arith.constant 400 : index
    %get3A_216 = tpu.vector_load %arg27[%get3A_215] {strides = array<i32>} : memref<768xi32, #tpu.memory_space<vmem>>, vector<16xi32>,
    %get3A_217 = arith.constant 416 : index
    %get3A_218 = tpu.vector_load %arg27[%get3A_217] {strides = array<i32>} : memref<768xi32, #tpu.memory_space<vmem>>, vector<16xi32>,
    %gt3A_219 = arith.constant 8 : i32
    %gt3A_220 = arith.cmpi sgt, %arg1, %gt3A_219 : i32
    %convert_element_type3A_221 = arith.extui %gt3A_220 : i1 to i32
    %broadcast_in_dim3A_222 = vector.broadcast %convert_element_type3A_221 : i32 to vector<16xi32>
    %add3A_223 = arith.addi %add3A_204, %get3A_214 : vector<16xi32>
    %add3A_224 = arith.addi %add3A_205, %get3A_216 : vector<16xi32>
    %add3A_225 = arith.addi %add3A_206, %get3A_218 : vector<16xi32>
    %mul3A_226 = arith.muli %get3A_214, %broadcast_in_dim3A_222 : vector<16xi32>
    %add3A_227 = arith.addi %add3A_208, %mul3A_226 : vector<16xi32>
    %mul3A_228 = arith.muli %get3A_216, %broadcast_in_dim3A_222 : vector<16xi32>
    %add3A_229 = arith.addi %add3A_210, %mul3A_228 : vector<16xi32>
    %mul3A_230 = arith.muli %get3A_218, %broadcast_in_dim3A_222 : vector<16xi32>
    %add3A_231 = arith.addi %add3A_212, %mul3A_230 : vector<16xi32>
    %get3A_232 = arith.constant 432 : index
    %get3A_233 = tpu.vector_load %arg27[%get3A_232] {strides = array<i32>} : memref<768xi32, #tpu.memory_space<vmem>>, vector<16xi32>,
    %get3A_234 = arith.constant 448 : index
    %get3A_235 = tpu.vector_load %arg27[%get3A_234] {strides = array<i32>} : memref<768xi32, #tpu.memory_space<vmem>>, vector<16xi32>,
    %get3A_236 = arith.constant 464 : index
    %get3A_237 = tpu.vector_load %arg27[%get3A_236] {strides = array<i32>} : memref<768xi32, #tpu.memory_space<vmem>>, vector<16xi32>,
    %gt3A_238 = arith.constant 9 : i32
    %gt3A_239 = arith.cmpi sgt, %arg1, %gt3A_238 : i32
    %convert_element_type3A_240 = arith.extui %gt3A_239 : i1 to i32
    %broadcast_in_dim3A_241 = vector.broadcast %convert_element_type3A_240 : i32 to vector<16xi32>
    %add3A_242 = arith.addi %add3A_223, %get3A_233 : vector<16xi32>
    %add3A_243 = arith.addi %add3A_224, %get3A_235 : vector<16xi32>
    %add3A_244 = arith.addi %add3A_225, %get3A_237 : vector<16xi32>
    %mul3A_245 = arith.muli %get3A_233, %broadcast_in_dim3A_241 : vector<16xi32>
    %add3A_246 = arith.addi %add3A_227, %mul3A_245 : vector<16xi32>
    %mul3A_247 = arith.muli %get3A_235, %broadcast_in_dim3A_241 : vector<16xi32>
    %add3A_248 = arith.addi %add3A_229, %mul3A_247 : vector<16xi32>
    %mul3A_249 = arith.muli %get3A_237, %broadcast_in_dim3A_241 : vector<16xi32>
    %add3A_250 = arith.addi %add3A_231, %mul3A_249 : vector<16xi32>
    %get3A_251 = arith.constant 480 : index
    %get3A_252 = tpu.vector_load %arg27[%get3A_251] {strides = array<i32>} : memref<768xi32, #tpu.memory_space<vmem>>, vector<16xi32>,
    %get3A_253 = arith.constant 496 : index
    %get3A_254 = tpu.vector_load %arg27[%get3A_253] {strides = array<i32>} : memref<768xi32, #tpu.memory_space<vmem>>, vector<16xi32>,
    %get3A_255 = arith.constant 512 : index
    %get3A_256 = tpu.vector_load %arg27[%get3A_255] {strides = array<i32>} : memref<768xi32, #tpu.memory_space<vmem>>, vector<16xi32>,
    %gt3A_257 = arith.constant 10 : i32
    %gt3A_258 = arith.cmpi sgt, %arg1, %gt3A_257 : i32
    %convert_element_type3A_259 = arith.extui %gt3A_258 : i1 to i32
    %broadcast_in_dim3A_260 = vector.broadcast %convert_element_type3A_259 : i32 to vector<16xi32>
    %add3A_261 = arith.addi %add3A_242, %get3A_252 : vector<16xi32>
    %add3A_262 = arith.addi %add3A_243, %get3A_254 : vector<16xi32>
    %add3A_263 = arith.addi %add3A_244, %get3A_256 : vector<16xi32>
    %mul3A_264 = arith.muli %get3A_252, %broadcast_in_dim3A_260 : vector<16xi32>
    %add3A_265 = arith.addi %add3A_246, %mul3A_264 : vector<16xi32>
    %mul3A_266 = arith.muli %get3A_254, %broadcast_in_dim3A_260 : vector<16xi32>
    %add3A_267 = arith.addi %add3A_248, %mul3A_266 : vector<16xi32>
    %mul3A_268 = arith.muli %get3A_256, %broadcast_in_dim3A_260 : vector<16xi32>
    %add3A_269 = arith.addi %add3A_250, %mul3A_268 : vector<16xi32>
    %get3A_270 = arith.constant 528 : index
    %get3A_271 = tpu.vector_load %arg27[%get3A_270] {strides = array<i32>} : memref<768xi32, #tpu.memory_space<vmem>>, vector<16xi32>,
    %get3A_272 = arith.constant 544 : index
    %get3A_273 = tpu.vector_load %arg27[%get3A_272] {strides = array<i32>} : memref<768xi32, #tpu.memory_space<vmem>>, vector<16xi32>,
    %get3A_274 = arith.constant 560 : index
    %get3A_275 = tpu.vector_load %arg27[%get3A_274] {strides = array<i32>} : memref<768xi32, #tpu.memory_space<vmem>>, vector<16xi32>,
    %gt3A_276 = arith.constant 11 : i32
    %gt3A_277 = arith.cmpi sgt, %arg1, %gt3A_276 : i32
    %convert_element_type3A_278 = arith.extui %gt3A_277 : i1 to i32
    %broadcast_in_dim3A_279 = vector.broadcast %convert_element_type3A_278 : i32 to vector<16xi32>
    %add3A_280 = arith.addi %add3A_261, %get3A_271 : vector<16xi32>
    %add3A_281 = arith.addi %add3A_262, %get3A_273 : vector<16xi32>
    %add3A_282 = arith.addi %add3A_263, %get3A_275 : vector<16xi32>
    %mul3A_283 = arith.muli %get3A_271, %broadcast_in_dim3A_279 : vector<16xi32>
    %add3A_284 = arith.addi %add3A_265, %mul3A_283 : vector<16xi32>
    %mul3A_285 = arith.muli %get3A_273, %broadcast_in_dim3A_279 : vector<16xi32>
    %add3A_286 = arith.addi %add3A_267, %mul3A_285 : vector<16xi32>
    %mul3A_287 = arith.muli %get3A_275, %broadcast_in_dim3A_279 : vector<16xi32>
    %add3A_288 = arith.addi %add3A_269, %mul3A_287 : vector<16xi32>
    %get3A_289 = arith.constant 576 : index
    %get3A_290 = tpu.vector_load %arg27[%get3A_289] {strides = array<i32>} : memref<768xi32, #tpu.memory_space<vmem>>, vector<16xi32>,
    %get3A_291 = arith.constant 592 : index
    %get3A_292 = tpu.vector_load %arg27[%get3A_291] {strides = array<i32>} : memref<768xi32, #tpu.memory_space<vmem>>, vector<16xi32>,
    %get3A_293 = arith.constant 608 : index
    %get3A_294 = tpu.vector_load %arg27[%get3A_293] {strides = array<i32>} : memref<768xi32, #tpu.memory_space<vmem>>, vector<16xi32>,
    %gt3A_295 = arith.constant 12 : i32
    %gt3A_296 = arith.cmpi sgt, %arg1, %gt3A_295 : i32
    %convert_element_type3A_297 = arith.extui %gt3A_296 : i1 to i32
    %broadcast_in_dim3A_298 = vector.broadcast %convert_element_type3A_297 : i32 to vector<16xi32>
    %add3A_299 = arith.addi %add3A_280, %get3A_290 : vector<16xi32>
    %add3A_300 = arith.addi %add3A_281, %get3A_292 : vector<16xi32>
    %add3A_301 = arith.addi %add3A_282, %get3A_294 : vector<16xi32>
    %mul3A_302 = arith.muli %get3A_290, %broadcast_in_dim3A_298 : vector<16xi32>
    %add3A_303 = arith.addi %add3A_284, %mul3A_302 : vector<16xi32>
    %mul3A_304 = arith.muli %get3A_292, %broadcast_in_dim3A_298 : vector<16xi32>
    %add3A_305 = arith.addi %add3A_286, %mul3A_304 : vector<16xi32>
    %mul3A_306 = arith.muli %get3A_294, %broadcast_in_dim3A_298 : vector<16xi32>
    %add3A_307 = arith.addi %add3A_288, %mul3A_306 : vector<16xi32>
    %get3A_308 = arith.constant 624 : index
    %get3A_309 = tpu.vector_load %arg27[%get3A_308] {strides = array<i32>} : memref<768xi32, #tpu.memory_space<vmem>>, vector<16xi32>,
    %get3A_310 = arith.constant 640 : index
    %get3A_311 = tpu.vector_load %arg27[%get3A_310] {strides = array<i32>} : memref<768xi32, #tpu.memory_space<vmem>>, vector<16xi32>,
    %get3A_312 = arith.constant 656 : index
    %get3A_313 = tpu.vector_load %arg27[%get3A_312] {strides = array<i32>} : memref<768xi32, #tpu.memory_space<vmem>>, vector<16xi32>,
    %gt3A_314 = arith.constant 13 : i32
    %gt3A_315 = arith.cmpi sgt, %arg1, %gt3A_314 : i32
    %convert_element_type3A_316 = arith.extui %gt3A_315 : i1 to i32
    %broadcast_in_dim3A_317 = vector.broadcast %convert_element_type3A_316 : i32 to vector<16xi32>
    %add3A_318 = arith.addi %add3A_299, %get3A_309 : vector<16xi32>
    %add3A_319 = arith.addi %add3A_300, %get3A_311 : vector<16xi32>
    %add3A_320 = arith.addi %add3A_301, %get3A_313 : vector<16xi32>
    %mul3A_321 = arith.muli %get3A_309, %broadcast_in_dim3A_317 : vector<16xi32>
    %add3A_322 = arith.addi %add3A_303, %mul3A_321 : vector<16xi32>
    %mul3A_323 = arith.muli %get3A_311, %broadcast_in_dim3A_317 : vector<16xi32>
    %add3A_324 = arith.addi %add3A_305, %mul3A_323 : vector<16xi32>
    %mul3A_325 = arith.muli %get3A_313, %broadcast_in_dim3A_317 : vector<16xi32>
    %add3A_326 = arith.addi %add3A_307, %mul3A_325 : vector<16xi32>
    %get3A_327 = arith.constant 672 : index
    %get3A_328 = tpu.vector_load %arg27[%get3A_327] {strides = array<i32>} : memref<768xi32, #tpu.memory_space<vmem>>, vector<16xi32>,
    %get3A_329 = arith.constant 688 : index
    %get3A_330 = tpu.vector_load %arg27[%get3A_329] {strides = array<i32>} : memref<768xi32, #tpu.memory_space<vmem>>, vector<16xi32>,
    %get3A_331 = arith.constant 704 : index
    %get3A_332 = tpu.vector_load %arg27[%get3A_331] {strides = array<i32>} : memref<768xi32, #tpu.memory_space<vmem>>, vector<16xi32>,
    %gt3A_333 = arith.constant 14 : i32
    %gt3A_334 = arith.cmpi sgt, %arg1, %gt3A_333 : i32
    %convert_element_type3A_335 = arith.extui %gt3A_334 : i1 to i32
    %broadcast_in_dim3A_336 = vector.broadcast %convert_element_type3A_335 : i32 to vector<16xi32>
    %add3A_337 = arith.addi %add3A_318, %get3A_328 : vector<16xi32>
    %add3A_338 = arith.addi %add3A_319, %get3A_330 : vector<16xi32>
    %add3A_339 = arith.addi %add3A_320, %get3A_332 : vector<16xi32>
    %mul3A_340 = arith.muli %get3A_328, %broadcast_in_dim3A_336 : vector<16xi32>
    %add3A_341 = arith.addi %add3A_322, %mul3A_340 : vector<16xi32>
    %mul3A_342 = arith.muli %get3A_330, %broadcast_in_dim3A_336 : vector<16xi32>
    %add3A_343 = arith.addi %add3A_324, %mul3A_342 : vector<16xi32>
    %mul3A_344 = arith.muli %get3A_332, %broadcast_in_dim3A_336 : vector<16xi32>
    %add3A_345 = arith.addi %add3A_326, %mul3A_344 : vector<16xi32>
    %get3A_346 = arith.constant 720 : index
    %get3A_347 = tpu.vector_load %arg27[%get3A_346] {strides = array<i32>} : memref<768xi32, #tpu.memory_space<vmem>>, vector<16xi32>,
    %get3A_348 = arith.constant 736 : index
    %get3A_349 = tpu.vector_load %arg27[%get3A_348] {strides = array<i32>} : memref<768xi32, #tpu.memory_space<vmem>>, vector<16xi32>,
    %get3A_350 = arith.constant 752 : index
    %get3A_351 = tpu.vector_load %arg27[%get3A_350] {strides = array<i32>} : memref<768xi32, #tpu.memory_space<vmem>>, vector<16xi32>,
    %gt3A_352 = arith.constant 15 : i32
    %gt3A_353 = arith.cmpi sgt, %arg1, %gt3A_352 : i32
    %convert_element_type3A_354 = arith.extui %gt3A_353 : i1 to i32
    %broadcast_in_dim3A_355 = vector.broadcast %convert_element_type3A_354 : i32 to vector<16xi32>
    %add3A_356 = arith.addi %add3A_337, %get3A_347 : vector<16xi32>
    %add3A_357 = arith.addi %add3A_338, %get3A_349 : vector<16xi32>
    %add3A_358 = arith.addi %add3A_339, %get3A_351 : vector<16xi32>
    %mul3A_359 = arith.muli %get3A_347, %broadcast_in_dim3A_355 : vector<16xi32>
    %add3A_360 = arith.addi %add3A_341, %mul3A_359 : vector<16xi32>
    %mul3A_361 = arith.muli %get3A_349, %broadcast_in_dim3A_355 : vector<16xi32>
    %add3A_362 = arith.addi %add3A_343, %mul3A_361 : vector<16xi32>
    %mul3A_363 = arith.muli %get3A_351, %broadcast_in_dim3A_355 : vector<16xi32>
    %add3A_364 = arith.addi %add3A_345, %mul3A_363 : vector<16xi32>
    %reduce_sum3A_365 = arith.constant true
    %reduce_sum3A_366 = vector.broadcast %reduce_sum3A_365 : i1 to vector<16xi1>
    %reduce_sum3A_367 = tpu.scan <sum>, %add3A_356 masked %reduce_sum3A_366 : vector<16xi32>, vector<16xi1> -> vector<16xi32>
    %reduce_sum3A_368 = vector.extract %reduce_sum3A_367[15] : i32 from vector<16xi32>
    %broadcast_in_dim3A_369 = vector.broadcast %reduce_sum3A_368 : i32 to vector<16xi32>
    %reduce_sum3A_370 = arith.constant true
    %reduce_sum3A_371 = vector.broadcast %reduce_sum3A_370 : i1 to vector<16xi1>
    %reduce_sum3A_372 = tpu.scan <sum>, %add3A_357 masked %reduce_sum3A_371 : vector<16xi32>, vector<16xi1> -> vector<16xi32>
    %reduce_sum3A_373 = vector.extract %reduce_sum3A_372[15] : i32 from vector<16xi32>
    %broadcast_in_dim3A_374 = vector.broadcast %reduce_sum3A_373 : i32 to vector<16xi32>
    %broadcast_in_dim3A_375 = arith.constant true
    %broadcast_in_dim3A_376 = vector.broadcast %broadcast_in_dim3A_375 : i1 to vector<16xi1>
    %masked_cumsum3A_377 = tpu.scan <sum>, %add3A_356 masked %broadcast_in_dim3A_376 : vector<16xi32>, vector<16xi1> -> vector<16xi32>
    %sub3A_378 = arith.subi %masked_cumsum3A_377, %add3A_356 : vector<16xi32>
    %broadcast_in_dim3A_379 = arith.constant true
    %broadcast_in_dim3A_380 = vector.broadcast %broadcast_in_dim3A_379 : i1 to vector<16xi1>
    %masked_cumsum3A_381 = tpu.scan <sum>, %add3A_357 masked %broadcast_in_dim3A_380 : vector<16xi32>, vector<16xi1> -> vector<16xi32>
    %sub3A_382 = arith.subi %masked_cumsum3A_381, %add3A_357 : vector<16xi32>
    %add3A_383 = arith.addi %sub3A_382, %broadcast_in_dim3A_369 : vector<16xi32>
    %broadcast_in_dim3A_384 = arith.constant true
    %broadcast_in_dim3A_385 = vector.broadcast %broadcast_in_dim3A_384 : i1 to vector<16xi1>
    %masked_cumsum3A_386 = tpu.scan <sum>, %add3A_358 masked %broadcast_in_dim3A_385 : vector<16xi32>, vector<16xi1> -> vector<16xi32>
    %sub3A_387 = arith.subi %masked_cumsum3A_386, %add3A_358 : vector<16xi32>
    %add3A_388 = arith.addi %sub3A_387, %broadcast_in_dim3A_369 : vector<16xi32>
    %add3A_389 = arith.addi %add3A_388, %broadcast_in_dim3A_374 : vector<16xi32>
    %mul3A_390 = arith.constant 4096 : i32
    %mul3A_391 = arith.muli %arg0, %mul3A_390 : i32
    %broadcast_in_dim3A_392 = vector.broadcast %mul3A_391 : i32 to vector<16xi32>
    %add3A_393 = arith.addi %sub3A_378, %add3A_360 : vector<16xi32>
    %add3A_394 = arith.addi %add3A_393, %broadcast_in_dim3A_392 : vector<16xi32>
    %sub3A_395 = arith.subi %add3A_394, %sub3A : vector<16xi32>
    %swap3A_396 = arith.constant 0 : index
    %swap3A_397 = tpu.vector_load %arg21[%swap3A_396] {strides = array<i32>} : memref<48xi32, #tpu.memory_space<vmem>>, vector<16xi32>,
    tpu.vector_store %arg21[%swap3A_396], %sub3A_395 {strides = array<i32>} : memref<48xi32, #tpu.memory_space<vmem>>, vector<16xi32>,
    %add3A_398 = arith.addi %add3A_383, %add3A_362 : vector<16xi32>
    %add3A_399 = arith.addi %add3A_398, %broadcast_in_dim3A_392 : vector<16xi32>
    %sub3A_400 = arith.subi %add3A_399, %add3A_42 : vector<16xi32>
    %swap3A_401 = arith.constant 16 : index
    %swap3A_402 = tpu.vector_load %arg21[%swap3A_401] {strides = array<i32>} : memref<48xi32, #tpu.memory_space<vmem>>, vector<16xi32>,
    tpu.vector_store %arg21[%swap3A_401], %sub3A_400 {strides = array<i32>} : memref<48xi32, #tpu.memory_space<vmem>>, vector<16xi32>,
    %add3A_403 = arith.addi %add3A_389, %add3A_364 : vector<16xi32>
    %add3A_404 = arith.addi %add3A_403, %broadcast_in_dim3A_392 : vector<16xi32>
    %sub3A_405 = arith.subi %add3A_404, %add3A_48 : vector<16xi32>
    %swap3A_406 = arith.constant 32 : index
    %swap3A_407 = tpu.vector_load %arg21[%swap3A_406] {strides = array<i32>} : memref<48xi32, #tpu.memory_space<vmem>>, vector<16xi32>,
    tpu.vector_store %arg21[%swap3A_406], %sub3A_405 {strides = array<i32>} : memref<48xi32, #tpu.memory_space<vmem>>, vector<16xi32>,
    %dma_wait3A_408 = tpu.memref_slice %arg3[%add3A] : memref<8192xi32, #tpu.memory_space<hbm>> -> memref<256xi32, #tpu.memory_space<hbm>>
    %dma_wait3A_409 = tpu.memref_slice %arg3[%add3A] : memref<8192xi32, #tpu.memory_space<hbm>> -> memref<256xi32, #tpu.memory_space<hbm>>
    tpu.wait_dma2 semaphore(%arg35 : memref<!tpu.dma_semaphore, #tpu.memory_space<semaphore_mem>>) src(%dma_wait3A_409 : memref<256xi32, #tpu.memory_space<hbm>>) dst(%arg12 : memref<256xi32, #tpu.memory_space<vmem>>)
    %dma_wait3A_410 = tpu.memref_slice %arg4[%add3A] : memref<8192xi32, #tpu.memory_space<hbm>> -> memref<256xi32, #tpu.memory_space<hbm>>
    %dma_wait3A_411 = tpu.memref_slice %arg4[%add3A] : memref<8192xi32, #tpu.memory_space<hbm>> -> memref<256xi32, #tpu.memory_space<hbm>>
    tpu.wait_dma2 semaphore(%arg36 : memref<!tpu.dma_semaphore, #tpu.memory_space<semaphore_mem>>) src(%dma_wait3A_411 : memref<256xi32, #tpu.memory_space<hbm>>) dst(%arg13 : memref<256xi32, #tpu.memory_space<vmem>>)
    %dma_wait3A_412 = tpu.memref_slice %arg5[%add3A] : memref<8192xi32, #tpu.memory_space<hbm>> -> memref<256xi32, #tpu.memory_space<hbm>>
    %dma_wait3A_413 = tpu.memref_slice %arg5[%add3A] : memref<8192xi32, #tpu.memory_space<hbm>> -> memref<256xi32, #tpu.memory_space<hbm>>
    tpu.wait_dma2 semaphore(%arg37 : memref<!tpu.dma_semaphore, #tpu.memory_space<semaphore_mem>>) src(%dma_wait3A_413 : memref<256xi32, #tpu.memory_space<hbm>>) dst(%arg14 : memref<256xi32, #tpu.memory_space<vmem>>)
    %get3A_414 = arith.constant 0 : index
    %get3A_415 = tpu.vector_load %arg15[%get3A_414] {strides = array<i32>} : memref<272xi32, #tpu.memory_space<vmem>>, vector<16xi32>,
    %gather3A = tpu.vector_load_idx %arg11[%get3A_415] : memref<256xi32, #tpu.memory_space<vmem>>[vector<16xi32>], vector<16xi32>,
    %gather3A_416 = tpu.vector_load_idx %arg21[%gather3A] : memref<48xi32, #tpu.memory_space<vmem>>[vector<16xi32>], vector<16xi32>,
    %add3A_417 = arith.addi %gather3A_416, %iota3A : vector<16xi32>
    %broadcast_in_dim3A_418 = arith.constant 0 : i32
    %broadcast_in_dim3A_419 = vector.broadcast %broadcast_in_dim3A_418 : i32 to vector<16xi32>
    %add3A_420 = arith.addi %add3A_417, %broadcast_in_dim3A_419 : vector<16xi32>
    %swap3A_421 = arith.constant 0 : i32
    %swap3A_422 = arith.index_cast %swap3A_421 : i32 to index
    %swap3A_423 = arith.constant 0 : index
    %swap3A_424 = tpu.vector_load %arg22[%swap3A_422, %swap3A_423] {strides = array<i32>} : memref<2x128xi32, #tpu.memory_space<vmem>>, vector<16xi32>,
    tpu.vector_store %arg22[%swap3A_422, %swap3A_423], %add3A_420 {strides = array<i32>} : memref<2x128xi32, #tpu.memory_space<vmem>>, vector<16xi32>,
    %gather3A_425 = tpu.vector_load_idx %arg12[%get3A_415] : memref<256xi32, #tpu.memory_space<vmem>>[vector<16xi32>], vector<16xi32>,
    %swap3A_426 = arith.constant 0 : index
    %swap3A_427 = tpu.vector_load %arg23[%swap3A_426] {strides = array<i32>} : memref<256xi32, #tpu.memory_space<vmem>>, vector<16xi32>,
    tpu.vector_store %arg23[%swap3A_426], %gather3A_425 {strides = array<i32>} : memref<256xi32, #tpu.memory_space<vmem>>, vector<16xi32>,
    %gather3A_428 = tpu.vector_load_idx %arg13[%get3A_415] : memref<256xi32, #tpu.memory_space<vmem>>[vector<16xi32>], vector<16xi32>,
    %swap3A_429 = arith.constant 0 : index
    %swap3A_430 = tpu.vector_load %arg24[%swap3A_429] {strides = array<i32>} : memref<256xi32, #tpu.memory_space<vmem>>, vector<16xi32>,
    tpu.vector_store %arg24[%swap3A_429], %gather3A_428 {strides = array<i32>} : memref<256xi32, #tpu.memory_space<vmem>>, vector<16xi32>,
    %gather3A_431 = tpu.vector_load_idx %arg14[%get3A_415] : memref<256xi32, #tpu.memory_space<vmem>>[vector<16xi32>], vector<16xi32>,
    %swap3A_432 = arith.constant 0 : index
    %swap3A_433 = tpu.vector_load %arg25[%swap3A_432] {strides = array<i32>} : memref<256xi32, #tpu.memory_space<vmem>>, vector<16xi32>,
    tpu.vector_store %arg25[%swap3A_432], %gather3A_431 {strides = array<i32>} : memref<256xi32, #tpu.memory_space<vmem>>, vector<16xi32>,
    %swap3A_434 = arith.constant 0 : index
    %swap3A_435 = tpu.vector_load %arg26[%swap3A_434] {strides = array<i32>} : memref<256xi32, #tpu.memory_space<vmem>>, vector<16xi32>,
    tpu.vector_store %arg26[%swap3A_434], %gather3A {strides = array<i32>} : memref<256xi32, #tpu.memory_space<vmem>>, vector<16xi32>,
    %get3A_436 = arith.constant 16 : index
    %get3A_437 = tpu.vector_load %arg15[%get3A_436] {strides = array<i32>} : memref<272xi32, #tpu.memory_space<vmem>>, vector<16xi32>,
    %gather3A_438 = tpu.vector_load_idx %arg11[%get3A_437] : memref<256xi32, #tpu.memory_space<vmem>>[vector<16xi32>], vector<16xi32>,
    %gather3A_439 = tpu.vector_load_idx %arg21[%gather3A_438] : memref<48xi32, #tpu.memory_space<vmem>>[vector<16xi32>], vector<16xi32>,
    %add3A_440 = arith.addi %gather3A_439, %iota3A : vector<16xi32>
    %broadcast_in_dim3A_441 = arith.constant 16 : i32
    %broadcast_in_dim3A_442 = vector.broadcast %broadcast_in_dim3A_441 : i32 to vector<16xi32>
    %add3A_443 = arith.addi %add3A_440, %broadcast_in_dim3A_442 : vector<16xi32>
    %swap3A_444 = arith.constant 0 : i32
    %swap3A_445 = arith.index_cast %swap3A_444 : i32 to index
    %swap3A_446 = arith.constant 16 : index
    %swap3A_447 = tpu.vector_load %arg22[%swap3A_445, %swap3A_446] {strides = array<i32>} : memref<2x128xi32, #tpu.memory_space<vmem>>, vector<16xi32>,
    tpu.vector_store %arg22[%swap3A_445, %swap3A_446], %add3A_443 {strides = array<i32>} : memref<2x128xi32, #tpu.memory_space<vmem>>, vector<16xi32>,
    %gather3A_448 = tpu.vector_load_idx %arg12[%get3A_437] : memref<256xi32, #tpu.memory_space<vmem>>[vector<16xi32>], vector<16xi32>,
    %swap3A_449 = arith.constant 16 : index
    %swap3A_450 = tpu.vector_load %arg23[%swap3A_449] {strides = array<i32>} : memref<256xi32, #tpu.memory_space<vmem>>, vector<16xi32>,
    tpu.vector_store %arg23[%swap3A_449], %gather3A_448 {strides = array<i32>} : memref<256xi32, #tpu.memory_space<vmem>>, vector<16xi32>,
    %gather3A_451 = tpu.vector_load_idx %arg13[%get3A_437] : memref<256xi32, #tpu.memory_space<vmem>>[vector<16xi32>], vector<16xi32>,
    %swap3A_452 = arith.constant 16 : index
    %swap3A_453 = tpu.vector_load %arg24[%swap3A_452] {strides = array<i32>} : memref<256xi32, #tpu.memory_space<vmem>>, vector<16xi32>,
    tpu.vector_store %arg24[%swap3A_452], %gather3A_451 {strides = array<i32>} : memref<256xi32, #tpu.memory_space<vmem>>, vector<16xi32>,
    %gather3A_454 = tpu.vector_load_idx %arg14[%get3A_437] : memref<256xi32, #tpu.memory_space<vmem>>[vector<16xi32>], vector<16xi32>,
    %swap3A_455 = arith.constant 16 : index
    %swap3A_456 = tpu.vector_load %arg25[%swap3A_455] {strides = array<i32>} : memref<256xi32, #tpu.memory_space<vmem>>, vector<16xi32>,
    tpu.vector_store %arg25[%swap3A_455], %gather3A_454 {strides = array<i32>} : memref<256xi32, #tpu.memory_space<vmem>>, vector<16xi32>,
    %swap3A_457 = arith.constant 16 : index
    %swap3A_458 = tpu.vector_load %arg26[%swap3A_457] {strides = array<i32>} : memref<256xi32, #tpu.memory_space<vmem>>, vector<16xi32>,
    tpu.vector_store %arg26[%swap3A_457], %gather3A_438 {strides = array<i32>} : memref<256xi32, #tpu.memory_space<vmem>>, vector<16xi32>,
    %get3A_459 = arith.constant 32 : index
    %get3A_460 = tpu.vector_load %arg15[%get3A_459] {strides = array<i32>} : memref<272xi32, #tpu.memory_space<vmem>>, vector<16xi32>,
    %gather3A_461 = tpu.vector_load_idx %arg11[%get3A_460] : memref<256xi32, #tpu.memory_space<vmem>>[vector<16xi32>], vector<16xi32>,
    %gather3A_462 = tpu.vector_load_idx %arg21[%gather3A_461] : memref<48xi32, #tpu.memory_space<vmem>>[vector<16xi32>], vector<16xi32>,
    %add3A_463 = arith.addi %gather3A_462, %iota3A : vector<16xi32>
    %broadcast_in_dim3A_464 = arith.constant 32 : i32
    %broadcast_in_dim3A_465 = vector.broadcast %broadcast_in_dim3A_464 : i32 to vector<16xi32>
    %add3A_466 = arith.addi %add3A_463, %broadcast_in_dim3A_465 : vector<16xi32>
    %swap3A_467 = arith.constant 0 : i32
    %swap3A_468 = arith.index_cast %swap3A_467 : i32 to index
    %swap3A_469 = arith.constant 32 : index
    %swap3A_470 = tpu.vector_load %arg22[%swap3A_468, %swap3A_469] {strides = array<i32>} : memref<2x128xi32, #tpu.memory_space<vmem>>, vector<16xi32>,
    tpu.vector_store %arg22[%swap3A_468, %swap3A_469], %add3A_466 {strides = array<i32>} : memref<2x128xi32, #tpu.memory_space<vmem>>, vector<16xi32>,
    %gather3A_471 = tpu.vector_load_idx %arg12[%get3A_460] : memref<256xi32, #tpu.memory_space<vmem>>[vector<16xi32>], vector<16xi32>,
    %swap3A_472 = arith.constant 32 : index
    %swap3A_473 = tpu.vector_load %arg23[%swap3A_472] {strides = array<i32>} : memref<256xi32, #tpu.memory_space<vmem>>, vector<16xi32>,
    tpu.vector_store %arg23[%swap3A_472], %gather3A_471 {strides = array<i32>} : memref<256xi32, #tpu.memory_space<vmem>>, vector<16xi32>,
    %gather3A_474 = tpu.vector_load_idx %arg13[%get3A_460] : memref<256xi32, #tpu.memory_space<vmem>>[vector<16xi32>], vector<16xi32>,
    %swap3A_475 = arith.constant 32 : index
    %swap3A_476 = tpu.vector_load %arg24[%swap3A_475] {strides = array<i32>} : memref<256xi32, #tpu.memory_space<vmem>>, vector<16xi32>,
    tpu.vector_store %arg24[%swap3A_475], %gather3A_474 {strides = array<i32>} : memref<256xi32, #tpu.memory_space<vmem>>, vector<16xi32>,
    %gather3A_477 = tpu.vector_load_idx %arg14[%get3A_460] : memref<256xi32, #tpu.memory_space<vmem>>[vector<16xi32>], vector<16xi32>,
    %swap3A_478 = arith.constant 32 : index
    %swap3A_479 = tpu.vector_load %arg25[%swap3A_478] {strides = array<i32>} : memref<256xi32, #tpu.memory_space<vmem>>, vector<16xi32>,
    tpu.vector_store %arg25[%swap3A_478], %gather3A_477 {strides = array<i32>} : memref<256xi32, #tpu.memory_space<vmem>>, vector<16xi32>,
    %swap3A_480 = arith.constant 32 : index
    %swap3A_481 = tpu.vector_load %arg26[%swap3A_480] {strides = array<i32>} : memref<256xi32, #tpu.memory_space<vmem>>, vector<16xi32>,
    tpu.vector_store %arg26[%swap3A_480], %gather3A_461 {strides = array<i32>} : memref<256xi32, #tpu.memory_space<vmem>>, vector<16xi32>,
    %get3A_482 = arith.constant 48 : index
    %get3A_483 = tpu.vector_load %arg15[%get3A_482] {strides = array<i32>} : memref<272xi32, #tpu.memory_space<vmem>>, vector<16xi32>,
    %gather3A_484 = tpu.vector_load_idx %arg11[%get3A_483] : memref<256xi32, #tpu.memory_space<vmem>>[vector<16xi32>], vector<16xi32>,
    %gather3A_485 = tpu.vector_load_idx %arg21[%gather3A_484] : memref<48xi32, #tpu.memory_space<vmem>>[vector<16xi32>], vector<16xi32>,
    %add3A_486 = arith.addi %gather3A_485, %iota3A : vector<16xi32>
    %broadcast_in_dim3A_487 = arith.constant 48 : i32
    %broadcast_in_dim3A_488 = vector.broadcast %broadcast_in_dim3A_487 : i32 to vector<16xi32>
    %add3A_489 = arith.addi %add3A_486, %broadcast_in_dim3A_488 : vector<16xi32>
    %swap3A_490 = arith.constant 0 : i32
    %swap3A_491 = arith.index_cast %swap3A_490 : i32 to index
    %swap3A_492 = arith.constant 48 : index
    %swap3A_493 = tpu.vector_load %arg22[%swap3A_491, %swap3A_492] {strides = array<i32>} : memref<2x128xi32, #tpu.memory_space<vmem>>, vector<16xi32>,
    tpu.vector_store %arg22[%swap3A_491, %swap3A_492], %add3A_489 {strides = array<i32>} : memref<2x128xi32, #tpu.memory_space<vmem>>, vector<16xi32>,
    %gather3A_494 = tpu.vector_load_idx %arg12[%get3A_483] : memref<256xi32, #tpu.memory_space<vmem>>[vector<16xi32>], vector<16xi32>,
    %swap3A_495 = arith.constant 48 : index
    %swap3A_496 = tpu.vector_load %arg23[%swap3A_495] {strides = array<i32>} : memref<256xi32, #tpu.memory_space<vmem>>, vector<16xi32>,
    tpu.vector_store %arg23[%swap3A_495], %gather3A_494 {strides = array<i32>} : memref<256xi32, #tpu.memory_space<vmem>>, vector<16xi32>,
    %gather3A_497 = tpu.vector_load_idx %arg13[%get3A_483] : memref<256xi32, #tpu.memory_space<vmem>>[vector<16xi32>], vector<16xi32>,
    %swap3A_498 = arith.constant 48 : index
    %swap3A_499 = tpu.vector_load %arg24[%swap3A_498] {strides = array<i32>} : memref<256xi32, #tpu.memory_space<vmem>>, vector<16xi32>,
    tpu.vector_store %arg24[%swap3A_498], %gather3A_497 {strides = array<i32>} : memref<256xi32, #tpu.memory_space<vmem>>, vector<16xi32>,
    %gather3A_500 = tpu.vector_load_idx %arg14[%get3A_483] : memref<256xi32, #tpu.memory_space<vmem>>[vector<16xi32>], vector<16xi32>,
    %swap3A_501 = arith.constant 48 : index
    %swap3A_502 = tpu.vector_load %arg25[%swap3A_501] {strides = array<i32>} : memref<256xi32, #tpu.memory_space<vmem>>, vector<16xi32>,
    tpu.vector_store %arg25[%swap3A_501], %gather3A_500 {strides = array<i32>} : memref<256xi32, #tpu.memory_space<vmem>>, vector<16xi32>,
    %swap3A_503 = arith.constant 48 : index
    %swap3A_504 = tpu.vector_load %arg26[%swap3A_503] {strides = array<i32>} : memref<256xi32, #tpu.memory_space<vmem>>, vector<16xi32>,
    tpu.vector_store %arg26[%swap3A_503], %gather3A_484 {strides = array<i32>} : memref<256xi32, #tpu.memory_space<vmem>>, vector<16xi32>,
    %get3A_505 = arith.constant 64 : index
    %get3A_506 = tpu.vector_load %arg15[%get3A_505] {strides = array<i32>} : memref<272xi32, #tpu.memory_space<vmem>>, vector<16xi32>,
    %gather3A_507 = tpu.vector_load_idx %arg11[%get3A_506] : memref<256xi32, #tpu.memory_space<vmem>>[vector<16xi32>], vector<16xi32>,
    %gather3A_508 = tpu.vector_load_idx %arg21[%gather3A_507] : memref<48xi32, #tpu.memory_space<vmem>>[vector<16xi32>], vector<16xi32>,
    %add3A_509 = arith.addi %gather3A_508, %iota3A : vector<16xi32>
    %broadcast_in_dim3A_510 = arith.constant 64 : i32
    %broadcast_in_dim3A_511 = vector.broadcast %broadcast_in_dim3A_510 : i32 to vector<16xi32>
    %add3A_512 = arith.addi %add3A_509, %broadcast_in_dim3A_511 : vector<16xi32>
    %swap3A_513 = arith.constant 0 : i32
    %swap3A_514 = arith.index_cast %swap3A_513 : i32 to index
    %swap3A_515 = arith.constant 64 : index
    %swap3A_516 = tpu.vector_load %arg22[%swap3A_514, %swap3A_515] {strides = array<i32>} : memref<2x128xi32, #tpu.memory_space<vmem>>, vector<16xi32>,
    tpu.vector_store %arg22[%swap3A_514, %swap3A_515], %add3A_512 {strides = array<i32>} : memref<2x128xi32, #tpu.memory_space<vmem>>, vector<16xi32>,
    %gather3A_517 = tpu.vector_load_idx %arg12[%get3A_506] : memref<256xi32, #tpu.memory_space<vmem>>[vector<16xi32>], vector<16xi32>,
    %swap3A_518 = arith.constant 64 : index
    %swap3A_519 = tpu.vector_load %arg23[%swap3A_518] {strides = array<i32>} : memref<256xi32, #tpu.memory_space<vmem>>, vector<16xi32>,
    tpu.vector_store %arg23[%swap3A_518], %gather3A_517 {strides = array<i32>} : memref<256xi32, #tpu.memory_space<vmem>>, vector<16xi32>,
    %gather3A_520 = tpu.vector_load_idx %arg13[%get3A_506] : memref<256xi32, #tpu.memory_space<vmem>>[vector<16xi32>], vector<16xi32>,
    %swap3A_521 = arith.constant 64 : index
    %swap3A_522 = tpu.vector_load %arg24[%swap3A_521] {strides = array<i32>} : memref<256xi32, #tpu.memory_space<vmem>>, vector<16xi32>,
    tpu.vector_store %arg24[%swap3A_521], %gather3A_520 {strides = array<i32>} : memref<256xi32, #tpu.memory_space<vmem>>, vector<16xi32>,
    %gather3A_523 = tpu.vector_load_idx %arg14[%get3A_506] : memref<256xi32, #tpu.memory_space<vmem>>[vector<16xi32>], vector<16xi32>,
    %swap3A_524 = arith.constant 64 : index
    %swap3A_525 = tpu.vector_load %arg25[%swap3A_524] {strides = array<i32>} : memref<256xi32, #tpu.memory_space<vmem>>, vector<16xi32>,
    tpu.vector_store %arg25[%swap3A_524], %gather3A_523 {strides = array<i32>} : memref<256xi32, #tpu.memory_space<vmem>>, vector<16xi32>,
    %swap3A_526 = arith.constant 64 : index
    %swap3A_527 = tpu.vector_load %arg26[%swap3A_526] {strides = array<i32>} : memref<256xi32, #tpu.memory_space<vmem>>, vector<16xi32>,
    tpu.vector_store %arg26[%swap3A_526], %gather3A_507 {strides = array<i32>} : memref<256xi32, #tpu.memory_space<vmem>>, vector<16xi32>,
    %get3A_528 = arith.constant 80 : index
    %get3A_529 = tpu.vector_load %arg15[%get3A_528] {strides = array<i32>} : memref<272xi32, #tpu.memory_space<vmem>>, vector<16xi32>,
    %gather3A_530 = tpu.vector_load_idx %arg11[%get3A_529] : memref<256xi32, #tpu.memory_space<vmem>>[vector<16xi32>], vector<16xi32>,
    %gather3A_531 = tpu.vector_load_idx %arg21[%gather3A_530] : memref<48xi32, #tpu.memory_space<vmem>>[vector<16xi32>], vector<16xi32>,
    %add3A_532 = arith.addi %gather3A_531, %iota3A : vector<16xi32>
    %broadcast_in_dim3A_533 = arith.constant 80 : i32
    %broadcast_in_dim3A_534 = vector.broadcast %broadcast_in_dim3A_533 : i32 to vector<16xi32>
    %add3A_535 = arith.addi %add3A_532, %broadcast_in_dim3A_534 : vector<16xi32>
    %swap3A_536 = arith.constant 0 : i32
    %swap3A_537 = arith.index_cast %swap3A_536 : i32 to index
    %swap3A_538 = arith.constant 80 : index
    %swap3A_539 = tpu.vector_load %arg22[%swap3A_537, %swap3A_538] {strides = array<i32>} : memref<2x128xi32, #tpu.memory_space<vmem>>, vector<16xi32>,
    tpu.vector_store %arg22[%swap3A_537, %swap3A_538], %add3A_535 {strides = array<i32>} : memref<2x128xi32, #tpu.memory_space<vmem>>, vector<16xi32>,
    %gather3A_540 = tpu.vector_load_idx %arg12[%get3A_529] : memref<256xi32, #tpu.memory_space<vmem>>[vector<16xi32>], vector<16xi32>,
    %swap3A_541 = arith.constant 80 : index
    %swap3A_542 = tpu.vector_load %arg23[%swap3A_541] {strides = array<i32>} : memref<256xi32, #tpu.memory_space<vmem>>, vector<16xi32>,
    tpu.vector_store %arg23[%swap3A_541], %gather3A_540 {strides = array<i32>} : memref<256xi32, #tpu.memory_space<vmem>>, vector<16xi32>,
    %gather3A_543 = tpu.vector_load_idx %arg13[%get3A_529] : memref<256xi32, #tpu.memory_space<vmem>>[vector<16xi32>], vector<16xi32>,
    %swap3A_544 = arith.constant 80 : index
    %swap3A_545 = tpu.vector_load %arg24[%swap3A_544] {strides = array<i32>} : memref<256xi32, #tpu.memory_space<vmem>>, vector<16xi32>,
    tpu.vector_store %arg24[%swap3A_544], %gather3A_543 {strides = array<i32>} : memref<256xi32, #tpu.memory_space<vmem>>, vector<16xi32>,
    %gather3A_546 = tpu.vector_load_idx %arg14[%get3A_529] : memref<256xi32, #tpu.memory_space<vmem>>[vector<16xi32>], vector<16xi32>,
    %swap3A_547 = arith.constant 80 : index
    %swap3A_548 = tpu.vector_load %arg25[%swap3A_547] {strides = array<i32>} : memref<256xi32, #tpu.memory_space<vmem>>, vector<16xi32>,
    tpu.vector_store %arg25[%swap3A_547], %gather3A_546 {strides = array<i32>} : memref<256xi32, #tpu.memory_space<vmem>>, vector<16xi32>,
    %swap3A_549 = arith.constant 80 : index
    %swap3A_550 = tpu.vector_load %arg26[%swap3A_549] {strides = array<i32>} : memref<256xi32, #tpu.memory_space<vmem>>, vector<16xi32>,
    tpu.vector_store %arg26[%swap3A_549], %gather3A_530 {strides = array<i32>} : memref<256xi32, #tpu.memory_space<vmem>>, vector<16xi32>,
    %get3A_551 = arith.constant 96 : index
    %get3A_552 = tpu.vector_load %arg15[%get3A_551] {strides = array<i32>} : memref<272xi32, #tpu.memory_space<vmem>>, vector<16xi32>,
    %gather3A_553 = tpu.vector_load_idx %arg11[%get3A_552] : memref<256xi32, #tpu.memory_space<vmem>>[vector<16xi32>], vector<16xi32>,
    %gather3A_554 = tpu.vector_load_idx %arg21[%gather3A_553] : memref<48xi32, #tpu.memory_space<vmem>>[vector<16xi32>], vector<16xi32>,
    %add3A_555 = arith.addi %gather3A_554, %iota3A : vector<16xi32>
    %broadcast_in_dim3A_556 = arith.constant 96 : i32
    %broadcast_in_dim3A_557 = vector.broadcast %broadcast_in_dim3A_556 : i32 to vector<16xi32>
    %add3A_558 = arith.addi %add3A_555, %broadcast_in_dim3A_557 : vector<16xi32>
    %swap3A_559 = arith.constant 0 : i32
    %swap3A_560 = arith.index_cast %swap3A_559 : i32 to index
    %swap3A_561 = arith.constant 96 : index
    %swap3A_562 = tpu.vector_load %arg22[%swap3A_560, %swap3A_561] {strides = array<i32>} : memref<2x128xi32, #tpu.memory_space<vmem>>, vector<16xi32>,
    tpu.vector_store %arg22[%swap3A_560, %swap3A_561], %add3A_558 {strides = array<i32>} : memref<2x128xi32, #tpu.memory_space<vmem>>, vector<16xi32>,
    %gather3A_563 = tpu.vector_load_idx %arg12[%get3A_552] : memref<256xi32, #tpu.memory_space<vmem>>[vector<16xi32>], vector<16xi32>,
    %swap3A_564 = arith.constant 96 : index
    %swap3A_565 = tpu.vector_load %arg23[%swap3A_564] {strides = array<i32>} : memref<256xi32, #tpu.memory_space<vmem>>, vector<16xi32>,
    tpu.vector_store %arg23[%swap3A_564], %gather3A_563 {strides = array<i32>} : memref<256xi32, #tpu.memory_space<vmem>>, vector<16xi32>,
    %gather3A_566 = tpu.vector_load_idx %arg13[%get3A_552] : memref<256xi32, #tpu.memory_space<vmem>>[vector<16xi32>], vector<16xi32>,
    %swap3A_567 = arith.constant 96 : index
    %swap3A_568 = tpu.vector_load %arg24[%swap3A_567] {strides = array<i32>} : memref<256xi32, #tpu.memory_space<vmem>>, vector<16xi32>,
    tpu.vector_store %arg24[%swap3A_567], %gather3A_566 {strides = array<i32>} : memref<256xi32, #tpu.memory_space<vmem>>, vector<16xi32>,
    %gather3A_569 = tpu.vector_load_idx %arg14[%get3A_552] : memref<256xi32, #tpu.memory_space<vmem>>[vector<16xi32>], vector<16xi32>,
    %swap3A_570 = arith.constant 96 : index
    %swap3A_571 = tpu.vector_load %arg25[%swap3A_570] {strides = array<i32>} : memref<256xi32, #tpu.memory_space<vmem>>, vector<16xi32>,
    tpu.vector_store %arg25[%swap3A_570], %gather3A_569 {strides = array<i32>} : memref<256xi32, #tpu.memory_space<vmem>>, vector<16xi32>,
    %swap3A_572 = arith.constant 96 : index
    %swap3A_573 = tpu.vector_load %arg26[%swap3A_572] {strides = array<i32>} : memref<256xi32, #tpu.memory_space<vmem>>, vector<16xi32>,
    tpu.vector_store %arg26[%swap3A_572], %gather3A_553 {strides = array<i32>} : memref<256xi32, #tpu.memory_space<vmem>>, vector<16xi32>,
    %get3A_574 = arith.constant 112 : index
    %get3A_575 = tpu.vector_load %arg15[%get3A_574] {strides = array<i32>} : memref<272xi32, #tpu.memory_space<vmem>>, vector<16xi32>,
    %gather3A_576 = tpu.vector_load_idx %arg11[%get3A_575] : memref<256xi32, #tpu.memory_space<vmem>>[vector<16xi32>], vector<16xi32>,
    %gather3A_577 = tpu.vector_load_idx %arg21[%gather3A_576] : memref<48xi32, #tpu.memory_space<vmem>>[vector<16xi32>], vector<16xi32>,
    %add3A_578 = arith.addi %gather3A_577, %iota3A : vector<16xi32>
    %broadcast_in_dim3A_579 = arith.constant 112 : i32
    %broadcast_in_dim3A_580 = vector.broadcast %broadcast_in_dim3A_579 : i32 to vector<16xi32>
    %add3A_581 = arith.addi %add3A_578, %broadcast_in_dim3A_580 : vector<16xi32>
    %swap3A_582 = arith.constant 0 : i32
    %swap3A_583 = arith.index_cast %swap3A_582 : i32 to index
    %swap3A_584 = arith.constant 112 : index
    %swap3A_585 = tpu.vector_load %arg22[%swap3A_583, %swap3A_584] {strides = array<i32>} : memref<2x128xi32, #tpu.memory_space<vmem>>, vector<16xi32>,
    tpu.vector_store %arg22[%swap3A_583, %swap3A_584], %add3A_581 {strides = array<i32>} : memref<2x128xi32, #tpu.memory_space<vmem>>, vector<16xi32>,
    %gather3A_586 = tpu.vector_load_idx %arg12[%get3A_575] : memref<256xi32, #tpu.memory_space<vmem>>[vector<16xi32>], vector<16xi32>,
    %swap3A_587 = arith.constant 112 : index
    %swap3A_588 = tpu.vector_load %arg23[%swap3A_587] {strides = array<i32>} : memref<256xi32, #tpu.memory_space<vmem>>, vector<16xi32>,
    tpu.vector_store %arg23[%swap3A_587], %gather3A_586 {strides = array<i32>} : memref<256xi32, #tpu.memory_space<vmem>>, vector<16xi32>,
    %gather3A_589 = tpu.vector_load_idx %arg13[%get3A_575] : memref<256xi32, #tpu.memory_space<vmem>>[vector<16xi32>], vector<16xi32>,
    %swap3A_590 = arith.constant 112 : index
    %swap3A_591 = tpu.vector_load %arg24[%swap3A_590] {strides = array<i32>} : memref<256xi32, #tpu.memory_space<vmem>>, vector<16xi32>,
    tpu.vector_store %arg24[%swap3A_590], %gather3A_589 {strides = array<i32>} : memref<256xi32, #tpu.memory_space<vmem>>, vector<16xi32>,
    %gather3A_592 = tpu.vector_load_idx %arg14[%get3A_575] : memref<256xi32, #tpu.memory_space<vmem>>[vector<16xi32>], vector<16xi32>,
    %swap3A_593 = arith.constant 112 : index
    %swap3A_594 = tpu.vector_load %arg25[%swap3A_593] {strides = array<i32>} : memref<256xi32, #tpu.memory_space<vmem>>, vector<16xi32>,
    tpu.vector_store %arg25[%swap3A_593], %gather3A_592 {strides = array<i32>} : memref<256xi32, #tpu.memory_space<vmem>>, vector<16xi32>,
    %swap3A_595 = arith.constant 112 : index
    %swap3A_596 = tpu.vector_load %arg26[%swap3A_595] {strides = array<i32>} : memref<256xi32, #tpu.memory_space<vmem>>, vector<16xi32>,
    tpu.vector_store %arg26[%swap3A_595], %gather3A_576 {strides = array<i32>} : memref<256xi32, #tpu.memory_space<vmem>>, vector<16xi32>,
    %get3A_597 = arith.constant 128 : index
    %get3A_598 = tpu.vector_load %arg15[%get3A_597] {strides = array<i32>} : memref<272xi32, #tpu.memory_space<vmem>>, vector<16xi32>,
    %gather3A_599 = tpu.vector_load_idx %arg11[%get3A_598] : memref<256xi32, #tpu.memory_space<vmem>>[vector<16xi32>], vector<16xi32>,
    %gather3A_600 = tpu.vector_load_idx %arg21[%gather3A_599] : memref<48xi32, #tpu.memory_space<vmem>>[vector<16xi32>], vector<16xi32>,
    %add3A_601 = arith.addi %gather3A_600, %iota3A : vector<16xi32>
    %broadcast_in_dim3A_602 = arith.constant 128 : i32
    %broadcast_in_dim3A_603 = vector.broadcast %broadcast_in_dim3A_602 : i32 to vector<16xi32>
    %add3A_604 = arith.addi %add3A_601, %broadcast_in_dim3A_603 : vector<16xi32>
    %swap3A_605 = arith.constant 1 : i32
    %swap3A_606 = arith.index_cast %swap3A_605 : i32 to index
    %swap3A_607 = arith.constant 0 : index
    %swap3A_608 = tpu.vector_load %arg22[%swap3A_606, %swap3A_607] {strides = array<i32>} : memref<2x128xi32, #tpu.memory_space<vmem>>, vector<16xi32>,
    tpu.vector_store %arg22[%swap3A_606, %swap3A_607], %add3A_604 {strides = array<i32>} : memref<2x128xi32, #tpu.memory_space<vmem>>, vector<16xi32>,
    %gather3A_609 = tpu.vector_load_idx %arg12[%get3A_598] : memref<256xi32, #tpu.memory_space<vmem>>[vector<16xi32>], vector<16xi32>,
    %swap3A_610 = arith.constant 128 : index
    %swap3A_611 = tpu.vector_load %arg23[%swap3A_610] {strides = array<i32>} : memref<256xi32, #tpu.memory_space<vmem>>, vector<16xi32>,
    tpu.vector_store %arg23[%swap3A_610], %gather3A_609 {strides = array<i32>} : memref<256xi32, #tpu.memory_space<vmem>>, vector<16xi32>,
    %gather3A_612 = tpu.vector_load_idx %arg13[%get3A_598] : memref<256xi32, #tpu.memory_space<vmem>>[vector<16xi32>], vector<16xi32>,
    %swap3A_613 = arith.constant 128 : index
    %swap3A_614 = tpu.vector_load %arg24[%swap3A_613] {strides = array<i32>} : memref<256xi32, #tpu.memory_space<vmem>>, vector<16xi32>,
    tpu.vector_store %arg24[%swap3A_613], %gather3A_612 {strides = array<i32>} : memref<256xi32, #tpu.memory_space<vmem>>, vector<16xi32>,
    %gather3A_615 = tpu.vector_load_idx %arg14[%get3A_598] : memref<256xi32, #tpu.memory_space<vmem>>[vector<16xi32>], vector<16xi32>,
    %swap3A_616 = arith.constant 128 : index
    %swap3A_617 = tpu.vector_load %arg25[%swap3A_616] {strides = array<i32>} : memref<256xi32, #tpu.memory_space<vmem>>, vector<16xi32>,
    tpu.vector_store %arg25[%swap3A_616], %gather3A_615 {strides = array<i32>} : memref<256xi32, #tpu.memory_space<vmem>>, vector<16xi32>,
    %swap3A_618 = arith.constant 128 : index
    %swap3A_619 = tpu.vector_load %arg26[%swap3A_618] {strides = array<i32>} : memref<256xi32, #tpu.memory_space<vmem>>, vector<16xi32>,
    tpu.vector_store %arg26[%swap3A_618], %gather3A_599 {strides = array<i32>} : memref<256xi32, #tpu.memory_space<vmem>>, vector<16xi32>,
    %get3A_620 = arith.constant 144 : index
    %get3A_621 = tpu.vector_load %arg15[%get3A_620] {strides = array<i32>} : memref<272xi32, #tpu.memory_space<vmem>>, vector<16xi32>,
    %gather3A_622 = tpu.vector_load_idx %arg11[%get3A_621] : memref<256xi32, #tpu.memory_space<vmem>>[vector<16xi32>], vector<16xi32>,
    %gather3A_623 = tpu.vector_load_idx %arg21[%gather3A_622] : memref<48xi32, #tpu.memory_space<vmem>>[vector<16xi32>], vector<16xi32>,
    %add3A_624 = arith.addi %gather3A_623, %iota3A : vector<16xi32>
    %broadcast_in_dim3A_625 = arith.constant 144 : i32
    %broadcast_in_dim3A_626 = vector.broadcast %broadcast_in_dim3A_625 : i32 to vector<16xi32>
    %add3A_627 = arith.addi %add3A_624, %broadcast_in_dim3A_626 : vector<16xi32>
    %swap3A_628 = arith.constant 1 : i32
    %swap3A_629 = arith.index_cast %swap3A_628 : i32 to index
    %swap3A_630 = arith.constant 16 : index
    %swap3A_631 = tpu.vector_load %arg22[%swap3A_629, %swap3A_630] {strides = array<i32>} : memref<2x128xi32, #tpu.memory_space<vmem>>, vector<16xi32>,
    tpu.vector_store %arg22[%swap3A_629, %swap3A_630], %add3A_627 {strides = array<i32>} : memref<2x128xi32, #tpu.memory_space<vmem>>, vector<16xi32>,
    %gather3A_632 = tpu.vector_load_idx %arg12[%get3A_621] : memref<256xi32, #tpu.memory_space<vmem>>[vector<16xi32>], vector<16xi32>,
    %swap3A_633 = arith.constant 144 : index
    %swap3A_634 = tpu.vector_load %arg23[%swap3A_633] {strides = array<i32>} : memref<256xi32, #tpu.memory_space<vmem>>, vector<16xi32>,
    tpu.vector_store %arg23[%swap3A_633], %gather3A_632 {strides = array<i32>} : memref<256xi32, #tpu.memory_space<vmem>>, vector<16xi32>,
    %gather3A_635 = tpu.vector_load_idx %arg13[%get3A_621] : memref<256xi32, #tpu.memory_space<vmem>>[vector<16xi32>], vector<16xi32>,
    %swap3A_636 = arith.constant 144 : index
    %swap3A_637 = tpu.vector_load %arg24[%swap3A_636] {strides = array<i32>} : memref<256xi32, #tpu.memory_space<vmem>>, vector<16xi32>,
    tpu.vector_store %arg24[%swap3A_636], %gather3A_635 {strides = array<i32>} : memref<256xi32, #tpu.memory_space<vmem>>, vector<16xi32>,
    %gather3A_638 = tpu.vector_load_idx %arg14[%get3A_621] : memref<256xi32, #tpu.memory_space<vmem>>[vector<16xi32>], vector<16xi32>,
    %swap3A_639 = arith.constant 144 : index
    %swap3A_640 = tpu.vector_load %arg25[%swap3A_639] {strides = array<i32>} : memref<256xi32, #tpu.memory_space<vmem>>, vector<16xi32>,
    tpu.vector_store %arg25[%swap3A_639], %gather3A_638 {strides = array<i32>} : memref<256xi32, #tpu.memory_space<vmem>>, vector<16xi32>,
    %swap3A_641 = arith.constant 144 : index
    %swap3A_642 = tpu.vector_load %arg26[%swap3A_641] {strides = array<i32>} : memref<256xi32, #tpu.memory_space<vmem>>, vector<16xi32>,
    tpu.vector_store %arg26[%swap3A_641], %gather3A_622 {strides = array<i32>} : memref<256xi32, #tpu.memory_space<vmem>>, vector<16xi32>,
    %get3A_643 = arith.constant 160 : index
    %get3A_644 = tpu.vector_load %arg15[%get3A_643] {strides = array<i32>} : memref<272xi32, #tpu.memory_space<vmem>>, vector<16xi32>,
    %gather3A_645 = tpu.vector_load_idx %arg11[%get3A_644] : memref<256xi32, #tpu.memory_space<vmem>>[vector<16xi32>], vector<16xi32>,
    %gather3A_646 = tpu.vector_load_idx %arg21[%gather3A_645] : memref<48xi32, #tpu.memory_space<vmem>>[vector<16xi32>], vector<16xi32>,
    %add3A_647 = arith.addi %gather3A_646, %iota3A : vector<16xi32>
    %broadcast_in_dim3A_648 = arith.constant 160 : i32
    %broadcast_in_dim3A_649 = vector.broadcast %broadcast_in_dim3A_648 : i32 to vector<16xi32>
    %add3A_650 = arith.addi %add3A_647, %broadcast_in_dim3A_649 : vector<16xi32>
    %swap3A_651 = arith.constant 1 : i32
    %swap3A_652 = arith.index_cast %swap3A_651 : i32 to index
    %swap3A_653 = arith.constant 32 : index
    %swap3A_654 = tpu.vector_load %arg22[%swap3A_652, %swap3A_653] {strides = array<i32>} : memref<2x128xi32, #tpu.memory_space<vmem>>, vector<16xi32>,
    tpu.vector_store %arg22[%swap3A_652, %swap3A_653], %add3A_650 {strides = array<i32>} : memref<2x128xi32, #tpu.memory_space<vmem>>, vector<16xi32>,
    %gather3A_655 = tpu.vector_load_idx %arg12[%get3A_644] : memref<256xi32, #tpu.memory_space<vmem>>[vector<16xi32>], vector<16xi32>,
    %swap3A_656 = arith.constant 160 : index
    %swap3A_657 = tpu.vector_load %arg23[%swap3A_656] {strides = array<i32>} : memref<256xi32, #tpu.memory_space<vmem>>, vector<16xi32>,
    tpu.vector_store %arg23[%swap3A_656], %gather3A_655 {strides = array<i32>} : memref<256xi32, #tpu.memory_space<vmem>>, vector<16xi32>,
    %gather3A_658 = tpu.vector_load_idx %arg13[%get3A_644] : memref<256xi32, #tpu.memory_space<vmem>>[vector<16xi32>], vector<16xi32>,
    %swap3A_659 = arith.constant 160 : index
    %swap3A_660 = tpu.vector_load %arg24[%swap3A_659] {strides = array<i32>} : memref<256xi32, #tpu.memory_space<vmem>>, vector<16xi32>,
    tpu.vector_store %arg24[%swap3A_659], %gather3A_658 {strides = array<i32>} : memref<256xi32, #tpu.memory_space<vmem>>, vector<16xi32>,
    %gather3A_661 = tpu.vector_load_idx %arg14[%get3A_644] : memref<256xi32, #tpu.memory_space<vmem>>[vector<16xi32>], vector<16xi32>,
    %swap3A_662 = arith.constant 160 : index
    %swap3A_663 = tpu.vector_load %arg25[%swap3A_662] {strides = array<i32>} : memref<256xi32, #tpu.memory_space<vmem>>, vector<16xi32>,
    tpu.vector_store %arg25[%swap3A_662], %gather3A_661 {strides = array<i32>} : memref<256xi32, #tpu.memory_space<vmem>>, vector<16xi32>,
    %swap3A_664 = arith.constant 160 : index
    %swap3A_665 = tpu.vector_load %arg26[%swap3A_664] {strides = array<i32>} : memref<256xi32, #tpu.memory_space<vmem>>, vector<16xi32>,
    tpu.vector_store %arg26[%swap3A_664], %gather3A_645 {strides = array<i32>} : memref<256xi32, #tpu.memory_space<vmem>>, vector<16xi32>,
    %get3A_666 = arith.constant 176 : index
    %get3A_667 = tpu.vector_load %arg15[%get3A_666] {strides = array<i32>} : memref<272xi32, #tpu.memory_space<vmem>>, vector<16xi32>,
    %gather3A_668 = tpu.vector_load_idx %arg11[%get3A_667] : memref<256xi32, #tpu.memory_space<vmem>>[vector<16xi32>], vector<16xi32>,
    %gather3A_669 = tpu.vector_load_idx %arg21[%gather3A_668] : memref<48xi32, #tpu.memory_space<vmem>>[vector<16xi32>], vector<16xi32>,
    %add3A_670 = arith.addi %gather3A_669, %iota3A : vector<16xi32>
    %broadcast_in_dim3A_671 = arith.constant 176 : i32
    %broadcast_in_dim3A_672 = vector.broadcast %broadcast_in_dim3A_671 : i32 to vector<16xi32>
    %add3A_673 = arith.addi %add3A_670, %broadcast_in_dim3A_672 : vector<16xi32>
    %swap3A_674 = arith.constant 1 : i32
    %swap3A_675 = arith.index_cast %swap3A_674 : i32 to index
    %swap3A_676 = arith.constant 48 : index
    %swap3A_677 = tpu.vector_load %arg22[%swap3A_675, %swap3A_676] {strides = array<i32>} : memref<2x128xi32, #tpu.memory_space<vmem>>, vector<16xi32>,
    tpu.vector_store %arg22[%swap3A_675, %swap3A_676], %add3A_673 {strides = array<i32>} : memref<2x128xi32, #tpu.memory_space<vmem>>, vector<16xi32>,
    %gather3A_678 = tpu.vector_load_idx %arg12[%get3A_667] : memref<256xi32, #tpu.memory_space<vmem>>[vector<16xi32>], vector<16xi32>,
    %swap3A_679 = arith.constant 176 : index
    %swap3A_680 = tpu.vector_load %arg23[%swap3A_679] {strides = array<i32>} : memref<256xi32, #tpu.memory_space<vmem>>, vector<16xi32>,
    tpu.vector_store %arg23[%swap3A_679], %gather3A_678 {strides = array<i32>} : memref<256xi32, #tpu.memory_space<vmem>>, vector<16xi32>,
    %gather3A_681 = tpu.vector_load_idx %arg13[%get3A_667] : memref<256xi32, #tpu.memory_space<vmem>>[vector<16xi32>], vector<16xi32>,
    %swap3A_682 = arith.constant 176 : index
    %swap3A_683 = tpu.vector_load %arg24[%swap3A_682] {strides = array<i32>} : memref<256xi32, #tpu.memory_space<vmem>>, vector<16xi32>,
    tpu.vector_store %arg24[%swap3A_682], %gather3A_681 {strides = array<i32>} : memref<256xi32, #tpu.memory_space<vmem>>, vector<16xi32>,
    %gather3A_684 = tpu.vector_load_idx %arg14[%get3A_667] : memref<256xi32, #tpu.memory_space<vmem>>[vector<16xi32>], vector<16xi32>,
    %swap3A_685 = arith.constant 176 : index
    %swap3A_686 = tpu.vector_load %arg25[%swap3A_685] {strides = array<i32>} : memref<256xi32, #tpu.memory_space<vmem>>, vector<16xi32>,
    tpu.vector_store %arg25[%swap3A_685], %gather3A_684 {strides = array<i32>} : memref<256xi32, #tpu.memory_space<vmem>>, vector<16xi32>,
    %swap3A_687 = arith.constant 176 : index
    %swap3A_688 = tpu.vector_load %arg26[%swap3A_687] {strides = array<i32>} : memref<256xi32, #tpu.memory_space<vmem>>, vector<16xi32>,
    tpu.vector_store %arg26[%swap3A_687], %gather3A_668 {strides = array<i32>} : memref<256xi32, #tpu.memory_space<vmem>>, vector<16xi32>,
    %get3A_689 = arith.constant 192 : index
    %get3A_690 = tpu.vector_load %arg15[%get3A_689] {strides = array<i32>} : memref<272xi32, #tpu.memory_space<vmem>>, vector<16xi32>,
    %gather3A_691 = tpu.vector_load_idx %arg11[%get3A_690] : memref<256xi32, #tpu.memory_space<vmem>>[vector<16xi32>], vector<16xi32>,
    %gather3A_692 = tpu.vector_load_idx %arg21[%gather3A_691] : memref<48xi32, #tpu.memory_space<vmem>>[vector<16xi32>], vector<16xi32>,
    %add3A_693 = arith.addi %gather3A_692, %iota3A : vector<16xi32>
    %broadcast_in_dim3A_694 = arith.constant 192 : i32
    %broadcast_in_dim3A_695 = vector.broadcast %broadcast_in_dim3A_694 : i32 to vector<16xi32>
    %add3A_696 = arith.addi %add3A_693, %broadcast_in_dim3A_695 : vector<16xi32>
    %swap3A_697 = arith.constant 1 : i32
    %swap3A_698 = arith.index_cast %swap3A_697 : i32 to index
    %swap3A_699 = arith.constant 64 : index
    %swap3A_700 = tpu.vector_load %arg22[%swap3A_698, %swap3A_699] {strides = array<i32>} : memref<2x128xi32, #tpu.memory_space<vmem>>, vector<16xi32>,
    tpu.vector_store %arg22[%swap3A_698, %swap3A_699], %add3A_696 {strides = array<i32>} : memref<2x128xi32, #tpu.memory_space<vmem>>, vector<16xi32>,
    %gather3A_701 = tpu.vector_load_idx %arg12[%get3A_690] : memref<256xi32, #tpu.memory_space<vmem>>[vector<16xi32>], vector<16xi32>,
    %swap3A_702 = arith.constant 192 : index
    %swap3A_703 = tpu.vector_load %arg23[%swap3A_702] {strides = array<i32>} : memref<256xi32, #tpu.memory_space<vmem>>, vector<16xi32>,
    tpu.vector_store %arg23[%swap3A_702], %gather3A_701 {strides = array<i32>} : memref<256xi32, #tpu.memory_space<vmem>>, vector<16xi32>,
    %gather3A_704 = tpu.vector_load_idx %arg13[%get3A_690] : memref<256xi32, #tpu.memory_space<vmem>>[vector<16xi32>], vector<16xi32>,
    %swap3A_705 = arith.constant 192 : index
    %swap3A_706 = tpu.vector_load %arg24[%swap3A_705] {strides = array<i32>} : memref<256xi32, #tpu.memory_space<vmem>>, vector<16xi32>,
    tpu.vector_store %arg24[%swap3A_705], %gather3A_704 {strides = array<i32>} : memref<256xi32, #tpu.memory_space<vmem>>, vector<16xi32>,
    %gather3A_707 = tpu.vector_load_idx %arg14[%get3A_690] : memref<256xi32, #tpu.memory_space<vmem>>[vector<16xi32>], vector<16xi32>,
    %swap3A_708 = arith.constant 192 : index
    %swap3A_709 = tpu.vector_load %arg25[%swap3A_708] {strides = array<i32>} : memref<256xi32, #tpu.memory_space<vmem>>, vector<16xi32>,
    tpu.vector_store %arg25[%swap3A_708], %gather3A_707 {strides = array<i32>} : memref<256xi32, #tpu.memory_space<vmem>>, vector<16xi32>,
    %swap3A_710 = arith.constant 192 : index
    %swap3A_711 = tpu.vector_load %arg26[%swap3A_710] {strides = array<i32>} : memref<256xi32, #tpu.memory_space<vmem>>, vector<16xi32>,
    tpu.vector_store %arg26[%swap3A_710], %gather3A_691 {strides = array<i32>} : memref<256xi32, #tpu.memory_space<vmem>>, vector<16xi32>,
    %get3A_712 = arith.constant 208 : index
    %get3A_713 = tpu.vector_load %arg15[%get3A_712] {strides = array<i32>} : memref<272xi32, #tpu.memory_space<vmem>>, vector<16xi32>,
    %gather3A_714 = tpu.vector_load_idx %arg11[%get3A_713] : memref<256xi32, #tpu.memory_space<vmem>>[vector<16xi32>], vector<16xi32>,
    %gather3A_715 = tpu.vector_load_idx %arg21[%gather3A_714] : memref<48xi32, #tpu.memory_space<vmem>>[vector<16xi32>], vector<16xi32>,
    %add3A_716 = arith.addi %gather3A_715, %iota3A : vector<16xi32>
    %broadcast_in_dim3A_717 = arith.constant 208 : i32
    %broadcast_in_dim3A_718 = vector.broadcast %broadcast_in_dim3A_717 : i32 to vector<16xi32>
    %add3A_719 = arith.addi %add3A_716, %broadcast_in_dim3A_718 : vector<16xi32>
    %swap3A_720 = arith.constant 1 : i32
    %swap3A_721 = arith.index_cast %swap3A_720 : i32 to index
    %swap3A_722 = arith.constant 80 : index
    %swap3A_723 = tpu.vector_load %arg22[%swap3A_721, %swap3A_722] {strides = array<i32>} : memref<2x128xi32, #tpu.memory_space<vmem>>, vector<16xi32>,
    tpu.vector_store %arg22[%swap3A_721, %swap3A_722], %add3A_719 {strides = array<i32>} : memref<2x128xi32, #tpu.memory_space<vmem>>, vector<16xi32>,
    %gather3A_724 = tpu.vector_load_idx %arg12[%get3A_713] : memref<256xi32, #tpu.memory_space<vmem>>[vector<16xi32>], vector<16xi32>,
    %swap3A_725 = arith.constant 208 : index
    %swap3A_726 = tpu.vector_load %arg23[%swap3A_725] {strides = array<i32>} : memref<256xi32, #tpu.memory_space<vmem>>, vector<16xi32>,
    tpu.vector_store %arg23[%swap3A_725], %gather3A_724 {strides = array<i32>} : memref<256xi32, #tpu.memory_space<vmem>>, vector<16xi32>,
    %gather3A_727 = tpu.vector_load_idx %arg13[%get3A_713] : memref<256xi32, #tpu.memory_space<vmem>>[vector<16xi32>], vector<16xi32>,
    %swap3A_728 = arith.constant 208 : index
    %swap3A_729 = tpu.vector_load %arg24[%swap3A_728] {strides = array<i32>} : memref<256xi32, #tpu.memory_space<vmem>>, vector<16xi32>,
    tpu.vector_store %arg24[%swap3A_728], %gather3A_727 {strides = array<i32>} : memref<256xi32, #tpu.memory_space<vmem>>, vector<16xi32>,
    %gather3A_730 = tpu.vector_load_idx %arg14[%get3A_713] : memref<256xi32, #tpu.memory_space<vmem>>[vector<16xi32>], vector<16xi32>,
    %swap3A_731 = arith.constant 208 : index
    %swap3A_732 = tpu.vector_load %arg25[%swap3A_731] {strides = array<i32>} : memref<256xi32, #tpu.memory_space<vmem>>, vector<16xi32>,
    tpu.vector_store %arg25[%swap3A_731], %gather3A_730 {strides = array<i32>} : memref<256xi32, #tpu.memory_space<vmem>>, vector<16xi32>,
    %swap3A_733 = arith.constant 208 : index
    %swap3A_734 = tpu.vector_load %arg26[%swap3A_733] {strides = array<i32>} : memref<256xi32, #tpu.memory_space<vmem>>, vector<16xi32>,
    tpu.vector_store %arg26[%swap3A_733], %gather3A_714 {strides = array<i32>} : memref<256xi32, #tpu.memory_space<vmem>>, vector<16xi32>,
    %get3A_735 = arith.constant 224 : index
    %get3A_736 = tpu.vector_load %arg15[%get3A_735] {strides = array<i32>} : memref<272xi32, #tpu.memory_space<vmem>>, vector<16xi32>,
    %gather3A_737 = tpu.vector_load_idx %arg11[%get3A_736] : memref<256xi32, #tpu.memory_space<vmem>>[vector<16xi32>], vector<16xi32>,
    %gather3A_738 = tpu.vector_load_idx %arg21[%gather3A_737] : memref<48xi32, #tpu.memory_space<vmem>>[vector<16xi32>], vector<16xi32>,
    %add3A_739 = arith.addi %gather3A_738, %iota3A : vector<16xi32>
    %broadcast_in_dim3A_740 = arith.constant 224 : i32
    %broadcast_in_dim3A_741 = vector.broadcast %broadcast_in_dim3A_740 : i32 to vector<16xi32>
    %add3A_742 = arith.addi %add3A_739, %broadcast_in_dim3A_741 : vector<16xi32>
    %swap3A_743 = arith.constant 1 : i32
    %swap3A_744 = arith.index_cast %swap3A_743 : i32 to index
    %swap3A_745 = arith.constant 96 : index
    %swap3A_746 = tpu.vector_load %arg22[%swap3A_744, %swap3A_745] {strides = array<i32>} : memref<2x128xi32, #tpu.memory_space<vmem>>, vector<16xi32>,
    tpu.vector_store %arg22[%swap3A_744, %swap3A_745], %add3A_742 {strides = array<i32>} : memref<2x128xi32, #tpu.memory_space<vmem>>, vector<16xi32>,
    %gather3A_747 = tpu.vector_load_idx %arg12[%get3A_736] : memref<256xi32, #tpu.memory_space<vmem>>[vector<16xi32>], vector<16xi32>,
    %swap3A_748 = arith.constant 224 : index
    %swap3A_749 = tpu.vector_load %arg23[%swap3A_748] {strides = array<i32>} : memref<256xi32, #tpu.memory_space<vmem>>, vector<16xi32>,
    tpu.vector_store %arg23[%swap3A_748], %gather3A_747 {strides = array<i32>} : memref<256xi32, #tpu.memory_space<vmem>>, vector<16xi32>,
    %gather3A_750 = tpu.vector_load_idx %arg13[%get3A_736] : memref<256xi32, #tpu.memory_space<vmem>>[vector<16xi32>], vector<16xi32>,
    %swap3A_751 = arith.constant 224 : index
    %swap3A_752 = tpu.vector_load %arg24[%swap3A_751] {strides = array<i32>} : memref<256xi32, #tpu.memory_space<vmem>>, vector<16xi32>,
    tpu.vector_store %arg24[%swap3A_751], %gather3A_750 {strides = array<i32>} : memref<256xi32, #tpu.memory_space<vmem>>, vector<16xi32>,
    %gather3A_753 = tpu.vector_load_idx %arg14[%get3A_736] : memref<256xi32, #tpu.memory_space<vmem>>[vector<16xi32>], vector<16xi32>,
    %swap3A_754 = arith.constant 224 : index
    %swap3A_755 = tpu.vector_load %arg25[%swap3A_754] {strides = array<i32>} : memref<256xi32, #tpu.memory_space<vmem>>, vector<16xi32>,
    tpu.vector_store %arg25[%swap3A_754], %gather3A_753 {strides = array<i32>} : memref<256xi32, #tpu.memory_space<vmem>>, vector<16xi32>,
    %swap3A_756 = arith.constant 224 : index
    %swap3A_757 = tpu.vector_load %arg26[%swap3A_756] {strides = array<i32>} : memref<256xi32, #tpu.memory_space<vmem>>, vector<16xi32>,
    tpu.vector_store %arg26[%swap3A_756], %gather3A_737 {strides = array<i32>} : memref<256xi32, #tpu.memory_space<vmem>>, vector<16xi32>,
    %get3A_758 = arith.constant 240 : index
    %get3A_759 = tpu.vector_load %arg15[%get3A_758] {strides = array<i32>} : memref<272xi32, #tpu.memory_space<vmem>>, vector<16xi32>,
    %gather3A_760 = tpu.vector_load_idx %arg11[%get3A_759] : memref<256xi32, #tpu.memory_space<vmem>>[vector<16xi32>], vector<16xi32>,
    %gather3A_761 = tpu.vector_load_idx %arg21[%gather3A_760] : memref<48xi32, #tpu.memory_space<vmem>>[vector<16xi32>], vector<16xi32>,
    %add3A_762 = arith.addi %gather3A_761, %iota3A : vector<16xi32>
    %broadcast_in_dim3A_763 = arith.constant 240 : i32
    %broadcast_in_dim3A_764 = vector.broadcast %broadcast_in_dim3A_763 : i32 to vector<16xi32>
    %add3A_765 = arith.addi %add3A_762, %broadcast_in_dim3A_764 : vector<16xi32>
    %swap3A_766 = arith.constant 1 : i32
    %swap3A_767 = arith.index_cast %swap3A_766 : i32 to index
    %swap3A_768 = arith.constant 112 : index
    %swap3A_769 = tpu.vector_load %arg22[%swap3A_767, %swap3A_768] {strides = array<i32>} : memref<2x128xi32, #tpu.memory_space<vmem>>, vector<16xi32>,
    tpu.vector_store %arg22[%swap3A_767, %swap3A_768], %add3A_765 {strides = array<i32>} : memref<2x128xi32, #tpu.memory_space<vmem>>, vector<16xi32>,
    %gather3A_770 = tpu.vector_load_idx %arg12[%get3A_759] : memref<256xi32, #tpu.memory_space<vmem>>[vector<16xi32>], vector<16xi32>,
    %swap3A_771 = arith.constant 240 : index
    %swap3A_772 = tpu.vector_load %arg23[%swap3A_771] {strides = array<i32>} : memref<256xi32, #tpu.memory_space<vmem>>, vector<16xi32>,
    tpu.vector_store %arg23[%swap3A_771], %gather3A_770 {strides = array<i32>} : memref<256xi32, #tpu.memory_space<vmem>>, vector<16xi32>,
    %gather3A_773 = tpu.vector_load_idx %arg13[%get3A_759] : memref<256xi32, #tpu.memory_space<vmem>>[vector<16xi32>], vector<16xi32>,
    %swap3A_774 = arith.constant 240 : index
    %swap3A_775 = tpu.vector_load %arg24[%swap3A_774] {strides = array<i32>} : memref<256xi32, #tpu.memory_space<vmem>>, vector<16xi32>,
    tpu.vector_store %arg24[%swap3A_774], %gather3A_773 {strides = array<i32>} : memref<256xi32, #tpu.memory_space<vmem>>, vector<16xi32>,
    %gather3A_776 = tpu.vector_load_idx %arg14[%get3A_759] : memref<256xi32, #tpu.memory_space<vmem>>[vector<16xi32>], vector<16xi32>,
    %swap3A_777 = arith.constant 240 : index
    %swap3A_778 = tpu.vector_load %arg25[%swap3A_777] {strides = array<i32>} : memref<256xi32, #tpu.memory_space<vmem>>, vector<16xi32>,
    tpu.vector_store %arg25[%swap3A_777], %gather3A_776 {strides = array<i32>} : memref<256xi32, #tpu.memory_space<vmem>>, vector<16xi32>,
    %swap3A_779 = arith.constant 240 : index
    %swap3A_780 = tpu.vector_load %arg26[%swap3A_779] {strides = array<i32>} : memref<256xi32, #tpu.memory_space<vmem>>, vector<16xi32>,
    tpu.vector_store %arg26[%swap3A_779], %gather3A_760 {strides = array<i32>} : memref<256xi32, #tpu.memory_space<vmem>>, vector<16xi32>,
    %dma_start3A_781 = arith.constant 0 : i32
    %dma_start3A_782 = arith.constant 0 : i32
    %dma_start3A_783 = tpu.memref_slice %arg26[%dma_start3A_782] : memref<256xi32, #tpu.memory_space<vmem>> -> memref<128xi32, #tpu.memory_space<vmem>>
    %dma_start3A_784 = arith.constant 0 : i32
    %dma_start3A_785 = tpu.memref_slice %arg22[%dma_start3A_781, %dma_start3A_784] : memref<2x128xi32, #tpu.memory_space<vmem>> -> memref<1x128xi32, #tpu.memory_space<vmem>>
    %dma_start3A_786 = tpu.memref_squeeze %dma_start3A_785 : memref<1x128xi32, #tpu.memory_space<vmem>> -> memref<128xi32, #tpu.memory_space<vmem>>
    %dma_start3A_787 = arith.constant 0 : i32
    %dma_start3A_788 = tpu.memref_slice %arg10[%dma_start3A_787] : memref<8192xi32, #tpu.memory_space<hbm>> -> memref<8192xi32, #tpu.memory_space<hbm>>
    tpu.enqueue_indirect_dma source(%dma_start3A_783 : memref<128xi32, #tpu.memory_space<vmem>>) target(%dma_start3A_788 : memref<8192xi32, #tpu.memory_space<hbm>>) offsets(%dma_start3A_786 : memref<128xi32, #tpu.memory_space<vmem>>) semaphore(%arg41 : memref<!tpu.dma_semaphore, #tpu.memory_space<semaphore_mem>>)
    %dma_start3A_789 = arith.constant 1 : i32
    %dma_start3A_790 = arith.constant 128 : i32
    %dma_start3A_791 = tpu.memref_slice %arg26[%dma_start3A_790] : memref<256xi32, #tpu.memory_space<vmem>> -> memref<128xi32, #tpu.memory_space<vmem>>
    %dma_start3A_792 = arith.constant 0 : i32
    %dma_start3A_793 = tpu.memref_slice %arg22[%dma_start3A_789, %dma_start3A_792] : memref<2x128xi32, #tpu.memory_space<vmem>> -> memref<1x128xi32, #tpu.memory_space<vmem>>
    %dma_start3A_794 = tpu.memref_squeeze %dma_start3A_793 : memref<1x128xi32, #tpu.memory_space<vmem>> -> memref<128xi32, #tpu.memory_space<vmem>>
    %dma_start3A_795 = arith.constant 0 : i32
    %dma_start3A_796 = tpu.memref_slice %arg10[%dma_start3A_795] : memref<8192xi32, #tpu.memory_space<hbm>> -> memref<8192xi32, #tpu.memory_space<hbm>>
    tpu.enqueue_indirect_dma source(%dma_start3A_791 : memref<128xi32, #tpu.memory_space<vmem>>) target(%dma_start3A_796 : memref<8192xi32, #tpu.memory_space<hbm>>) offsets(%dma_start3A_794 : memref<128xi32, #tpu.memory_space<vmem>>) semaphore(%arg41 : memref<!tpu.dma_semaphore, #tpu.memory_space<semaphore_mem>>)
    %dma_start3A_797 = arith.constant 0 : i32
    %dma_start3A_798 = tpu.memref_slice %arg23[%dma_start3A_797] : memref<256xi32, #tpu.memory_space<vmem>> -> memref<128xi32, #tpu.memory_space<vmem>>
    %dma_start3A_799 = arith.constant 0 : i32
    %dma_start3A_800 = arith.constant 0 : i32
    %dma_start3A_801 = tpu.memref_slice %arg2[%dma_start3A_799, %dma_start3A_800] : memref<110000x128xf32, #tpu.memory_space<hbm>> -> memref<110000x128xf32, #tpu.memory_space<hbm>>
    tpu.enqueue_indirect_dma source(%dma_start3A_801 : memref<110000x128xf32, #tpu.memory_space<hbm>>) target(%arg28 : memref<128x128xf32, #tpu.memory_space<vmem>>) offsets(%dma_start3A_798 : memref<128xi32, #tpu.memory_space<vmem>>) semaphore(%arg35 : memref<!tpu.dma_semaphore, #tpu.memory_space<semaphore_mem>>)
    %dma_start3A_802 = arith.constant 0 : i32
    %dma_start3A_803 = tpu.memref_slice %arg24[%dma_start3A_802] : memref<256xi32, #tpu.memory_space<vmem>> -> memref<128xi32, #tpu.memory_space<vmem>>
    %dma_start3A_804 = arith.constant 0 : i32
    %dma_start3A_805 = arith.constant 0 : i32
    %dma_start3A_806 = tpu.memref_slice %arg2[%dma_start3A_804, %dma_start3A_805] : memref<110000x128xf32, #tpu.memory_space<hbm>> -> memref<110000x128xf32, #tpu.memory_space<hbm>>
    tpu.enqueue_indirect_dma source(%dma_start3A_806 : memref<110000x128xf32, #tpu.memory_space<hbm>>) target(%arg29 : memref<128x128xf32, #tpu.memory_space<vmem>>) offsets(%dma_start3A_803 : memref<128xi32, #tpu.memory_space<vmem>>) semaphore(%arg36 : memref<!tpu.dma_semaphore, #tpu.memory_space<semaphore_mem>>)
    %dma_start3A_807 = arith.constant 0 : i32
    %dma_start3A_808 = tpu.memref_slice %arg25[%dma_start3A_807] : memref<256xi32, #tpu.memory_space<vmem>> -> memref<128xi32, #tpu.memory_space<vmem>>
    %dma_start3A_809 = arith.constant 0 : i32
    %dma_start3A_810 = arith.constant 0 : i32
    %dma_start3A_811 = tpu.memref_slice %arg2[%dma_start3A_809, %dma_start3A_810] : memref<110000x128xf32, #tpu.memory_space<hbm>> -> memref<110000x128xf32, #tpu.memory_space<hbm>>
    tpu.enqueue_indirect_dma source(%dma_start3A_811 : memref<110000x128xf32, #tpu.memory_space<hbm>>) target(%arg30 : memref<128x128xf32, #tpu.memory_space<vmem>>) offsets(%dma_start3A_808 : memref<128xi32, #tpu.memory_space<vmem>>) semaphore(%arg37 : memref<!tpu.dma_semaphore, #tpu.memory_space<semaphore_mem>>)
    %dma_start3A_812 = arith.constant 128 : i32
    %dma_start3A_813 = tpu.memref_slice %arg23[%dma_start3A_812] : memref<256xi32, #tpu.memory_space<vmem>> -> memref<128xi32, #tpu.memory_space<vmem>>
    %dma_start3A_814 = arith.constant 0 : i32
    %dma_start3A_815 = arith.constant 0 : i32
    %dma_start3A_816 = tpu.memref_slice %arg2[%dma_start3A_814, %dma_start3A_815] : memref<110000x128xf32, #tpu.memory_space<hbm>> -> memref<110000x128xf32, #tpu.memory_space<hbm>>
    tpu.enqueue_indirect_dma source(%dma_start3A_816 : memref<110000x128xf32, #tpu.memory_space<hbm>>) target(%arg31 : memref<128x128xf32, #tpu.memory_space<vmem>>) offsets(%dma_start3A_813 : memref<128xi32, #tpu.memory_space<vmem>>) semaphore(%arg38 : memref<!tpu.dma_semaphore, #tpu.memory_space<semaphore_mem>>)
    %dma_start3A_817 = arith.constant 128 : i32
    %dma_start3A_818 = tpu.memref_slice %arg24[%dma_start3A_817] : memref<256xi32, #tpu.memory_space<vmem>> -> memref<128xi32, #tpu.memory_space<vmem>>
    %dma_start3A_819 = arith.constant 0 : i32
    %dma_start3A_820 = arith.constant 0 : i32
    %dma_start3A_821 = tpu.memref_slice %arg2[%dma_start3A_819, %dma_start3A_820] : memref<110000x128xf32, #tpu.memory_space<hbm>> -> memref<110000x128xf32, #tpu.memory_space<hbm>>
    tpu.enqueue_indirect_dma source(%dma_start3A_821 : memref<110000x128xf32, #tpu.memory_space<hbm>>) target(%arg32 : memref<128x128xf32, #tpu.memory_space<vmem>>) offsets(%dma_start3A_818 : memref<128xi32, #tpu.memory_space<vmem>>) semaphore(%arg39 : memref<!tpu.dma_semaphore, #tpu.memory_space<semaphore_mem>>)
    %dma_start3A_822 = arith.constant 128 : i32
    %dma_start3A_823 = tpu.memref_slice %arg25[%dma_start3A_822] : memref<256xi32, #tpu.memory_space<vmem>> -> memref<128xi32, #tpu.memory_space<vmem>>
    %dma_start3A_824 = arith.constant 0 : i32
    %dma_start3A_825 = arith.constant 0 : i32
    %dma_start3A_826 = tpu.memref_slice %arg2[%dma_start3A_824, %dma_start3A_825] : memref<110000x128xf32, #tpu.memory_space<hbm>> -> memref<110000x128xf32, #tpu.memory_space<hbm>>
    tpu.enqueue_indirect_dma source(%dma_start3A_826 : memref<110000x128xf32, #tpu.memory_space<hbm>>) target(%arg33 : memref<128x128xf32, #tpu.memory_space<vmem>>) offsets(%dma_start3A_823 : memref<128xi32, #tpu.memory_space<vmem>>) semaphore(%arg40 : memref<!tpu.dma_semaphore, #tpu.memory_space<semaphore_mem>>)
    %dma_wait3A_827 = arith.constant 0 : i32
    %dma_wait3A_828 = tpu.memref_slice %arg23[%dma_wait3A_827] : memref<256xi32, #tpu.memory_space<vmem>> -> memref<128xi32, #tpu.memory_space<vmem>>
    %dma_wait3A_829 = arith.constant 0 : i32
    %dma_wait3A_830 = arith.constant 0 : i32
    %dma_wait3A_831 = tpu.memref_slice %arg2[%dma_wait3A_829, %dma_wait3A_830] : memref<110000x128xf32, #tpu.memory_space<hbm>> -> memref<110000x128xf32, #tpu.memory_space<hbm>>
    tpu.wait_indirect_dma semaphore(%arg35 : memref<!tpu.dma_semaphore, #tpu.memory_space<semaphore_mem>>) src(%dma_wait3A_831 : memref<110000x128xf32, #tpu.memory_space<hbm>>) dst(%arg28 : memref<128x128xf32, #tpu.memory_space<vmem>>)
    %dma_start3A_832 = arith.constant 0 : i32
    %dma_start3A_833 = arith.constant 0 : i32
    %dma_start3A_834 = tpu.memref_slice %arg22[%dma_start3A_832, %dma_start3A_833] : memref<2x128xi32, #tpu.memory_space<vmem>> -> memref<1x128xi32, #tpu.memory_space<vmem>>
    %dma_start3A_835 = tpu.memref_squeeze %dma_start3A_834 : memref<1x128xi32, #tpu.memory_space<vmem>> -> memref<128xi32, #tpu.memory_space<vmem>>
    %dma_start3A_836 = arith.constant 0 : i32
    %dma_start3A_837 = arith.constant 0 : i32
    %dma_start3A_838 = tpu.memref_slice %arg7[%dma_start3A_836, %dma_start3A_837] : memref<8192x128xf32, #tpu.memory_space<hbm>> -> memref<8192x128xf32, #tpu.memory_space<hbm>>
    tpu.enqueue_indirect_dma source(%arg28 : memref<128x128xf32, #tpu.memory_space<vmem>>) target(%dma_start3A_838 : memref<8192x128xf32, #tpu.memory_space<hbm>>) offsets(%dma_start3A_835 : memref<128xi32, #tpu.memory_space<vmem>>) semaphore(%arg35 : memref<!tpu.dma_semaphore, #tpu.memory_space<semaphore_mem>>)
    %dma_wait3A_839 = arith.constant 0 : i32
    %dma_wait3A_840 = tpu.memref_slice %arg24[%dma_wait3A_839] : memref<256xi32, #tpu.memory_space<vmem>> -> memref<128xi32, #tpu.memory_space<vmem>>
    %dma_wait3A_841 = arith.constant 0 : i32
    %dma_wait3A_842 = arith.constant 0 : i32
    %dma_wait3A_843 = tpu.memref_slice %arg2[%dma_wait3A_841, %dma_wait3A_842] : memref<110000x128xf32, #tpu.memory_space<hbm>> -> memref<110000x128xf32, #tpu.memory_space<hbm>>
    tpu.wait_indirect_dma semaphore(%arg36 : memref<!tpu.dma_semaphore, #tpu.memory_space<semaphore_mem>>) src(%dma_wait3A_843 : memref<110000x128xf32, #tpu.memory_space<hbm>>) dst(%arg29 : memref<128x128xf32, #tpu.memory_space<vmem>>)
    %dma_start3A_844 = arith.constant 0 : i32
    %dma_start3A_845 = arith.constant 0 : i32
    %dma_start3A_846 = tpu.memref_slice %arg22[%dma_start3A_844, %dma_start3A_845] : memref<2x128xi32, #tpu.memory_space<vmem>> -> memref<1x128xi32, #tpu.memory_space<vmem>>
    %dma_start3A_847 = tpu.memref_squeeze %dma_start3A_846 : memref<1x128xi32, #tpu.memory_space<vmem>> -> memref<128xi32, #tpu.memory_space<vmem>>
    %dma_start3A_848 = arith.constant 0 : i32
    %dma_start3A_849 = arith.constant 0 : i32
    %dma_start3A_850 = tpu.memref_slice %arg8[%dma_start3A_848, %dma_start3A_849] : memref<8192x128xf32, #tpu.memory_space<hbm>> -> memref<8192x128xf32, #tpu.memory_space<hbm>>
    tpu.enqueue_indirect_dma source(%arg29 : memref<128x128xf32, #tpu.memory_space<vmem>>) target(%dma_start3A_850 : memref<8192x128xf32, #tpu.memory_space<hbm>>) offsets(%dma_start3A_847 : memref<128xi32, #tpu.memory_space<vmem>>) semaphore(%arg36 : memref<!tpu.dma_semaphore, #tpu.memory_space<semaphore_mem>>)
    %dma_wait3A_851 = arith.constant 0 : i32
    %dma_wait3A_852 = tpu.memref_slice %arg25[%dma_wait3A_851] : memref<256xi32, #tpu.memory_space<vmem>> -> memref<128xi32, #tpu.memory_space<vmem>>
    %dma_wait3A_853 = arith.constant 0 : i32
    %dma_wait3A_854 = arith.constant 0 : i32
    %dma_wait3A_855 = tpu.memref_slice %arg2[%dma_wait3A_853, %dma_wait3A_854] : memref<110000x128xf32, #tpu.memory_space<hbm>> -> memref<110000x128xf32, #tpu.memory_space<hbm>>
    tpu.wait_indirect_dma semaphore(%arg37 : memref<!tpu.dma_semaphore, #tpu.memory_space<semaphore_mem>>) src(%dma_wait3A_855 : memref<110000x128xf32, #tpu.memory_space<hbm>>) dst(%arg30 : memref<128x128xf32, #tpu.memory_space<vmem>>)
    %dma_start3A_856 = arith.constant 0 : i32
    %dma_start3A_857 = arith.constant 0 : i32
    %dma_start3A_858 = tpu.memref_slice %arg22[%dma_start3A_856, %dma_start3A_857] : memref<2x128xi32, #tpu.memory_space<vmem>> -> memref<1x128xi32, #tpu.memory_space<vmem>>
    %dma_start3A_859 = tpu.memref_squeeze %dma_start3A_858 : memref<1x128xi32, #tpu.memory_space<vmem>> -> memref<128xi32, #tpu.memory_space<vmem>>
    %dma_start3A_860 = arith.constant 0 : i32
    %dma_start3A_861 = arith.constant 0 : i32
    %dma_start3A_862 = tpu.memref_slice %arg9[%dma_start3A_860, %dma_start3A_861] : memref<8192x128xf32, #tpu.memory_space<hbm>> -> memref<8192x128xf32, #tpu.memory_space<hbm>>
    tpu.enqueue_indirect_dma source(%arg30 : memref<128x128xf32, #tpu.memory_space<vmem>>) target(%dma_start3A_862 : memref<8192x128xf32, #tpu.memory_space<hbm>>) offsets(%dma_start3A_859 : memref<128xi32, #tpu.memory_space<vmem>>) semaphore(%arg37 : memref<!tpu.dma_semaphore, #tpu.memory_space<semaphore_mem>>)
    %dma_wait3A_863 = arith.constant 128 : i32
    %dma_wait3A_864 = tpu.memref_slice %arg23[%dma_wait3A_863] : memref<256xi32, #tpu.memory_space<vmem>> -> memref<128xi32, #tpu.memory_space<vmem>>
    %dma_wait3A_865 = arith.constant 0 : i32
    %dma_wait3A_866 = arith.constant 0 : i32
    %dma_wait3A_867 = tpu.memref_slice %arg2[%dma_wait3A_865, %dma_wait3A_866] : memref<110000x128xf32, #tpu.memory_space<hbm>> -> memref<110000x128xf32, #tpu.memory_space<hbm>>
    tpu.wait_indirect_dma semaphore(%arg38 : memref<!tpu.dma_semaphore, #tpu.memory_space<semaphore_mem>>) src(%dma_wait3A_867 : memref<110000x128xf32, #tpu.memory_space<hbm>>) dst(%arg31 : memref<128x128xf32, #tpu.memory_space<vmem>>)
    %dma_start3A_868 = arith.constant 1 : i32
    %dma_start3A_869 = arith.constant 0 : i32
    %dma_start3A_870 = tpu.memref_slice %arg22[%dma_start3A_868, %dma_start3A_869] : memref<2x128xi32, #tpu.memory_space<vmem>> -> memref<1x128xi32, #tpu.memory_space<vmem>>
    %dma_start3A_871 = tpu.memref_squeeze %dma_start3A_870 : memref<1x128xi32, #tpu.memory_space<vmem>> -> memref<128xi32, #tpu.memory_space<vmem>>
    %dma_start3A_872 = arith.constant 0 : i32
    %dma_start3A_873 = arith.constant 0 : i32
    %dma_start3A_874 = tpu.memref_slice %arg7[%dma_start3A_872, %dma_start3A_873] : memref<8192x128xf32, #tpu.memory_space<hbm>> -> memref<8192x128xf32, #tpu.memory_space<hbm>>
    tpu.enqueue_indirect_dma source(%arg31 : memref<128x128xf32, #tpu.memory_space<vmem>>) target(%dma_start3A_874 : memref<8192x128xf32, #tpu.memory_space<hbm>>) offsets(%dma_start3A_871 : memref<128xi32, #tpu.memory_space<vmem>>) semaphore(%arg38 : memref<!tpu.dma_semaphore, #tpu.memory_space<semaphore_mem>>)
    %dma_wait3A_875 = arith.constant 128 : i32
    %dma_wait3A_876 = tpu.memref_slice %arg24[%dma_wait3A_875] : memref<256xi32, #tpu.memory_space<vmem>> -> memref<128xi32, #tpu.memory_space<vmem>>
    %dma_wait3A_877 = arith.constant 0 : i32
    %dma_wait3A_878 = arith.constant 0 : i32
    %dma_wait3A_879 = tpu.memref_slice %arg2[%dma_wait3A_877, %dma_wait3A_878] : memref<110000x128xf32, #tpu.memory_space<hbm>> -> memref<110000x128xf32, #tpu.memory_space<hbm>>
    tpu.wait_indirect_dma semaphore(%arg39 : memref<!tpu.dma_semaphore, #tpu.memory_space<semaphore_mem>>) src(%dma_wait3A_879 : memref<110000x128xf32, #tpu.memory_space<hbm>>) dst(%arg32 : memref<128x128xf32, #tpu.memory_space<vmem>>)
    %dma_start3A_880 = arith.constant 1 : i32
    %dma_start3A_881 = arith.constant 0 : i32
    %dma_start3A_882 = tpu.memref_slice %arg22[%dma_start3A_880, %dma_start3A_881] : memref<2x128xi32, #tpu.memory_space<vmem>> -> memref<1x128xi32, #tpu.memory_space<vmem>>
    %dma_start3A_883 = tpu.memref_squeeze %dma_start3A_882 : memref<1x128xi32, #tpu.memory_space<vmem>> -> memref<128xi32, #tpu.memory_space<vmem>>
    %dma_start3A_884 = arith.constant 0 : i32
    %dma_start3A_885 = arith.constant 0 : i32
    %dma_start3A_886 = tpu.memref_slice %arg8[%dma_start3A_884, %dma_start3A_885] : memref<8192x128xf32, #tpu.memory_space<hbm>> -> memref<8192x128xf32, #tpu.memory_space<hbm>>
    tpu.enqueue_indirect_dma source(%arg32 : memref<128x128xf32, #tpu.memory_space<vmem>>) target(%dma_start3A_886 : memref<8192x128xf32, #tpu.memory_space<hbm>>) offsets(%dma_start3A_883 : memref<128xi32, #tpu.memory_space<vmem>>) semaphore(%arg39 : memref<!tpu.dma_semaphore, #tpu.memory_space<semaphore_mem>>)
    %dma_wait3A_887 = arith.constant 128 : i32
    %dma_wait3A_888 = tpu.memref_slice %arg25[%dma_wait3A_887] : memref<256xi32, #tpu.memory_space<vmem>> -> memref<128xi32, #tpu.memory_space<vmem>>
    %dma_wait3A_889 = arith.constant 0 : i32
    %dma_wait3A_890 = arith.constant 0 : i32
    %dma_wait3A_891 = tpu.memref_slice %arg2[%dma_wait3A_889, %dma_wait3A_890] : memref<110000x128xf32, #tpu.memory_space<hbm>> -> memref<110000x128xf32, #tpu.memory_space<hbm>>
    tpu.wait_indirect_dma semaphore(%arg40 : memref<!tpu.dma_semaphore, #tpu.memory_space<semaphore_mem>>) src(%dma_wait3A_891 : memref<110000x128xf32, #tpu.memory_space<hbm>>) dst(%arg33 : memref<128x128xf32, #tpu.memory_space<vmem>>)
    %dma_start3A_892 = arith.constant 1 : i32
    %dma_start3A_893 = arith.constant 0 : i32
    %dma_start3A_894 = tpu.memref_slice %arg22[%dma_start3A_892, %dma_start3A_893] : memref<2x128xi32, #tpu.memory_space<vmem>> -> memref<1x128xi32, #tpu.memory_space<vmem>>
    %dma_start3A_895 = tpu.memref_squeeze %dma_start3A_894 : memref<1x128xi32, #tpu.memory_space<vmem>> -> memref<128xi32, #tpu.memory_space<vmem>>
    %dma_start3A_896 = arith.constant 0 : i32
    %dma_start3A_897 = arith.constant 0 : i32
    %dma_start3A_898 = tpu.memref_slice %arg9[%dma_start3A_896, %dma_start3A_897] : memref<8192x128xf32, #tpu.memory_space<hbm>> -> memref<8192x128xf32, #tpu.memory_space<hbm>>
    tpu.enqueue_indirect_dma source(%arg33 : memref<128x128xf32, #tpu.memory_space<vmem>>) target(%dma_start3A_898 : memref<8192x128xf32, #tpu.memory_space<hbm>>) offsets(%dma_start3A_895 : memref<128xi32, #tpu.memory_space<vmem>>) semaphore(%arg40 : memref<!tpu.dma_semaphore, #tpu.memory_space<semaphore_mem>>)
    %dma_wait3A_899 = arith.constant 0 : i32
    %dma_wait3A_900 = arith.constant 0 : i32
    %dma_wait3A_901 = tpu.memref_slice %arg22[%dma_wait3A_899, %dma_wait3A_900] : memref<2x128xi32, #tpu.memory_space<vmem>> -> memref<1x128xi32, #tpu.memory_space<vmem>>
    %dma_wait3A_902 = tpu.memref_squeeze %dma_wait3A_901 : memref<1x128xi32, #tpu.memory_space<vmem>> -> memref<128xi32, #tpu.memory_space<vmem>>
    %dma_wait3A_903 = arith.constant 0 : i32
    %dma_wait3A_904 = arith.constant 0 : i32
    %dma_wait3A_905 = tpu.memref_slice %arg7[%dma_wait3A_903, %dma_wait3A_904] : memref<8192x128xf32, #tpu.memory_space<hbm>> -> memref<8192x128xf32, #tpu.memory_space<hbm>>
    tpu.wait_indirect_dma semaphore(%arg35 : memref<!tpu.dma_semaphore, #tpu.memory_space<semaphore_mem>>) src(%arg28 : memref<128x128xf32, #tpu.memory_space<vmem>>) dst(%dma_wait3A_905 : memref<8192x128xf32, #tpu.memory_space<hbm>>)
    %dma_wait3A_906 = arith.constant 0 : i32
    %dma_wait3A_907 = arith.constant 0 : i32
    %dma_wait3A_908 = tpu.memref_slice %arg22[%dma_wait3A_906, %dma_wait3A_907] : memref<2x128xi32, #tpu.memory_space<vmem>> -> memref<1x128xi32, #tpu.memory_space<vmem>>
    %dma_wait3A_909 = tpu.memref_squeeze %dma_wait3A_908 : memref<1x128xi32, #tpu.memory_space<vmem>> -> memref<128xi32, #tpu.memory_space<vmem>>
    %dma_wait3A_910 = arith.constant 0 : i32
    %dma_wait3A_911 = arith.constant 0 : i32
    %dma_wait3A_912 = tpu.memref_slice %arg8[%dma_wait3A_910, %dma_wait3A_911] : memref<8192x128xf32, #tpu.memory_space<hbm>> -> memref<8192x128xf32, #tpu.memory_space<hbm>>
    tpu.wait_indirect_dma semaphore(%arg36 : memref<!tpu.dma_semaphore, #tpu.memory_space<semaphore_mem>>) src(%arg29 : memref<128x128xf32, #tpu.memory_space<vmem>>) dst(%dma_wait3A_912 : memref<8192x128xf32, #tpu.memory_space<hbm>>)
    %dma_wait3A_913 = arith.constant 0 : i32
    %dma_wait3A_914 = arith.constant 0 : i32
    %dma_wait3A_915 = tpu.memref_slice %arg22[%dma_wait3A_913, %dma_wait3A_914] : memref<2x128xi32, #tpu.memory_space<vmem>> -> memref<1x128xi32, #tpu.memory_space<vmem>>
    %dma_wait3A_916 = tpu.memref_squeeze %dma_wait3A_915 : memref<1x128xi32, #tpu.memory_space<vmem>> -> memref<128xi32, #tpu.memory_space<vmem>>
    %dma_wait3A_917 = arith.constant 0 : i32
    %dma_wait3A_918 = arith.constant 0 : i32
    %dma_wait3A_919 = tpu.memref_slice %arg9[%dma_wait3A_917, %dma_wait3A_918] : memref<8192x128xf32, #tpu.memory_space<hbm>> -> memref<8192x128xf32, #tpu.memory_space<hbm>>
    tpu.wait_indirect_dma semaphore(%arg37 : memref<!tpu.dma_semaphore, #tpu.memory_space<semaphore_mem>>) src(%arg30 : memref<128x128xf32, #tpu.memory_space<vmem>>) dst(%dma_wait3A_919 : memref<8192x128xf32, #tpu.memory_space<hbm>>)
    %dma_wait3A_920 = arith.constant 1 : i32
    %dma_wait3A_921 = arith.constant 0 : i32
    %dma_wait3A_922 = tpu.memref_slice %arg22[%dma_wait3A_920, %dma_wait3A_921] : memref<2x128xi32, #tpu.memory_space<vmem>> -> memref<1x128xi32, #tpu.memory_space<vmem>>
    %dma_wait3A_923 = tpu.memref_squeeze %dma_wait3A_922 : memref<1x128xi32, #tpu.memory_space<vmem>> -> memref<128xi32, #tpu.memory_space<vmem>>
    %dma_wait3A_924 = arith.constant 0 : i32
    %dma_wait3A_925 = arith.constant 0 : i32
    %dma_wait3A_926 = tpu.memref_slice %arg7[%dma_wait3A_924, %dma_wait3A_925] : memref<8192x128xf32, #tpu.memory_space<hbm>> -> memref<8192x128xf32, #tpu.memory_space<hbm>>
    tpu.wait_indirect_dma semaphore(%arg38 : memref<!tpu.dma_semaphore, #tpu.memory_space<semaphore_mem>>) src(%arg31 : memref<128x128xf32, #tpu.memory_space<vmem>>) dst(%dma_wait3A_926 : memref<8192x128xf32, #tpu.memory_space<hbm>>)
    %dma_wait3A_927 = arith.constant 1 : i32
    %dma_wait3A_928 = arith.constant 0 : i32
    %dma_wait3A_929 = tpu.memref_slice %arg22[%dma_wait3A_927, %dma_wait3A_928] : memref<2x128xi32, #tpu.memory_space<vmem>> -> memref<1x128xi32, #tpu.memory_space<vmem>>
    %dma_wait3A_930 = tpu.memref_squeeze %dma_wait3A_929 : memref<1x128xi32, #tpu.memory_space<vmem>> -> memref<128xi32, #tpu.memory_space<vmem>>
    %dma_wait3A_931 = arith.constant 0 : i32
    %dma_wait3A_932 = arith.constant 0 : i32
    %dma_wait3A_933 = tpu.memref_slice %arg8[%dma_wait3A_931, %dma_wait3A_932] : memref<8192x128xf32, #tpu.memory_space<hbm>> -> memref<8192x128xf32, #tpu.memory_space<hbm>>
    tpu.wait_indirect_dma semaphore(%arg39 : memref<!tpu.dma_semaphore, #tpu.memory_space<semaphore_mem>>) src(%arg32 : memref<128x128xf32, #tpu.memory_space<vmem>>) dst(%dma_wait3A_933 : memref<8192x128xf32, #tpu.memory_space<hbm>>)
    %dma_wait3A_934 = arith.constant 1 : i32
    %dma_wait3A_935 = arith.constant 0 : i32
    %dma_wait3A_936 = tpu.memref_slice %arg22[%dma_wait3A_934, %dma_wait3A_935] : memref<2x128xi32, #tpu.memory_space<vmem>> -> memref<1x128xi32, #tpu.memory_space<vmem>>
    %dma_wait3A_937 = tpu.memref_squeeze %dma_wait3A_936 : memref<1x128xi32, #tpu.memory_space<vmem>> -> memref<128xi32, #tpu.memory_space<vmem>>
    %dma_wait3A_938 = arith.constant 0 : i32
    %dma_wait3A_939 = arith.constant 0 : i32
    %dma_wait3A_940 = tpu.memref_slice %arg9[%dma_wait3A_938, %dma_wait3A_939] : memref<8192x128xf32, #tpu.memory_space<hbm>> -> memref<8192x128xf32, #tpu.memory_space<hbm>>
    tpu.wait_indirect_dma semaphore(%arg40 : memref<!tpu.dma_semaphore, #tpu.memory_space<semaphore_mem>>) src(%arg33 : memref<128x128xf32, #tpu.memory_space<vmem>>) dst(%dma_wait3A_940 : memref<8192x128xf32, #tpu.memory_space<hbm>>)
    %dma_wait3A_941 = arith.constant 0 : i32
    %dma_wait3A_942 = arith.constant 0 : i32
    %dma_wait3A_943 = tpu.memref_slice %arg26[%dma_wait3A_942] : memref<256xi32, #tpu.memory_space<vmem>> -> memref<128xi32, #tpu.memory_space<vmem>>
    %dma_wait3A_944 = arith.constant 0 : i32
    %dma_wait3A_945 = tpu.memref_slice %arg22[%dma_wait3A_941, %dma_wait3A_944] : memref<2x128xi32, #tpu.memory_space<vmem>> -> memref<1x128xi32, #tpu.memory_space<vmem>>
    %dma_wait3A_946 = tpu.memref_squeeze %dma_wait3A_945 : memref<1x128xi32, #tpu.memory_space<vmem>> -> memref<128xi32, #tpu.memory_space<vmem>>
    %dma_wait3A_947 = arith.constant 0 : i32
    %dma_wait3A_948 = tpu.memref_slice %arg10[%dma_wait3A_947] : memref<8192xi32, #tpu.memory_space<hbm>> -> memref<8192xi32, #tpu.memory_space<hbm>>
    tpu.wait_indirect_dma semaphore(%arg41 : memref<!tpu.dma_semaphore, #tpu.memory_space<semaphore_mem>>) src(%dma_wait3A_943 : memref<128xi32, #tpu.memory_space<vmem>>) dst(%dma_wait3A_948 : memref<8192xi32, #tpu.memory_space<hbm>>)
    %dma_wait3A_949 = arith.constant 1 : i32
    %dma_wait3A_950 = arith.constant 128 : i32
    %dma_wait3A_951 = tpu.memref_slice %arg26[%dma_wait3A_950] : memref<256xi32, #tpu.memory_space<vmem>> -> memref<128xi32, #tpu.memory_space<vmem>>
    %dma_wait3A_952 = arith.constant 0 : i32
    %dma_wait3A_953 = tpu.memref_slice %arg22[%dma_wait3A_949, %dma_wait3A_952] : memref<2x128xi32, #tpu.memory_space<vmem>> -> memref<1x128xi32, #tpu.memory_space<vmem>>
    %dma_wait3A_954 = tpu.memref_squeeze %dma_wait3A_953 : memref<1x128xi32, #tpu.memory_space<vmem>> -> memref<128xi32, #tpu.memory_space<vmem>>
    %dma_wait3A_955 = arith.constant 0 : i32
    %dma_wait3A_956 = tpu.memref_slice %arg10[%dma_wait3A_955] : memref<8192xi32, #tpu.memory_space<hbm>> -> memref<8192xi32, #tpu.memory_space<hbm>>
    tpu.wait_indirect_dma semaphore(%arg41 : memref<!tpu.dma_semaphore, #tpu.memory_space<semaphore_mem>>) src(%dma_wait3A_951 : memref<128xi32, #tpu.memory_space<vmem>>) dst(%dma_wait3A_956 : memref<8192xi32, #tpu.memory_space<hbm>>)
    return
  }
}

#map = affine_map<(d0, d1) -> (0, 0)>
#map1 = affine_map<(d0, d1) -> (0)>
module attributes {stable_mosaic.version = 14 : i64} {
  func.func @sg(%arg0: i32, %arg1: i32, %arg2: memref<110000x128xf32, #tpu.memory_space<hbm>>, %arg3: memref<8192xi32, #tpu.memory_space<hbm>>, %arg4: memref<8192xi32, #tpu.memory_space<hbm>>, %arg5: memref<8192xi32, #tpu.memory_space<hbm>>, %arg6: memref<8192xi32, #tpu.memory_space<hbm>>, %arg7: memref<8192x128xf32, #tpu.memory_space<hbm>>, %arg8: memref<8192x128xf32, #tpu.memory_space<hbm>>, %arg9: memref<8192x128xf32, #tpu.memory_space<hbm>>, %arg10: memref<8192xi32, #tpu.memory_space<hbm>>, %arg11: memref<256xi32, #tpu.memory_space<vmem>>, %arg12: memref<256xi32, #tpu.memory_space<vmem>>, %arg13: memref<256xi32, #tpu.memory_space<vmem>>, %arg14: memref<256xi32, #tpu.memory_space<vmem>>, %arg15: memref<272xi32, #tpu.memory_space<vmem>>, %arg16: memref<256xi32, #tpu.memory_space<vmem>>, %arg17: memref<16xi32, #tpu.memory_space<vmem>>, %arg18: memref<16xi32, #tpu.memory_space<vmem>>, %arg19: memref<48xi32, #tpu.memory_space<vmem>>, %arg20: memref<48xi32, #tpu.memory_space<vmem>>, %arg21: memref<48xi32, #tpu.memory_space<vmem>>, %arg22: memref<2x128xi32, #tpu.memory_space<vmem>>, %arg23: memref<256xi32, #tpu.memory_space<vmem>>, %arg24: memref<256xi32, #tpu.memory_space<vmem>>, %arg25: memref<256xi32, #tpu.memory_space<vmem>>, %arg26: memref<256xi32, #tpu.memory_space<vmem>>, %arg27: memref<768xi32, #tpu.memory_space<vmem>>, %arg28: memref<128x128xf32, #tpu.memory_space<vmem>>, %arg29: memref<128x128xf32, #tpu.memory_space<vmem>>, %arg30: memref<128x128xf32, #tpu.memory_space<vmem>>, %arg31: memref<128x128xf32, #tpu.memory_space<vmem>>, %arg32: memref<128x128xf32, #tpu.memory_space<vmem>>, %arg33: memref<128x128xf32, #tpu.memory_space<vmem>>, %arg34: memref<768xi32, #tpu.memory_space<vmem_shared>>, %arg35: memref<!tpu.dma_semaphore, #tpu.memory_space<semaphore_mem>>, %arg36: memref<!tpu.dma_semaphore, #tpu.memory_space<semaphore_mem>>, %arg37: memref<!tpu.dma_semaphore, #tpu.memory_space<semaphore_mem>>, %arg38: memref<!tpu.dma_semaphore, #tpu.memory_space<semaphore_mem>>, %arg39: memref<!tpu.dma_semaphore, #tpu.memory_space<semaphore_mem>>, %arg40: memref<!tpu.dma_semaphore, #tpu.memory_space<semaphore_mem>>, %arg41: memref<!tpu.dma_semaphore, #tpu.memory_space<semaphore_mem>>) attributes {dimension_semantics = [#tpu.dimension_semantics<core_parallel>, #tpu.dimension_semantics<subcore_parallel>], iteration_bounds = array<i64: 2, 16>, scalar_prefetch = 0 : i64, scratch_operands = 31 : i64, tpu.core_type = #tpu.core_type<sc_vector_subcore>, window_params = [{transform_indices = #map}, {transform_indices = #map1}, {transform_indices = #map1}, {transform_indices = #map1}, {transform_indices = #map1}, {transform_indices = #map}, {transform_indices = #map}, {transform_indices = #map}, {transform_indices = #map1}]} {
    %mul3A = arith.constant 4096 : i32
    %mul3A_0 = arith.muli %arg0, %mul3A : i32
    %mul3A_1 = arith.constant 256 : i32
    %mul3A_2 = arith.muli %arg1, %mul3A_1 : i32
    %add3A = arith.addi %mul3A_0, %mul3A_2 : i32
    %dma_start3A = tpu.memref_slice %arg6[%add3A] : memref<8192xi32, #tpu.memory_space<hbm>> -> memref<256xi32, #tpu.memory_space<hbm>>
    %dma_start3A_3 = tpu.memref_slice %arg6[%add3A] : memref<8192xi32, #tpu.memory_space<hbm>> -> memref<256xi32, #tpu.memory_space<hbm>>
    tpu.enqueue_dma source(%dma_start3A_3 : memref<256xi32, #tpu.memory_space<hbm>>) target(%arg11 : memref<256xi32, #tpu.memory_space<vmem>>) target_semaphore(%arg41 : memref<!tpu.dma_semaphore, #tpu.memory_space<semaphore_mem>>)
    %dma_start3A_4 = tpu.memref_slice %arg3[%add3A] : memref<8192xi32, #tpu.memory_space<hbm>> -> memref<256xi32, #tpu.memory_space<hbm>>
    %dma_start3A_5 = tpu.memref_slice %arg3[%add3A] : memref<8192xi32, #tpu.memory_space<hbm>> -> memref<256xi32, #tpu.memory_space<hbm>>
    tpu.enqueue_dma source(%dma_start3A_5 : memref<256xi32, #tpu.memory_space<hbm>>) target(%arg12 : memref<256xi32, #tpu.memory_space<vmem>>) target_semaphore(%arg35 : memref<!tpu.dma_semaphore, #tpu.memory_space<semaphore_mem>>)
    %dma_start3A_6 = tpu.memref_slice %arg4[%add3A] : memref<8192xi32, #tpu.memory_space<hbm>> -> memref<256xi32, #tpu.memory_space<hbm>>
    %dma_start3A_7 = tpu.memref_slice %arg4[%add3A] : memref<8192xi32, #tpu.memory_space<hbm>> -> memref<256xi32, #tpu.memory_space<hbm>>
    tpu.enqueue_dma source(%dma_start3A_7 : memref<256xi32, #tpu.memory_space<hbm>>) target(%arg13 : memref<256xi32, #tpu.memory_space<vmem>>) target_semaphore(%arg36 : memref<!tpu.dma_semaphore, #tpu.memory_space<semaphore_mem>>)
    %dma_start3A_8 = tpu.memref_slice %arg5[%add3A] : memref<8192xi32, #tpu.memory_space<hbm>> -> memref<256xi32, #tpu.memory_space<hbm>>
    %dma_start3A_9 = tpu.memref_slice %arg5[%add3A] : memref<8192xi32, #tpu.memory_space<hbm>> -> memref<256xi32, #tpu.memory_space<hbm>>
    tpu.enqueue_dma source(%dma_start3A_9 : memref<256xi32, #tpu.memory_space<hbm>>) target(%arg14 : memref<256xi32, #tpu.memory_space<vmem>>) target_semaphore(%arg37 : memref<!tpu.dma_semaphore, #tpu.memory_space<semaphore_mem>>)
    %dma_wait3A = tpu.memref_slice %arg6[%add3A] : memref<8192xi32, #tpu.memory_space<hbm>> -> memref<256xi32, #tpu.memory_space<hbm>>
    %dma_wait3A_10 = tpu.memref_slice %arg6[%add3A] : memref<8192xi32, #tpu.memory_space<hbm>> -> memref<256xi32, #tpu.memory_space<hbm>>
    tpu.wait_dma2 semaphore(%arg41 : memref<!tpu.dma_semaphore, #tpu.memory_space<semaphore_mem>>) src(%dma_wait3A_10 : memref<256xi32, #tpu.memory_space<hbm>>) dst(%arg11 : memref<256xi32, #tpu.memory_space<vmem>>)
    %iota3A = tpu.iota {dimensions = array<i32: 0>} : vector<16xi32>
    %broadcast_in_dim3A = arith.constant 0 : i32
    %broadcast_in_dim3A_11 = vector.broadcast %broadcast_in_dim3A : i32 to vector<16xi32>
    %swap3A = arith.constant 0 : index
    %swap3A_12 = tpu.vector_load %arg19[%swap3A] {strides = array<i32>} : memref<48xi32, #tpu.memory_space<vmem>>, vector<16xi32>,
    tpu.vector_store %arg19[%swap3A], %broadcast_in_dim3A_11 {strides = array<i32>} : memref<48xi32, #tpu.memory_space<vmem>>, vector<16xi32>,
    %swap3A_13 = arith.constant 16 : index
    %swap3A_14 = tpu.vector_load %arg19[%swap3A_13] {strides = array<i32>} : memref<48xi32, #tpu.memory_space<vmem>>, vector<16xi32>,
    tpu.vector_store %arg19[%swap3A_13], %broadcast_in_dim3A_11 {strides = array<i32>} : memref<48xi32, #tpu.memory_space<vmem>>, vector<16xi32>,
    %swap3A_15 = arith.constant 32 : index
    %swap3A_16 = tpu.vector_load %arg19[%swap3A_15] {strides = array<i32>} : memref<48xi32, #tpu.memory_space<vmem>>, vector<16xi32>,
    tpu.vector_store %arg19[%swap3A_15], %broadcast_in_dim3A_11 {strides = array<i32>} : memref<48xi32, #tpu.memory_space<vmem>>, vector<16xi32>,
    %scan3A = arith.constant 0 : i32
    %scan3A_17 = arith.constant 0 : i32
    %scan3A_18 = arith.constant 16 : i32
    %scan3A_19 = arith.addi %scan3A_17, %scan3A_18 : i32
    %scan3A_20 = arith.constant 1 : i32
    scf.for %scan3A_957 = %scan3A_17 to %scan3A_19 step %scan3A_20  : i32 {
      %mul3A_958 = arith.constant 16 : i32
      %mul3A_959 = arith.muli %scan3A_957, %mul3A_958 : i32
      %get3A_960 = arith.index_cast %mul3A_959 : i32 to index
      %get3A_961 = tpu.vector_load %arg11[%get3A_960] {strides = array<i32>} : memref<256xi32, #tpu.memory_space<vmem>>, vector<16xi32>,
      %masked_sort3A = arith.constant dense<true> : vector<16xi1>
      %masked_sort3A_962 = arith.constant -2147483648 : i32
      %masked_sort3A_963 = vector.broadcast %masked_sort3A_962 : i32 to vector<16xi32>
      %masked_sort3A_964 = arith.xori %get3A_961, %masked_sort3A_963 : vector<16xi32>
      %masked_sort3A_965, %masked_sort3A_966, %masked_sort3A_967 = tpu.sort %masked_sort3A_964, %iota3A masked %masked_sort3A : (vector<16xi32>, vector<16xi32>, vector<16xi1>) -> (vector<16xi1>, vector<16xi32>, vector<16xi32>)
      %masked_sort3A_968 = arith.xori %masked_sort3A_966, %masked_sort3A_963 : vector<16xi32>
      %swap3A_969 = arith.constant 0 : index
      %swap3A_970 = tpu.vector_load %arg17[%swap3A_969] {strides = array<i32>} : memref<16xi32, #tpu.memory_space<vmem>>, vector<16xi32>,
      tpu.vector_store %arg17[%swap3A_969], %masked_sort3A_968 {strides = array<i32>} : memref<16xi32, #tpu.memory_space<vmem>>, vector<16xi32>,
      %sub3A_971 = arith.constant 1 : i32
      %sub3A_972 = vector.broadcast %sub3A_971 : i32 to vector<16xi32>
      %sub3A_973 = arith.subi %iota3A, %sub3A_972 : vector<16xi32>
      %max3A = arith.constant 0 : i32
      %max3A_974 = vector.broadcast %max3A : i32 to vector<16xi32>
      %max3A_975 = arith.maxsi %sub3A_973, %max3A_974 : vector<16xi32>
      %gather3A_976 = tpu.vector_load_idx %arg17[%max3A_975] : memref<16xi32, #tpu.memory_space<vmem>>[vector<16xi32>], vector<16xi32>,
      %ne3A = arith.cmpi ne, %masked_sort3A_968, %gather3A_976 : vector<16xi32>
      %eq3A = arith.constant 0 : i32
      %eq3A_977 = vector.broadcast %eq3A : i32 to vector<16xi32>
      %eq3A_978 = arith.cmpi eq, %iota3A, %eq3A_977 : vector<16xi32>
      %or3A = arith.ori %ne3A, %eq3A_978 : vector<16xi1>
      %convert_element_type3A_979 = arith.extui %or3A : vector<16xi1> to vector<16xi32>
      %swap3A_980 = arith.constant 0 : index
      %swap3A_981 = tpu.vector_load %arg18[%swap3A_980] {strides = array<i32>} : memref<16xi32, #tpu.memory_space<vmem>>, vector<16xi32>,
      tpu.vector_store %arg18[%swap3A_980], %convert_element_type3A_979 {strides = array<i32>} : memref<16xi32, #tpu.memory_space<vmem>>, vector<16xi32>,
      %add3A_982 = arith.constant 1 : i32
      %add3A_983 = vector.broadcast %add3A_982 : i32 to vector<16xi32>
      %add3A_984 = arith.addi %iota3A, %add3A_983 : vector<16xi32>
      %min3A = arith.constant 15 : i32
      %min3A_985 = vector.broadcast %min3A : i32 to vector<16xi32>
      %min3A_986 = arith.minsi %add3A_984, %min3A_985 : vector<16xi32>
      %gather3A_987 = tpu.vector_load_idx %arg18[%min3A_986] : memref<16xi32, #tpu.memory_space<vmem>>[vector<16xi32>], vector<16xi32>,
      %mul3A_988 = arith.muli %iota3A, %convert_element_type3A_979 : vector<16xi32>
      %broadcast_in_dim3A_989 = arith.constant true
      %broadcast_in_dim3A_990 = vector.broadcast %broadcast_in_dim3A_989 : i1 to vector<16xi1>
      %masked_cummax3A = arith.constant -2147483648 : i32
      %masked_cummax3A_991 = vector.broadcast %masked_cummax3A : i32 to vector<16xi32>
      %masked_cummax3A_992 = arith.xori %mul3A_988, %masked_cummax3A_991 : vector<16xi32>
      %masked_cummax3A_993 = tpu.scan <max>, %masked_cummax3A_992 masked %broadcast_in_dim3A_990 : vector<16xi32>, vector<16xi1> -> vector<16xi32>
      %masked_cummax3A_994 = arith.xori %masked_cummax3A_993, %masked_cummax3A_991 : vector<16xi32>
      %sub3A_995 = arith.subi %iota3A, %masked_cummax3A_994 : vector<16xi32>
      %gather3A_996 = tpu.vector_load_idx %arg19[%masked_sort3A_968] : memref<48xi32, #tpu.memory_space<vmem>>[vector<16xi32>], vector<16xi32>,
      %add3A_997 = arith.addi %gather3A_996, %sub3A_995 : vector<16xi32>
      %eq3A_998 = arith.constant 1 : i32
      %eq3A_999 = vector.broadcast %eq3A_998 : i32 to vector<16xi32>
      %eq3A_1000 = arith.cmpi eq, %gather3A_987, %eq3A_999 : vector<16xi32>
      %eq3A_1001 = arith.constant 15 : i32
      %eq3A_1002 = vector.broadcast %eq3A_1001 : i32 to vector<16xi32>
      %eq3A_1003 = arith.cmpi eq, %iota3A, %eq3A_1002 : vector<16xi32>
      %or3A_1004 = arith.ori %eq3A_1000, %eq3A_1003 : vector<16xi1>
      %add3A_1005 = arith.constant 1 : i32
      %add3A_1006 = vector.broadcast %add3A_1005 : i32 to vector<16xi32>
      %add3A_1007 = arith.addi %add3A_997, %add3A_1006 : vector<16xi32>
      tpu.vector_store_idx %arg19[%masked_sort3A_968], %add3A_1007 masked %or3A_1004 : memref<48xi32, #tpu.memory_space<vmem>>[vector<16xi32>], vector<16xi32>, vector<16xi1>
      %mul3A_1008 = arith.constant 16 : i32
      %mul3A_1009 = arith.muli %scan3A_957, %mul3A_1008 : i32
      %broadcast_in_dim3A_1010 = vector.broadcast %mul3A_1009 : i32 to vector<16xi32>
      %add3A_1011 = arith.addi %broadcast_in_dim3A_1010, %masked_sort3A_967 : vector<16xi32>
      tpu.vector_store_idx %arg16[%add3A_1011], %add3A_997 : memref<256xi32, #tpu.memory_space<vmem>>[vector<16xi32>], vector<16xi32>,
    }
    %scan3A_21 = arith.constant 16 : i32
    %get3A = arith.constant 0 : index
    %get3A_22 = tpu.vector_load %arg19[%get3A] {strides = array<i32>} : memref<48xi32, #tpu.memory_space<vmem>>, vector<16xi32>,
    %get3A_23 = arith.constant 16 : index
    %get3A_24 = tpu.vector_load %arg19[%get3A_23] {strides = array<i32>} : memref<48xi32, #tpu.memory_space<vmem>>, vector<16xi32>,
    %get3A_25 = arith.constant 32 : index
    %get3A_26 = tpu.vector_load %arg19[%get3A_25] {strides = array<i32>} : memref<48xi32, #tpu.memory_space<vmem>>, vector<16xi32>,
    %reduce_sum3A = arith.constant true
    %reduce_sum3A_27 = vector.broadcast %reduce_sum3A : i1 to vector<16xi1>
    %reduce_sum3A_28 = tpu.scan <sum>, %get3A_22 masked %reduce_sum3A_27 : vector<16xi32>, vector<16xi1> -> vector<16xi32>
    %reduce_sum3A_29 = vector.extract %reduce_sum3A_28[15] : i32 from vector<16xi32>
    %broadcast_in_dim3A_30 = vector.broadcast %reduce_sum3A_29 : i32 to vector<16xi32>
    %reduce_sum3A_31 = arith.constant true
    %reduce_sum3A_32 = vector.broadcast %reduce_sum3A_31 : i1 to vector<16xi1>
    %reduce_sum3A_33 = tpu.scan <sum>, %get3A_24 masked %reduce_sum3A_32 : vector<16xi32>, vector<16xi1> -> vector<16xi32>
    %reduce_sum3A_34 = vector.extract %reduce_sum3A_33[15] : i32 from vector<16xi32>
    %broadcast_in_dim3A_35 = vector.broadcast %reduce_sum3A_34 : i32 to vector<16xi32>
    %broadcast_in_dim3A_36 = arith.constant true
    %broadcast_in_dim3A_37 = vector.broadcast %broadcast_in_dim3A_36 : i1 to vector<16xi1>
    %masked_cumsum3A = tpu.scan <sum>, %get3A_22 masked %broadcast_in_dim3A_37 : vector<16xi32>, vector<16xi1> -> vector<16xi32>
    %sub3A = arith.subi %masked_cumsum3A, %get3A_22 : vector<16xi32>
    %broadcast_in_dim3A_38 = arith.constant true
    %broadcast_in_dim3A_39 = vector.broadcast %broadcast_in_dim3A_38 : i1 to vector<16xi1>
    %masked_cumsum3A_40 = tpu.scan <sum>, %get3A_24 masked %broadcast_in_dim3A_39 : vector<16xi32>, vector<16xi1> -> vector<16xi32>
    %sub3A_41 = arith.subi %masked_cumsum3A_40, %get3A_24 : vector<16xi32>
    %add3A_42 = arith.addi %sub3A_41, %broadcast_in_dim3A_30 : vector<16xi32>
    %broadcast_in_dim3A_43 = arith.constant true
    %broadcast_in_dim3A_44 = vector.broadcast %broadcast_in_dim3A_43 : i1 to vector<16xi1>
    %masked_cumsum3A_45 = tpu.scan <sum>, %get3A_26 masked %broadcast_in_dim3A_44 : vector<16xi32>, vector<16xi1> -> vector<16xi32>
    %sub3A_46 = arith.subi %masked_cumsum3A_45, %get3A_26 : vector<16xi32>
    %add3A_47 = arith.addi %sub3A_46, %broadcast_in_dim3A_30 : vector<16xi32>
    %add3A_48 = arith.addi %add3A_47, %broadcast_in_dim3A_35 : vector<16xi32>
    %swap3A_49 = arith.constant 0 : index
    %swap3A_50 = tpu.vector_load %arg20[%swap3A_49] {strides = array<i32>} : memref<48xi32, #tpu.memory_space<vmem>>, vector<16xi32>,
    tpu.vector_store %arg20[%swap3A_49], %sub3A {strides = array<i32>} : memref<48xi32, #tpu.memory_space<vmem>>, vector<16xi32>,
    %swap3A_51 = arith.constant 16 : index
    %swap3A_52 = tpu.vector_load %arg20[%swap3A_51] {strides = array<i32>} : memref<48xi32, #tpu.memory_space<vmem>>, vector<16xi32>,
    tpu.vector_store %arg20[%swap3A_51], %add3A_42 {strides = array<i32>} : memref<48xi32, #tpu.memory_space<vmem>>, vector<16xi32>,
    %swap3A_53 = arith.constant 32 : index
    %swap3A_54 = tpu.vector_load %arg20[%swap3A_53] {strides = array<i32>} : memref<48xi32, #tpu.memory_space<vmem>>, vector<16xi32>,
    tpu.vector_store %arg20[%swap3A_53], %add3A_48 {strides = array<i32>} : memref<48xi32, #tpu.memory_space<vmem>>, vector<16xi32>,
    %scan3A_55 = arith.constant 0 : i32
    %scan3A_56 = arith.constant 0 : i32
    %scan3A_57 = arith.constant 16 : i32
    %scan3A_58 = arith.addi %scan3A_56, %scan3A_57 : i32
    %scan3A_59 = arith.constant 1 : i32
    scf.for %scan3A_957 = %scan3A_56 to %scan3A_58 step %scan3A_59  : i32 {
      %mul3A_958 = arith.constant 16 : i32
      %mul3A_959 = arith.muli %scan3A_957, %mul3A_958 : i32
      %get3A_960 = arith.index_cast %mul3A_959 : i32 to index
      %get3A_961 = tpu.vector_load %arg11[%get3A_960] {strides = array<i32>} : memref<256xi32, #tpu.memory_space<vmem>>, vector<16xi32>,
      %mul3A_962 = arith.constant 16 : i32
      %mul3A_963 = arith.muli %scan3A_957, %mul3A_962 : i32
      %get3A_964 = arith.index_cast %mul3A_963 : i32 to index
      %get3A_965 = tpu.vector_load %arg16[%get3A_964] {strides = array<i32>} : memref<256xi32, #tpu.memory_space<vmem>>, vector<16xi32>,
      %gather3A_966 = tpu.vector_load_idx %arg20[%get3A_961] : memref<48xi32, #tpu.memory_space<vmem>>[vector<16xi32>], vector<16xi32>,
      %add3A_967 = arith.addi %gather3A_966, %get3A_965 : vector<16xi32>
      %mul3A_968 = arith.constant 16 : i32
      %mul3A_969 = arith.muli %scan3A_957, %mul3A_968 : i32
      %broadcast_in_dim3A_970 = vector.broadcast %mul3A_969 : i32 to vector<16xi32>
      %add3A_971 = arith.addi %iota3A, %broadcast_in_dim3A_970 : vector<16xi32>
      tpu.vector_store_idx %arg15[%add3A_967], %add3A_971 : memref<272xi32, #tpu.memory_space<vmem>>[vector<16xi32>], vector<16xi32>,
    }
    %scan3A_60 = arith.constant 16 : i32
    %mul3A_61 = arith.constant 48 : i32
    %mul3A_62 = arith.muli %arg1, %mul3A_61 : i32
    "tpu.region"() ({
      %run_scoped3A = tpu.sem_alloc : memref<!tpu.dma_semaphore, #tpu.memory_space<semaphore_mem>>
      %dma_start3A_957 = tpu.memref_slice %arg34[%mul3A_62] : memref<768xi32, #tpu.memory_space<vmem_shared>> -> memref<48xi32, #tpu.memory_space<vmem_shared>>
      %dma_start3A_958 = tpu.memref_slice %arg34[%mul3A_62] : memref<768xi32, #tpu.memory_space<vmem_shared>> -> memref<48xi32, #tpu.memory_space<vmem_shared>>
      tpu.enqueue_dma source(%arg19 : memref<48xi32, #tpu.memory_space<vmem>>) target(%dma_start3A_958 : memref<48xi32, #tpu.memory_space<vmem_shared>>) target_semaphore(%run_scoped3A : memref<!tpu.dma_semaphore, #tpu.memory_space<semaphore_mem>>)
      %dma_wait3A_959 = tpu.memref_slice %arg34[%mul3A_62] : memref<768xi32, #tpu.memory_space<vmem_shared>> -> memref<48xi32, #tpu.memory_space<vmem_shared>>
      %dma_wait3A_960 = tpu.memref_slice %arg34[%mul3A_62] : memref<768xi32, #tpu.memory_space<vmem_shared>> -> memref<48xi32, #tpu.memory_space<vmem_shared>>
      tpu.wait_dma2 semaphore(%run_scoped3A : memref<!tpu.dma_semaphore, #tpu.memory_space<semaphore_mem>>) src(%arg19 : memref<48xi32, #tpu.memory_space<vmem>>) dst(%dma_wait3A_960 : memref<48xi32, #tpu.memory_space<vmem_shared>>)
      tpu.yield
    }) : () -> ()
    %barrier3A = arith.constant 0 : index
    tpu.barrier barrier_id(%barrier3A)
    "tpu.region"() ({
      %run_scoped3A = tpu.sem_alloc : memref<!tpu.dma_semaphore, #tpu.memory_space<semaphore_mem>>
      tpu.enqueue_dma source(%arg34 : memref<768xi32, #tpu.memory_space<vmem_shared>>) target(%arg27 : memref<768xi32, #tpu.memory_space<vmem>>) target_semaphore(%run_scoped3A : memref<!tpu.dma_semaphore, #tpu.memory_space<semaphore_mem>>)
      tpu.wait_dma2 semaphore(%run_scoped3A : memref<!tpu.dma_semaphore, #tpu.memory_space<semaphore_mem>>) src(%arg34 : memref<768xi32, #tpu.memory_space<vmem_shared>>) dst(%arg27 : memref<768xi32, #tpu.memory_space<vmem>>)
      tpu.yield
    }) : () -> ()
    %get3A_63 = arith.constant 0 : index
    %get3A_64 = tpu.vector_load %arg27[%get3A_63] {strides = array<i32>} : memref<768xi32, #tpu.memory_space<vmem>>, vector<16xi32>,
    %get3A_65 = arith.constant 16 : index
    %get3A_66 = tpu.vector_load %arg27[%get3A_65] {strides = array<i32>} : memref<768xi32, #tpu.memory_space<vmem>>, vector<16xi32>,
    %get3A_67 = arith.constant 32 : index
    %get3A_68 = tpu.vector_load %arg27[%get3A_67] {strides = array<i32>} : memref<768xi32, #tpu.memory_space<vmem>>, vector<16xi32>,
    %gt3A = arith.constant 0 : i32
    %gt3A_69 = arith.cmpi sgt, %arg1, %gt3A : i32
    %convert_element_type3A = arith.extui %gt3A_69 : i1 to i32
    %broadcast_in_dim3A_70 = vector.broadcast %convert_element_type3A : i32 to vector<16xi32>
    %add3A_71 = arith.addi %broadcast_in_dim3A_11, %get3A_64 : vector<16xi32>
    %add3A_72 = arith.addi %broadcast_in_dim3A_11, %get3A_66 : vector<16xi32>
    %add3A_73 = arith.addi %broadcast_in_dim3A_11, %get3A_68 : vector<16xi32>
    %mul3A_74 = arith.muli %get3A_64, %broadcast_in_dim3A_70 : vector<16xi32>
    %add3A_75 = arith.addi %broadcast_in_dim3A_11, %mul3A_74 : vector<16xi32>
    %mul3A_76 = arith.muli %get3A_66, %broadcast_in_dim3A_70 : vector<16xi32>
    %add3A_77 = arith.addi %broadcast_in_dim3A_11, %mul3A_76 : vector<16xi32>
    %mul3A_78 = arith.muli %get3A_68, %broadcast_in_dim3A_70 : vector<16xi32>
    %add3A_79 = arith.addi %broadcast_in_dim3A_11, %mul3A_78 : vector<16xi32>
    %get3A_80 = arith.constant 48 : index
    %get3A_81 = tpu.vector_load %arg27[%get3A_80] {strides = array<i32>} : memref<768xi32, #tpu.memory_space<vmem>>, vector<16xi32>,
    %get3A_82 = arith.constant 64 : index
    %get3A_83 = tpu.vector_load %arg27[%get3A_82] {strides = array<i32>} : memref<768xi32, #tpu.memory_space<vmem>>, vector<16xi32>,
    %get3A_84 = arith.constant 80 : index
    %get3A_85 = tpu.vector_load %arg27[%get3A_84] {strides = array<i32>} : memref<768xi32, #tpu.memory_space<vmem>>, vector<16xi32>,
    %gt3A_86 = arith.constant 1 : i32
    %gt3A_87 = arith.cmpi sgt, %arg1, %gt3A_86 : i32
    %convert_element_type3A_88 = arith.extui %gt3A_87 : i1 to i32
    %broadcast_in_dim3A_89 = vector.broadcast %convert_element_type3A_88 : i32 to vector<16xi32>
    %add3A_90 = arith.addi %add3A_71, %get3A_81 : vector<16xi32>
    %add3A_91 = arith.addi %add3A_72, %get3A_83 : vector<16xi32>
    %add3A_92 = arith.addi %add3A_73, %get3A_85 : vector<16xi32>
    %mul3A_93 = arith.muli %get3A_81, %broadcast_in_dim3A_89 : vector<16xi32>
    %add3A_94 = arith.addi %add3A_75, %mul3A_93 : vector<16xi32>
    %mul3A_95 = arith.muli %get3A_83, %broadcast_in_dim3A_89 : vector<16xi32>
    %add3A_96 = arith.addi %add3A_77, %mul3A_95 : vector<16xi32>
    %mul3A_97 = arith.muli %get3A_85, %broadcast_in_dim3A_89 : vector<16xi32>
    %add3A_98 = arith.addi %add3A_79, %mul3A_97 : vector<16xi32>
    %get3A_99 = arith.constant 96 : index
    %get3A_100 = tpu.vector_load %arg27[%get3A_99] {strides = array<i32>} : memref<768xi32, #tpu.memory_space<vmem>>, vector<16xi32>,
    %get3A_101 = arith.constant 112 : index
    %get3A_102 = tpu.vector_load %arg27[%get3A_101] {strides = array<i32>} : memref<768xi32, #tpu.memory_space<vmem>>, vector<16xi32>,
    %get3A_103 = arith.constant 128 : index
    %get3A_104 = tpu.vector_load %arg27[%get3A_103] {strides = array<i32>} : memref<768xi32, #tpu.memory_space<vmem>>, vector<16xi32>,
    %gt3A_105 = arith.constant 2 : i32
    %gt3A_106 = arith.cmpi sgt, %arg1, %gt3A_105 : i32
    %convert_element_type3A_107 = arith.extui %gt3A_106 : i1 to i32
    %broadcast_in_dim3A_108 = vector.broadcast %convert_element_type3A_107 : i32 to vector<16xi32>
    %add3A_109 = arith.addi %add3A_90, %get3A_100 : vector<16xi32>
    %add3A_110 = arith.addi %add3A_91, %get3A_102 : vector<16xi32>
    %add3A_111 = arith.addi %add3A_92, %get3A_104 : vector<16xi32>
    %mul3A_112 = arith.muli %get3A_100, %broadcast_in_dim3A_108 : vector<16xi32>
    %add3A_113 = arith.addi %add3A_94, %mul3A_112 : vector<16xi32>
    %mul3A_114 = arith.muli %get3A_102, %broadcast_in_dim3A_108 : vector<16xi32>
    %add3A_115 = arith.addi %add3A_96, %mul3A_114 : vector<16xi32>
    %mul3A_116 = arith.muli %get3A_104, %broadcast_in_dim3A_108 : vector<16xi32>
    %add3A_117 = arith.addi %add3A_98, %mul3A_116 : vector<16xi32>
    %get3A_118 = arith.constant 144 : index
    %get3A_119 = tpu.vector_load %arg27[%get3A_118] {strides = array<i32>} : memref<768xi32, #tpu.memory_space<vmem>>, vector<16xi32>,
    %get3A_120 = arith.constant 160 : index
    %get3A_121 = tpu.vector_load %arg27[%get3A_120] {strides = array<i32>} : memref<768xi32, #tpu.memory_space<vmem>>, vector<16xi32>,
    %get3A_122 = arith.constant 176 : index
    %get3A_123 = tpu.vector_load %arg27[%get3A_122] {strides = array<i32>} : memref<768xi32, #tpu.memory_space<vmem>>, vector<16xi32>,
    %gt3A_124 = arith.constant 3 : i32
    %gt3A_125 = arith.cmpi sgt, %arg1, %gt3A_124 : i32
    %convert_element_type3A_126 = arith.extui %gt3A_125 : i1 to i32
    %broadcast_in_dim3A_127 = vector.broadcast %convert_element_type3A_126 : i32 to vector<16xi32>
    %add3A_128 = arith.addi %add3A_109, %get3A_119 : vector<16xi32>
    %add3A_129 = arith.addi %add3A_110, %get3A_121 : vector<16xi32>
    %add3A_130 = arith.addi %add3A_111, %get3A_123 : vector<16xi32>
    %mul3A_131 = arith.muli %get3A_119, %broadcast_in_dim3A_127 : vector<16xi32>
    %add3A_132 = arith.addi %add3A_113, %mul3A_131 : vector<16xi32>
    %mul3A_133 = arith.muli %get3A_121, %broadcast_in_dim3A_127 : vector<16xi32>
    %add3A_134 = arith.addi %add3A_115, %mul3A_133 : vector<16xi32>
    %mul3A_135 = arith.muli %get3A_123, %broadcast_in_dim3A_127 : vector<16xi32>
    %add3A_136 = arith.addi %add3A_117, %mul3A_135 : vector<16xi32>
    %get3A_137 = arith.constant 192 : index
    %get3A_138 = tpu.vector_load %arg27[%get3A_137] {strides = array<i32>} : memref<768xi32, #tpu.memory_space<vmem>>, vector<16xi32>,
    %get3A_139 = arith.constant 208 : index
    %get3A_140 = tpu.vector_load %arg27[%get3A_139] {strides = array<i32>} : memref<768xi32, #tpu.memory_space<vmem>>, vector<16xi32>,
    %get3A_141 = arith.constant 224 : index
    %get3A_142 = tpu.vector_load %arg27[%get3A_141] {strides = array<i32>} : memref<768xi32, #tpu.memory_space<vmem>>, vector<16xi32>,
    %gt3A_143 = arith.constant 4 : i32
    %gt3A_144 = arith.cmpi sgt, %arg1, %gt3A_143 : i32
    %convert_element_type3A_145 = arith.extui %gt3A_144 : i1 to i32
    %broadcast_in_dim3A_146 = vector.broadcast %convert_element_type3A_145 : i32 to vector<16xi32>
    %add3A_147 = arith.addi %add3A_128, %get3A_138 : vector<16xi32>
    %add3A_148 = arith.addi %add3A_129, %get3A_140 : vector<16xi32>
    %add3A_149 = arith.addi %add3A_130, %get3A_142 : vector<16xi32>
    %mul3A_150 = arith.muli %get3A_138, %broadcast_in_dim3A_146 : vector<16xi32>
    %add3A_151 = arith.addi %add3A_132, %mul3A_150 : vector<16xi32>
    %mul3A_152 = arith.muli %get3A_140, %broadcast_in_dim3A_146 : vector<16xi32>
    %add3A_153 = arith.addi %add3A_134, %mul3A_152 : vector<16xi32>
    %mul3A_154 = arith.muli %get3A_142, %broadcast_in_dim3A_146 : vector<16xi32>
    %add3A_155 = arith.addi %add3A_136, %mul3A_154 : vector<16xi32>
    %get3A_156 = arith.constant 240 : index
    %get3A_157 = tpu.vector_load %arg27[%get3A_156] {strides = array<i32>} : memref<768xi32, #tpu.memory_space<vmem>>, vector<16xi32>,
    %get3A_158 = arith.constant 256 : index
    %get3A_159 = tpu.vector_load %arg27[%get3A_158] {strides = array<i32>} : memref<768xi32, #tpu.memory_space<vmem>>, vector<16xi32>,
    %get3A_160 = arith.constant 272 : index
    %get3A_161 = tpu.vector_load %arg27[%get3A_160] {strides = array<i32>} : memref<768xi32, #tpu.memory_space<vmem>>, vector<16xi32>,
    %gt3A_162 = arith.constant 5 : i32
    %gt3A_163 = arith.cmpi sgt, %arg1, %gt3A_162 : i32
    %convert_element_type3A_164 = arith.extui %gt3A_163 : i1 to i32
    %broadcast_in_dim3A_165 = vector.broadcast %convert_element_type3A_164 : i32 to vector<16xi32>
    %add3A_166 = arith.addi %add3A_147, %get3A_157 : vector<16xi32>
    %add3A_167 = arith.addi %add3A_148, %get3A_159 : vector<16xi32>
    %add3A_168 = arith.addi %add3A_149, %get3A_161 : vector<16xi32>
    %mul3A_169 = arith.muli %get3A_157, %broadcast_in_dim3A_165 : vector<16xi32>
    %add3A_170 = arith.addi %add3A_151, %mul3A_169 : vector<16xi32>
    %mul3A_171 = arith.muli %get3A_159, %broadcast_in_dim3A_165 : vector<16xi32>
    %add3A_172 = arith.addi %add3A_153, %mul3A_171 : vector<16xi32>
    %mul3A_173 = arith.muli %get3A_161, %broadcast_in_dim3A_165 : vector<16xi32>
    %add3A_174 = arith.addi %add3A_155, %mul3A_173 : vector<16xi32>
    %get3A_175 = arith.constant 288 : index
    %get3A_176 = tpu.vector_load %arg27[%get3A_175] {strides = array<i32>} : memref<768xi32, #tpu.memory_space<vmem>>, vector<16xi32>,
    %get3A_177 = arith.constant 304 : index
    %get3A_178 = tpu.vector_load %arg27[%get3A_177] {strides = array<i32>} : memref<768xi32, #tpu.memory_space<vmem>>, vector<16xi32>,
    %get3A_179 = arith.constant 320 : index
    %get3A_180 = tpu.vector_load %arg27[%get3A_179] {strides = array<i32>} : memref<768xi32, #tpu.memory_space<vmem>>, vector<16xi32>,
    %gt3A_181 = arith.constant 6 : i32
    %gt3A_182 = arith.cmpi sgt, %arg1, %gt3A_181 : i32
    %convert_element_type3A_183 = arith.extui %gt3A_182 : i1 to i32
    %broadcast_in_dim3A_184 = vector.broadcast %convert_element_type3A_183 : i32 to vector<16xi32>
    %add3A_185 = arith.addi %add3A_166, %get3A_176 : vector<16xi32>
    %add3A_186 = arith.addi %add3A_167, %get3A_178 : vector<16xi32>
    %add3A_187 = arith.addi %add3A_168, %get3A_180 : vector<16xi32>
    %mul3A_188 = arith.muli %get3A_176, %broadcast_in_dim3A_184 : vector<16xi32>
    %add3A_189 = arith.addi %add3A_170, %mul3A_188 : vector<16xi32>
    %mul3A_190 = arith.muli %get3A_178, %broadcast_in_dim3A_184 : vector<16xi32>
    %add3A_191 = arith.addi %add3A_172, %mul3A_190 : vector<16xi32>
    %mul3A_192 = arith.muli %get3A_180, %broadcast_in_dim3A_184 : vector<16xi32>
    %add3A_193 = arith.addi %add3A_174, %mul3A_192 : vector<16xi32>
    %get3A_194 = arith.constant 336 : index
    %get3A_195 = tpu.vector_load %arg27[%get3A_194] {strides = array<i32>} : memref<768xi32, #tpu.memory_space<vmem>>, vector<16xi32>,
    %get3A_196 = arith.constant 352 : index
    %get3A_197 = tpu.vector_load %arg27[%get3A_196] {strides = array<i32>} : memref<768xi32, #tpu.memory_space<vmem>>, vector<16xi32>,
    %get3A_198 = arith.constant 368 : index
    %get3A_199 = tpu.vector_load %arg27[%get3A_198] {strides = array<i32>} : memref<768xi32, #tpu.memory_space<vmem>>, vector<16xi32>,
    %gt3A_200 = arith.constant 7 : i32
    %gt3A_201 = arith.cmpi sgt, %arg1, %gt3A_200 : i32
    %convert_element_type3A_202 = arith.extui %gt3A_201 : i1 to i32
    %broadcast_in_dim3A_203 = vector.broadcast %convert_element_type3A_202 : i32 to vector<16xi32>
    %add3A_204 = arith.addi %add3A_185, %get3A_195 : vector<16xi32>
    %add3A_205 = arith.addi %add3A_186, %get3A_197 : vector<16xi32>
    %add3A_206 = arith.addi %add3A_187, %get3A_199 : vector<16xi32>
    %mul3A_207 = arith.muli %get3A_195, %broadcast_in_dim3A_203 : vector<16xi32>
    %add3A_208 = arith.addi %add3A_189, %mul3A_207 : vector<16xi32>
    %mul3A_209 = arith.muli %get3A_197, %broadcast_in_dim3A_203 : vector<16xi32>
    %add3A_210 = arith.addi %add3A_191, %mul3A_209 : vector<16xi32>
    %mul3A_211 = arith.muli %get3A_199, %broadcast_in_dim3A_203 : vector<16xi32>
    %add3A_212 = arith.addi %add3A_193, %mul3A_211 : vector<16xi32>
    %get3A_213 = arith.constant 384 : index
    %get3A_214 = tpu.vector_load %arg27[%get3A_213] {strides = array<i32>} : memref<768xi32, #tpu.memory_space<vmem>>, vector<16xi32>,
    %get3A_215 = arith.constant 400 : index
    %get3A_216 = tpu.vector_load %arg27[%get3A_215] {strides = array<i32>} : memref<768xi32, #tpu.memory_space<vmem>>, vector<16xi32>,
    %get3A_217 = arith.constant 416 : index
    %get3A_218 = tpu.vector_load %arg27[%get3A_217] {strides = array<i32>} : memref<768xi32, #tpu.memory_space<vmem>>, vector<16xi32>,
    %gt3A_219 = arith.constant 8 : i32
    %gt3A_220 = arith.cmpi sgt, %arg1, %gt3A_219 : i32
    %convert_element_type3A_221 = arith.extui %gt3A_220 : i1 to i32
    %broadcast_in_dim3A_222 = vector.broadcast %convert_element_type3A_221 : i32 to vector<16xi32>
    %add3A_223 = arith.addi %add3A_204, %get3A_214 : vector<16xi32>
    %add3A_224 = arith.addi %add3A_205, %get3A_216 : vector<16xi32>
    %add3A_225 = arith.addi %add3A_206, %get3A_218 : vector<16xi32>
    %mul3A_226 = arith.muli %get3A_214, %broadcast_in_dim3A_222 : vector<16xi32>
    %add3A_227 = arith.addi %add3A_208, %mul3A_226 : vector<16xi32>
    %mul3A_228 = arith.muli %get3A_216, %broadcast_in_dim3A_222 : vector<16xi32>
    %add3A_229 = arith.addi %add3A_210, %mul3A_228 : vector<16xi32>
    %mul3A_230 = arith.muli %get3A_218, %broadcast_in_dim3A_222 : vector<16xi32>
    %add3A_231 = arith.addi %add3A_212, %mul3A_230 : vector<16xi32>
    %get3A_232 = arith.constant 432 : index
    %get3A_233 = tpu.vector_load %arg27[%get3A_232] {strides = array<i32>} : memref<768xi32, #tpu.memory_space<vmem>>, vector<16xi32>,
    %get3A_234 = arith.constant 448 : index
    %get3A_235 = tpu.vector_load %arg27[%get3A_234] {strides = array<i32>} : memref<768xi32, #tpu.memory_space<vmem>>, vector<16xi32>,
    %get3A_236 = arith.constant 464 : index
    %get3A_237 = tpu.vector_load %arg27[%get3A_236] {strides = array<i32>} : memref<768xi32, #tpu.memory_space<vmem>>, vector<16xi32>,
    %gt3A_238 = arith.constant 9 : i32
    %gt3A_239 = arith.cmpi sgt, %arg1, %gt3A_238 : i32
    %convert_element_type3A_240 = arith.extui %gt3A_239 : i1 to i32
    %broadcast_in_dim3A_241 = vector.broadcast %convert_element_type3A_240 : i32 to vector<16xi32>
    %add3A_242 = arith.addi %add3A_223, %get3A_233 : vector<16xi32>
    %add3A_243 = arith.addi %add3A_224, %get3A_235 : vector<16xi32>
    %add3A_244 = arith.addi %add3A_225, %get3A_237 : vector<16xi32>
    %mul3A_245 = arith.muli %get3A_233, %broadcast_in_dim3A_241 : vector<16xi32>
    %add3A_246 = arith.addi %add3A_227, %mul3A_245 : vector<16xi32>
    %mul3A_247 = arith.muli %get3A_235, %broadcast_in_dim3A_241 : vector<16xi32>
    %add3A_248 = arith.addi %add3A_229, %mul3A_247 : vector<16xi32>
    %mul3A_249 = arith.muli %get3A_237, %broadcast_in_dim3A_241 : vector<16xi32>
    %add3A_250 = arith.addi %add3A_231, %mul3A_249 : vector<16xi32>
    %get3A_251 = arith.constant 480 : index
    %get3A_252 = tpu.vector_load %arg27[%get3A_251] {strides = array<i32>} : memref<768xi32, #tpu.memory_space<vmem>>, vector<16xi32>,
    %get3A_253 = arith.constant 496 : index
    %get3A_254 = tpu.vector_load %arg27[%get3A_253] {strides = array<i32>} : memref<768xi32, #tpu.memory_space<vmem>>, vector<16xi32>,
    %get3A_255 = arith.constant 512 : index
    %get3A_256 = tpu.vector_load %arg27[%get3A_255] {strides = array<i32>} : memref<768xi32, #tpu.memory_space<vmem>>, vector<16xi32>,
    %gt3A_257 = arith.constant 10 : i32
    %gt3A_258 = arith.cmpi sgt, %arg1, %gt3A_257 : i32
    %convert_element_type3A_259 = arith.extui %gt3A_258 : i1 to i32
    %broadcast_in_dim3A_260 = vector.broadcast %convert_element_type3A_259 : i32 to vector<16xi32>
    %add3A_261 = arith.addi %add3A_242, %get3A_252 : vector<16xi32>
    %add3A_262 = arith.addi %add3A_243, %get3A_254 : vector<16xi32>
    %add3A_263 = arith.addi %add3A_244, %get3A_256 : vector<16xi32>
    %mul3A_264 = arith.muli %get3A_252, %broadcast_in_dim3A_260 : vector<16xi32>
    %add3A_265 = arith.addi %add3A_246, %mul3A_264 : vector<16xi32>
    %mul3A_266 = arith.muli %get3A_254, %broadcast_in_dim3A_260 : vector<16xi32>
    %add3A_267 = arith.addi %add3A_248, %mul3A_266 : vector<16xi32>
    %mul3A_268 = arith.muli %get3A_256, %broadcast_in_dim3A_260 : vector<16xi32>
    %add3A_269 = arith.addi %add3A_250, %mul3A_268 : vector<16xi32>
    %get3A_270 = arith.constant 528 : index
    %get3A_271 = tpu.vector_load %arg27[%get3A_270] {strides = array<i32>} : memref<768xi32, #tpu.memory_space<vmem>>, vector<16xi32>,
    %get3A_272 = arith.constant 544 : index
    %get3A_273 = tpu.vector_load %arg27[%get3A_272] {strides = array<i32>} : memref<768xi32, #tpu.memory_space<vmem>>, vector<16xi32>,
    %get3A_274 = arith.constant 560 : index
    %get3A_275 = tpu.vector_load %arg27[%get3A_274] {strides = array<i32>} : memref<768xi32, #tpu.memory_space<vmem>>, vector<16xi32>,
    %gt3A_276 = arith.constant 11 : i32
    %gt3A_277 = arith.cmpi sgt, %arg1, %gt3A_276 : i32
    %convert_element_type3A_278 = arith.extui %gt3A_277 : i1 to i32
    %broadcast_in_dim3A_279 = vector.broadcast %convert_element_type3A_278 : i32 to vector<16xi32>
    %add3A_280 = arith.addi %add3A_261, %get3A_271 : vector<16xi32>
    %add3A_281 = arith.addi %add3A_262, %get3A_273 : vector<16xi32>
    %add3A_282 = arith.addi %add3A_263, %get3A_275 : vector<16xi32>
    %mul3A_283 = arith.muli %get3A_271, %broadcast_in_dim3A_279 : vector<16xi32>
    %add3A_284 = arith.addi %add3A_265, %mul3A_283 : vector<16xi32>
    %mul3A_285 = arith.muli %get3A_273, %broadcast_in_dim3A_279 : vector<16xi32>
    %add3A_286 = arith.addi %add3A_267, %mul3A_285 : vector<16xi32>
    %mul3A_287 = arith.muli %get3A_275, %broadcast_in_dim3A_279 : vector<16xi32>
    %add3A_288 = arith.addi %add3A_269, %mul3A_287 : vector<16xi32>
    %get3A_289 = arith.constant 576 : index
    %get3A_290 = tpu.vector_load %arg27[%get3A_289] {strides = array<i32>} : memref<768xi32, #tpu.memory_space<vmem>>, vector<16xi32>,
    %get3A_291 = arith.constant 592 : index
    %get3A_292 = tpu.vector_load %arg27[%get3A_291] {strides = array<i32>} : memref<768xi32, #tpu.memory_space<vmem>>, vector<16xi32>,
    %get3A_293 = arith.constant 608 : index
    %get3A_294 = tpu.vector_load %arg27[%get3A_293] {strides = array<i32>} : memref<768xi32, #tpu.memory_space<vmem>>, vector<16xi32>,
    %gt3A_295 = arith.constant 12 : i32
    %gt3A_296 = arith.cmpi sgt, %arg1, %gt3A_295 : i32
    %convert_element_type3A_297 = arith.extui %gt3A_296 : i1 to i32
    %broadcast_in_dim3A_298 = vector.broadcast %convert_element_type3A_297 : i32 to vector<16xi32>
    %add3A_299 = arith.addi %add3A_280, %get3A_290 : vector<16xi32>
    %add3A_300 = arith.addi %add3A_281, %get3A_292 : vector<16xi32>
    %add3A_301 = arith.addi %add3A_282, %get3A_294 : vector<16xi32>
    %mul3A_302 = arith.muli %get3A_290, %broadcast_in_dim3A_298 : vector<16xi32>
    %add3A_303 = arith.addi %add3A_284, %mul3A_302 : vector<16xi32>
    %mul3A_304 = arith.muli %get3A_292, %broadcast_in_dim3A_298 : vector<16xi32>
    %add3A_305 = arith.addi %add3A_286, %mul3A_304 : vector<16xi32>
    %mul3A_306 = arith.muli %get3A_294, %broadcast_in_dim3A_298 : vector<16xi32>
    %add3A_307 = arith.addi %add3A_288, %mul3A_306 : vector<16xi32>
    %get3A_308 = arith.constant 624 : index
    %get3A_309 = tpu.vector_load %arg27[%get3A_308] {strides = array<i32>} : memref<768xi32, #tpu.memory_space<vmem>>, vector<16xi32>,
    %get3A_310 = arith.constant 640 : index
    %get3A_311 = tpu.vector_load %arg27[%get3A_310] {strides = array<i32>} : memref<768xi32, #tpu.memory_space<vmem>>, vector<16xi32>,
    %get3A_312 = arith.constant 656 : index
    %get3A_313 = tpu.vector_load %arg27[%get3A_312] {strides = array<i32>} : memref<768xi32, #tpu.memory_space<vmem>>, vector<16xi32>,
    %gt3A_314 = arith.constant 13 : i32
    %gt3A_315 = arith.cmpi sgt, %arg1, %gt3A_314 : i32
    %convert_element_type3A_316 = arith.extui %gt3A_315 : i1 to i32
    %broadcast_in_dim3A_317 = vector.broadcast %convert_element_type3A_316 : i32 to vector<16xi32>
    %add3A_318 = arith.addi %add3A_299, %get3A_309 : vector<16xi32>
    %add3A_319 = arith.addi %add3A_300, %get3A_311 : vector<16xi32>
    %add3A_320 = arith.addi %add3A_301, %get3A_313 : vector<16xi32>
    %mul3A_321 = arith.muli %get3A_309, %broadcast_in_dim3A_317 : vector<16xi32>
    %add3A_322 = arith.addi %add3A_303, %mul3A_321 : vector<16xi32>
    %mul3A_323 = arith.muli %get3A_311, %broadcast_in_dim3A_317 : vector<16xi32>
    %add3A_324 = arith.addi %add3A_305, %mul3A_323 : vector<16xi32>
    %mul3A_325 = arith.muli %get3A_313, %broadcast_in_dim3A_317 : vector<16xi32>
    %add3A_326 = arith.addi %add3A_307, %mul3A_325 : vector<16xi32>
    %get3A_327 = arith.constant 672 : index
    %get3A_328 = tpu.vector_load %arg27[%get3A_327] {strides = array<i32>} : memref<768xi32, #tpu.memory_space<vmem>>, vector<16xi32>,
    %get3A_329 = arith.constant 688 : index
    %get3A_330 = tpu.vector_load %arg27[%get3A_329] {strides = array<i32>} : memref<768xi32, #tpu.memory_space<vmem>>, vector<16xi32>,
    %get3A_331 = arith.constant 704 : index
    %get3A_332 = tpu.vector_load %arg27[%get3A_331] {strides = array<i32>} : memref<768xi32, #tpu.memory_space<vmem>>, vector<16xi32>,
    %gt3A_333 = arith.constant 14 : i32
    %gt3A_334 = arith.cmpi sgt, %arg1, %gt3A_333 : i32
    %convert_element_type3A_335 = arith.extui %gt3A_334 : i1 to i32
    %broadcast_in_dim3A_336 = vector.broadcast %convert_element_type3A_335 : i32 to vector<16xi32>
    %add3A_337 = arith.addi %add3A_318, %get3A_328 : vector<16xi32>
    %add3A_338 = arith.addi %add3A_319, %get3A_330 : vector<16xi32>
    %add3A_339 = arith.addi %add3A_320, %get3A_332 : vector<16xi32>
    %mul3A_340 = arith.muli %get3A_328, %broadcast_in_dim3A_336 : vector<16xi32>
    %add3A_341 = arith.addi %add3A_322, %mul3A_340 : vector<16xi32>
    %mul3A_342 = arith.muli %get3A_330, %broadcast_in_dim3A_336 : vector<16xi32>
    %add3A_343 = arith.addi %add3A_324, %mul3A_342 : vector<16xi32>
    %mul3A_344 = arith.muli %get3A_332, %broadcast_in_dim3A_336 : vector<16xi32>
    %add3A_345 = arith.addi %add3A_326, %mul3A_344 : vector<16xi32>
    %get3A_346 = arith.constant 720 : index
    %get3A_347 = tpu.vector_load %arg27[%get3A_346] {strides = array<i32>} : memref<768xi32, #tpu.memory_space<vmem>>, vector<16xi32>,
    %get3A_348 = arith.constant 736 : index
    %get3A_349 = tpu.vector_load %arg27[%get3A_348] {strides = array<i32>} : memref<768xi32, #tpu.memory_space<vmem>>, vector<16xi32>,
    %get3A_350 = arith.constant 752 : index
    %get3A_351 = tpu.vector_load %arg27[%get3A_350] {strides = array<i32>} : memref<768xi32, #tpu.memory_space<vmem>>, vector<16xi32>,
    %gt3A_352 = arith.constant 15 : i32
    %gt3A_353 = arith.cmpi sgt, %arg1, %gt3A_352 : i32
    %convert_element_type3A_354 = arith.extui %gt3A_353 : i1 to i32
    %broadcast_in_dim3A_355 = vector.broadcast %convert_element_type3A_354 : i32 to vector<16xi32>
    %add3A_356 = arith.addi %add3A_337, %get3A_347 : vector<16xi32>
    %add3A_357 = arith.addi %add3A_338, %get3A_349 : vector<16xi32>
    %add3A_358 = arith.addi %add3A_339, %get3A_351 : vector<16xi32>
    %mul3A_359 = arith.muli %get3A_347, %broadcast_in_dim3A_355 : vector<16xi32>
    %add3A_360 = arith.addi %add3A_341, %mul3A_359 : vector<16xi32>
    %mul3A_361 = arith.muli %get3A_349, %broadcast_in_dim3A_355 : vector<16xi32>
    %add3A_362 = arith.addi %add3A_343, %mul3A_361 : vector<16xi32>
    %mul3A_363 = arith.muli %get3A_351, %broadcast_in_dim3A_355 : vector<16xi32>
    %add3A_364 = arith.addi %add3A_345, %mul3A_363 : vector<16xi32>
    %reduce_sum3A_365 = arith.constant true
    %reduce_sum3A_366 = vector.broadcast %reduce_sum3A_365 : i1 to vector<16xi1>
    %reduce_sum3A_367 = tpu.scan <sum>, %add3A_356 masked %reduce_sum3A_366 : vector<16xi32>, vector<16xi1> -> vector<16xi32>
    %reduce_sum3A_368 = vector.extract %reduce_sum3A_367[15] : i32 from vector<16xi32>
    %broadcast_in_dim3A_369 = vector.broadcast %reduce_sum3A_368 : i32 to vector<16xi32>
    %reduce_sum3A_370 = arith.constant true
    %reduce_sum3A_371 = vector.broadcast %reduce_sum3A_370 : i1 to vector<16xi1>
    %reduce_sum3A_372 = tpu.scan <sum>, %add3A_357 masked %reduce_sum3A_371 : vector<16xi32>, vector<16xi1> -> vector<16xi32>
    %reduce_sum3A_373 = vector.extract %reduce_sum3A_372[15] : i32 from vector<16xi32>
    %broadcast_in_dim3A_374 = vector.broadcast %reduce_sum3A_373 : i32 to vector<16xi32>
    %broadcast_in_dim3A_375 = arith.constant true
    %broadcast_in_dim3A_376 = vector.broadcast %broadcast_in_dim3A_375 : i1 to vector<16xi1>
    %masked_cumsum3A_377 = tpu.scan <sum>, %add3A_356 masked %broadcast_in_dim3A_376 : vector<16xi32>, vector<16xi1> -> vector<16xi32>
    %sub3A_378 = arith.subi %masked_cumsum3A_377, %add3A_356 : vector<16xi32>
    %broadcast_in_dim3A_379 = arith.constant true
    %broadcast_in_dim3A_380 = vector.broadcast %broadcast_in_dim3A_379 : i1 to vector<16xi1>
    %masked_cumsum3A_381 = tpu.scan <sum>, %add3A_357 masked %broadcast_in_dim3A_380 : vector<16xi32>, vector<16xi1> -> vector<16xi32>
    %sub3A_382 = arith.subi %masked_cumsum3A_381, %add3A_357 : vector<16xi32>
    %add3A_383 = arith.addi %sub3A_382, %broadcast_in_dim3A_369 : vector<16xi32>
    %broadcast_in_dim3A_384 = arith.constant true
    %broadcast_in_dim3A_385 = vector.broadcast %broadcast_in_dim3A_384 : i1 to vector<16xi1>
    %masked_cumsum3A_386 = tpu.scan <sum>, %add3A_358 masked %broadcast_in_dim3A_385 : vector<16xi32>, vector<16xi1> -> vector<16xi32>
    %sub3A_387 = arith.subi %masked_cumsum3A_386, %add3A_358 : vector<16xi32>
    %add3A_388 = arith.addi %sub3A_387, %broadcast_in_dim3A_369 : vector<16xi32>
    %add3A_389 = arith.addi %add3A_388, %broadcast_in_dim3A_374 : vector<16xi32>
    %mul3A_390 = arith.constant 4096 : i32
    %mul3A_391 = arith.muli %arg0, %mul3A_390 : i32
    %broadcast_in_dim3A_392 = vector.broadcast %mul3A_391 : i32 to vector<16xi32>
    %add3A_393 = arith.addi %sub3A_378, %add3A_360 : vector<16xi32>
    %add3A_394 = arith.addi %add3A_393, %broadcast_in_dim3A_392 : vector<16xi32>
    %sub3A_395 = arith.subi %add3A_394, %sub3A : vector<16xi32>
    %swap3A_396 = arith.constant 0 : index
    %swap3A_397 = tpu.vector_load %arg21[%swap3A_396] {strides = array<i32>} : memref<48xi32, #tpu.memory_space<vmem>>, vector<16xi32>,
    tpu.vector_store %arg21[%swap3A_396], %sub3A_395 {strides = array<i32>} : memref<48xi32, #tpu.memory_space<vmem>>, vector<16xi32>,
    %add3A_398 = arith.addi %add3A_383, %add3A_362 : vector<16xi32>
    %add3A_399 = arith.addi %add3A_398, %broadcast_in_dim3A_392 : vector<16xi32>
    %sub3A_400 = arith.subi %add3A_399, %add3A_42 : vector<16xi32>
    %swap3A_401 = arith.constant 16 : index
    %swap3A_402 = tpu.vector_load %arg21[%swap3A_401] {strides = array<i32>} : memref<48xi32, #tpu.memory_space<vmem>>, vector<16xi32>,
    tpu.vector_store %arg21[%swap3A_401], %sub3A_400 {strides = array<i32>} : memref<48xi32, #tpu.memory_space<vmem>>, vector<16xi32>,
    %add3A_403 = arith.addi %add3A_389, %add3A_364 : vector<16xi32>
    %add3A_404 = arith.addi %add3A_403, %broadcast_in_dim3A_392 : vector<16xi32>
    %sub3A_405 = arith.subi %add3A_404, %add3A_48 : vector<16xi32>
    %swap3A_406 = arith.constant 32 : index
    %swap3A_407 = tpu.vector_load %arg21[%swap3A_406] {strides = array<i32>} : memref<48xi32, #tpu.memory_space<vmem>>, vector<16xi32>,
    tpu.vector_store %arg21[%swap3A_406], %sub3A_405 {strides = array<i32>} : memref<48xi32, #tpu.memory_space<vmem>>, vector<16xi32>,
    %dma_wait3A_408 = tpu.memref_slice %arg3[%add3A] : memref<8192xi32, #tpu.memory_space<hbm>> -> memref<256xi32, #tpu.memory_space<hbm>>
    %dma_wait3A_409 = tpu.memref_slice %arg3[%add3A] : memref<8192xi32, #tpu.memory_space<hbm>> -> memref<256xi32, #tpu.memory_space<hbm>>
    tpu.wait_dma2 semaphore(%arg35 : memref<!tpu.dma_semaphore, #tpu.memory_space<semaphore_mem>>) src(%dma_wait3A_409 : memref<256xi32, #tpu.memory_space<hbm>>) dst(%arg12 : memref<256xi32, #tpu.memory_space<vmem>>)
    %dma_wait3A_410 = tpu.memref_slice %arg4[%add3A] : memref<8192xi32, #tpu.memory_space<hbm>> -> memref<256xi32, #tpu.memory_space<hbm>>
    %dma_wait3A_411 = tpu.memref_slice %arg4[%add3A] : memref<8192xi32, #tpu.memory_space<hbm>> -> memref<256xi32, #tpu.memory_space<hbm>>
    tpu.wait_dma2 semaphore(%arg36 : memref<!tpu.dma_semaphore, #tpu.memory_space<semaphore_mem>>) src(%dma_wait3A_411 : memref<256xi32, #tpu.memory_space<hbm>>) dst(%arg13 : memref<256xi32, #tpu.memory_space<vmem>>)
    %dma_wait3A_412 = tpu.memref_slice %arg5[%add3A] : memref<8192xi32, #tpu.memory_space<hbm>> -> memref<256xi32, #tpu.memory_space<hbm>>
    %dma_wait3A_413 = tpu.memref_slice %arg5[%add3A] : memref<8192xi32, #tpu.memory_space<hbm>> -> memref<256xi32, #tpu.memory_space<hbm>>
    tpu.wait_dma2 semaphore(%arg37 : memref<!tpu.dma_semaphore, #tpu.memory_space<semaphore_mem>>) src(%dma_wait3A_413 : memref<256xi32, #tpu.memory_space<hbm>>) dst(%arg14 : memref<256xi32, #tpu.memory_space<vmem>>)
    %get3A_414 = arith.constant 0 : index
    %get3A_415 = tpu.vector_load %arg15[%get3A_414] {strides = array<i32>} : memref<272xi32, #tpu.memory_space<vmem>>, vector<16xi32>,
    %gather3A = tpu.vector_load_idx %arg11[%get3A_415] : memref<256xi32, #tpu.memory_space<vmem>>[vector<16xi32>], vector<16xi32>,
    %gather3A_416 = tpu.vector_load_idx %arg21[%gather3A] : memref<48xi32, #tpu.memory_space<vmem>>[vector<16xi32>], vector<16xi32>,
    %add3A_417 = arith.addi %gather3A_416, %iota3A : vector<16xi32>
    %broadcast_in_dim3A_418 = arith.constant 0 : i32
    %broadcast_in_dim3A_419 = vector.broadcast %broadcast_in_dim3A_418 : i32 to vector<16xi32>
    %add3A_420 = arith.addi %add3A_417, %broadcast_in_dim3A_419 : vector<16xi32>
    %swap3A_421 = arith.constant 0 : i32
    %swap3A_422 = arith.index_cast %swap3A_421 : i32 to index
    %swap3A_423 = arith.constant 0 : index
    %swap3A_424 = tpu.vector_load %arg22[%swap3A_422, %swap3A_423] {strides = array<i32>} : memref<2x128xi32, #tpu.memory_space<vmem>>, vector<16xi32>,
    tpu.vector_store %arg22[%swap3A_422, %swap3A_423], %add3A_420 {strides = array<i32>} : memref<2x128xi32, #tpu.memory_space<vmem>>, vector<16xi32>,
    %gather3A_425 = tpu.vector_load_idx %arg12[%get3A_415] : memref<256xi32, #tpu.memory_space<vmem>>[vector<16xi32>], vector<16xi32>,
    %swap3A_426 = arith.constant 0 : index
    %swap3A_427 = tpu.vector_load %arg23[%swap3A_426] {strides = array<i32>} : memref<256xi32, #tpu.memory_space<vmem>>, vector<16xi32>,
    tpu.vector_store %arg23[%swap3A_426], %gather3A_425 {strides = array<i32>} : memref<256xi32, #tpu.memory_space<vmem>>, vector<16xi32>,
    %gather3A_428 = tpu.vector_load_idx %arg13[%get3A_415] : memref<256xi32, #tpu.memory_space<vmem>>[vector<16xi32>], vector<16xi32>,
    %swap3A_429 = arith.constant 0 : index
    %swap3A_430 = tpu.vector_load %arg24[%swap3A_429] {strides = array<i32>} : memref<256xi32, #tpu.memory_space<vmem>>, vector<16xi32>,
    tpu.vector_store %arg24[%swap3A_429], %gather3A_428 {strides = array<i32>} : memref<256xi32, #tpu.memory_space<vmem>>, vector<16xi32>,
    %gather3A_431 = tpu.vector_load_idx %arg14[%get3A_415] : memref<256xi32, #tpu.memory_space<vmem>>[vector<16xi32>], vector<16xi32>,
    %swap3A_432 = arith.constant 0 : index
    %swap3A_433 = tpu.vector_load %arg25[%swap3A_432] {strides = array<i32>} : memref<256xi32, #tpu.memory_space<vmem>>, vector<16xi32>,
    tpu.vector_store %arg25[%swap3A_432], %gather3A_431 {strides = array<i32>} : memref<256xi32, #tpu.memory_space<vmem>>, vector<16xi32>,
    %swap3A_434 = arith.constant 0 : index
    %swap3A_435 = tpu.vector_load %arg26[%swap3A_434] {strides = array<i32>} : memref<256xi32, #tpu.memory_space<vmem>>, vector<16xi32>,
    tpu.vector_store %arg26[%swap3A_434], %gather3A {strides = array<i32>} : memref<256xi32, #tpu.memory_space<vmem>>, vector<16xi32>,
    %get3A_436 = arith.constant 16 : index
    %get3A_437 = tpu.vector_load %arg15[%get3A_436] {strides = array<i32>} : memref<272xi32, #tpu.memory_space<vmem>>, vector<16xi32>,
    %gather3A_438 = tpu.vector_load_idx %arg11[%get3A_437] : memref<256xi32, #tpu.memory_space<vmem>>[vector<16xi32>], vector<16xi32>,
    %gather3A_439 = tpu.vector_load_idx %arg21[%gather3A_438] : memref<48xi32, #tpu.memory_space<vmem>>[vector<16xi32>], vector<16xi32>,
    %add3A_440 = arith.addi %gather3A_439, %iota3A : vector<16xi32>
    %broadcast_in_dim3A_441 = arith.constant 16 : i32
    %broadcast_in_dim3A_442 = vector.broadcast %broadcast_in_dim3A_441 : i32 to vector<16xi32>
    %add3A_443 = arith.addi %add3A_440, %broadcast_in_dim3A_442 : vector<16xi32>
    %swap3A_444 = arith.constant 0 : i32
    %swap3A_445 = arith.index_cast %swap3A_444 : i32 to index
    %swap3A_446 = arith.constant 16 : index
    %swap3A_447 = tpu.vector_load %arg22[%swap3A_445, %swap3A_446] {strides = array<i32>} : memref<2x128xi32, #tpu.memory_space<vmem>>, vector<16xi32>,
    tpu.vector_store %arg22[%swap3A_445, %swap3A_446], %add3A_443 {strides = array<i32>} : memref<2x128xi32, #tpu.memory_space<vmem>>, vector<16xi32>,
    %gather3A_448 = tpu.vector_load_idx %arg12[%get3A_437] : memref<256xi32, #tpu.memory_space<vmem>>[vector<16xi32>], vector<16xi32>,
    %swap3A_449 = arith.constant 16 : index
    %swap3A_450 = tpu.vector_load %arg23[%swap3A_449] {strides = array<i32>} : memref<256xi32, #tpu.memory_space<vmem>>, vector<16xi32>,
    tpu.vector_store %arg23[%swap3A_449], %gather3A_448 {strides = array<i32>} : memref<256xi32, #tpu.memory_space<vmem>>, vector<16xi32>,
    %gather3A_451 = tpu.vector_load_idx %arg13[%get3A_437] : memref<256xi32, #tpu.memory_space<vmem>>[vector<16xi32>], vector<16xi32>,
    %swap3A_452 = arith.constant 16 : index
    %swap3A_453 = tpu.vector_load %arg24[%swap3A_452] {strides = array<i32>} : memref<256xi32, #tpu.memory_space<vmem>>, vector<16xi32>,
    tpu.vector_store %arg24[%swap3A_452], %gather3A_451 {strides = array<i32>} : memref<256xi32, #tpu.memory_space<vmem>>, vector<16xi32>,
    %gather3A_454 = tpu.vector_load_idx %arg14[%get3A_437] : memref<256xi32, #tpu.memory_space<vmem>>[vector<16xi32>], vector<16xi32>,
    %swap3A_455 = arith.constant 16 : index
    %swap3A_456 = tpu.vector_load %arg25[%swap3A_455] {strides = array<i32>} : memref<256xi32, #tpu.memory_space<vmem>>, vector<16xi32>,
    tpu.vector_store %arg25[%swap3A_455], %gather3A_454 {strides = array<i32>} : memref<256xi32, #tpu.memory_space<vmem>>, vector<16xi32>,
    %swap3A_457 = arith.constant 16 : index
    %swap3A_458 = tpu.vector_load %arg26[%swap3A_457] {strides = array<i32>} : memref<256xi32, #tpu.memory_space<vmem>>, vector<16xi32>,
    tpu.vector_store %arg26[%swap3A_457], %gather3A_438 {strides = array<i32>} : memref<256xi32, #tpu.memory_space<vmem>>, vector<16xi32>,
    %get3A_459 = arith.constant 32 : index
    %get3A_460 = tpu.vector_load %arg15[%get3A_459] {strides = array<i32>} : memref<272xi32, #tpu.memory_space<vmem>>, vector<16xi32>,
    %gather3A_461 = tpu.vector_load_idx %arg11[%get3A_460] : memref<256xi32, #tpu.memory_space<vmem>>[vector<16xi32>], vector<16xi32>,
    %gather3A_462 = tpu.vector_load_idx %arg21[%gather3A_461] : memref<48xi32, #tpu.memory_space<vmem>>[vector<16xi32>], vector<16xi32>,
    %add3A_463 = arith.addi %gather3A_462, %iota3A : vector<16xi32>
    %broadcast_in_dim3A_464 = arith.constant 32 : i32
    %broadcast_in_dim3A_465 = vector.broadcast %broadcast_in_dim3A_464 : i32 to vector<16xi32>
    %add3A_466 = arith.addi %add3A_463, %broadcast_in_dim3A_465 : vector<16xi32>
    %swap3A_467 = arith.constant 0 : i32
    %swap3A_468 = arith.index_cast %swap3A_467 : i32 to index
    %swap3A_469 = arith.constant 32 : index
    %swap3A_470 = tpu.vector_load %arg22[%swap3A_468, %swap3A_469] {strides = array<i32>} : memref<2x128xi32, #tpu.memory_space<vmem>>, vector<16xi32>,
    tpu.vector_store %arg22[%swap3A_468, %swap3A_469], %add3A_466 {strides = array<i32>} : memref<2x128xi32, #tpu.memory_space<vmem>>, vector<16xi32>,
    %gather3A_471 = tpu.vector_load_idx %arg12[%get3A_460] : memref<256xi32, #tpu.memory_space<vmem>>[vector<16xi32>], vector<16xi32>,
    %swap3A_472 = arith.constant 32 : index
    %swap3A_473 = tpu.vector_load %arg23[%swap3A_472] {strides = array<i32>} : memref<256xi32, #tpu.memory_space<vmem>>, vector<16xi32>,
    tpu.vector_store %arg23[%swap3A_472], %gather3A_471 {strides = array<i32>} : memref<256xi32, #tpu.memory_space<vmem>>, vector<16xi32>,
    %gather3A_474 = tpu.vector_load_idx %arg13[%get3A_460] : memref<256xi32, #tpu.memory_space<vmem>>[vector<16xi32>], vector<16xi32>,
    %swap3A_475 = arith.constant 32 : index
    %swap3A_476 = tpu.vector_load %arg24[%swap3A_475] {strides = array<i32>} : memref<256xi32, #tpu.memory_space<vmem>>, vector<16xi32>,
    tpu.vector_store %arg24[%swap3A_475], %gather3A_474 {strides = array<i32>} : memref<256xi32, #tpu.memory_space<vmem>>, vector<16xi32>,
    %gather3A_477 = tpu.vector_load_idx %arg14[%get3A_460] : memref<256xi32, #tpu.memory_space<vmem>>[vector<16xi32>], vector<16xi32>,
    %swap3A_478 = arith.constant 32 : index
    %swap3A_479 = tpu.vector_load %arg25[%swap3A_478] {strides = array<i32>} : memref<256xi32, #tpu.memory_space<vmem>>, vector<16xi32>,
    tpu.vector_store %arg25[%swap3A_478], %gather3A_477 {strides = array<i32>} : memref<256xi32, #tpu.memory_space<vmem>>, vector<16xi32>,
    %swap3A_480 = arith.constant 32 : index
    %swap3A_481 = tpu.vector_load %arg26[%swap3A_480] {strides = array<i32>} : memref<256xi32, #tpu.memory_space<vmem>>, vector<16xi32>,
    tpu.vector_store %arg26[%swap3A_480], %gather3A_461 {strides = array<i32>} : memref<256xi32, #tpu.memory_space<vmem>>, vector<16xi32>,
    %get3A_482 = arith.constant 48 : index
    %get3A_483 = tpu.vector_load %arg15[%get3A_482] {strides = array<i32>} : memref<272xi32, #tpu.memory_space<vmem>>, vector<16xi32>,
    %gather3A_484 = tpu.vector_load_idx %arg11[%get3A_483] : memref<256xi32, #tpu.memory_space<vmem>>[vector<16xi32>], vector<16xi32>,
    %gather3A_485 = tpu.vector_load_idx %arg21[%gather3A_484] : memref<48xi32, #tpu.memory_space<vmem>>[vector<16xi32>], vector<16xi32>,
    %add3A_486 = arith.addi %gather3A_485, %iota3A : vector<16xi32>
    %broadcast_in_dim3A_487 = arith.constant 48 : i32
    %broadcast_in_dim3A_488 = vector.broadcast %broadcast_in_dim3A_487 : i32 to vector<16xi32>
    %add3A_489 = arith.addi %add3A_486, %broadcast_in_dim3A_488 : vector<16xi32>
    %swap3A_490 = arith.constant 0 : i32
    %swap3A_491 = arith.index_cast %swap3A_490 : i32 to index
    %swap3A_492 = arith.constant 48 : index
    %swap3A_493 = tpu.vector_load %arg22[%swap3A_491, %swap3A_492] {strides = array<i32>} : memref<2x128xi32, #tpu.memory_space<vmem>>, vector<16xi32>,
    tpu.vector_store %arg22[%swap3A_491, %swap3A_492], %add3A_489 {strides = array<i32>} : memref<2x128xi32, #tpu.memory_space<vmem>>, vector<16xi32>,
    %gather3A_494 = tpu.vector_load_idx %arg12[%get3A_483] : memref<256xi32, #tpu.memory_space<vmem>>[vector<16xi32>], vector<16xi32>,
    %swap3A_495 = arith.constant 48 : index
    %swap3A_496 = tpu.vector_load %arg23[%swap3A_495] {strides = array<i32>} : memref<256xi32, #tpu.memory_space<vmem>>, vector<16xi32>,
    tpu.vector_store %arg23[%swap3A_495], %gather3A_494 {strides = array<i32>} : memref<256xi32, #tpu.memory_space<vmem>>, vector<16xi32>,
    %gather3A_497 = tpu.vector_load_idx %arg13[%get3A_483] : memref<256xi32, #tpu.memory_space<vmem>>[vector<16xi32>], vector<16xi32>,
    %swap3A_498 = arith.constant 48 : index
    %swap3A_499 = tpu.vector_load %arg24[%swap3A_498] {strides = array<i32>} : memref<256xi32, #tpu.memory_space<vmem>>, vector<16xi32>,
    tpu.vector_store %arg24[%swap3A_498], %gather3A_497 {strides = array<i32>} : memref<256xi32, #tpu.memory_space<vmem>>, vector<16xi32>,
    %gather3A_500 = tpu.vector_load_idx %arg14[%get3A_483] : memref<256xi32, #tpu.memory_space<vmem>>[vector<16xi32>], vector<16xi32>,
    %swap3A_501 = arith.constant 48 : index
    %swap3A_502 = tpu.vector_load %arg25[%swap3A_501] {strides = array<i32>} : memref<256xi32, #tpu.memory_space<vmem>>, vector<16xi32>,
    tpu.vector_store %arg25[%swap3A_501], %gather3A_500 {strides = array<i32>} : memref<256xi32, #tpu.memory_space<vmem>>, vector<16xi32>,
    %swap3A_503 = arith.constant 48 : index
    %swap3A_504 = tpu.vector_load %arg26[%swap3A_503] {strides = array<i32>} : memref<256xi32, #tpu.memory_space<vmem>>, vector<16xi32>,
    tpu.vector_store %arg26[%swap3A_503], %gather3A_484 {strides = array<i32>} : memref<256xi32, #tpu.memory_space<vmem>>, vector<16xi32>,
    %get3A_505 = arith.constant 64 : index
    %get3A_506 = tpu.vector_load %arg15[%get3A_505] {strides = array<i32>} : memref<272xi32, #tpu.memory_space<vmem>>, vector<16xi32>,
    %gather3A_507 = tpu.vector_load_idx %arg11[%get3A_506] : memref<256xi32, #tpu.memory_space<vmem>>[vector<16xi32>], vector<16xi32>,
    %gather3A_508 = tpu.vector_load_idx %arg21[%gather3A_507] : memref<48xi32, #tpu.memory_space<vmem>>[vector<16xi32>], vector<16xi32>,
    %add3A_509 = arith.addi %gather3A_508, %iota3A : vector<16xi32>
    %broadcast_in_dim3A_510 = arith.constant 64 : i32
    %broadcast_in_dim3A_511 = vector.broadcast %broadcast_in_dim3A_510 : i32 to vector<16xi32>
    %add3A_512 = arith.addi %add3A_509, %broadcast_in_dim3A_511 : vector<16xi32>
    %swap3A_513 = arith.constant 0 : i32
    %swap3A_514 = arith.index_cast %swap3A_513 : i32 to index
    %swap3A_515 = arith.constant 64 : index
    %swap3A_516 = tpu.vector_load %arg22[%swap3A_514, %swap3A_515] {strides = array<i32>} : memref<2x128xi32, #tpu.memory_space<vmem>>, vector<16xi32>,
    tpu.vector_store %arg22[%swap3A_514, %swap3A_515], %add3A_512 {strides = array<i32>} : memref<2x128xi32, #tpu.memory_space<vmem>>, vector<16xi32>,
    %gather3A_517 = tpu.vector_load_idx %arg12[%get3A_506] : memref<256xi32, #tpu.memory_space<vmem>>[vector<16xi32>], vector<16xi32>,
    %swap3A_518 = arith.constant 64 : index
    %swap3A_519 = tpu.vector_load %arg23[%swap3A_518] {strides = array<i32>} : memref<256xi32, #tpu.memory_space<vmem>>, vector<16xi32>,
    tpu.vector_store %arg23[%swap3A_518], %gather3A_517 {strides = array<i32>} : memref<256xi32, #tpu.memory_space<vmem>>, vector<16xi32>,
    %gather3A_520 = tpu.vector_load_idx %arg13[%get3A_506] : memref<256xi32, #tpu.memory_space<vmem>>[vector<16xi32>], vector<16xi32>,
    %swap3A_521 = arith.constant 64 : index
    %swap3A_522 = tpu.vector_load %arg24[%swap3A_521] {strides = array<i32>} : memref<256xi32, #tpu.memory_space<vmem>>, vector<16xi32>,
    tpu.vector_store %arg24[%swap3A_521], %gather3A_520 {strides = array<i32>} : memref<256xi32, #tpu.memory_space<vmem>>, vector<16xi32>,
    %gather3A_523 = tpu.vector_load_idx %arg14[%get3A_506] : memref<256xi32, #tpu.memory_space<vmem>>[vector<16xi32>], vector<16xi32>,
    %swap3A_524 = arith.constant 64 : index
    %swap3A_525 = tpu.vector_load %arg25[%swap3A_524] {strides = array<i32>} : memref<256xi32, #tpu.memory_space<vmem>>, vector<16xi32>,
    tpu.vector_store %arg25[%swap3A_524], %gather3A_523 {strides = array<i32>} : memref<256xi32, #tpu.memory_space<vmem>>, vector<16xi32>,
    %swap3A_526 = arith.constant 64 : index
    %swap3A_527 = tpu.vector_load %arg26[%swap3A_526] {strides = array<i32>} : memref<256xi32, #tpu.memory_space<vmem>>, vector<16xi32>,
    tpu.vector_store %arg26[%swap3A_526], %gather3A_507 {strides = array<i32>} : memref<256xi32, #tpu.memory_space<vmem>>, vector<16xi32>,
    %get3A_528 = arith.constant 80 : index
    %get3A_529 = tpu.vector_load %arg15[%get3A_528] {strides = array<i32>} : memref<272xi32, #tpu.memory_space<vmem>>, vector<16xi32>,
    %gather3A_530 = tpu.vector_load_idx %arg11[%get3A_529] : memref<256xi32, #tpu.memory_space<vmem>>[vector<16xi32>], vector<16xi32>,
    %gather3A_531 = tpu.vector_load_idx %arg21[%gather3A_530] : memref<48xi32, #tpu.memory_space<vmem>>[vector<16xi32>], vector<16xi32>,
    %add3A_532 = arith.addi %gather3A_531, %iota3A : vector<16xi32>
    %broadcast_in_dim3A_533 = arith.constant 80 : i32
    %broadcast_in_dim3A_534 = vector.broadcast %broadcast_in_dim3A_533 : i32 to vector<16xi32>
    %add3A_535 = arith.addi %add3A_532, %broadcast_in_dim3A_534 : vector<16xi32>
    %swap3A_536 = arith.constant 0 : i32
    %swap3A_537 = arith.index_cast %swap3A_536 : i32 to index
    %swap3A_538 = arith.constant 80 : index
    %swap3A_539 = tpu.vector_load %arg22[%swap3A_537, %swap3A_538] {strides = array<i32>} : memref<2x128xi32, #tpu.memory_space<vmem>>, vector<16xi32>,
    tpu.vector_store %arg22[%swap3A_537, %swap3A_538], %add3A_535 {strides = array<i32>} : memref<2x128xi32, #tpu.memory_space<vmem>>, vector<16xi32>,
    %gather3A_540 = tpu.vector_load_idx %arg12[%get3A_529] : memref<256xi32, #tpu.memory_space<vmem>>[vector<16xi32>], vector<16xi32>,
    %swap3A_541 = arith.constant 80 : index
    %swap3A_542 = tpu.vector_load %arg23[%swap3A_541] {strides = array<i32>} : memref<256xi32, #tpu.memory_space<vmem>>, vector<16xi32>,
    tpu.vector_store %arg23[%swap3A_541], %gather3A_540 {strides = array<i32>} : memref<256xi32, #tpu.memory_space<vmem>>, vector<16xi32>,
    %gather3A_543 = tpu.vector_load_idx %arg13[%get3A_529] : memref<256xi32, #tpu.memory_space<vmem>>[vector<16xi32>], vector<16xi32>,
    %swap3A_544 = arith.constant 80 : index
    %swap3A_545 = tpu.vector_load %arg24[%swap3A_544] {strides = array<i32>} : memref<256xi32, #tpu.memory_space<vmem>>, vector<16xi32>,
    tpu.vector_store %arg24[%swap3A_544], %gather3A_543 {strides = array<i32>} : memref<256xi32, #tpu.memory_space<vmem>>, vector<16xi32>,
    %gather3A_546 = tpu.vector_load_idx %arg14[%get3A_529] : memref<256xi32, #tpu.memory_space<vmem>>[vector<16xi32>], vector<16xi32>,
    %swap3A_547 = arith.constant 80 : index
    %swap3A_548 = tpu.vector_load %arg25[%swap3A_547] {strides = array<i32>} : memref<256xi32, #tpu.memory_space<vmem>>, vector<16xi32>,
    tpu.vector_store %arg25[%swap3A_547], %gather3A_546 {strides = array<i32>} : memref<256xi32, #tpu.memory_space<vmem>>, vector<16xi32>,
    %swap3A_549 = arith.constant 80 : index
    %swap3A_550 = tpu.vector_load %arg26[%swap3A_549] {strides = array<i32>} : memref<256xi32, #tpu.memory_space<vmem>>, vector<16xi32>,
    tpu.vector_store %arg26[%swap3A_549], %gather3A_530 {strides = array<i32>} : memref<256xi32, #tpu.memory_space<vmem>>, vector<16xi32>,
    %get3A_551 = arith.constant 96 : index
    %get3A_552 = tpu.vector_load %arg15[%get3A_551] {strides = array<i32>} : memref<272xi32, #tpu.memory_space<vmem>>, vector<16xi32>,
    %gather3A_553 = tpu.vector_load_idx %arg11[%get3A_552] : memref<256xi32, #tpu.memory_space<vmem>>[vector<16xi32>], vector<16xi32>,
    %gather3A_554 = tpu.vector_load_idx %arg21[%gather3A_553] : memref<48xi32, #tpu.memory_space<vmem>>[vector<16xi32>], vector<16xi32>,
    %add3A_555 = arith.addi %gather3A_554, %iota3A : vector<16xi32>
    %broadcast_in_dim3A_556 = arith.constant 96 : i32
    %broadcast_in_dim3A_557 = vector.broadcast %broadcast_in_dim3A_556 : i32 to vector<16xi32>
    %add3A_558 = arith.addi %add3A_555, %broadcast_in_dim3A_557 : vector<16xi32>
    %swap3A_559 = arith.constant 0 : i32
    %swap3A_560 = arith.index_cast %swap3A_559 : i32 to index
    %swap3A_561 = arith.constant 96 : index
    %swap3A_562 = tpu.vector_load %arg22[%swap3A_560, %swap3A_561] {strides = array<i32>} : memref<2x128xi32, #tpu.memory_space<vmem>>, vector<16xi32>,
    tpu.vector_store %arg22[%swap3A_560, %swap3A_561], %add3A_558 {strides = array<i32>} : memref<2x128xi32, #tpu.memory_space<vmem>>, vector<16xi32>,
    %gather3A_563 = tpu.vector_load_idx %arg12[%get3A_552] : memref<256xi32, #tpu.memory_space<vmem>>[vector<16xi32>], vector<16xi32>,
    %swap3A_564 = arith.constant 96 : index
    %swap3A_565 = tpu.vector_load %arg23[%swap3A_564] {strides = array<i32>} : memref<256xi32, #tpu.memory_space<vmem>>, vector<16xi32>,
    tpu.vector_store %arg23[%swap3A_564], %gather3A_563 {strides = array<i32>} : memref<256xi32, #tpu.memory_space<vmem>>, vector<16xi32>,
    %gather3A_566 = tpu.vector_load_idx %arg13[%get3A_552] : memref<256xi32, #tpu.memory_space<vmem>>[vector<16xi32>], vector<16xi32>,
    %swap3A_567 = arith.constant 96 : index
    %swap3A_568 = tpu.vector_load %arg24[%swap3A_567] {strides = array<i32>} : memref<256xi32, #tpu.memory_space<vmem>>, vector<16xi32>,
    tpu.vector_store %arg24[%swap3A_567], %gather3A_566 {strides = array<i32>} : memref<256xi32, #tpu.memory_space<vmem>>, vector<16xi32>,
    %gather3A_569 = tpu.vector_load_idx %arg14[%get3A_552] : memref<256xi32, #tpu.memory_space<vmem>>[vector<16xi32>], vector<16xi32>,
    %swap3A_570 = arith.constant 96 : index
    %swap3A_571 = tpu.vector_load %arg25[%swap3A_570] {strides = array<i32>} : memref<256xi32, #tpu.memory_space<vmem>>, vector<16xi32>,
    tpu.vector_store %arg25[%swap3A_570], %gather3A_569 {strides = array<i32>} : memref<256xi32, #tpu.memory_space<vmem>>, vector<16xi32>,
    %swap3A_572 = arith.constant 96 : index
    %swap3A_573 = tpu.vector_load %arg26[%swap3A_572] {strides = array<i32>} : memref<256xi32, #tpu.memory_space<vmem>>, vector<16xi32>,
    tpu.vector_store %arg26[%swap3A_572], %gather3A_553 {strides = array<i32>} : memref<256xi32, #tpu.memory_space<vmem>>, vector<16xi32>,
    %get3A_574 = arith.constant 112 : index
    %get3A_575 = tpu.vector_load %arg15[%get3A_574] {strides = array<i32>} : memref<272xi32, #tpu.memory_space<vmem>>, vector<16xi32>,
    %gather3A_576 = tpu.vector_load_idx %arg11[%get3A_575] : memref<256xi32, #tpu.memory_space<vmem>>[vector<16xi32>], vector<16xi32>,
    %gather3A_577 = tpu.vector_load_idx %arg21[%gather3A_576] : memref<48xi32, #tpu.memory_space<vmem>>[vector<16xi32>], vector<16xi32>,
    %add3A_578 = arith.addi %gather3A_577, %iota3A : vector<16xi32>
    %broadcast_in_dim3A_579 = arith.constant 112 : i32
    %broadcast_in_dim3A_580 = vector.broadcast %broadcast_in_dim3A_579 : i32 to vector<16xi32>
    %add3A_581 = arith.addi %add3A_578, %broadcast_in_dim3A_580 : vector<16xi32>
    %swap3A_582 = arith.constant 0 : i32
    %swap3A_583 = arith.index_cast %swap3A_582 : i32 to index
    %swap3A_584 = arith.constant 112 : index
    %swap3A_585 = tpu.vector_load %arg22[%swap3A_583, %swap3A_584] {strides = array<i32>} : memref<2x128xi32, #tpu.memory_space<vmem>>, vector<16xi32>,
    tpu.vector_store %arg22[%swap3A_583, %swap3A_584], %add3A_581 {strides = array<i32>} : memref<2x128xi32, #tpu.memory_space<vmem>>, vector<16xi32>,
    %gather3A_586 = tpu.vector_load_idx %arg12[%get3A_575] : memref<256xi32, #tpu.memory_space<vmem>>[vector<16xi32>], vector<16xi32>,
    %swap3A_587 = arith.constant 112 : index
    %swap3A_588 = tpu.vector_load %arg23[%swap3A_587] {strides = array<i32>} : memref<256xi32, #tpu.memory_space<vmem>>, vector<16xi32>,
    tpu.vector_store %arg23[%swap3A_587], %gather3A_586 {strides = array<i32>} : memref<256xi32, #tpu.memory_space<vmem>>, vector<16xi32>,
    %gather3A_589 = tpu.vector_load_idx %arg13[%get3A_575] : memref<256xi32, #tpu.memory_space<vmem>>[vector<16xi32>], vector<16xi32>,
    %swap3A_590 = arith.constant 112 : index
    %swap3A_591 = tpu.vector_load %arg24[%swap3A_590] {strides = array<i32>} : memref<256xi32, #tpu.memory_space<vmem>>, vector<16xi32>,
    tpu.vector_store %arg24[%swap3A_590], %gather3A_589 {strides = array<i32>} : memref<256xi32, #tpu.memory_space<vmem>>, vector<16xi32>,
    %gather3A_592 = tpu.vector_load_idx %arg14[%get3A_575] : memref<256xi32, #tpu.memory_space<vmem>>[vector<16xi32>], vector<16xi32>,
    %swap3A_593 = arith.constant 112 : index
    %swap3A_594 = tpu.vector_load %arg25[%swap3A_593] {strides = array<i32>} : memref<256xi32, #tpu.memory_space<vmem>>, vector<16xi32>,
    tpu.vector_store %arg25[%swap3A_593], %gather3A_592 {strides = array<i32>} : memref<256xi32, #tpu.memory_space<vmem>>, vector<16xi32>,
    %swap3A_595 = arith.constant 112 : index
    %swap3A_596 = tpu.vector_load %arg26[%swap3A_595] {strides = array<i32>} : memref<256xi32, #tpu.memory_space<vmem>>, vector<16xi32>,
    tpu.vector_store %arg26[%swap3A_595], %gather3A_576 {strides = array<i32>} : memref<256xi32, #tpu.memory_space<vmem>>, vector<16xi32>,
    %get3A_597 = arith.constant 128 : index
    %get3A_598 = tpu.vector_load %arg15[%get3A_597] {strides = array<i32>} : memref<272xi32, #tpu.memory_space<vmem>>, vector<16xi32>,
    %gather3A_599 = tpu.vector_load_idx %arg11[%get3A_598] : memref<256xi32, #tpu.memory_space<vmem>>[vector<16xi32>], vector<16xi32>,
    %gather3A_600 = tpu.vector_load_idx %arg21[%gather3A_599] : memref<48xi32, #tpu.memory_space<vmem>>[vector<16xi32>], vector<16xi32>,
    %add3A_601 = arith.addi %gather3A_600, %iota3A : vector<16xi32>
    %broadcast_in_dim3A_602 = arith.constant 128 : i32
    %broadcast_in_dim3A_603 = vector.broadcast %broadcast_in_dim3A_602 : i32 to vector<16xi32>
    %add3A_604 = arith.addi %add3A_601, %broadcast_in_dim3A_603 : vector<16xi32>
    %swap3A_605 = arith.constant 1 : i32
    %swap3A_606 = arith.index_cast %swap3A_605 : i32 to index
    %swap3A_607 = arith.constant 0 : index
    %swap3A_608 = tpu.vector_load %arg22[%swap3A_606, %swap3A_607] {strides = array<i32>} : memref<2x128xi32, #tpu.memory_space<vmem>>, vector<16xi32>,
    tpu.vector_store %arg22[%swap3A_606, %swap3A_607], %add3A_604 {strides = array<i32>} : memref<2x128xi32, #tpu.memory_space<vmem>>, vector<16xi32>,
    %gather3A_609 = tpu.vector_load_idx %arg12[%get3A_598] : memref<256xi32, #tpu.memory_space<vmem>>[vector<16xi32>], vector<16xi32>,
    %swap3A_610 = arith.constant 128 : index
    %swap3A_611 = tpu.vector_load %arg23[%swap3A_610] {strides = array<i32>} : memref<256xi32, #tpu.memory_space<vmem>>, vector<16xi32>,
    tpu.vector_store %arg23[%swap3A_610], %gather3A_609 {strides = array<i32>} : memref<256xi32, #tpu.memory_space<vmem>>, vector<16xi32>,
    %gather3A_612 = tpu.vector_load_idx %arg13[%get3A_598] : memref<256xi32, #tpu.memory_space<vmem>>[vector<16xi32>], vector<16xi32>,
    %swap3A_613 = arith.constant 128 : index
    %swap3A_614 = tpu.vector_load %arg24[%swap3A_613] {strides = array<i32>} : memref<256xi32, #tpu.memory_space<vmem>>, vector<16xi32>,
    tpu.vector_store %arg24[%swap3A_613], %gather3A_612 {strides = array<i32>} : memref<256xi32, #tpu.memory_space<vmem>>, vector<16xi32>,
    %gather3A_615 = tpu.vector_load_idx %arg14[%get3A_598] : memref<256xi32, #tpu.memory_space<vmem>>[vector<16xi32>], vector<16xi32>,
    %swap3A_616 = arith.constant 128 : index
    %swap3A_617 = tpu.vector_load %arg25[%swap3A_616] {strides = array<i32>} : memref<256xi32, #tpu.memory_space<vmem>>, vector<16xi32>,
    tpu.vector_store %arg25[%swap3A_616], %gather3A_615 {strides = array<i32>} : memref<256xi32, #tpu.memory_space<vmem>>, vector<16xi32>,
    %swap3A_618 = arith.constant 128 : index
    %swap3A_619 = tpu.vector_load %arg26[%swap3A_618] {strides = array<i32>} : memref<256xi32, #tpu.memory_space<vmem>>, vector<16xi32>,
    tpu.vector_store %arg26[%swap3A_618], %gather3A_599 {strides = array<i32>} : memref<256xi32, #tpu.memory_space<vmem>>, vector<16xi32>,
    %get3A_620 = arith.constant 144 : index
    %get3A_621 = tpu.vector_load %arg15[%get3A_620] {strides = array<i32>} : memref<272xi32, #tpu.memory_space<vmem>>, vector<16xi32>,
    %gather3A_622 = tpu.vector_load_idx %arg11[%get3A_621] : memref<256xi32, #tpu.memory_space<vmem>>[vector<16xi32>], vector<16xi32>,
    %gather3A_623 = tpu.vector_load_idx %arg21[%gather3A_622] : memref<48xi32, #tpu.memory_space<vmem>>[vector<16xi32>], vector<16xi32>,
    %add3A_624 = arith.addi %gather3A_623, %iota3A : vector<16xi32>
    %broadcast_in_dim3A_625 = arith.constant 144 : i32
    %broadcast_in_dim3A_626 = vector.broadcast %broadcast_in_dim3A_625 : i32 to vector<16xi32>
    %add3A_627 = arith.addi %add3A_624, %broadcast_in_dim3A_626 : vector<16xi32>
    %swap3A_628 = arith.constant 1 : i32
    %swap3A_629 = arith.index_cast %swap3A_628 : i32 to index
    %swap3A_630 = arith.constant 16 : index
    %swap3A_631 = tpu.vector_load %arg22[%swap3A_629, %swap3A_630] {strides = array<i32>} : memref<2x128xi32, #tpu.memory_space<vmem>>, vector<16xi32>,
    tpu.vector_store %arg22[%swap3A_629, %swap3A_630], %add3A_627 {strides = array<i32>} : memref<2x128xi32, #tpu.memory_space<vmem>>, vector<16xi32>,
    %gather3A_632 = tpu.vector_load_idx %arg12[%get3A_621] : memref<256xi32, #tpu.memory_space<vmem>>[vector<16xi32>], vector<16xi32>,
    %swap3A_633 = arith.constant 144 : index
    %swap3A_634 = tpu.vector_load %arg23[%swap3A_633] {strides = array<i32>} : memref<256xi32, #tpu.memory_space<vmem>>, vector<16xi32>,
    tpu.vector_store %arg23[%swap3A_633], %gather3A_632 {strides = array<i32>} : memref<256xi32, #tpu.memory_space<vmem>>, vector<16xi32>,
    %gather3A_635 = tpu.vector_load_idx %arg13[%get3A_621] : memref<256xi32, #tpu.memory_space<vmem>>[vector<16xi32>], vector<16xi32>,
    %swap3A_636 = arith.constant 144 : index
    %swap3A_637 = tpu.vector_load %arg24[%swap3A_636] {strides = array<i32>} : memref<256xi32, #tpu.memory_space<vmem>>, vector<16xi32>,
    tpu.vector_store %arg24[%swap3A_636], %gather3A_635 {strides = array<i32>} : memref<256xi32, #tpu.memory_space<vmem>>, vector<16xi32>,
    %gather3A_638 = tpu.vector_load_idx %arg14[%get3A_621] : memref<256xi32, #tpu.memory_space<vmem>>[vector<16xi32>], vector<16xi32>,
    %swap3A_639 = arith.constant 144 : index
    %swap3A_640 = tpu.vector_load %arg25[%swap3A_639] {strides = array<i32>} : memref<256xi32, #tpu.memory_space<vmem>>, vector<16xi32>,
    tpu.vector_store %arg25[%swap3A_639], %gather3A_638 {strides = array<i32>} : memref<256xi32, #tpu.memory_space<vmem>>, vector<16xi32>,
    %swap3A_641 = arith.constant 144 : index
    %swap3A_642 = tpu.vector_load %arg26[%swap3A_641] {strides = array<i32>} : memref<256xi32, #tpu.memory_space<vmem>>, vector<16xi32>,
    tpu.vector_store %arg26[%swap3A_641], %gather3A_622 {strides = array<i32>} : memref<256xi32, #tpu.memory_space<vmem>>, vector<16xi32>,
    %get3A_643 = arith.constant 160 : index
    %get3A_644 = tpu.vector_load %arg15[%get3A_643] {strides = array<i32>} : memref<272xi32, #tpu.memory_space<vmem>>, vector<16xi32>,
    %gather3A_645 = tpu.vector_load_idx %arg11[%get3A_644] : memref<256xi32, #tpu.memory_space<vmem>>[vector<16xi32>], vector<16xi32>,
    %gather3A_646 = tpu.vector_load_idx %arg21[%gather3A_645] : memref<48xi32, #tpu.memory_space<vmem>>[vector<16xi32>], vector<16xi32>,
    %add3A_647 = arith.addi %gather3A_646, %iota3A : vector<16xi32>
    %broadcast_in_dim3A_648 = arith.constant 160 : i32
    %broadcast_in_dim3A_649 = vector.broadcast %broadcast_in_dim3A_648 : i32 to vector<16xi32>
    %add3A_650 = arith.addi %add3A_647, %broadcast_in_dim3A_649 : vector<16xi32>
    %swap3A_651 = arith.constant 1 : i32
    %swap3A_652 = arith.index_cast %swap3A_651 : i32 to index
    %swap3A_653 = arith.constant 32 : index
    %swap3A_654 = tpu.vector_load %arg22[%swap3A_652, %swap3A_653] {strides = array<i32>} : memref<2x128xi32, #tpu.memory_space<vmem>>, vector<16xi32>,
    tpu.vector_store %arg22[%swap3A_652, %swap3A_653], %add3A_650 {strides = array<i32>} : memref<2x128xi32, #tpu.memory_space<vmem>>, vector<16xi32>,
    %gather3A_655 = tpu.vector_load_idx %arg12[%get3A_644] : memref<256xi32, #tpu.memory_space<vmem>>[vector<16xi32>], vector<16xi32>,
    %swap3A_656 = arith.constant 160 : index
    %swap3A_657 = tpu.vector_load %arg23[%swap3A_656] {strides = array<i32>} : memref<256xi32, #tpu.memory_space<vmem>>, vector<16xi32>,
    tpu.vector_store %arg23[%swap3A_656], %gather3A_655 {strides = array<i32>} : memref<256xi32, #tpu.memory_space<vmem>>, vector<16xi32>,
    %gather3A_658 = tpu.vector_load_idx %arg13[%get3A_644] : memref<256xi32, #tpu.memory_space<vmem>>[vector<16xi32>], vector<16xi32>,
    %swap3A_659 = arith.constant 160 : index
    %swap3A_660 = tpu.vector_load %arg24[%swap3A_659] {strides = array<i32>} : memref<256xi32, #tpu.memory_space<vmem>>, vector<16xi32>,
    tpu.vector_store %arg24[%swap3A_659], %gather3A_658 {strides = array<i32>} : memref<256xi32, #tpu.memory_space<vmem>>, vector<16xi32>,
    %gather3A_661 = tpu.vector_load_idx %arg14[%get3A_644] : memref<256xi32, #tpu.memory_space<vmem>>[vector<16xi32>], vector<16xi32>,
    %swap3A_662 = arith.constant 160 : index
    %swap3A_663 = tpu.vector_load %arg25[%swap3A_662] {strides = array<i32>} : memref<256xi32, #tpu.memory_space<vmem>>, vector<16xi32>,
    tpu.vector_store %arg25[%swap3A_662], %gather3A_661 {strides = array<i32>} : memref<256xi32, #tpu.memory_space<vmem>>, vector<16xi32>,
    %swap3A_664 = arith.constant 160 : index
    %swap3A_665 = tpu.vector_load %arg26[%swap3A_664] {strides = array<i32>} : memref<256xi32, #tpu.memory_space<vmem>>, vector<16xi32>,
    tpu.vector_store %arg26[%swap3A_664], %gather3A_645 {strides = array<i32>} : memref<256xi32, #tpu.memory_space<vmem>>, vector<16xi32>,
    %get3A_666 = arith.constant 176 : index
    %get3A_667 = tpu.vector_load %arg15[%get3A_666] {strides = array<i32>} : memref<272xi32, #tpu.memory_space<vmem>>, vector<16xi32>,
    %gather3A_668 = tpu.vector_load_idx %arg11[%get3A_667] : memref<256xi32, #tpu.memory_space<vmem>>[vector<16xi32>], vector<16xi32>,
    %gather3A_669 = tpu.vector_load_idx %arg21[%gather3A_668] : memref<48xi32, #tpu.memory_space<vmem>>[vector<16xi32>], vector<16xi32>,
    %add3A_670 = arith.addi %gather3A_669, %iota3A : vector<16xi32>
    %broadcast_in_dim3A_671 = arith.constant 176 : i32
    %broadcast_in_dim3A_672 = vector.broadcast %broadcast_in_dim3A_671 : i32 to vector<16xi32>
    %add3A_673 = arith.addi %add3A_670, %broadcast_in_dim3A_672 : vector<16xi32>
    %swap3A_674 = arith.constant 1 : i32
    %swap3A_675 = arith.index_cast %swap3A_674 : i32 to index
    %swap3A_676 = arith.constant 48 : index
    %swap3A_677 = tpu.vector_load %arg22[%swap3A_675, %swap3A_676] {strides = array<i32>} : memref<2x128xi32, #tpu.memory_space<vmem>>, vector<16xi32>,
    tpu.vector_store %arg22[%swap3A_675, %swap3A_676], %add3A_673 {strides = array<i32>} : memref<2x128xi32, #tpu.memory_space<vmem>>, vector<16xi32>,
    %gather3A_678 = tpu.vector_load_idx %arg12[%get3A_667] : memref<256xi32, #tpu.memory_space<vmem>>[vector<16xi32>], vector<16xi32>,
    %swap3A_679 = arith.constant 176 : index
    %swap3A_680 = tpu.vector_load %arg23[%swap3A_679] {strides = array<i32>} : memref<256xi32, #tpu.memory_space<vmem>>, vector<16xi32>,
    tpu.vector_store %arg23[%swap3A_679], %gather3A_678 {strides = array<i32>} : memref<256xi32, #tpu.memory_space<vmem>>, vector<16xi32>,
    %gather3A_681 = tpu.vector_load_idx %arg13[%get3A_667] : memref<256xi32, #tpu.memory_space<vmem>>[vector<16xi32>], vector<16xi32>,
    %swap3A_682 = arith.constant 176 : index
    %swap3A_683 = tpu.vector_load %arg24[%swap3A_682] {strides = array<i32>} : memref<256xi32, #tpu.memory_space<vmem>>, vector<16xi32>,
    tpu.vector_store %arg24[%swap3A_682], %gather3A_681 {strides = array<i32>} : memref<256xi32, #tpu.memory_space<vmem>>, vector<16xi32>,
    %gather3A_684 = tpu.vector_load_idx %arg14[%get3A_667] : memref<256xi32, #tpu.memory_space<vmem>>[vector<16xi32>], vector<16xi32>,
    %swap3A_685 = arith.constant 176 : index
    %swap3A_686 = tpu.vector_load %arg25[%swap3A_685] {strides = array<i32>} : memref<256xi32, #tpu.memory_space<vmem>>, vector<16xi32>,
    tpu.vector_store %arg25[%swap3A_685], %gather3A_684 {strides = array<i32>} : memref<256xi32, #tpu.memory_space<vmem>>, vector<16xi32>,
    %swap3A_687 = arith.constant 176 : index
    %swap3A_688 = tpu.vector_load %arg26[%swap3A_687] {strides = array<i32>} : memref<256xi32, #tpu.memory_space<vmem>>, vector<16xi32>,
    tpu.vector_store %arg26[%swap3A_687], %gather3A_668 {strides = array<i32>} : memref<256xi32, #tpu.memory_space<vmem>>, vector<16xi32>,
    %get3A_689 = arith.constant 192 : index
    %get3A_690 = tpu.vector_load %arg15[%get3A_689] {strides = array<i32>} : memref<272xi32, #tpu.memory_space<vmem>>, vector<16xi32>,
    %gather3A_691 = tpu.vector_load_idx %arg11[%get3A_690] : memref<256xi32, #tpu.memory_space<vmem>>[vector<16xi32>], vector<16xi32>,
    %gather3A_692 = tpu.vector_load_idx %arg21[%gather3A_691] : memref<48xi32, #tpu.memory_space<vmem>>[vector<16xi32>], vector<16xi32>,
    %add3A_693 = arith.addi %gather3A_692, %iota3A : vector<16xi32>
    %broadcast_in_dim3A_694 = arith.constant 192 : i32
    %broadcast_in_dim3A_695 = vector.broadcast %broadcast_in_dim3A_694 : i32 to vector<16xi32>
    %add3A_696 = arith.addi %add3A_693, %broadcast_in_dim3A_695 : vector<16xi32>
    %swap3A_697 = arith.constant 1 : i32
    %swap3A_698 = arith.index_cast %swap3A_697 : i32 to index
    %swap3A_699 = arith.constant 64 : index
    %swap3A_700 = tpu.vector_load %arg22[%swap3A_698, %swap3A_699] {strides = array<i32>} : memref<2x128xi32, #tpu.memory_space<vmem>>, vector<16xi32>,
    tpu.vector_store %arg22[%swap3A_698, %swap3A_699], %add3A_696 {strides = array<i32>} : memref<2x128xi32, #tpu.memory_space<vmem>>, vector<16xi32>,
    %gather3A_701 = tpu.vector_load_idx %arg12[%get3A_690] : memref<256xi32, #tpu.memory_space<vmem>>[vector<16xi32>], vector<16xi32>,
    %swap3A_702 = arith.constant 192 : index
    %swap3A_703 = tpu.vector_load %arg23[%swap3A_702] {strides = array<i32>} : memref<256xi32, #tpu.memory_space<vmem>>, vector<16xi32>,
    tpu.vector_store %arg23[%swap3A_702], %gather3A_701 {strides = array<i32>} : memref<256xi32, #tpu.memory_space<vmem>>, vector<16xi32>,
    %gather3A_704 = tpu.vector_load_idx %arg13[%get3A_690] : memref<256xi32, #tpu.memory_space<vmem>>[vector<16xi32>], vector<16xi32>,
    %swap3A_705 = arith.constant 192 : index
    %swap3A_706 = tpu.vector_load %arg24[%swap3A_705] {strides = array<i32>} : memref<256xi32, #tpu.memory_space<vmem>>, vector<16xi32>,
    tpu.vector_store %arg24[%swap3A_705], %gather3A_704 {strides = array<i32>} : memref<256xi32, #tpu.memory_space<vmem>>, vector<16xi32>,
    %gather3A_707 = tpu.vector_load_idx %arg14[%get3A_690] : memref<256xi32, #tpu.memory_space<vmem>>[vector<16xi32>], vector<16xi32>,
    %swap3A_708 = arith.constant 192 : index
    %swap3A_709 = tpu.vector_load %arg25[%swap3A_708] {strides = array<i32>} : memref<256xi32, #tpu.memory_space<vmem>>, vector<16xi32>,
    tpu.vector_store %arg25[%swap3A_708], %gather3A_707 {strides = array<i32>} : memref<256xi32, #tpu.memory_space<vmem>>, vector<16xi32>,
    %swap3A_710 = arith.constant 192 : index
    %swap3A_711 = tpu.vector_load %arg26[%swap3A_710] {strides = array<i32>} : memref<256xi32, #tpu.memory_space<vmem>>, vector<16xi32>,
    tpu.vector_store %arg26[%swap3A_710], %gather3A_691 {strides = array<i32>} : memref<256xi32, #tpu.memory_space<vmem>>, vector<16xi32>,
    %get3A_712 = arith.constant 208 : index
    %get3A_713 = tpu.vector_load %arg15[%get3A_712] {strides = array<i32>} : memref<272xi32, #tpu.memory_space<vmem>>, vector<16xi32>,
    %gather3A_714 = tpu.vector_load_idx %arg11[%get3A_713] : memref<256xi32, #tpu.memory_space<vmem>>[vector<16xi32>], vector<16xi32>,
    %gather3A_715 = tpu.vector_load_idx %arg21[%gather3A_714] : memref<48xi32, #tpu.memory_space<vmem>>[vector<16xi32>], vector<16xi32>,
    %add3A_716 = arith.addi %gather3A_715, %iota3A : vector<16xi32>
    %broadcast_in_dim3A_717 = arith.constant 208 : i32
    %broadcast_in_dim3A_718 = vector.broadcast %broadcast_in_dim3A_717 : i32 to vector<16xi32>
    %add3A_719 = arith.addi %add3A_716, %broadcast_in_dim3A_718 : vector<16xi32>
    %swap3A_720 = arith.constant 1 : i32
    %swap3A_721 = arith.index_cast %swap3A_720 : i32 to index
    %swap3A_722 = arith.constant 80 : index
    %swap3A_723 = tpu.vector_load %arg22[%swap3A_721, %swap3A_722] {strides = array<i32>} : memref<2x128xi32, #tpu.memory_space<vmem>>, vector<16xi32>,
    tpu.vector_store %arg22[%swap3A_721, %swap3A_722], %add3A_719 {strides = array<i32>} : memref<2x128xi32, #tpu.memory_space<vmem>>, vector<16xi32>,
    %gather3A_724 = tpu.vector_load_idx %arg12[%get3A_713] : memref<256xi32, #tpu.memory_space<vmem>>[vector<16xi32>], vector<16xi32>,
    %swap3A_725 = arith.constant 208 : index
    %swap3A_726 = tpu.vector_load %arg23[%swap3A_725] {strides = array<i32>} : memref<256xi32, #tpu.memory_space<vmem>>, vector<16xi32>,
    tpu.vector_store %arg23[%swap3A_725], %gather3A_724 {strides = array<i32>} : memref<256xi32, #tpu.memory_space<vmem>>, vector<16xi32>,
    %gather3A_727 = tpu.vector_load_idx %arg13[%get3A_713] : memref<256xi32, #tpu.memory_space<vmem>>[vector<16xi32>], vector<16xi32>,
    %swap3A_728 = arith.constant 208 : index
    %swap3A_729 = tpu.vector_load %arg24[%swap3A_728] {strides = array<i32>} : memref<256xi32, #tpu.memory_space<vmem>>, vector<16xi32>,
    tpu.vector_store %arg24[%swap3A_728], %gather3A_727 {strides = array<i32>} : memref<256xi32, #tpu.memory_space<vmem>>, vector<16xi32>,
    %gather3A_730 = tpu.vector_load_idx %arg14[%get3A_713] : memref<256xi32, #tpu.memory_space<vmem>>[vector<16xi32>], vector<16xi32>,
    %swap3A_731 = arith.constant 208 : index
    %swap3A_732 = tpu.vector_load %arg25[%swap3A_731] {strides = array<i32>} : memref<256xi32, #tpu.memory_space<vmem>>, vector<16xi32>,
    tpu.vector_store %arg25[%swap3A_731], %gather3A_730 {strides = array<i32>} : memref<256xi32, #tpu.memory_space<vmem>>, vector<16xi32>,
    %swap3A_733 = arith.constant 208 : index
    %swap3A_734 = tpu.vector_load %arg26[%swap3A_733] {strides = array<i32>} : memref<256xi32, #tpu.memory_space<vmem>>, vector<16xi32>,
    tpu.vector_store %arg26[%swap3A_733], %gather3A_714 {strides = array<i32>} : memref<256xi32, #tpu.memory_space<vmem>>, vector<16xi32>,
    %get3A_735 = arith.constant 224 : index
    %get3A_736 = tpu.vector_load %arg15[%get3A_735] {strides = array<i32>} : memref<272xi32, #tpu.memory_space<vmem>>, vector<16xi32>,
    %gather3A_737 = tpu.vector_load_idx %arg11[%get3A_736] : memref<256xi32, #tpu.memory_space<vmem>>[vector<16xi32>], vector<16xi32>,
    %gather3A_738 = tpu.vector_load_idx %arg21[%gather3A_737] : memref<48xi32, #tpu.memory_space<vmem>>[vector<16xi32>], vector<16xi32>,
    %add3A_739 = arith.addi %gather3A_738, %iota3A : vector<16xi32>
    %broadcast_in_dim3A_740 = arith.constant 224 : i32
    %broadcast_in_dim3A_741 = vector.broadcast %broadcast_in_dim3A_740 : i32 to vector<16xi32>
    %add3A_742 = arith.addi %add3A_739, %broadcast_in_dim3A_741 : vector<16xi32>
    %swap3A_743 = arith.constant 1 : i32
    %swap3A_744 = arith.index_cast %swap3A_743 : i32 to index
    %swap3A_745 = arith.constant 96 : index
    %swap3A_746 = tpu.vector_load %arg22[%swap3A_744, %swap3A_745] {strides = array<i32>} : memref<2x128xi32, #tpu.memory_space<vmem>>, vector<16xi32>,
    tpu.vector_store %arg22[%swap3A_744, %swap3A_745], %add3A_742 {strides = array<i32>} : memref<2x128xi32, #tpu.memory_space<vmem>>, vector<16xi32>,
    %gather3A_747 = tpu.vector_load_idx %arg12[%get3A_736] : memref<256xi32, #tpu.memory_space<vmem>>[vector<16xi32>], vector<16xi32>,
    %swap3A_748 = arith.constant 224 : index
    %swap3A_749 = tpu.vector_load %arg23[%swap3A_748] {strides = array<i32>} : memref<256xi32, #tpu.memory_space<vmem>>, vector<16xi32>,
    tpu.vector_store %arg23[%swap3A_748], %gather3A_747 {strides = array<i32>} : memref<256xi32, #tpu.memory_space<vmem>>, vector<16xi32>,
    %gather3A_750 = tpu.vector_load_idx %arg13[%get3A_736] : memref<256xi32, #tpu.memory_space<vmem>>[vector<16xi32>], vector<16xi32>,
    %swap3A_751 = arith.constant 224 : index
    %swap3A_752 = tpu.vector_load %arg24[%swap3A_751] {strides = array<i32>} : memref<256xi32, #tpu.memory_space<vmem>>, vector<16xi32>,
    tpu.vector_store %arg24[%swap3A_751], %gather3A_750 {strides = array<i32>} : memref<256xi32, #tpu.memory_space<vmem>>, vector<16xi32>,
    %gather3A_753 = tpu.vector_load_idx %arg14[%get3A_736] : memref<256xi32, #tpu.memory_space<vmem>>[vector<16xi32>], vector<16xi32>,
    %swap3A_754 = arith.constant 224 : index
    %swap3A_755 = tpu.vector_load %arg25[%swap3A_754] {strides = array<i32>} : memref<256xi32, #tpu.memory_space<vmem>>, vector<16xi32>,
    tpu.vector_store %arg25[%swap3A_754], %gather3A_753 {strides = array<i32>} : memref<256xi32, #tpu.memory_space<vmem>>, vector<16xi32>,
    %swap3A_756 = arith.constant 224 : index
    %swap3A_757 = tpu.vector_load %arg26[%swap3A_756] {strides = array<i32>} : memref<256xi32, #tpu.memory_space<vmem>>, vector<16xi32>,
    tpu.vector_store %arg26[%swap3A_756], %gather3A_737 {strides = array<i32>} : memref<256xi32, #tpu.memory_space<vmem>>, vector<16xi32>,
    %get3A_758 = arith.constant 240 : index
    %get3A_759 = tpu.vector_load %arg15[%get3A_758] {strides = array<i32>} : memref<272xi32, #tpu.memory_space<vmem>>, vector<16xi32>,
    %gather3A_760 = tpu.vector_load_idx %arg11[%get3A_759] : memref<256xi32, #tpu.memory_space<vmem>>[vector<16xi32>], vector<16xi32>,
    %gather3A_761 = tpu.vector_load_idx %arg21[%gather3A_760] : memref<48xi32, #tpu.memory_space<vmem>>[vector<16xi32>], vector<16xi32>,
    %add3A_762 = arith.addi %gather3A_761, %iota3A : vector<16xi32>
    %broadcast_in_dim3A_763 = arith.constant 240 : i32
    %broadcast_in_dim3A_764 = vector.broadcast %broadcast_in_dim3A_763 : i32 to vector<16xi32>
    %add3A_765 = arith.addi %add3A_762, %broadcast_in_dim3A_764 : vector<16xi32>
    %swap3A_766 = arith.constant 1 : i32
    %swap3A_767 = arith.index_cast %swap3A_766 : i32 to index
    %swap3A_768 = arith.constant 112 : index
    %swap3A_769 = tpu.vector_load %arg22[%swap3A_767, %swap3A_768] {strides = array<i32>} : memref<2x128xi32, #tpu.memory_space<vmem>>, vector<16xi32>,
    tpu.vector_store %arg22[%swap3A_767, %swap3A_768], %add3A_765 {strides = array<i32>} : memref<2x128xi32, #tpu.memory_space<vmem>>, vector<16xi32>,
    %gather3A_770 = tpu.vector_load_idx %arg12[%get3A_759] : memref<256xi32, #tpu.memory_space<vmem>>[vector<16xi32>], vector<16xi32>,
    %swap3A_771 = arith.constant 240 : index
    %swap3A_772 = tpu.vector_load %arg23[%swap3A_771] {strides = array<i32>} : memref<256xi32, #tpu.memory_space<vmem>>, vector<16xi32>,
    tpu.vector_store %arg23[%swap3A_771], %gather3A_770 {strides = array<i32>} : memref<256xi32, #tpu.memory_space<vmem>>, vector<16xi32>,
    %gather3A_773 = tpu.vector_load_idx %arg13[%get3A_759] : memref<256xi32, #tpu.memory_space<vmem>>[vector<16xi32>], vector<16xi32>,
    %swap3A_774 = arith.constant 240 : index
    %swap3A_775 = tpu.vector_load %arg24[%swap3A_774] {strides = array<i32>} : memref<256xi32, #tpu.memory_space<vmem>>, vector<16xi32>,
    tpu.vector_store %arg24[%swap3A_774], %gather3A_773 {strides = array<i32>} : memref<256xi32, #tpu.memory_space<vmem>>, vector<16xi32>,
    %gather3A_776 = tpu.vector_load_idx %arg14[%get3A_759] : memref<256xi32, #tpu.memory_space<vmem>>[vector<16xi32>], vector<16xi32>,
    %swap3A_777 = arith.constant 240 : index
    %swap3A_778 = tpu.vector_load %arg25[%swap3A_777] {strides = array<i32>} : memref<256xi32, #tpu.memory_space<vmem>>, vector<16xi32>,
    tpu.vector_store %arg25[%swap3A_777], %gather3A_776 {strides = array<i32>} : memref<256xi32, #tpu.memory_space<vmem>>, vector<16xi32>,
    %swap3A_779 = arith.constant 240 : index
    %swap3A_780 = tpu.vector_load %arg26[%swap3A_779] {strides = array<i32>} : memref<256xi32, #tpu.memory_space<vmem>>, vector<16xi32>,
    tpu.vector_store %arg26[%swap3A_779], %gather3A_760 {strides = array<i32>} : memref<256xi32, #tpu.memory_space<vmem>>, vector<16xi32>,
    %dma_start3A_781 = arith.constant 0 : i32
    %dma_start3A_782 = arith.constant 0 : i32
    %dma_start3A_783 = tpu.memref_slice %arg26[%dma_start3A_782] : memref<256xi32, #tpu.memory_space<vmem>> -> memref<128xi32, #tpu.memory_space<vmem>>
    %dma_start3A_784 = arith.constant 0 : i32
    %dma_start3A_785 = tpu.memref_slice %arg22[%dma_start3A_781, %dma_start3A_784] : memref<2x128xi32, #tpu.memory_space<vmem>> -> memref<1x128xi32, #tpu.memory_space<vmem>>
    %dma_start3A_786 = tpu.memref_squeeze %dma_start3A_785 : memref<1x128xi32, #tpu.memory_space<vmem>> -> memref<128xi32, #tpu.memory_space<vmem>>
    %dma_start3A_787 = arith.constant 0 : i32
    %dma_start3A_788 = tpu.memref_slice %arg10[%dma_start3A_787] : memref<8192xi32, #tpu.memory_space<hbm>> -> memref<8192xi32, #tpu.memory_space<hbm>>
    tpu.enqueue_indirect_dma source(%dma_start3A_783 : memref<128xi32, #tpu.memory_space<vmem>>) target(%dma_start3A_788 : memref<8192xi32, #tpu.memory_space<hbm>>) offsets(%dma_start3A_786 : memref<128xi32, #tpu.memory_space<vmem>>) semaphore(%arg41 : memref<!tpu.dma_semaphore, #tpu.memory_space<semaphore_mem>>)
    %dma_start3A_789 = arith.constant 1 : i32
    %dma_start3A_790 = arith.constant 128 : i32
    %dma_start3A_791 = tpu.memref_slice %arg26[%dma_start3A_790] : memref<256xi32, #tpu.memory_space<vmem>> -> memref<128xi32, #tpu.memory_space<vmem>>
    %dma_start3A_792 = arith.constant 0 : i32
    %dma_start3A_793 = tpu.memref_slice %arg22[%dma_start3A_789, %dma_start3A_792] : memref<2x128xi32, #tpu.memory_space<vmem>> -> memref<1x128xi32, #tpu.memory_space<vmem>>
    %dma_start3A_794 = tpu.memref_squeeze %dma_start3A_793 : memref<1x128xi32, #tpu.memory_space<vmem>> -> memref<128xi32, #tpu.memory_space<vmem>>
    %dma_start3A_795 = arith.constant 0 : i32
    %dma_start3A_796 = tpu.memref_slice %arg10[%dma_start3A_795] : memref<8192xi32, #tpu.memory_space<hbm>> -> memref<8192xi32, #tpu.memory_space<hbm>>
    tpu.enqueue_indirect_dma source(%dma_start3A_791 : memref<128xi32, #tpu.memory_space<vmem>>) target(%dma_start3A_796 : memref<8192xi32, #tpu.memory_space<hbm>>) offsets(%dma_start3A_794 : memref<128xi32, #tpu.memory_space<vmem>>) semaphore(%arg41 : memref<!tpu.dma_semaphore, #tpu.memory_space<semaphore_mem>>)
    %dma_start3A_797 = arith.constant 0 : i32
    %dma_start3A_798 = tpu.memref_slice %arg23[%dma_start3A_797] : memref<256xi32, #tpu.memory_space<vmem>> -> memref<128xi32, #tpu.memory_space<vmem>>
    %dma_start3A_799 = arith.constant 0 : i32
    %dma_start3A_800 = arith.constant 0 : i32
    %dma_start3A_801 = tpu.memref_slice %arg2[%dma_start3A_799, %dma_start3A_800] : memref<110000x128xf32, #tpu.memory_space<hbm>> -> memref<110000x128xf32, #tpu.memory_space<hbm>>
    tpu.enqueue_indirect_dma source(%dma_start3A_801 : memref<110000x128xf32, #tpu.memory_space<hbm>>) target(%arg28 : memref<128x128xf32, #tpu.memory_space<vmem>>) offsets(%dma_start3A_798 : memref<128xi32, #tpu.memory_space<vmem>>) semaphore(%arg35 : memref<!tpu.dma_semaphore, #tpu.memory_space<semaphore_mem>>)
    %dma_start3A_802 = arith.constant 0 : i32
    %dma_start3A_803 = tpu.memref_slice %arg24[%dma_start3A_802] : memref<256xi32, #tpu.memory_space<vmem>> -> memref<128xi32, #tpu.memory_space<vmem>>
    %dma_start3A_804 = arith.constant 0 : i32
    %dma_start3A_805 = arith.constant 0 : i32
    %dma_start3A_806 = tpu.memref_slice %arg2[%dma_start3A_804, %dma_start3A_805] : memref<110000x128xf32, #tpu.memory_space<hbm>> -> memref<110000x128xf32, #tpu.memory_space<hbm>>
    tpu.enqueue_indirect_dma source(%dma_start3A_806 : memref<110000x128xf32, #tpu.memory_space<hbm>>) target(%arg29 : memref<128x128xf32, #tpu.memory_space<vmem>>) offsets(%dma_start3A_803 : memref<128xi32, #tpu.memory_space<vmem>>) semaphore(%arg36 : memref<!tpu.dma_semaphore, #tpu.memory_space<semaphore_mem>>)
    %dma_start3A_807 = arith.constant 0 : i32
    %dma_start3A_808 = tpu.memref_slice %arg25[%dma_start3A_807] : memref<256xi32, #tpu.memory_space<vmem>> -> memref<128xi32, #tpu.memory_space<vmem>>
    %dma_start3A_809 = arith.constant 0 : i32
    %dma_start3A_810 = arith.constant 0 : i32
    %dma_start3A_811 = tpu.memref_slice %arg2[%dma_start3A_809, %dma_start3A_810] : memref<110000x128xf32, #tpu.memory_space<hbm>> -> memref<110000x128xf32, #tpu.memory_space<hbm>>
    tpu.enqueue_indirect_dma source(%dma_start3A_811 : memref<110000x128xf32, #tpu.memory_space<hbm>>) target(%arg30 : memref<128x128xf32, #tpu.memory_space<vmem>>) offsets(%dma_start3A_808 : memref<128xi32, #tpu.memory_space<vmem>>) semaphore(%arg37 : memref<!tpu.dma_semaphore, #tpu.memory_space<semaphore_mem>>)
    %dma_start3A_812 = arith.constant 128 : i32
    %dma_start3A_813 = tpu.memref_slice %arg23[%dma_start3A_812] : memref<256xi32, #tpu.memory_space<vmem>> -> memref<128xi32, #tpu.memory_space<vmem>>
    %dma_start3A_814 = arith.constant 0 : i32
    %dma_start3A_815 = arith.constant 0 : i32
    %dma_start3A_816 = tpu.memref_slice %arg2[%dma_start3A_814, %dma_start3A_815] : memref<110000x128xf32, #tpu.memory_space<hbm>> -> memref<110000x128xf32, #tpu.memory_space<hbm>>
    tpu.enqueue_indirect_dma source(%dma_start3A_816 : memref<110000x128xf32, #tpu.memory_space<hbm>>) target(%arg31 : memref<128x128xf32, #tpu.memory_space<vmem>>) offsets(%dma_start3A_813 : memref<128xi32, #tpu.memory_space<vmem>>) semaphore(%arg38 : memref<!tpu.dma_semaphore, #tpu.memory_space<semaphore_mem>>)
    %dma_start3A_817 = arith.constant 128 : i32
    %dma_start3A_818 = tpu.memref_slice %arg24[%dma_start3A_817] : memref<256xi32, #tpu.memory_space<vmem>> -> memref<128xi32, #tpu.memory_space<vmem>>
    %dma_start3A_819 = arith.constant 0 : i32
    %dma_start3A_820 = arith.constant 0 : i32
    %dma_start3A_821 = tpu.memref_slice %arg2[%dma_start3A_819, %dma_start3A_820] : memref<110000x128xf32, #tpu.memory_space<hbm>> -> memref<110000x128xf32, #tpu.memory_space<hbm>>
    tpu.enqueue_indirect_dma source(%dma_start3A_821 : memref<110000x128xf32, #tpu.memory_space<hbm>>) target(%arg32 : memref<128x128xf32, #tpu.memory_space<vmem>>) offsets(%dma_start3A_818 : memref<128xi32, #tpu.memory_space<vmem>>) semaphore(%arg39 : memref<!tpu.dma_semaphore, #tpu.memory_space<semaphore_mem>>)
    %dma_start3A_822 = arith.constant 128 : i32
    %dma_start3A_823 = tpu.memref_slice %arg25[%dma_start3A_822] : memref<256xi32, #tpu.memory_space<vmem>> -> memref<128xi32, #tpu.memory_space<vmem>>
    %dma_start3A_824 = arith.constant 0 : i32
    %dma_start3A_825 = arith.constant 0 : i32
    %dma_start3A_826 = tpu.memref_slice %arg2[%dma_start3A_824, %dma_start3A_825] : memref<110000x128xf32, #tpu.memory_space<hbm>> -> memref<110000x128xf32, #tpu.memory_space<hbm>>
    tpu.enqueue_indirect_dma source(%dma_start3A_826 : memref<110000x128xf32, #tpu.memory_space<hbm>>) target(%arg33 : memref<128x128xf32, #tpu.memory_space<vmem>>) offsets(%dma_start3A_823 : memref<128xi32, #tpu.memory_space<vmem>>) semaphore(%arg40 : memref<!tpu.dma_semaphore, #tpu.memory_space<semaphore_mem>>)
    %dma_wait3A_827 = arith.constant 0 : i32
    %dma_wait3A_828 = tpu.memref_slice %arg23[%dma_wait3A_827] : memref<256xi32, #tpu.memory_space<vmem>> -> memref<128xi32, #tpu.memory_space<vmem>>
    %dma_wait3A_829 = arith.constant 0 : i32
    %dma_wait3A_830 = arith.constant 0 : i32
    %dma_wait3A_831 = tpu.memref_slice %arg2[%dma_wait3A_829, %dma_wait3A_830] : memref<110000x128xf32, #tpu.memory_space<hbm>> -> memref<110000x128xf32, #tpu.memory_space<hbm>>
    tpu.wait_indirect_dma semaphore(%arg35 : memref<!tpu.dma_semaphore, #tpu.memory_space<semaphore_mem>>) src(%dma_wait3A_831 : memref<110000x128xf32, #tpu.memory_space<hbm>>) dst(%arg28 : memref<128x128xf32, #tpu.memory_space<vmem>>)
    %dma_start3A_832 = arith.constant 0 : i32
    %dma_start3A_833 = arith.constant 0 : i32
    %dma_start3A_834 = tpu.memref_slice %arg22[%dma_start3A_832, %dma_start3A_833] : memref<2x128xi32, #tpu.memory_space<vmem>> -> memref<1x128xi32, #tpu.memory_space<vmem>>
    %dma_start3A_835 = tpu.memref_squeeze %dma_start3A_834 : memref<1x128xi32, #tpu.memory_space<vmem>> -> memref<128xi32, #tpu.memory_space<vmem>>
    %dma_start3A_836 = arith.constant 0 : i32
    %dma_start3A_837 = arith.constant 0 : i32
    %dma_start3A_838 = tpu.memref_slice %arg7[%dma_start3A_836, %dma_start3A_837] : memref<8192x128xf32, #tpu.memory_space<hbm>> -> memref<8192x128xf32, #tpu.memory_space<hbm>>
    tpu.enqueue_indirect_dma source(%arg28 : memref<128x128xf32, #tpu.memory_space<vmem>>) target(%dma_start3A_838 : memref<8192x128xf32, #tpu.memory_space<hbm>>) offsets(%dma_start3A_835 : memref<128xi32, #tpu.memory_space<vmem>>) semaphore(%arg35 : memref<!tpu.dma_semaphore, #tpu.memory_space<semaphore_mem>>)
    %dma_wait3A_839 = arith.constant 0 : i32
    %dma_wait3A_840 = tpu.memref_slice %arg24[%dma_wait3A_839] : memref<256xi32, #tpu.memory_space<vmem>> -> memref<128xi32, #tpu.memory_space<vmem>>
    %dma_wait3A_841 = arith.constant 0 : i32
    %dma_wait3A_842 = arith.constant 0 : i32
    %dma_wait3A_843 = tpu.memref_slice %arg2[%dma_wait3A_841, %dma_wait3A_842] : memref<110000x128xf32, #tpu.memory_space<hbm>> -> memref<110000x128xf32, #tpu.memory_space<hbm>>
    tpu.wait_indirect_dma semaphore(%arg36 : memref<!tpu.dma_semaphore, #tpu.memory_space<semaphore_mem>>) src(%dma_wait3A_843 : memref<110000x128xf32, #tpu.memory_space<hbm>>) dst(%arg29 : memref<128x128xf32, #tpu.memory_space<vmem>>)
    %dma_start3A_844 = arith.constant 0 : i32
    %dma_start3A_845 = arith.constant 0 : i32
    %dma_start3A_846 = tpu.memref_slice %arg22[%dma_start3A_844, %dma_start3A_845] : memref<2x128xi32, #tpu.memory_space<vmem>> -> memref<1x128xi32, #tpu.memory_space<vmem>>
    %dma_start3A_847 = tpu.memref_squeeze %dma_start3A_846 : memref<1x128xi32, #tpu.memory_space<vmem>> -> memref<128xi32, #tpu.memory_space<vmem>>
    %dma_start3A_848 = arith.constant 0 : i32
    %dma_start3A_849 = arith.constant 0 : i32
    %dma_start3A_850 = tpu.memref_slice %arg8[%dma_start3A_848, %dma_start3A_849] : memref<8192x128xf32, #tpu.memory_space<hbm>> -> memref<8192x128xf32, #tpu.memory_space<hbm>>
    tpu.enqueue_indirect_dma source(%arg29 : memref<128x128xf32, #tpu.memory_space<vmem>>) target(%dma_start3A_850 : memref<8192x128xf32, #tpu.memory_space<hbm>>) offsets(%dma_start3A_847 : memref<128xi32, #tpu.memory_space<vmem>>) semaphore(%arg36 : memref<!tpu.dma_semaphore, #tpu.memory_space<semaphore_mem>>)
    %dma_wait3A_851 = arith.constant 0 : i32
    %dma_wait3A_852 = tpu.memref_slice %arg25[%dma_wait3A_851] : memref<256xi32, #tpu.memory_space<vmem>> -> memref<128xi32, #tpu.memory_space<vmem>>
    %dma_wait3A_853 = arith.constant 0 : i32
    %dma_wait3A_854 = arith.constant 0 : i32
    %dma_wait3A_855 = tpu.memref_slice %arg2[%dma_wait3A_853, %dma_wait3A_854] : memref<110000x128xf32, #tpu.memory_space<hbm>> -> memref<110000x128xf32, #tpu.memory_space<hbm>>
    tpu.wait_indirect_dma semaphore(%arg37 : memref<!tpu.dma_semaphore, #tpu.memory_space<semaphore_mem>>) src(%dma_wait3A_855 : memref<110000x128xf32, #tpu.memory_space<hbm>>) dst(%arg30 : memref<128x128xf32, #tpu.memory_space<vmem>>)
    %dma_start3A_856 = arith.constant 0 : i32
    %dma_start3A_857 = arith.constant 0 : i32
    %dma_start3A_858 = tpu.memref_slice %arg22[%dma_start3A_856, %dma_start3A_857] : memref<2x128xi32, #tpu.memory_space<vmem>> -> memref<1x128xi32, #tpu.memory_space<vmem>>
    %dma_start3A_859 = tpu.memref_squeeze %dma_start3A_858 : memref<1x128xi32, #tpu.memory_space<vmem>> -> memref<128xi32, #tpu.memory_space<vmem>>
    %dma_start3A_860 = arith.constant 0 : i32
    %dma_start3A_861 = arith.constant 0 : i32
    %dma_start3A_862 = tpu.memref_slice %arg9[%dma_start3A_860, %dma_start3A_861] : memref<8192x128xf32, #tpu.memory_space<hbm>> -> memref<8192x128xf32, #tpu.memory_space<hbm>>
    tpu.enqueue_indirect_dma source(%arg30 : memref<128x128xf32, #tpu.memory_space<vmem>>) target(%dma_start3A_862 : memref<8192x128xf32, #tpu.memory_space<hbm>>) offsets(%dma_start3A_859 : memref<128xi32, #tpu.memory_space<vmem>>) semaphore(%arg37 : memref<!tpu.dma_semaphore, #tpu.memory_space<semaphore_mem>>)
    %dma_wait3A_863 = arith.constant 128 : i32
    %dma_wait3A_864 = tpu.memref_slice %arg23[%dma_wait3A_863] : memref<256xi32, #tpu.memory_space<vmem>> -> memref<128xi32, #tpu.memory_space<vmem>>
    %dma_wait3A_865 = arith.constant 0 : i32
    %dma_wait3A_866 = arith.constant 0 : i32
    %dma_wait3A_867 = tpu.memref_slice %arg2[%dma_wait3A_865, %dma_wait3A_866] : memref<110000x128xf32, #tpu.memory_space<hbm>> -> memref<110000x128xf32, #tpu.memory_space<hbm>>
    tpu.wait_indirect_dma semaphore(%arg38 : memref<!tpu.dma_semaphore, #tpu.memory_space<semaphore_mem>>) src(%dma_wait3A_867 : memref<110000x128xf32, #tpu.memory_space<hbm>>) dst(%arg31 : memref<128x128xf32, #tpu.memory_space<vmem>>)
    %dma_start3A_868 = arith.constant 1 : i32
    %dma_start3A_869 = arith.constant 0 : i32
    %dma_start3A_870 = tpu.memref_slice %arg22[%dma_start3A_868, %dma_start3A_869] : memref<2x128xi32, #tpu.memory_space<vmem>> -> memref<1x128xi32, #tpu.memory_space<vmem>>
    %dma_start3A_871 = tpu.memref_squeeze %dma_start3A_870 : memref<1x128xi32, #tpu.memory_space<vmem>> -> memref<128xi32, #tpu.memory_space<vmem>>
    %dma_start3A_872 = arith.constant 0 : i32
    %dma_start3A_873 = arith.constant 0 : i32
    %dma_start3A_874 = tpu.memref_slice %arg7[%dma_start3A_872, %dma_start3A_873] : memref<8192x128xf32, #tpu.memory_space<hbm>> -> memref<8192x128xf32, #tpu.memory_space<hbm>>
    tpu.enqueue_indirect_dma source(%arg31 : memref<128x128xf32, #tpu.memory_space<vmem>>) target(%dma_start3A_874 : memref<8192x128xf32, #tpu.memory_space<hbm>>) offsets(%dma_start3A_871 : memref<128xi32, #tpu.memory_space<vmem>>) semaphore(%arg38 : memref<!tpu.dma_semaphore, #tpu.memory_space<semaphore_mem>>)
    %dma_wait3A_875 = arith.constant 128 : i32
    %dma_wait3A_876 = tpu.memref_slice %arg24[%dma_wait3A_875] : memref<256xi32, #tpu.memory_space<vmem>> -> memref<128xi32, #tpu.memory_space<vmem>>
    %dma_wait3A_877 = arith.constant 0 : i32
    %dma_wait3A_878 = arith.constant 0 : i32
    %dma_wait3A_879 = tpu.memref_slice %arg2[%dma_wait3A_877, %dma_wait3A_878] : memref<110000x128xf32, #tpu.memory_space<hbm>> -> memref<110000x128xf32, #tpu.memory_space<hbm>>
    tpu.wait_indirect_dma semaphore(%arg39 : memref<!tpu.dma_semaphore, #tpu.memory_space<semaphore_mem>>) src(%dma_wait3A_879 : memref<110000x128xf32, #tpu.memory_space<hbm>>) dst(%arg32 : memref<128x128xf32, #tpu.memory_space<vmem>>)
    %dma_start3A_880 = arith.constant 1 : i32
    %dma_start3A_881 = arith.constant 0 : i32
    %dma_start3A_882 = tpu.memref_slice %arg22[%dma_start3A_880, %dma_start3A_881] : memref<2x128xi32, #tpu.memory_space<vmem>> -> memref<1x128xi32, #tpu.memory_space<vmem>>
    %dma_start3A_883 = tpu.memref_squeeze %dma_start3A_882 : memref<1x128xi32, #tpu.memory_space<vmem>> -> memref<128xi32, #tpu.memory_space<vmem>>
    %dma_start3A_884 = arith.constant 0 : i32
    %dma_start3A_885 = arith.constant 0 : i32
    %dma_start3A_886 = tpu.memref_slice %arg8[%dma_start3A_884, %dma_start3A_885] : memref<8192x128xf32, #tpu.memory_space<hbm>> -> memref<8192x128xf32, #tpu.memory_space<hbm>>
    tpu.enqueue_indirect_dma source(%arg32 : memref<128x128xf32, #tpu.memory_space<vmem>>) target(%dma_start3A_886 : memref<8192x128xf32, #tpu.memory_space<hbm>>) offsets(%dma_start3A_883 : memref<128xi32, #tpu.memory_space<vmem>>) semaphore(%arg39 : memref<!tpu.dma_semaphore, #tpu.memory_space<semaphore_mem>>)
    %dma_wait3A_887 = arith.constant 128 : i32
    %dma_wait3A_888 = tpu.memref_slice %arg25[%dma_wait3A_887] : memref<256xi32, #tpu.memory_space<vmem>> -> memref<128xi32, #tpu.memory_space<vmem>>
    %dma_wait3A_889 = arith.constant 0 : i32
    %dma_wait3A_890 = arith.constant 0 : i32
    %dma_wait3A_891 = tpu.memref_slice %arg2[%dma_wait3A_889, %dma_wait3A_890] : memref<110000x128xf32, #tpu.memory_space<hbm>> -> memref<110000x128xf32, #tpu.memory_space<hbm>>
    tpu.wait_indirect_dma semaphore(%arg40 : memref<!tpu.dma_semaphore, #tpu.memory_space<semaphore_mem>>) src(%dma_wait3A_891 : memref<110000x128xf32, #tpu.memory_space<hbm>>) dst(%arg33 : memref<128x128xf32, #tpu.memory_space<vmem>>)
    %dma_start3A_892 = arith.constant 1 : i32
    %dma_start3A_893 = arith.constant 0 : i32
    %dma_start3A_894 = tpu.memref_slice %arg22[%dma_start3A_892, %dma_start3A_893] : memref<2x128xi32, #tpu.memory_space<vmem>> -> memref<1x128xi32, #tpu.memory_space<vmem>>
    %dma_start3A_895 = tpu.memref_squeeze %dma_start3A_894 : memref<1x128xi32, #tpu.memory_space<vmem>> -> memref<128xi32, #tpu.memory_space<vmem>>
    %dma_start3A_896 = arith.constant 0 : i32
    %dma_start3A_897 = arith.constant 0 : i32
    %dma_start3A_898 = tpu.memref_slice %arg9[%dma_start3A_896, %dma_start3A_897] : memref<8192x128xf32, #tpu.memory_space<hbm>> -> memref<8192x128xf32, #tpu.memory_space<hbm>>
    tpu.enqueue_indirect_dma source(%arg33 : memref<128x128xf32, #tpu.memory_space<vmem>>) target(%dma_start3A_898 : memref<8192x128xf32, #tpu.memory_space<hbm>>) offsets(%dma_start3A_895 : memref<128xi32, #tpu.memory_space<vmem>>) semaphore(%arg40 : memref<!tpu.dma_semaphore, #tpu.memory_space<semaphore_mem>>)
    %dma_wait3A_899 = arith.constant 0 : i32
    %dma_wait3A_900 = arith.constant 0 : i32
    %dma_wait3A_901 = tpu.memref_slice %arg22[%dma_wait3A_899, %dma_wait3A_900] : memref<2x128xi32, #tpu.memory_space<vmem>> -> memref<1x128xi32, #tpu.memory_space<vmem>>
    %dma_wait3A_902 = tpu.memref_squeeze %dma_wait3A_901 : memref<1x128xi32, #tpu.memory_space<vmem>> -> memref<128xi32, #tpu.memory_space<vmem>>
    %dma_wait3A_903 = arith.constant 0 : i32
    %dma_wait3A_904 = arith.constant 0 : i32
    %dma_wait3A_905 = tpu.memref_slice %arg7[%dma_wait3A_903, %dma_wait3A_904] : memref<8192x128xf32, #tpu.memory_space<hbm>> -> memref<8192x128xf32, #tpu.memory_space<hbm>>
    tpu.wait_indirect_dma semaphore(%arg35 : memref<!tpu.dma_semaphore, #tpu.memory_space<semaphore_mem>>) src(%arg28 : memref<128x128xf32, #tpu.memory_space<vmem>>) dst(%dma_wait3A_905 : memref<8192x128xf32, #tpu.memory_space<hbm>>)
    %dma_wait3A_906 = arith.constant 0 : i32
    %dma_wait3A_907 = arith.constant 0 : i32
    %dma_wait3A_908 = tpu.memref_slice %arg22[%dma_wait3A_906, %dma_wait3A_907] : memref<2x128xi32, #tpu.memory_space<vmem>> -> memref<1x128xi32, #tpu.memory_space<vmem>>
    %dma_wait3A_909 = tpu.memref_squeeze %dma_wait3A_908 : memref<1x128xi32, #tpu.memory_space<vmem>> -> memref<128xi32, #tpu.memory_space<vmem>>
    %dma_wait3A_910 = arith.constant 0 : i32
    %dma_wait3A_911 = arith.constant 0 : i32
    %dma_wait3A_912 = tpu.memref_slice %arg8[%dma_wait3A_910, %dma_wait3A_911] : memref<8192x128xf32, #tpu.memory_space<hbm>> -> memref<8192x128xf32, #tpu.memory_space<hbm>>
    tpu.wait_indirect_dma semaphore(%arg36 : memref<!tpu.dma_semaphore, #tpu.memory_space<semaphore_mem>>) src(%arg29 : memref<128x128xf32, #tpu.memory_space<vmem>>) dst(%dma_wait3A_912 : memref<8192x128xf32, #tpu.memory_space<hbm>>)
    %dma_wait3A_913 = arith.constant 0 : i32
    %dma_wait3A_914 = arith.constant 0 : i32
    %dma_wait3A_915 = tpu.memref_slice %arg22[%dma_wait3A_913, %dma_wait3A_914] : memref<2x128xi32, #tpu.memory_space<vmem>> -> memref<1x128xi32, #tpu.memory_space<vmem>>
    %dma_wait3A_916 = tpu.memref_squeeze %dma_wait3A_915 : memref<1x128xi32, #tpu.memory_space<vmem>> -> memref<128xi32, #tpu.memory_space<vmem>>
    %dma_wait3A_917 = arith.constant 0 : i32
    %dma_wait3A_918 = arith.constant 0 : i32
    %dma_wait3A_919 = tpu.memref_slice %arg9[%dma_wait3A_917, %dma_wait3A_918] : memref<8192x128xf32, #tpu.memory_space<hbm>> -> memref<8192x128xf32, #tpu.memory_space<hbm>>
    tpu.wait_indirect_dma semaphore(%arg37 : memref<!tpu.dma_semaphore, #tpu.memory_space<semaphore_mem>>) src(%arg30 : memref<128x128xf32, #tpu.memory_space<vmem>>) dst(%dma_wait3A_919 : memref<8192x128xf32, #tpu.memory_space<hbm>>)
    %dma_wait3A_920 = arith.constant 1 : i32
    %dma_wait3A_921 = arith.constant 0 : i32
    %dma_wait3A_922 = tpu.memref_slice %arg22[%dma_wait3A_920, %dma_wait3A_921] : memref<2x128xi32, #tpu.memory_space<vmem>> -> memref<1x128xi32, #tpu.memory_space<vmem>>
    %dma_wait3A_923 = tpu.memref_squeeze %dma_wait3A_922 : memref<1x128xi32, #tpu.memory_space<vmem>> -> memref<128xi32, #tpu.memory_space<vmem>>
    %dma_wait3A_924 = arith.constant 0 : i32
    %dma_wait3A_925 = arith.constant 0 : i32
    %dma_wait3A_926 = tpu.memref_slice %arg7[%dma_wait3A_924, %dma_wait3A_925] : memref<8192x128xf32, #tpu.memory_space<hbm>> -> memref<8192x128xf32, #tpu.memory_space<hbm>>
    tpu.wait_indirect_dma semaphore(%arg38 : memref<!tpu.dma_semaphore, #tpu.memory_space<semaphore_mem>>) src(%arg31 : memref<128x128xf32, #tpu.memory_space<vmem>>) dst(%dma_wait3A_926 : memref<8192x128xf32, #tpu.memory_space<hbm>>)
    %dma_wait3A_927 = arith.constant 1 : i32
    %dma_wait3A_928 = arith.constant 0 : i32
    %dma_wait3A_929 = tpu.memref_slice %arg22[%dma_wait3A_927, %dma_wait3A_928] : memref<2x128xi32, #tpu.memory_space<vmem>> -> memref<1x128xi32, #tpu.memory_space<vmem>>
    %dma_wait3A_930 = tpu.memref_squeeze %dma_wait3A_929 : memref<1x128xi32, #tpu.memory_space<vmem>> -> memref<128xi32, #tpu.memory_space<vmem>>
    %dma_wait3A_931 = arith.constant 0 : i32
    %dma_wait3A_932 = arith.constant 0 : i32
    %dma_wait3A_933 = tpu.memref_slice %arg8[%dma_wait3A_931, %dma_wait3A_932] : memref<8192x128xf32, #tpu.memory_space<hbm>> -> memref<8192x128xf32, #tpu.memory_space<hbm>>
    tpu.wait_indirect_dma semaphore(%arg39 : memref<!tpu.dma_semaphore, #tpu.memory_space<semaphore_mem>>) src(%arg32 : memref<128x128xf32, #tpu.memory_space<vmem>>) dst(%dma_wait3A_933 : memref<8192x128xf32, #tpu.memory_space<hbm>>)
    %dma_wait3A_934 = arith.constant 1 : i32
    %dma_wait3A_935 = arith.constant 0 : i32
    %dma_wait3A_936 = tpu.memref_slice %arg22[%dma_wait3A_934, %dma_wait3A_935] : memref<2x128xi32, #tpu.memory_space<vmem>> -> memref<1x128xi32, #tpu.memory_space<vmem>>
    %dma_wait3A_937 = tpu.memref_squeeze %dma_wait3A_936 : memref<1x128xi32, #tpu.memory_space<vmem>> -> memref<128xi32, #tpu.memory_space<vmem>>
    %dma_wait3A_938 = arith.constant 0 : i32
    %dma_wait3A_939 = arith.constant 0 : i32
    %dma_wait3A_940 = tpu.memref_slice %arg9[%dma_wait3A_938, %dma_wait3A_939] : memref<8192x128xf32, #tpu.memory_space<hbm>> -> memref<8192x128xf32, #tpu.memory_space<hbm>>
    tpu.wait_indirect_dma semaphore(%arg40 : memref<!tpu.dma_semaphore, #tpu.memory_space<semaphore_mem>>) src(%arg33 : memref<128x128xf32, #tpu.memory_space<vmem>>) dst(%dma_wait3A_940 : memref<8192x128xf32, #tpu.memory_space<hbm>>)
    %dma_wait3A_941 = arith.constant 0 : i32
    %dma_wait3A_942 = arith.constant 0 : i32
    %dma_wait3A_943 = tpu.memref_slice %arg26[%dma_wait3A_942] : memref<256xi32, #tpu.memory_space<vmem>> -> memref<128xi32, #tpu.memory_space<vmem>>
    %dma_wait3A_944 = arith.constant 0 : i32
    %dma_wait3A_945 = tpu.memref_slice %arg22[%dma_wait3A_941, %dma_wait3A_944] : memref<2x128xi32, #tpu.memory_space<vmem>> -> memref<1x128xi32, #tpu.memory_space<vmem>>
    %dma_wait3A_946 = tpu.memref_squeeze %dma_wait3A_945 : memref<1x128xi32, #tpu.memory_space<vmem>> -> memref<128xi32, #tpu.memory_space<vmem>>
    %dma_wait3A_947 = arith.constant 0 : i32
    %dma_wait3A_948 = tpu.memref_slice %arg10[%dma_wait3A_947] : memref<8192xi32, #tpu.memory_space<hbm>> -> memref<8192xi32, #tpu.memory_space<hbm>>
    tpu.wait_indirect_dma semaphore(%arg41 : memref<!tpu.dma_semaphore, #tpu.memory_space<semaphore_mem>>) src(%dma_wait3A_943 : memref<128xi32, #tpu.memory_space<vmem>>) dst(%dma_wait3A_948 : memref<8192xi32, #tpu.memory_space<hbm>>)
    %dma_wait3A_949 = arith.constant 1 : i32
    %dma_wait3A_950 = arith.constant 128 : i32
    %dma_wait3A_951 = tpu.memref_slice %arg26[%dma_wait3A_950] : memref<256xi32, #tpu.memory_space<vmem>> -> memref<128xi32, #tpu.memory_space<vmem>>
    %dma_wait3A_952 = arith.constant 0 : i32
    %dma_wait3A_953 = tpu.memref_slice %arg22[%dma_wait3A_949, %dma_wait3A_952] : memref<2x128xi32, #tpu.memory_space<vmem>> -> memref<1x128xi32, #tpu.memory_space<vmem>>
    %dma_wait3A_954 = tpu.memref_squeeze %dma_wait3A_953 : memref<1x128xi32, #tpu.memory_space<vmem>> -> memref<128xi32, #tpu.memory_space<vmem>>
    %dma_wait3A_955 = arith.constant 0 : i32
    %dma_wait3A_956 = tpu.memref_slice %arg10[%dma_wait3A_955] : memref<8192xi32, #tpu.memory_space<hbm>> -> memref<8192xi32, #tpu.memory_space<hbm>>
    tpu.wait_indirect_dma semaphore(%arg41 : memref<!tpu.dma_semaphore, #tpu.memory_space<semaphore_mem>>) src(%dma_wait3A_951 : memref<128xi32, #tpu.memory_space<vmem>>) dst(%dma_wait3A_956 : memref<8192xi32, #tpu.memory_space<hbm>>)
    return
  }
}

module attributes {stable_mosaic.version = 14 : i64} {
  func.func @_tc_body(%arg0: i32, %arg1: memref<1x1x1024xi32, #tpu.memory_space<vmem>>, %arg2: memref<1024x128xf32, #tpu.memory_space<vmem>>, %arg3: memref<1024x128xf32, #tpu.memory_space<vmem>>, %arg4: memref<1024x128xf32, #tpu.memory_space<vmem>>, %arg5: memref<40x128xf32, #tpu.memory_space<vmem>>, %arg6: memref<40x128x128xf32, #tpu.memory_space<vmem>>, %arg7: memref<8x128xf32, #tpu.memory_space<vmem>>, %arg8: memref<3072x128xf32, #tpu.memory_space<vmem>>, %arg9: memref<3072x128xf32, #tpu.memory_space<vmem>>) attributes {dimension_semantics = [#tpu.dimension_semantics<arbitrary>], iteration_bounds = array<i64: 8>, scalar_prefetch = 0 : i64, scratch_operands = 2 : i64, tpu.core_type = #tpu.core_type<tc>, window_params = [{transform_indices = @transform_0, window_bounds = array<i64: 1, 1, 1024>}, {transform_indices = @transform_1, window_bounds = array<i64: 1024, 128>}, {transform_indices = @transform_2, window_bounds = array<i64: 1024, 128>}, {transform_indices = @transform_3, window_bounds = array<i64: 1024, 128>}, {pipeline_mode = #tpu.pipeline_mode<synchronous>, transform_indices = @transform_4, window_bounds = array<i64: 40, 128>}, {pipeline_mode = #tpu.pipeline_mode<synchronous>, transform_indices = @transform_5, window_bounds = array<i64: 40, 128, 128>}, {pipeline_mode = #tpu.pipeline_mode<synchronous>, transform_indices = @transform_6, window_bounds = array<i64: 8, 128>}]} {
    %get3A = arith.constant 0 : index
    %get3A_0 = arith.constant 0 : index
    %get3A_1 = arith.constant 0 : index
    %get3A_2 = vector.load %arg1[%get3A, %get3A_0, %get3A_1] : memref<1x1x1024xi32, #tpu.memory_space<vmem>>, vector<1x1x1024xi32>
    %get3A_3 = vector.shape_cast %get3A_2 : vector<1x1x1024xi32> to vector<1024xi32>
    %concatenate3A = tpu.concatenate %get3A_3, %get3A_3, %get3A_3 in 0 : vector<1024xi32>, vector<1024xi32>, vector<1024xi32> -> vector<3072xi32>
    %reduce_min3A = vector.shape_cast %get3A_3 : vector<1024xi32> to vector<1x1024xi32>
    %reduce_min3A_4 = arith.constant dense<2147483647> : vector<1xi32>
    %reduce_min3A_5 = vector.multi_reduction <minsi>, %reduce_min3A, %reduce_min3A_4 [1] : vector<1x1024xi32> to vector<1xi32>
    %reduce_min3A_6 = vector.shape_cast %reduce_min3A_5 : vector<1xi32> to vector<1x1xi32>
    %reduce_min3A_7 = vector.extract %reduce_min3A_6[0, 0] : i32 from vector<1x1xi32>
    %reduce_max3A = vector.shape_cast %get3A_3 : vector<1024xi32> to vector<1x1024xi32>
    %reduce_max3A_8 = arith.constant dense<-2147483648> : vector<1xi32>
    %reduce_max3A_9 = vector.multi_reduction <maxsi>, %reduce_max3A, %reduce_max3A_8 [1] : vector<1x1024xi32> to vector<1xi32>
    %reduce_max3A_10 = vector.shape_cast %reduce_max3A_9 : vector<1xi32> to vector<1x1xi32>
    %reduce_max3A_11 = vector.extract %reduce_max3A_10[0, 0] : i32 from vector<1x1xi32>
    %get3A_12 = arith.constant 0 : index
    %get3A_13 = arith.constant 0 : index
    %get3A_14 = vector.load %arg2[%get3A_12, %get3A_13] : memref<1024x128xf32, #tpu.memory_space<vmem>>, vector<1024x128xf32>
    %swap3A = arith.constant 0 : index
    %swap3A_15 = arith.constant 0 : index
    %swap3A_16 = vector.load %arg8[%swap3A, %swap3A_15] : memref<3072x128xf32, #tpu.memory_space<vmem>>, vector<1024x128xf32>
    tpu.vector_store %arg8[%swap3A, %swap3A_15], %get3A_14 {strides = array<i32>} : memref<3072x128xf32, #tpu.memory_space<vmem>>, vector<1024x128xf32>,
    %get3A_17 = arith.constant 0 : index
    %get3A_18 = arith.constant 0 : index
    %get3A_19 = vector.load %arg3[%get3A_17, %get3A_18] : memref<1024x128xf32, #tpu.memory_space<vmem>>, vector<1024x128xf32>
    %swap3A_20 = arith.constant 1024 : index
    %swap3A_21 = arith.constant 0 : index
    %swap3A_22 = vector.load %arg8[%swap3A_20, %swap3A_21] : memref<3072x128xf32, #tpu.memory_space<vmem>>, vector<1024x128xf32>
    tpu.vector_store %arg8[%swap3A_20, %swap3A_21], %get3A_19 {strides = array<i32>} : memref<3072x128xf32, #tpu.memory_space<vmem>>, vector<1024x128xf32>,
    %get3A_23 = arith.constant 0 : index
    %get3A_24 = arith.constant 0 : index
    %get3A_25 = vector.load %arg4[%get3A_23, %get3A_24] : memref<1024x128xf32, #tpu.memory_space<vmem>>, vector<1024x128xf32>
    %swap3A_26 = arith.constant 2048 : index
    %swap3A_27 = arith.constant 0 : index
    %swap3A_28 = vector.load %arg8[%swap3A_26, %swap3A_27] : memref<3072x128xf32, #tpu.memory_space<vmem>>, vector<1024x128xf32>
    tpu.vector_store %arg8[%swap3A_26, %swap3A_27], %get3A_25 {strides = array<i32>} : memref<3072x128xf32, #tpu.memory_space<vmem>>, vector<1024x128xf32>,
    %broadcast_in_dim3A = arith.constant 0.000000e+00 : f32
    %broadcast_in_dim3A_29 = vector.broadcast %broadcast_in_dim3A : f32 to vector<3072x128xf32>
    %swap3A_30 = arith.constant 0 : index
    %swap3A_31 = arith.constant 0 : index
    %swap3A_32 = vector.load %arg9[%swap3A_30, %swap3A_31] : memref<3072x128xf32, #tpu.memory_space<vmem>>, vector<3072x128xf32>
    tpu.vector_store %arg9[%swap3A_30, %swap3A_31], %broadcast_in_dim3A_29 {strides = array<i32>} : memref<3072x128xf32, #tpu.memory_space<vmem>>, vector<3072x128xf32>,
    %add3A = arith.constant 1 : i32
    %add3A_33 = arith.addi %reduce_max3A_11, %add3A : i32
    %while3A = arith.constant 0 : i32
    %while3A_34 = arith.subi %add3A_33, %reduce_min3A_7 : i32
    %while3A_35 = arith.addi %reduce_min3A_7, %while3A_34 : i32
    %while3A_36 = arith.constant 1 : i32
    %while3A_37 = arith.divsi %while3A_34, %while3A_36 : i32
    %while3A_38 = arith.muli %while3A_37, %while3A_36 : i32
    %while3A_39 = arith.addi %reduce_min3A_7, %while3A_38 : i32
    %while3A_40 = arith.constant 1 : i32
    scf.for %while3A_151 = %reduce_min3A_7 to %while3A_39 step %while3A_40  : i32 {
      %eq3A_152 = vector.broadcast %while3A_151 : i32 to vector<3072xi32>
      %eq3A_153 = arith.cmpi eq, %concatenate3A, %eq3A_152 : vector<3072xi32>
      %convert_element_type3A_154 = arith.extui %eq3A_153 : vector<3072xi1> to vector<3072xi32>
      %convert_element_type3A_155 = arith.sitofp %convert_element_type3A_154 : vector<3072xi32> to vector<3072xf32>
      %broadcast_in_dim3A_156 = vector.shape_cast %convert_element_type3A_155 : vector<3072xf32> to vector<3072x1xf32>
      %get3A_157 = arith.index_cast %while3A_151 : i32 to index
      %get3A_158 = arith.constant 0 : index
      %get3A_159 = arith.constant 0 : index
      %get3A_160 = vector.load %arg6[%get3A_157, %get3A_158, %get3A_159] : memref<40x128x128xf32, #tpu.memory_space<vmem>>, vector<1x128x128xf32>
      %get3A_161 = vector.shape_cast %get3A_160 : vector<1x128x128xf32> to vector<128x128xf32>
      %get3A_162 = arith.constant 0 : index
      %get3A_163 = arith.constant 0 : index
      %get3A_164 = vector.load %arg9[%get3A_162, %get3A_163] : memref<3072x128xf32, #tpu.memory_space<vmem>>, vector<3072x128xf32>
      %get3A_165 = arith.constant 0 : index
      %get3A_166 = arith.constant 0 : index
      %get3A_167 = vector.load %arg8[%get3A_165, %get3A_166] : memref<3072x128xf32, #tpu.memory_space<vmem>>, vector<3072x128xf32>
      %mul3A_168 = vector.broadcast %broadcast_in_dim3A_156 : vector<3072x1xf32> to vector<3072x128xf32>
      %mul3A_169 = arith.mulf %get3A_167, %mul3A_168 : vector<3072x128xf32>
      %dot_general3A_170 = arith.constant dense<0.000000e+00> : vector<3072x128xf32>
      %dot_general3A_171 = tpu.matmul %mul3A_169, %get3A_161, %dot_general3A_170 {dimension_numbers = #tpu.dot_dimension_numbers<[1], [0], [0], [1], [0, 0, 1, 1], [], []>, transpose_lhs_hint = false} : vector<3072x128xf32>, vector<128x128xf32>, vector<3072x128xf32> -> vector<3072x128xf32>
      %add3A_172 = arith.addf %get3A_164, %dot_general3A_171 : vector<3072x128xf32>
      %swap3A_173 = arith.constant 0 : index
      %swap3A_174 = arith.constant 0 : index
      %swap3A_175 = vector.load %arg9[%swap3A_173, %swap3A_174] : memref<3072x128xf32, #tpu.memory_space<vmem>>, vector<3072x128xf32>
      tpu.vector_store %arg9[%swap3A_173, %swap3A_174], %add3A_172 {strides = array<i32>} : memref<3072x128xf32, #tpu.memory_space<vmem>>, vector<3072x128xf32>,
    }
    %while3A_41 = arith.constant 1 : i32
    scf.for %while3A_151 = %while3A_39 to %while3A_35 step %while3A_41  : i32 {
      %eq3A_152 = vector.broadcast %while3A_151 : i32 to vector<3072xi32>
      %eq3A_153 = arith.cmpi eq, %concatenate3A, %eq3A_152 : vector<3072xi32>
      %convert_element_type3A_154 = arith.extui %eq3A_153 : vector<3072xi1> to vector<3072xi32>
      %convert_element_type3A_155 = arith.sitofp %convert_element_type3A_154 : vector<3072xi32> to vector<3072xf32>
      %broadcast_in_dim3A_156 = vector.shape_cast %convert_element_type3A_155 : vector<3072xf32> to vector<3072x1xf32>
      %get3A_157 = arith.index_cast %while3A_151 : i32 to index
      %get3A_158 = arith.constant 0 : index
      %get3A_159 = arith.constant 0 : index
      %get3A_160 = vector.load %arg6[%get3A_157, %get3A_158, %get3A_159] : memref<40x128x128xf32, #tpu.memory_space<vmem>>, vector<1x128x128xf32>
      %get3A_161 = vector.shape_cast %get3A_160 : vector<1x128x128xf32> to vector<128x128xf32>
      %get3A_162 = arith.constant 0 : index
      %get3A_163 = arith.constant 0 : index
      %get3A_164 = vector.load %arg9[%get3A_162, %get3A_163] : memref<3072x128xf32, #tpu.memory_space<vmem>>, vector<3072x128xf32>
      %get3A_165 = arith.constant 0 : index
      %get3A_166 = arith.constant 0 : index
      %get3A_167 = vector.load %arg8[%get3A_165, %get3A_166] : memref<3072x128xf32, #tpu.memory_space<vmem>>, vector<3072x128xf32>
      %mul3A_168 = vector.broadcast %broadcast_in_dim3A_156 : vector<3072x1xf32> to vector<3072x128xf32>
      %mul3A_169 = arith.mulf %get3A_167, %mul3A_168 : vector<3072x128xf32>
      %dot_general3A_170 = arith.constant dense<0.000000e+00> : vector<3072x128xf32>
      %dot_general3A_171 = tpu.matmul %mul3A_169, %get3A_161, %dot_general3A_170 {dimension_numbers = #tpu.dot_dimension_numbers<[1], [0], [0], [1], [0, 0, 1, 1], [], []>, transpose_lhs_hint = false} : vector<3072x128xf32>, vector<128x128xf32>, vector<3072x128xf32> -> vector<3072x128xf32>
      %add3A_172 = arith.addf %get3A_164, %dot_general3A_171 : vector<3072x128xf32>
      %swap3A_173 = arith.constant 0 : index
      %swap3A_174 = arith.constant 0 : index
      %swap3A_175 = vector.load %arg9[%swap3A_173, %swap3A_174] : memref<3072x128xf32, #tpu.memory_space<vmem>>, vector<3072x128xf32>
      tpu.vector_store %arg9[%swap3A_173, %swap3A_174], %add3A_172 {strides = array<i32>} : memref<3072x128xf32, #tpu.memory_space<vmem>>, vector<3072x128xf32>,
    }
    %get3A_42 = arith.constant 0 : index
    %get3A_43 = arith.constant 0 : index
    %get3A_44 = vector.load %arg9[%get3A_42, %get3A_43] : memref<3072x128xf32, #tpu.memory_space<vmem>>, vector<1024x128xf32>
    %get3A_45 = arith.constant 1024 : index
    %get3A_46 = arith.constant 0 : index
    %get3A_47 = vector.load %arg9[%get3A_45, %get3A_46] : memref<3072x128xf32, #tpu.memory_space<vmem>>, vector<1024x128xf32>
    %get3A_48 = arith.constant 2048 : index
    %get3A_49 = arith.constant 0 : index
    %get3A_50 = vector.load %arg9[%get3A_48, %get3A_49] : memref<3072x128xf32, #tpu.memory_space<vmem>>, vector<1024x128xf32>
    %broadcast_in_dim3A_51 = vector.shape_cast %get3A_3 : vector<1024xi32> to vector<1024x1xi32>
    %iota3A = tpu.iota {dimensions = array<i32: 1>} : vector<1x40xi32>
    %eq3A = vector.broadcast %broadcast_in_dim3A_51 : vector<1024x1xi32> to vector<1024x40xi32>
    %eq3A_52 = vector.broadcast %iota3A : vector<1x40xi32> to vector<1024x40xi32>
    %eq3A_53 = arith.cmpi eq, %eq3A, %eq3A_52 : vector<1024x40xi32>
    %convert_element_type3A = arith.extui %eq3A_53 : vector<1024x40xi1> to vector<1024x40xi32>
    %convert_element_type3A_54 = arith.sitofp %convert_element_type3A : vector<1024x40xi32> to vector<1024x40xf32>
    %get3A_55 = arith.constant 0 : index
    %get3A_56 = arith.constant 0 : index
    %get3A_57 = vector.load %arg5[%get3A_55, %get3A_56] : memref<40x128xf32, #tpu.memory_space<vmem>>, vector<40x128xf32>
    %dot_general3A = arith.constant dense<0.000000e+00> : vector<1024x128xf32>
    %dot_general3A_58 = tpu.matmul %convert_element_type3A_54, %get3A_57, %dot_general3A {dimension_numbers = #tpu.dot_dimension_numbers<[1], [0], [0], [1], [0, 0, 1, 1], [], []>, transpose_lhs_hint = false} : vector<1024x40xf32>, vector<40x128xf32>, vector<1024x128xf32> -> vector<1024x128xf32>
    %add3A_59 = arith.addf %get3A_44, %dot_general3A_58 : vector<1024x128xf32>
    %sub3A = arith.subf %add3A_59, %get3A_47 : vector<1024x128xf32>
    %square3A = arith.mulf %sub3A, %sub3A : vector<1024x128xf32>
    %reduce_sum3A = arith.constant dense<0.000000e+00> : vector<1024xf32>
    %reduce_sum3A_60 = vector.multi_reduction <add>, %square3A, %reduce_sum3A [1] : vector<1024x128xf32> to vector<1024xf32>
    %add3A_61 = arith.addf %get3A_44, %dot_general3A_58 : vector<1024x128xf32>
    %sub3A_62 = arith.subf %add3A_61, %get3A_50 : vector<1024x128xf32>
    %square3A_63 = arith.mulf %sub3A_62, %sub3A_62 : vector<1024x128xf32>
    %reduce_sum3A_64 = arith.constant dense<0.000000e+00> : vector<1024xf32>
    %reduce_sum3A_65 = vector.multi_reduction <add>, %square3A_63, %reduce_sum3A_64 [1] : vector<1024x128xf32> to vector<1024xf32>
    %sub3A_66 = arith.subf %reduce_sum3A_65, %reduce_sum3A_60 : vector<1024xf32>
    %min3A = arith.constant 0.000000e+00 : f32
    %min3A_67 = vector.broadcast %min3A : f32 to vector<1024xf32>
    %min3A_68 = arith.minimumf %sub3A_66, %min3A_67 : vector<1024xf32>
    %abs3A = math.absf %sub3A_66 : vector<1024xf32>
    %neg3A = arith.constant 0.000000e+00 : f32
    %neg3A_69 = vector.broadcast %neg3A : f32 to vector<1024xf32>
    %neg3A_70 = arith.subf %neg3A_69, %abs3A : vector<1024xf32>
    %exp3A = math.exp %neg3A_70 : vector<1024xf32>
    %log1p3A = math.log1p %exp3A : vector<1024xf32>
    %sub3A_71 = arith.subf %min3A_68, %log1p3A : vector<1024xf32>
    %iota3A_72 = tpu.iota {dimensions = array<i32: 0>} : vector<8x128xi32>
    %reduce_sum3A_73 = vector.shape_cast %sub3A_71 : vector<1024xf32> to vector<1x1024xf32>
    %reduce_sum3A_74 = arith.constant dense<0.000000e+00> : vector<1xf32>
    %reduce_sum3A_75 = vector.multi_reduction <add>, %reduce_sum3A_73, %reduce_sum3A_74 [1] : vector<1x1024xf32> to vector<1xf32>
    %reduce_sum3A_76 = vector.shape_cast %reduce_sum3A_75 : vector<1xf32> to vector<1x1xf32>
    %reduce_sum3A_77 = vector.extract %reduce_sum3A_76[0, 0] : f32 from vector<1x1xf32>
    %eq3A_78 = arith.constant 0 : i32
    %eq3A_79 = vector.broadcast %eq3A_78 : i32 to vector<8x128xi32>
    %eq3A_80 = arith.cmpi eq, %iota3A_72, %eq3A_79 : vector<8x128xi32>
    %convert_element_type3A_81 = arith.extui %eq3A_80 : vector<8x128xi1> to vector<8x128xi32>
    %convert_element_type3A_82 = arith.sitofp %convert_element_type3A_81 : vector<8x128xi32> to vector<8x128xf32>
    %mul3A = vector.broadcast %reduce_sum3A_77 : f32 to vector<8x128xf32>
    %mul3A_83 = arith.mulf %mul3A, %convert_element_type3A_82 : vector<8x128xf32>
    %mul3A_84 = arith.mulf %get3A_44, %get3A_44 : vector<1024x128xf32>
    %reduce_sum3A_85 = vector.shape_cast %mul3A_84 : vector<1024x128xf32> to vector<1x1024x128xf32>
    %reduce_sum3A_86 = arith.constant dense<0.000000e+00> : vector<1xf32>
    %reduce_sum3A_87 = vector.multi_reduction <add>, %reduce_sum3A_85, %reduce_sum3A_86 [1, 2] : vector<1x1024x128xf32> to vector<1xf32>
    %reduce_sum3A_88 = vector.shape_cast %reduce_sum3A_87 : vector<1xf32> to vector<1x1x1xf32>
    %reduce_sum3A_89 = vector.extract %reduce_sum3A_88[0, 0, 0] : f32 from vector<1x1x1xf32>
    %eq3A_90 = arith.constant 1 : i32
    %eq3A_91 = vector.broadcast %eq3A_90 : i32 to vector<8x128xi32>
    %eq3A_92 = arith.cmpi eq, %iota3A_72, %eq3A_91 : vector<8x128xi32>
    %convert_element_type3A_93 = arith.extui %eq3A_92 : vector<8x128xi1> to vector<8x128xi32>
    %convert_element_type3A_94 = arith.sitofp %convert_element_type3A_93 : vector<8x128xi32> to vector<8x128xf32>
    %mul3A_95 = vector.broadcast %reduce_sum3A_89 : f32 to vector<8x128xf32>
    %mul3A_96 = arith.mulf %mul3A_95, %convert_element_type3A_94 : vector<8x128xf32>
    %add3A_97 = arith.addf %mul3A_83, %mul3A_96 : vector<8x128xf32>
    %mul3A_98 = arith.mulf %dot_general3A_58, %dot_general3A_58 : vector<1024x128xf32>
    %reduce_sum3A_99 = vector.shape_cast %mul3A_98 : vector<1024x128xf32> to vector<1x1024x128xf32>
    %reduce_sum3A_100 = arith.constant dense<0.000000e+00> : vector<1xf32>
    %reduce_sum3A_101 = vector.multi_reduction <add>, %reduce_sum3A_99, %reduce_sum3A_100 [1, 2] : vector<1x1024x128xf32> to vector<1xf32>
    %reduce_sum3A_102 = vector.shape_cast %reduce_sum3A_101 : vector<1xf32> to vector<1x1x1xf32>
    %reduce_sum3A_103 = vector.extract %reduce_sum3A_102[0, 0, 0] : f32 from vector<1x1x1xf32>
    %eq3A_104 = arith.constant 2 : i32
    %eq3A_105 = vector.broadcast %eq3A_104 : i32 to vector<8x128xi32>
    %eq3A_106 = arith.cmpi eq, %iota3A_72, %eq3A_105 : vector<8x128xi32>
    %convert_element_type3A_107 = arith.extui %eq3A_106 : vector<8x128xi1> to vector<8x128xi32>
    %convert_element_type3A_108 = arith.sitofp %convert_element_type3A_107 : vector<8x128xi32> to vector<8x128xf32>
    %mul3A_109 = vector.broadcast %reduce_sum3A_103 : f32 to vector<8x128xf32>
    %mul3A_110 = arith.mulf %mul3A_109, %convert_element_type3A_108 : vector<8x128xf32>
    %add3A_111 = arith.addf %add3A_97, %mul3A_110 : vector<8x128xf32>
    %mul3A_112 = arith.mulf %get3A_47, %get3A_47 : vector<1024x128xf32>
    %reduce_sum3A_113 = vector.shape_cast %mul3A_112 : vector<1024x128xf32> to vector<1x1024x128xf32>
    %reduce_sum3A_114 = arith.constant dense<0.000000e+00> : vector<1xf32>
    %reduce_sum3A_115 = vector.multi_reduction <add>, %reduce_sum3A_113, %reduce_sum3A_114 [1, 2] : vector<1x1024x128xf32> to vector<1xf32>
    %reduce_sum3A_116 = vector.shape_cast %reduce_sum3A_115 : vector<1xf32> to vector<1x1x1xf32>
    %reduce_sum3A_117 = vector.extract %reduce_sum3A_116[0, 0, 0] : f32 from vector<1x1x1xf32>
    %eq3A_118 = arith.constant 3 : i32
    %eq3A_119 = vector.broadcast %eq3A_118 : i32 to vector<8x128xi32>
    %eq3A_120 = arith.cmpi eq, %iota3A_72, %eq3A_119 : vector<8x128xi32>
    %convert_element_type3A_121 = arith.extui %eq3A_120 : vector<8x128xi1> to vector<8x128xi32>
    %convert_element_type3A_122 = arith.sitofp %convert_element_type3A_121 : vector<8x128xi32> to vector<8x128xf32>
    %mul3A_123 = vector.broadcast %reduce_sum3A_117 : f32 to vector<8x128xf32>
    %mul3A_124 = arith.mulf %mul3A_123, %convert_element_type3A_122 : vector<8x128xf32>
    %add3A_125 = arith.addf %add3A_111, %mul3A_124 : vector<8x128xf32>
    %mul3A_126 = arith.mulf %get3A_50, %get3A_50 : vector<1024x128xf32>
    %reduce_sum3A_127 = vector.shape_cast %mul3A_126 : vector<1024x128xf32> to vector<1x1024x128xf32>
    %reduce_sum3A_128 = arith.constant dense<0.000000e+00> : vector<1xf32>
    %reduce_sum3A_129 = vector.multi_reduction <add>, %reduce_sum3A_127, %reduce_sum3A_128 [1, 2] : vector<1x1024x128xf32> to vector<1xf32>
    %reduce_sum3A_130 = vector.shape_cast %reduce_sum3A_129 : vector<1xf32> to vector<1x1x1xf32>
    %reduce_sum3A_131 = vector.extract %reduce_sum3A_130[0, 0, 0] : f32 from vector<1x1x1xf32>
    %eq3A_132 = arith.constant 4 : i32
    %eq3A_133 = vector.broadcast %eq3A_132 : i32 to vector<8x128xi32>
    %eq3A_134 = arith.cmpi eq, %iota3A_72, %eq3A_133 : vector<8x128xi32>
    %convert_element_type3A_135 = arith.extui %eq3A_134 : vector<8x128xi1> to vector<8x128xi32>
    %convert_element_type3A_136 = arith.sitofp %convert_element_type3A_135 : vector<8x128xi32> to vector<8x128xf32>
    %mul3A_137 = vector.broadcast %reduce_sum3A_131 : f32 to vector<8x128xf32>
    %mul3A_138 = arith.mulf %mul3A_137, %convert_element_type3A_136 : vector<8x128xf32>
    %add3A_139 = arith.addf %add3A_125, %mul3A_138 : vector<8x128xf32>
    %eq3A_140 = arith.constant 0 : i32
    %eq3A_141 = arith.cmpi eq, %arg0, %eq3A_140 : i32
    %convert_element_type3A_142 = arith.extui %eq3A_141 : i1 to i32
    %cond3A = arith.constant 0 : i32
    %cond3A_143 = arith.cmpi ne, %convert_element_type3A_142, %cond3A : i32
    scf.if %cond3A_143 {
      %broadcast_in_dim3A_151 = arith.constant 0.000000e+00 : f32
      %broadcast_in_dim3A_152 = vector.broadcast %broadcast_in_dim3A_151 : f32 to vector<8x128xf32>
      %swap3A_153 = arith.constant 0 : index
      %swap3A_154 = arith.constant 0 : index
      %swap3A_155 = vector.load %arg7[%swap3A_153, %swap3A_154] : memref<8x128xf32, #tpu.memory_space<vmem>>, vector<8x128xf32>
      tpu.vector_store %arg7[%swap3A_153, %swap3A_154], %broadcast_in_dim3A_152 {strides = array<i32>} : memref<8x128xf32, #tpu.memory_space<vmem>>, vector<8x128xf32>,
    } else {
    }
    %get3A_144 = arith.constant 0 : index
    %get3A_145 = arith.constant 0 : index
    %get3A_146 = vector.load %arg7[%get3A_144, %get3A_145] : memref<8x128xf32, #tpu.memory_space<vmem>>, vector<8x128xf32>
    %add3A_147 = arith.addf %get3A_146, %add3A_139 : vector<8x128xf32>
    %swap3A_148 = arith.constant 0 : index
    %swap3A_149 = arith.constant 0 : index
    %swap3A_150 = vector.load %arg7[%swap3A_148, %swap3A_149] : memref<8x128xf32, #tpu.memory_space<vmem>>, vector<8x128xf32>
    tpu.vector_store %arg7[%swap3A_148, %swap3A_149], %add3A_147 {strides = array<i32>} : memref<8x128xf32, #tpu.memory_space<vmem>>, vector<8x128xf32>,
    return
  }
  func.func @transform_0(%arg0: i32) -> (i32, i32, i32) {
    %c0_i32 = arith.constant 0 : i32
    %c0_i32_0 = arith.constant 0 : i32
    %c0_i32_1 = arith.constant 0 : i32
    return %arg0, %c0_i32, %c0_i32_0 : i32, i32, i32
  }
  func.func @transform_1(%arg0: i32) -> (i32, i32) {
    %c0_i32 = arith.constant 0 : i32
    %c0_i32_0 = arith.constant 0 : i32
    return %arg0, %c0_i32 : i32, i32
  }
  func.func @transform_2(%arg0: i32) -> (i32, i32) {
    %c0_i32 = arith.constant 0 : i32
    %c0_i32_0 = arith.constant 0 : i32
    return %arg0, %c0_i32 : i32, i32
  }
  func.func @transform_3(%arg0: i32) -> (i32, i32) {
    %c0_i32 = arith.constant 0 : i32
    %c0_i32_0 = arith.constant 0 : i32
    return %arg0, %c0_i32 : i32, i32
  }
  func.func @transform_4(%arg0: i32) -> (i32, i32) {
    %c0_i32 = arith.constant 0 : i32
    %c0_i32_0 = arith.constant 0 : i32
    %c0_i32_1 = arith.constant 0 : i32
    return %c0_i32, %c0_i32_0 : i32, i32
  }
  func.func @transform_5(%arg0: i32) -> (i32, i32, i32) {
    %c0_i32 = arith.constant 0 : i32
    %c0_i32_0 = arith.constant 0 : i32
    %c0_i32_1 = arith.constant 0 : i32
    %c0_i32_2 = arith.constant 0 : i32
    return %c0_i32, %c0_i32_0, %c0_i32_1 : i32, i32, i32
  }
  func.func @transform_6(%arg0: i32) -> (i32, i32) {
    %c0_i32 = arith.constant 0 : i32
    %c0_i32_0 = arith.constant 0 : i32
    %c0_i32_1 = arith.constant 0 : i32
    return %c0_i32, %c0_i32_0 : i32, i32
  }
}

</mosaic_0001>

<sc_bundles>
// kernel: kernel.6.cloned.1.call-start
scs
__scs_entry_jumppad:
0x0: {  	(pc) =	sbr.rel $0x88, $3  }
0x1: {  	(tag) =	ssettag $0x0;
	lr =	simm.s32 $0x1  }
0x2: {  	[smem:$0x3F9A] =	sst lr;
	_ =	strace $0xD0000000  }
0x3: {  	_ = 	snop  }
0x4: {  	_ = 	snop  }
0x5: {  	_ = 	snop  }
0x6: {  	_ = 	snop  }
0x7: {  	_ = 	snop  }
__scs_overlays_trampoline_lowered:
0x8: {  	[smem:$0x3FA9] =	sst s0  }
0x9: {  	[smem:$0x3FAA] =	sst s1  }
0xa: {  	[smem:$0x3FAB] =	sst s2  }
0xb: {  	[smem:$0x3FAC] =	sst s3  }
0xc: {  	[smem:$0x3FAD] =	sst s4  }
0xd: {  	[smem:$0x3FAE] =	sst s5  }
0xe: {  	[smem:$0x3FAF] =	sst s6  }
0xf: {  	[smem:$0x3FB0] =	sst s7  }
0x10: {  	[smem:$0x3FB1] =	sst s8  }
0x11: {  	[smem:$0x3FB2] =	sst s9;
	s0 =	simm.s32 @!p0 $0x0  }
0x12: {  	s1 =	sld [smem:$0x3F98];
	s0 =	simm.s32 @p0 $0x1  }
0x13: {  	[smem:$0x3FB3] =	sst s0;
	s0 =	simm.s32 @!p1 $0x0  }
0x14: {  	s2 =	sld [smem:$0x3F97];
	s0 =	simm.s32 @p1 $0x1  }
0x15: {  	[smem:$0x3FB4] =	sst s0;
	s0 =	simm.s32 @!p2 $0x0  }
0x16: {  	s3 =	sld [smem:$0x3FDB];
	s0 =	simm.s32 @p2 $0x1  }
0x17: {  	s4 =	simm.s32 $0x1BF5;
	[smem:$0x3FB6] =	sst s0  }
0x18: {  	s0 =	sld [smem:$0x3F99];
	_ =	swait.ge [sflag:s4], $0x0  }
0x19: {  	s7 =	sld [smem:$0x3F9A]  }
0x1a: {  	s8 =	sadd.s32 $0xFFFFE003, lr  }
0x1b: {  	s9 =	sadd.s32 $0xFFFFFEF7, lr;
	s5 =	simm.s32 $0xFFFFFFFF;
	p2 =	slt.u32 s8, $0xFFFFF086  }
0x1c: {  	p1 =	slt.u32 s9, $0xF7A;
	s5 =	simm.s32 @!p2 $0x0  }
0x1d: {  	s5 =	simm.s32 @p1 $0x1;
	p0 =	seq.s32 s7, s2  }
0x1e: {  	s7 =	smul.u32 @!p0 $0xF7A, s2;
	p2 =	seq.s32 @!p0 s5, $0x0  }
0x1f: {  	s9 =	smul.u32 $0xF7A, s1;
	s8 =	simm.s32 @!p0 $0x1BF5;
	p2 =	por !p2, p0  }
0x20: {  	[sflag:s8] =	ssyncset.s32 @!p0 $0xFFFFF086;
	s6 =	sadd.s32 @!p0 s3, s7;
	s7 =	simm.s32 @!p0 $0x108  }
0x21: {  	s3 =	sadd.s32 s3, s9;
	s6 =	sadd.s32 @!p0 $0x88, s6;
	s7 =	simm.s32 @p2 $0x1082  }
0x22: {  	[simem:s7], [sflag:s8] =	dma.local @!p0 [hbm:s6], $0xF7A  }
0x23: {  	s9 =	sor.u32 $0xD0000000, s2;
	s6 =	simm.s32 $0x108;
	_ =	swait.ge @!p0 [sflag:s8], $0x0  }
0x24: {  	s3 =	sadd.s32 $0x88, s3;
	s6 =	simm.s32 @!p1 $0x1082;
	[sflag:s4] =	ssyncset.s32 $0xFFFFF086  }
0x25: {  	[simem:s6], [sflag:s4] =	dma.local [hbm:s3], $0xF7A  }
0x26: {  	[smem:$0x3F9A] =	sst s1;
	(tag) =	ssettag s2;
	_ =	strace s9  }
0x27: {  	s1 =	sld [smem:$0x3FAA]  }
0x28: {  	s2 =	sld [smem:$0x3FAB]  }
0x29: {  	s4 =	sld [smem:$0x3FAD]  }
0x2a: {  	p0 =	seq.s32 s5, $0x0;
	s5 =	sld [smem:$0x3FAE]  }
0x2b: {  	s6 =	sld [smem:$0x3FAF]  }
0x2c: {  	s7 =	sld [smem:$0x3FB0]  }
0x2d: {  	s3 =	simm.s32 $0x108;
	s8 =	sld [smem:$0x3FB1]  }
0x2e: {  	s3 =	simm.s32 @!p0 $0x1082;
	s9 =	sld [smem:$0x3FB2]  }
0x2f: {  	lr =	sadd.s32 s0, s3;
	s0 =	sld [smem:$0x3FA9]  }
0x30: {  	s3 =	sld [smem:$0x3FAC]  }
0x31: {  	[smem:$0x3FB5] =	sst s10  }
0x32: {  	s10 =	sld [smem:$0x3FB3];
	_ =	sdelay $0x3  }
0x33: {  	p0 =	seq.s32 s10, $0x1;
	s10 =	sld [smem:$0x3FB5];
	_ =	sdelay $0x3  }
0x34: {  	[smem:$0x3FB5] =	sst s10  }
0x35: {  	s10 =	sld [smem:$0x3FB4];
	_ =	sdelay $0x3  }
0x36: {  	p1 =	seq.s32 s10, $0x1;
	s10 =	sld [smem:$0x3FB5];
	_ =	sdelay $0x3  }
0x37: {  	[smem:$0x3FB5] =	sst s10  }
0x38: {  	s10 =	sld [smem:$0x3FB6]  }
0x39: {  	_ = 	snop;
	(pc) =	sbr.ind lr, $3  }
0x3a: {  	_ = 	snop  }
0x3b: {  	_ = 	snop  }
0x3c: {  	p2 =	seq.s32 s10, $0x1;
	s10 =	sld [smem:$0x3FB5]  }
0x3d: {  	_ =	shalt  }
0x3e: {  	_ =	shalt  }
0x3f: {  	_ =	shalt  }
0x40: {  	_ =	shalt  }
0x41: {  	_ =	shalt  }
0x42: {  	_ =	shalt  }
0x43: {  	_ =	shalt  }
0x44: {  	_ =	shalt  }
0x45: {  	_ =	shalt  }
0x46: {  	_ =	shalt  }
0x47: {  	_ =	shalt  }
0x48: {  	_ =	shalt  }
0x49: {  	_ =	shalt  }
0x4a: {  	_ =	shalt  }
0x4b: {  	_ =	shalt  }
0x4c: {  	_ =	shalt  }
0x4d: {  	_ =	shalt  }
0x4e: {  	_ =	shalt  }
0x4f: {  	_ =	shalt  }
0x50: {  	_ =	shalt  }
0x51: {  	_ =	shalt  }
0x52: {  	_ =	shalt  }
0x53: {  	_ =	shalt  }
0x54: {  	_ =	shalt  }
0x55: {  	_ =	shalt  }
0x56: {  	_ =	shalt  }
0x57: {  	_ =	shalt  }
0x58: {  	_ =	shalt  }
0x59: {  	_ =	shalt  }
0x5a: {  	_ =	shalt  }
0x5b: {  	_ =	shalt  }
0x5c: {  	_ =	shalt  }
0x5d: {  	_ =	shalt  }
0x5e: {  	_ =	shalt  }
0x5f: {  	_ =	shalt  }
0x60: {  	_ =	shalt  }
0x61: {  	_ =	shalt  }
0x62: {  	_ =	shalt  }
0x63: {  	_ =	shalt  }
0x64: {  	_ =	shalt  }
0x65: {  	_ =	shalt  }
0x66: {  	_ =	shalt  }
0x67: {  	_ =	shalt  }
0x68: {  	_ =	shalt  }
0x69: {  	_ =	shalt  }
0x6a: {  	_ =	shalt  }
0x6b: {  	_ =	shalt  }
0x6c: {  	_ =	shalt  }
0x6d: {  	_ =	shalt  }
0x6e: {  	_ =	shalt  }
0x6f: {  	_ =	shalt  }
0x70: {  	_ =	shalt  }
0x71: {  	_ =	shalt  }
0x72: {  	_ =	shalt  }
0x73: {  	_ =	shalt  }
0x74: {  	_ =	shalt  }
0x75: {  	_ =	shalt  }
0x76: {  	_ =	shalt  }
0x77: {  	_ =	shalt  }
0x78: {  	_ =	shalt  }
0x79: {  	_ =	shalt  }
0x7a: {  	_ =	shalt  }
0x7b: {  	_ =	shalt  }
0x7c: {  	_ =	shalt  }
0x7d: {  	_ =	shalt  }
0x7e: {  	_ =	shalt  }
0x7f: {  	_ =	shalt  }
0x80: {  	_ =	shalt  }
0x81: {  	_ =	shalt  }
0x82: {  	_ =	shalt  }
0x83: {  	_ =	shalt  }
0x84: {  	_ =	shalt  }
0x85: {  	_ =	shalt  }
0x86: {  	_ =	shalt  }
0x87: {  	_ =	shalt  }
.Lfunc_end0:
.L_simem_size_0:
called_computation_lowered:
.L_overlay_start_0:
0x88: {  	s2 =	sld [smem:$0x3FD9]  }
0x89: {  	s3 =	sld [smem:$0x3FFE];
	_ =	sdelay $0x1  }
0x8a: {  	s1 =	srdreg.scid  }
0x8b: {  	s0 =	sand.u32 $0x1, s1  }
0x8c: {  	s17 =	sshll.u32 s0, $0xA;
	s2 =	sadd.s32 s3, s2  }
0x8d: {  	s2 =	sadd.s32 s2, s17  }
0x8e: {  	[smem:$0x3FC1] =	sst s2  }
0x8f: {  	_ = 	snop  }
0x90: {  	s18 =	sld [smem:$0x3FC9];
	(tm) =	ssettm $0x1  }
0x91: {  	s19 =	sld [smem:$0x3FFB];
	_ =	sdelay $0x3  }
0x92: {  	_ =	strace s19  }
0x93: {  	s2 =	sld [smem:$0x3FFC];
	_ =	sdelay $0x3  }
0x94: {  	_ =	strace s2  }
0x95: {  	s2 =	sld [smem:$0x3FFD];
	_ =	sdelay $0x3  }
0x96: {  	_ =	strace s2  }
0x97: {  	_ =	strace $0x8FFFFFFF  }
0x98: {  	s20 =	sld [smem:$0x3FDB];
	_ =	sdelay $0x1  }
0x99: {  	s4 =	simm.s32 $_scs_section_size  }
0x9a: {  	s5 =	simm.s32 $_size__tile_overlayer_lowered;
	s6 =	simm.s32 $_tile_overlayer_lowered  }
0x9b: {  	s7 =	simm.s32 $0x1BFF;
	s21 =	sshll.u32 s6, $0x1;
	s4 =	sadd.s32 s4, s20  }
0x9c: {  	s22 =	simm.s32 $0x0;
	s5 =	sshll.u32 s5, $0x1;
	s6 =	sadd.s32 s21, s4  }
0x9d: {  	[timem:s22], [sflag:s7] =	dma.local [hbm:s6], s5  }
0x9e: {  	_ =	swait.ge [sflag:s7], s5  }
0x9f: {  	s5 =	ssub.s32 $0x0, s5;
	[sflag:s7] =	ssyncset.done $0x0  }
0xa0: {  	[sflag:s7] =	ssyncadd.s32 s5;
	_ =	sdelay $0x1  }
0xa1: {  	s23 =	simm.s32 $0x1B8B  }
0xa2: {  	_ =	swait.ge [sflag:s23], $0x1  }
0xa3: {  	[sflag:s23] =	ssyncset.done $0x0  }
0xa4: {  	[sflag:s23] =	ssyncadd.s32 $0xFFFFFFFF  }
0xa5: {  	s5 =	sld [smem:$0x0]  }
0xa6: {  	s6 =	sand.u32 $0xFFFFFFFE, s1  }
0xa7: {  	p0 =	sne.s32 s1, s6  }
0xa8: {  	s6 =	sshll.u32 @p0 s6, $0xE  }
0xa9: {  	s6 =	sadd.s32 @p0 $0x11B8D, s6;
	s7 =	sshll.u32 @p0 s5, $0x11  }
0xaa: {  	s6 =	sor.u32 @p0 s7, s6  }
0xab: {  	[sflag:s6] =	ssyncadd.remote.s32 @p0 $0x1;
	_ =	sdelay $0x1  }
0xac: {  	s6 =	simm.s32 @p0 $0x1B8D  }
0xad: {  	_ =	swait.eq @p0 [sflag:s6], $0x1  }
0xae: {  	[sflag:s6] =	ssyncadd.s32 @p0 $0xFFFFFFFF  }
0xaf: {  	s7 =	sshll.u32 @!p0 s1, $0xE  }
0xb0: {  	s7 =	sor.u32 @!p0 $0x4000, s7;
	s6 =	simm.s32 @!p0 $0x1B8D  }
0xb1: {  	s5 =	sshll.u32 @!p0 s5, $0x11;
	s7 =	sadd.s32 @!p0 $0x11B8D, s7;
	_ =	swait.eq @!p0 [sflag:s6], $0x1  }
0xb2: {  	s5 =	sor.u32 @!p0 s5, s7;
	[sflag:s6] =	ssyncadd.s32 @!p0 $0xFFFFFFFF  }
0xb3: {  	s25 =	simm.s32 $0x1B8E;
	s24 =	sld [smem:$0x3FFE];
	[sflag:s5] =	ssyncadd.remote.s32 @!p0 $0x1  }
0xb4: {  	s26 =	simm.s32 $execute0_lowered;
	[smem:$0x3FD2] =	sst s25  }
0xb5: {  	s6 =	sshll.u32 s26, $0x1;
	_ =	strace $0x80000049;
	[dreg:$0x1] =	wrdreg $0xFFFFFFFF  }
0xb6: {  	s28 =	simm.s32 $_size_execute0_lowered;
	s4 =	sadd.s32 s4, s6;
	[dreg:$0x0] =	wrdreg $0x0  }
0xb7: {  	s6 =	sshll.u32 s28, $0x1;
	[dreg:$0x2] =	wrdreg s4  }
0xb8: {  	[dreg:$0x3] =	wrdreg s6  }
0xb9: {  	[dreg:$0x4] =	wrdreg $0xC0  }
0xba: {  	_ =	task [dreg:s22], $0x5FFFF  }
0xbb: {  	[dreg:$0x1] =	wrdreg $0xFFFFFFFF  }
0xbc: {  	[dreg:$0x0] =	wrdreg $0x60  }
0xbd: {  	[dreg:$0x2] =	wrdreg s18  }
0xbe: {  	[dreg:$0x3] =	wrdreg s24  }
0xbf: {  	[dreg:$0x4] =	wrdreg $0x191000  }
0xc0: {  	[dreg:$0x5] =	wrdreg $0x9  }
0xc1: {  	_ =	task.clear_ibuf [dreg:s22], $0x6FFFF;
	_ =	strace $0x90000049  }
0xc2: {  	s29 =	simm.s32 $0x9;
	_ =	strace $0x8000004B  }
0xc3: {  	_ =	swait.ge [sflag:s29], $0x1  }
0xc4: {  	[sflag:s29] =	ssyncadd.s32 $0xFFFFFFFF  }
0xc5: {  	_ =	strace $0x9000004B  }
0xc6: {  	_ =	sfence  }
0xc7: {  	s30 =	sld [smem:$0x0];
	_ =	sdelay $0x2  }
0xc8: {  	s31 =	sshll.u32 s1, $0xD;
	s1 =	sshrl.u32 s1, $0x2  }
0xc9: {  	s4 =	sand.u32 $0x4000, s31;
	s1 =	sadd.s32 s1, s30  }
0xca: {  	s0 =	sor.u32 s4, s0;
	s1 =	sshll.u32 s1, $0x11  }
0xcb: {  	s0 =	sor.u32 s1, s0  }
0xcc: {  	s0 =	sadd.s32 $0x8F2B, s0  }
0xcd: {  	[sflag:s0] =	ssyncadd.remote.s32 $0x1  }
0xce: {  	_ =	sfence.sel $0xFFFF  }
0xcf: {  	[dreg:$0x0] =	wrdreg $0xFFFFFFFF;
	(pc) =	sbr.abs _section_cstart, $3  }
0xd0: {  	[dreg:$0x1] =	wrdreg $0xFFFFFFFF  }
0xd1: {  	_ =	task.clear_ibuf [dreg:s22], $0x2FFFF;
	_ =	strace $0x9FFFFFFF  }
0xd2: {  	(tm) =	ssettm $0x7FFFFFFF  }
0xd3: {  	_ =	shalt  }
tec
execute0_lowered:
.L_overlay_start_1:
0x0: {  	(tag) =	ssettag $0x1  }
0x1: {  	s0 =	rddreg [dreg:$0x0];
	s1 =	srdreg.scid  }
0x2: {  	s7 =	rddreg [dreg:$0x1];
	s2 =	stileid.u32  }
0x3: {  	s12 =	rddreg [dreg:$0x2];
	s3 =	simm.s32 $0x0;
	s13 =	simm.s32 $0x1  }
0x4: {  	s14 =	simm.s32 $0x1;
	s15 =	simm.s32 $0x1;
	s16 =	simm.s32 $0x1  }
0x5: {  	s17 =	simm.s32 $0x1;
	s18 =	simm.s32 $0x1;
	s28 =	simm.s32 $0x2  }
0x6: {  	s29 =	simm.s32 $0x3;
	s30 =	simm.s32 $0x880;
	s31 =	simm.s32 $0x80  }
0x7: {  	s5 =	simm.s32 $0xD100;
	s6 =	simm.s32 $0x11100;
	s8 =	sand.u32 $0x1, s1  }
0x8: {  	v14 =	vimm.s32 $0xEDCBA987;
	s4 =	sshll.u32 s2, $0x8;
	[smem:$0x7FF] =	sst s3;
	s19 =	sadd.s32 $0x64E00, s7  }
0x9: {  	s20 =	sadd.s32 $0x84E00, s7;
	s21 =	sadd.s32 $0xA4E00, s7;
	s22 =	sadd.s32 $0xC4E00, s7;
	v17 =	vunpack.c.l.s4.s8 v14  }
0xa: {  	s11 =	smul.u32 $0xC0, s2;
	_ =	strace $0x8000004A;
	[dreg:$0xa] =	wrdreg s19  }
0xb: {  	p0 =	sne.s32 s2, $0x0;
	p1 =	sgt.u32 s2, $0x1;
	[dreg:$0xb] =	wrdreg s20;
	v20 =	vunpack.c.0.s8.s32 v17;
	v17 =	vlaneseq.u32  }
0xc: {  	s1 =	sshll.u32 s8, $0xC;
	[dreg:$0xc] =	wrdreg s21;
	s8 =	ssub.s32 $0x2, s8;
	v49 =	vor.u32 $0x10, v17  }
0xd: {  	[dreg:$0xd] =	wrdreg s22;
	s19 =	simm.s32 $0x680;
	s20 =	simm.s32 $0x700;
	v50 =	vor.u32 $0x20, v17;
	[tilespmem:$0x1FF10] =	vst v49  }
0xe: {  	v12 =	vimm.s32 $0xFFEDCBA9;
	s21 =	simm.s32 $0x780;
	s22 =	simm.s32 $0x580;
	s4 =	sor.u32 s4, s1;
	v51 =	vor.u32 $0x30, v17;
	[tilespmem:$0x1FF20] =	vst v50  }
0xf: {  	v15 =	vunpack.c.l.s4.s8 v12;
	s10 =	sshrl.u32 s8, $0x1;
	s26 =	sshrl.u32 s11, $0x2;
	s11 =	simm.s32 $0x1;
	v52 =	vor.u32 $0x40, v17;
	[tilespmem:$0x1FF30] =	vst v51  }
0x10: {  	s4 =	sshrl.u32 s4, $0x3;
	s8 =	ssub.s32 s8, s10;
	s10 =	simm.s32 $0x1;
	v53 =	vor.u32 $0x50, v17;
	[tilespmem:$0x1FF40] =	vst v52  }
0x11: {  	v18 =	vunpack.c.0.s8.s32 v15;
	v15 =	vmov s1;
	s1 =	simm.s32 $0x900;
	v54 =	vor.u32 $0x60, v17;
	s9 =	sadd.s32 s4, s7;
	s10 =	simm.s32 @!p1 $0x0;
	[tilespmem:$0x1FF50] =	vst v53  }
0x12: {  	v55 =	vor.u32 $0x70, v17;
	p1 =	sgt.u32 s2, $0x2;
	s8 =	smax.u32 s8, $0x1;
	[tilespmem:$0x1FF60] =	vst v54;
	s7 =	simm.s32 $0x15100  }
0x13: {  	v56 =	vor.u32 $0x80, v17;
	[tilespmem:$0x1FF70] =	vst v55;
	s23 =	sadd.s32 $0x4200, s9;
	s24 =	sadd.s32 $0x3600, s9;
	[dreg:$0x9] =	wrdreg s8  }
0x14: {  	v57 =	vor.u32 $0x90, v17;
	[tilespmem:$0x1FF80] =	vst v56;
	s25 =	sadd.s32 $0x3200, s9;
	s9 =	sadd.s32 $0x4600, s9;
	[dreg:$0x4] =	wrdreg s23  }
0x15: {  	v58 =	vor.u32 $0xA0, v17;
	[tilespmem:$0x1FF90] =	vst v57;
	s11 =	simm.s32 @!p1 $0x0;
	p1 =	sgt.u32 s2, $0x3;
	[dreg:$0x5] =	wrdreg s24  }
0x16: {  	v59 =	vor.u32 $0xB0, v17;
	[tilespmem:$0x1FFA0] =	vst v58;
	v40 =	vmov s10;
	s10 =	simm.s32 $0x1;
	s8 =	simm.s32 $0x6;
	[dreg:$0x6] =	wrdreg s25  }
0x17: {  	v60 =	vor.u32 $0xC0, v17;
	[tilespmem:$0x1FFB0] =	vst v59;
	[dreg:$0x7] =	wrdreg s9;
	s9 =	sadd.s32 s26, s12;
	s12 =	simm.s32 $0x1  }
0x18: {  	v61 =	vor.u32 $0xD0, v17;
	[tilespmem:$0x1FFC0] =	vst v60;
	v41 =	vmov s11;
	s11 =	simm.s32 $0x1;
	s23 =	simm.s32 $0x800;
	s24 =	simm.s32 $0x400  }
0x19: {  	v62 =	vor.u32 $0xE0, v17;
	[tilespmem:$0x1FFD0] =	vst v61;
	s25 =	simm.s32 $0x8;
	s12 =	simm.s32 @!p1 $0x0;
	p1 =	sgt.u32 s2, $0x4  }
0x1a: {  	v63 =	vor.u32 $0xF0, v17;
	[tilespmem:$0x1FFE0] =	vst v62;
	s26 =	simm.s32 $0x980;
	s13 =	simm.s32 @!p1 $0x0;
	p1 =	sgt.u32 s2, $0x5  }
0x1b: {  	[tilespmem:$0x1FFF0] =	vst v63;
	[dreg:$0x8] =	wrdreg s9;
	s14 =	simm.s32 @!p1 $0x0;
	p1 =	sgt.u32 s2, $0x6  }
0x1c: {  	v13 =	vimm.s32 $0x87654321;
	[tilespmem:$0x1FE80] =	vst v40;
	s9 =	simm.s32 $0x1;
	s15 =	simm.s32 @!p1 $0x0;
	p1 =	sgt.u32 s2, $0x7  }
0x1d: {  	v16 =	vimm.s32 $0x65432100;
	v13 =	vunpack.c.l.s4.s8 v13;
	[tilespmem:$0x1FE90] =	vst v41;
	s9 =	simm.s32 @!p0 $0x0;
	v42 =	vmov s12;
	s16 =	simm.s32 @!p1 $0x0;
	p1 =	sgt.u32 s2, $0x8  }
0x1e: {  	vm0 =	vmmov $0x1;
	v16 =	vunpack.c.l.s4.s8 v16;
	v0 =	vmov s9;
	s9 =	simm.s32 $0x1;
	[tilespmem:$0x1FEA0] =	vst v42;
	s17 =	simm.s32 @!p1 $0x0;
	p1 =	sgt.u32 s2, $0x9  }
0x1f: {  	vm1 =	vcmask $0x3F3C;
	v19 =	vunpack.c.0.s8.s32 v13;
	v43 =	vmov s13;
	s13 =	simm.s32 $0x1;
	[tilespmem:$0x1FE70] =	vst v0;
	s18 =	simm.s32 @!p1 $0x0;
	p1 =	sgt.u32 s2, $0xA  }
0x20: {  	v21 =	vunpack.c.0.s8.s32 v16;
	v16 =	vimm.s32 $0x0;
	[tilespmem:$0x1FEB0] =	vst v43;
	v44 =	vmov s14;
	s14 =	simm.s32 $0x4;
	s9 =	simm.s32 @!p1 $0x0;
	p1 =	sgt.u32 s2, $0xB  }
0x21: {  	v19 =	vcombine.low v19, v18;
	v18 =	vand.u32 $0xF, v20;
	[tilespmem:$0x1FEC0] =	vst v44;
	v45 =	vmov s15;
	s15 =	simm.s32 $0x100;
	s10 =	simm.s32 @!p1 $0x0;
	p1 =	sgt.u32 s2, $0xC  }
0x22: {  	v20 =	vor.u32 $0x80000000, v17;
	[tilespmem:$0x1FED0] =	vst v45;
	v46 =	vmov s16;
	v10 =	vmov s9;
	s9 =	simm.s32 $0x1;
	s11 =	simm.s32 @!p1 $0x0;
	p1 =	sgt.u32 s2, $0xD  }
0x23: {  	v18 =	vcombine.low v21, v18;
	v21 =	vadd.s32 $0x1, v17;
	[tilespmem:$0x1FEE0] =	vst v46;
	v47 =	vmov s17;
	s9 =	simm.s32 @!p1 $0x0;
	p1 =	seq.s32 s2, $0xF;
	s2 =	simm.s32 $0x1  }
0x24: {  	v19 =	vand.u32 $0xF, v19;
	s16 =	simm.s32 $0x200;
	s17 =	simm.s32 $0x300;
	[tilespmem:$0x1FEF0] =	vst v47;
	v48 =	vmov s18;
	v11 =	vmov s10;
	s2 =	simm.s32 @!p1 $0x0  }
0x25: {  	s18 =	simm.s32 $0x7;
	[tilespmem:$0x1FF00] =	vst v48;
	v12 =	vmov s11;
	v13 =	vmov s9;
	s9 =	simm.s32 $0x0;
	v14 =	vmov s2;
	s2 =	simm.s32 $0x5  }
.LBB2_1:
0x26: {  	s10 =	rddreg [dreg:$0x4]  }
0x27: {  	[tilespmem:s3], [sflag:$0x7] =	stream.linear.gather [hbm4b:s10+s3], $0x100, $0x38;
	[tilespmem:$0x19130] =	vst v63  }
0x28: {  	s4 =	rddreg [dreg:$0x5]  }
0x29: {  	[tilespmem:s15], [sflag:$0x1] =	stream.linear.gather [hbm4b:s4+s3], $0x100, $0x38;
	[tilespmem:$0x19130] =	vst v63  }
0x2a: {  	s11 =	rddreg [dreg:$0x6]  }
0x2b: {  	[tilespmem:s16], [sflag:$0x2] =	stream.linear.gather [hbm4b:s11+s3], $0x100, $0x38;
	[tilespmem:$0x19130] =	vst v63  }
0x2c: {  	s12 =	rddreg [dreg:$0x7]  }
0x2d: {  	[tilespmem:s17], [sflag:$0x3] =	stream.linear.gather [hbm4b:s12+s3], $0x100, $0x38;
	[tilespmem:$0x19130] =	vst v63  }
0x2e: {  	_ =	swait.ge [sflag:s18], $0x100  }
0x2f: {  	[sflag:s18] =	ssyncset.done $0x0  }
0x30: {  	[sflag:s18] =	ssyncadd.s32 $0xFFFFFF00  }
0x31: {  	[tilespmem:$0x780] =	vst v16  }
0x32: {  	[tilespmem:$0x790] =	vst v16  }
0x33: {  	[tilespmem:$0x7A0] =	vst v16  }
0x34: {  	v37 =	vld [tilespmem:s3+$0x0];
	_ =	sdelay $0x4  }
0x35: {  	v37 =	vxor.u32 $0x80000000, v37  }
0x36: {  	(xrf1) =	vsort.ascd.msk.u32 $0xffff, v37, v17;
	_ =	sdelay $0xd  }
0x37: {  	v37, v38, _ =	vpop (xrf1)  }
0x38: {  	v39 =	vxor.u32 $0x80000000, v37  }
0x39: {  	[tilespmem:$0x680] =	vst v39  }
0x3a: {  	v60 =	vld.idx.msk [tilespmem:v18+s19+$0x0], $0xffff;
	_ =	sdelay $0x4  }
0x3b: {  	vm2 =	vne.s32 v39, v60  }
0x3c: {  	vm3 =	vmor vm2, vm0  }
0x3d: {  	v61 =	vsel vm3, $0x1, v16  }
0x3e: {  	[tilespmem:$0x700] =	vst v61  }
0x3f: {  	v40 =	vnsel vm2, $0x80000000, v20;
	v37 =	vld.idx.msk [tilespmem:v19+s20+$0x0], $0xffff  }
0x40: {  	(xrf0) =	vmax.scan.msk.u32 $0xffff, v40;
	_ =	sdelay $0x2  }
0x41: {  	v62 =	vld.idx.msk [tilespmem:v39+s21+$0x0], $0xffff  }
0x42: {  	vm2 =	veq.s32 v37, $0x1  }
0x43: {  	vm2 =	vmor vm2, vm1  }
0x44: {  	v63, _, _ =	vpop (xrf0)  }
0x45: {  	v37 =	vxor.u32 $0x80000000, v63  }
0x46: {  	v40 =	vsub.s32 v62, v37;
	v37 =	vadd.s32 s3, v38;
	_ =	sdelay $0x1  }
0x47: {  	v41 =	vadd.s32 v21, v40  }
0x48: {  	s10 =	simm.s32 $0x10;
	s11 =	simm.s32 $0x0;
	v38 =	vadd.s32 v17, v40;
	[tilespmem:v39+s21+$0x0] =	vst.idx.msk vm2, v41  }
.LBB2_2:
0x49: {  	p1 =	sne.s32 s10, $0xF0  }
0x4a: {  	[tilespmem:v37+s22+$0x0] =	vst.idx.msk $0xffff, v38;
	s11 =	sadd.s32 $0x10, s11;
	s12 =	smov.u32 s10;
	s10 =	sadd.s32 $0x10, s10  }
0x4b: {  	v37 =	vld [tilespmem:s11+$0x0];
	_ =	sdelay $0x4  }
0x4c: {  	v37 =	vxor.u32 $0x80000000, v37  }
0x4d: {  	(xrf1) =	vsort.ascd.msk.u32 $0xffff, v37, v17;
	_ =	sdelay $0xd  }
0x4e: {  	v37, v38, _ =	vpop (xrf1)  }
0x4f: {  	v39 =	vxor.u32 $0x80000000, v37  }
0x50: {  	[tilespmem:$0x680] =	vst v39  }
0x51: {  	v37 =	vld.idx.msk [tilespmem:v18+s19+$0x0], $0xffff;
	_ =	sdelay $0x5  }
0x52: {  	vm2 =	vne.s32 v39, v37  }
0x53: {  	vm3 =	vmor vm2, vm0;
	v37 =	vnsel vm2, $0x80000000, v20  }
0x54: {  	v40 =	vsel vm3, $0x1, v16;
	(xrf0) =	vmax.scan.msk.u32 $0xffff, v37  }
0x55: {  	[tilespmem:$0x700] =	vst v40  }
0x56: {  	v37 =	vld.idx.msk [tilespmem:v19+s20+$0x0], $0xffff  }
0x57: {  	v40 =	vld.idx.msk [tilespmem:v39+s21+$0x0], $0xffff;
	_ =	sdelay $0x2  }
0x58: {  	v41, _, _ =	vpop (xrf0)  }
0x59: {  	v41 =	vxor.u32 $0x80000000, v41  }
0x5a: {  	vm2 =	veq.s32 v37, $0x1  }
0x5b: {  	v40 =	vsub.s32 v40, v41;
	vm2 =	vmor vm2, vm1;
	_ =	sdelay $0x1  }
.Ltmp0:
0x5c: {  	v37 =	vadd.s32 s12, v38;
	(pc) =	sbr.rel @p1 .LBB2_2-.Ltmp0, $3  }
0x5d: {  	_ =	sdelay $0x1  }
0x5e: {  	v41 =	vadd.s32 v21, v40  }
0x5f: {  	v38 =	vadd.s32 v17, v40;
	[tilespmem:v39+s21+$0x0] =	vst.idx.msk vm2, v41  }
0x60: {  	_ =	sdelay $0x3  }
0x61: {  	[tilespmem:v37+s22+$0x0] =	vst.idx.msk $0xffff, v38  }
0x62: {  	v37 =	vld [tilespmem:$0x780]  }
0x63: {  	v38 =	vld [tilespmem:$0x790];
	_ =	sdelay $0x1  }
0x64: {  	v39 =	vld [tilespmem:$0x7A0];
	_ =	sdelay $0x1  }
0x65: {  	(xrf0) =	vadd.scan.msk.s32 $0xffff, v37  }
0x66: {  	(xrf0) =	vadd.scan.msk.s32 $0xffff, v38;
	_ =	sdelay $0x1  }
0x67: {  	(xrf0) =	vadd.scan.msk.s32 $0xffff, v39;
	_ =	sdelay $0x2  }
0x68: {  	v40, _, _ =	vpop (xrf0)  }
0x69: {  	v41, _, _ =	vpop (xrf0)  }
0x6a: {  	v42 =	vbroadcast v40, $0xF;
	v43 =	vadd.s32 v40, v41  }
0x6b: {  	v44 =	vsub.s32 v40, v37;
	v60 =	vsub.s32 v41, v38;
	v61, _, _ =	vpop (xrf0);
	v62 =	vbroadcast v43, $0xF  }
0x6c: {  	[tilespmem:$0x800] =	vst v44;
	v40 =	vadd.s32 v42, v60;
	v63 =	vsub.s32 v61, v39  }
0x6d: {  	[tilespmem:$0x810] =	vst v40;
	v37 =	vadd.s32 v63, v62  }
0x6e: {  	s10 =	simm.s32 $0x0;
	s11 =	simm.s32 $0x580;
	s12 =	simm.s32 $0x0;
	[tilespmem:$0x820] =	vst v37  }
.LBB2_4:
0x6f: {  	v38 =	vld [tilespmem:s10+$0x0];
	_ =	sdelay $0x6  }
0x70: {  	v39 =	vld [tilespmem:s11+$0x0]  }
0x71: {  	v38 =	vld.idx.msk [tilespmem:v38+s23+$0x0], $0xffff;
	_ =	sdelay $0x4  }
0x72: {  	p1 =	sne.s32 s12, $0xF0;
	v38 =	vadd.s32 v39, v38  }
.Ltmp1:
0x73: {  	_ = 	snop;
	(pc) =	sbr.rel @p1 .LBB2_4-.Ltmp1, $3  }
0x74: {  	_ =	sdelay $0x1  }
0x75: {  	v63 =	vor.u32 s12, v17  }
0x76: {  	s10 =	sadd.s32 $0x10, s10;
	s11 =	sadd.s32 $0x10, s11;
	s12 =	sadd.s32 $0x10, s12;
	[tilespmem:v38+s24+$0x0] =	vst.idx.msk $0xffff, v63  }
0x77: {  	s10 =	rddreg [dreg:$0x8]  }
0x78: {  	[spmem:s10] =	stream.linear.scatter [tilespmem:s21], [sflag:$0x8], $0x30, $0x38;
	[tilespmem:$0x19130] =	vst v63  }
0x79: {  	_ =	swait.ge [sflag:s25], $0x30  }
0x7a: {  	[sflag:s25] =	ssyncset.done $0x0  }
0x7b: {  	[sflag:s25] =	ssyncadd.s32 $0xFFFFFFD0  }
0x7c: {  	[bflag:$0x0] =	sbarrier.arrive $0xFFFF  }
0x7d: {  	s11 =	simm.s32 $0xE00;
	s4 =	rddreg [dreg:$0x2]  }
0x7e: {  	[tilespmem:s11], [sflag:$0x8] =	stream.linear.gather [spmem:s4], $0x300, $0x38;
	[tilespmem:$0x19130] =	vst v63  }
0x7f: {  	_ =	swait.ge [sflag:s25], $0x300  }
0x80: {  	v2 =	vld [tilespmem:$0x1FE70]  }
0x81: {  	v3 =	vld [tilespmem:$0x1FE80]  }
0x82: {  	v4 =	vld [tilespmem:$0x1FE90]  }
0x83: {  	v5 =	vld [tilespmem:$0x1FEA0]  }
0x84: {  	v6 =	vld [tilespmem:$0x1FEB0]  }
0x85: {  	v7 =	vld [tilespmem:$0x1FEC0]  }
0x86: {  	[sflag:s25] =	ssyncset.done $0x0;
	v8 =	vld [tilespmem:$0x1FED0]  }
0x87: {  	v9 =	vld [tilespmem:$0x1FEE0];
	[sflag:s25] =	ssyncadd.s32 $0xFFFFFD00  }
0x88: {  	v45 =	vld [tilespmem:$0xE00]  }
0x89: {  	v46 =	vld [tilespmem:$0xE10]  }
0x8a: {  	v47 =	vld [tilespmem:$0xE20]  }
0x8b: {  	v48 =	vld [tilespmem:$0xE30]  }
0x8c: {  	v49 =	vld [tilespmem:$0xE40]  }
0x8d: {  	v50 =	vld [tilespmem:$0xE50]  }
0x8e: {  	v51 =	vld [tilespmem:$0xE60]  }
0x8f: {  	v52 =	vld [tilespmem:$0xE70]  }
0x90: {  	v53 =	vld [tilespmem:$0xE80]  }
0x91: {  	v54 =	vld [tilespmem:$0xE90]  }
0x92: {  	v55 =	vld [tilespmem:$0xEA0]  }
0x93: {  	v56 =	vld [tilespmem:$0xEC0]  }
0x94: {  	v57 =	vld [tilespmem:$0xED0]  }
0x95: {  	v58 =	vld [tilespmem:$0xEF0]  }
0x96: {  	v59 =	vld [tilespmem:$0xF00]  }
0x97: {  	v60 =	vld [tilespmem:$0xF20]  }
0x98: {  	v61 =	vld [tilespmem:$0xF30]  }
0x99: {  	v62 =	vld [tilespmem:$0xF50]  }
0x9a: {  	v63 =	vld [tilespmem:$0xF60]  }
0x9b: {  	v22 =	vld [tilespmem:$0xF80]  }
0x9c: {  	v44 =	vsub.s32 v15, v44;
	v40 =	vsub.s32 v15, v40;
	v28 =	vld [tilespmem:$0x1040]  }
0x9d: {  	v37 =	vsub.s32 v15, v37;
	v36 =	vld [tilespmem:$0xEB0];
	v38 =	vadd.s32 v45, v48;
	v39 =	vadd.s32 v46, v49  }
0x9e: {  	v23 =	vld [tilespmem:$0xF90];
	v45 =	vmul.u32 v2, v45;
	v46 =	vmul.u32 v2, v46;
	v35 =	vadd.s32 v47, v50  }
0x9f: {  	v24 =	vld [tilespmem:$0xFB0];
	v48 =	vmul.u32 v3, v48;
	v49 =	vmul.u32 v3, v49;
	v38 =	vadd.s32 v51, v38  }
0xa0: {  	v0 =	vld [tilespmem:$0xEE0];
	v39 =	vadd.s32 v52, v39;
	v35 =	vadd.s32 v53, v35;
	v51 =	vmul.u32 v4, v51  }
0xa1: {  	v43 =	vld [tilespmem:$0xFC0];
	v52 =	vmul.u32 v4, v52;
	v4 =	vmul.u32 v4, v53;
	v53 =	vmul.u32 v12, v28  }
0xa2: {  	v1 =	vld [tilespmem:$0xF10];
	v38 =	vadd.s32 v54, v38;
	v39 =	vadd.s32 v55, v39;
	v35 =	vadd.s32 v36, v35  }
0xa3: {  	v25 =	vld [tilespmem:$0xFE0];
	v44 =	vadd.s32 v45, v44;
	v54 =	vmul.u32 v5, v54;
	v40 =	vadd.s32 v46, v40  }
0xa4: {  	v26 =	vld [tilespmem:$0xFF0];
	v36 =	vmul.u32 v5, v36;
	v38 =	vadd.s32 v56, v38;
	v39 =	vadd.s32 v57, v39  }
0xa5: {  	v27 =	vld [tilespmem:$0x1010];
	v35 =	vadd.s32 v0, v35;
	v44 =	vadd.s32 v48, v44;
	v56 =	vmul.u32 v6, v56  }
0xa6: {  	v41 =	vld [tilespmem:$0x1020];
	v40 =	vadd.s32 v49, v40;
	v0 =	vmul.u32 v6, v0;
	v38 =	vadd.s32 v58, v38  }
0xa7: {  	v29 =	vld [tilespmem:$0x1050];
	v39 =	vadd.s32 v59, v39;
	v35 =	vadd.s32 v1, v35;
	v44 =	vadd.s32 v51, v44  }
0xa8: {  	v30 =	vld [tilespmem:$0x1070];
	v58 =	vmul.u32 v7, v58;
	v40 =	vadd.s32 v52, v40;
	v52 =	vmul.u32 v5, v55  }
0xa9: {  	v33 =	vld [tilespmem:$0x10D0];
	v55 =	vmul.u32 v2, v47;
	v2 =	vmul.u32 v7, v59;
	v47 =	vmul.u32 v9, v63  }
0xaa: {  	v34 =	vld [tilespmem:$0x10E0];
	v1 =	vmul.u32 v7, v1;
	v38 =	vadd.s32 v60, v38;
	v39 =	vadd.s32 v61, v39  }
0xab: {  	v45 =	vld [tilespmem:$0xFA0];
	v44 =	vadd.s32 v54, v44;
	v60 =	vmul.u32 v8, v60;
	v42 =	vadd.s32 v62, v38  }
0xac: {  	v38 =	vld [tilespmem:$0x1080];
	v31 =	vadd.s32 v63, v39;
	v44 =	vadd.s32 v56, v44;
	v42 =	vadd.s32 v22, v42  }
0xad: {  	v39 =	vld [tilespmem:$0x10A0];
	v62 =	vmul.u32 v9, v62;
	v31 =	vadd.s32 v23, v31;
	v32 =	vadd.s32 v24, v42  }
0xae: {  	v40 =	vadd.s32 v52, v40;
	v42 =	vld [tilespmem:$0x10B0];
	v31 =	vadd.s32 v43, v31;
	v32 =	vadd.s32 v25, v32  }
0xaf: {  	v51 =	vld [tilespmem:$0x1000];
	v37 =	vadd.s32 v55, v37;
	v31 =	vadd.s32 v26, v31;
	v32 =	vadd.s32 v27, v32  }
0xb0: {  	v56 =	vld [tilespmem:$0x1060];
	v44 =	vadd.s32 v58, v44;
	v31 =	vadd.s32 v41, v31;
	v32 =	vadd.s32 v28, v32  }
0xb1: {  	v58 =	vld [tilespmem:$0x1090];
	v44 =	vadd.s32 v60, v44;
	v31 =	vadd.s32 v29, v31;
	v32 =	vadd.s32 v30, v32  }
0xb2: {  	v60 =	vld [tilespmem:$0x1FEF0];
	v44 =	vadd.s32 v62, v44;
	v31 =	vadd.s32 v38, v31;
	v32 =	vadd.s32 v39, v32  }
0xb3: {  	v62 =	vmul.u32 v6, v57;
	v31 =	vadd.s32 v42, v31;
	v32 =	vadd.s32 v33, v32;
	v33 =	vld [tilespmem:$0xF40]  }
0xb4: {  	v63 =	vmul.u32 v13, v30;
	v25 =	vmul.u32 v10, v25;
	v31 =	vadd.s32 v34, v31;
	v34 =	vld [tilespmem:$0xF70]  }
0xb5: {  	v57 =	vld [tilespmem:$0x1FF00];
	v26 =	vmul.u32 v10, v26;
	v27 =	vmul.u32 v11, v27;
	v52 =	vadd.s32 v62, v40  }
0xb6: {  	v48 =	vld [tilespmem:$0xFD0];
	v62 =	vmul.u32 v3, v50;
	v3 =	vmul.u32 v8, v61;
	v61 =	vmul.u32 v10, v51  }
0xb7: {  	v5 =	vmul.u32 v12, v56;
	v6 =	vmul.u32 v13, v38;
	v7 =	vmul.u32 v13, v58  }
0xb8: {  	v54 =	vld [tilespmem:$0x1030];
	v30 =	vmul.u32 v14, v39;
	v22 =	vmul.u32 v60, v22;
	v35 =	vadd.s32 v33, v35  }
0xb9: {  	v23 =	vmul.u32 v60, v23;
	v55 =	vmul.u32 v60, v45;
	v35 =	vadd.s32 v34, v35  }
0xba: {  	v60 =	vmul.u32 v11, v41;
	v24 =	vmul.u32 v57, v24;
	v35 =	vadd.s32 v45, v35  }
0xbb: {  	v46 =	vld [tilespmem:$0x10C0];
	v50 =	vmul.u32 v57, v43;
	v59 =	vmul.u32 v57, v48;
	v35 =	vadd.s32 v48, v35  }
0xbc: {  	v49 =	vld [tilespmem:$0x10F0];
	v22 =	vadd.s32 v22, v44;
	v44 =	vadd.s32 v62, v37;
	v35 =	vadd.s32 v51, v35  }
0xbd: {  	v62 =	vmul.u32 v12, v29;
	v22 =	vadd.s32 v24, v22;
	v35 =	vadd.s32 v54, v35  }
0xbe: {  	v24 =	vadd.s32 v2, v52;
	v22 =	vadd.s32 v25, v22;
	v35 =	vadd.s32 v56, v35  }
0xbf: {  	v24 =	vadd.s32 v3, v24;
	v25 =	vadd.s32 v4, v44;
	v35 =	vadd.s32 v58, v35  }
0xc0: {  	v4 =	vmul.u32 v11, v54;
	v25 =	vadd.s32 v36, v25;
	v35 =	vadd.s32 v46, v35  }
0xc1: {  	v0 =	vadd.s32 v0, v25;
	v35 =	vadd.s32 v49, v35;
	v49 =	vmul.u32 v8, v33  }
0xc2: {  	(xrf0) =	vadd.scan.msk.s32 $0xffff, v32;
	v24 =	vadd.s32 v47, v24;
	v52 =	vmul.u32 v9, v34;
	v0 =	vadd.s32 v1, v0  }
0xc3: {  	v22 =	vadd.s32 v27, v22;
	v23 =	vadd.s32 v23, v24;
	v0 =	vadd.s32 v49, v0  }
0xc4: {  	(xrf0) =	vadd.scan.msk.s32 $0xffff, v31;
	v22 =	vadd.s32 v53, v22;
	v23 =	vadd.s32 v50, v23;
	v0 =	vadd.s32 v52, v0  }
0xc5: {  	v22 =	vadd.s32 v63, v22;
	v34 =	vmul.u32 v14, v46;
	v0 =	vadd.s32 v55, v0  }
0xc6: {  	v23 =	vadd.s32 v26, v23;
	v22 =	vadd.s32 v30, v22;
	(xrf0) =	vadd.scan.msk.s32 $0xffff, v35;
	v0 =	vadd.s32 v59, v0  }
0xc7: {  	v23 =	vadd.s32 v60, v23;
	v22 =	vsub.s32 v22, v32;
	v0 =	vadd.s32 v61, v0  }
0xc8: {  	v36, _, _ =	vpop (xrf0);
	v23 =	vadd.s32 v62, v23;
	v33 =	vmul.u32 v14, v42;
	v0 =	vadd.s32 v4, v0  }
0xc9: {  	v38 =	vbroadcast v36, $0xF;
	v23 =	vadd.s32 v6, v23;
	v0 =	vadd.s32 v5, v0  }
0xca: {  	v37, _, _ =	vpop (xrf0);
	v22 =	vadd.s32 v36, v22;
	v23 =	vadd.s32 v33, v23;
	v0 =	vadd.s32 v7, v0  }
0xcb: {  	v24 =	vadd.s32 v36, v37;
	v23 =	vsub.s32 v23, v31;
	v0 =	vadd.s32 v34, v0  }
0xcc: {  	v24 =	vbroadcast v24, $0xF;
	v23 =	vadd.s32 v37, v23;
	v39, _, _ =	vpop (xrf0);
	v0 =	vsub.s32 v0, v35  }
0xcd: {  	[tilespmem:$0x880] =	vst v22;
	v1 =	vadd.s32 v38, v23;
	v0 =	vadd.s32 v39, v0  }
0xce: {  	[tilespmem:$0x890] =	vst v1;
	v0 =	vadd.s32 v24, v0  }
0xcf: {  	[tilespmem:$0x8A0] =	vst v0  }
0xd0: {  	_ =	swait.ge [sflag:s13], $0x100  }
0xd1: {  	[sflag:s13] =	ssyncset.done $0x0  }
0xd2: {  	[sflag:s13] =	ssyncadd.s32 $0xFFFFFF00  }
0xd3: {  	_ =	swait.ge [sflag:s28], $0x100  }
0xd4: {  	[sflag:s28] =	ssyncset.done $0x0  }
0xd5: {  	[sflag:s28] =	ssyncadd.s32 $0xFFFFFF00  }
0xd6: {  	_ =	swait.ge [sflag:s29], $0x100  }
0xd7: {  	[sflag:s29] =	ssyncset.done $0x0  }
0xd8: {  	[sflag:s29] =	ssyncadd.s32 $0xFFFFFF00  }
0xd9: {  	v40 =	vld [tilespmem:$0x400];
	_ =	sdelay $0x7  }
0xda: {  	v41 =	vld.idx.msk [tilespmem:v40+s3+$0x0], $0xffff;
	_ =	sdelay $0x7  }
0xdb: {  	v22 =	vld.idx.msk [tilespmem:v41+s30+$0x0], $0xffff;
	_ =	sdelay $0x4  }
0xdc: {  	v22 =	vadd.s32 v17, v22  }
0xdd: {  	[tilespmem:$0x900] =	vst v22  }
0xde: {  	v22 =	vld.idx.msk [tilespmem:v40+s15+$0x0], $0xffff;
	_ =	sdelay $0x4  }
0xdf: {  	[tilespmem:$0xA00] =	vst v22  }
0xe0: {  	v22 =	vld.idx.msk [tilespmem:v40+s16+$0x0], $0xffff;
	_ =	sdelay $0x4  }
0xe1: {  	[tilespmem:$0xB00] =	vst v22;
	v22 =	vld [tilespmem:$0x410];
	_ =	sdelay $0x1  }
0xe2: {  	v0 =	vld.idx.msk [tilespmem:v40+s17+$0x0], $0xffff;
	_ =	sdelay $0x3  }
0xe3: {  	[tilespmem:$0xD00] =	vst v41  }
0xe4: {  	[tilespmem:$0xC00] =	vst v0  }
0xe5: {  	v0 =	vld.idx.msk [tilespmem:v22+s3+$0x0], $0xffff;
	_ =	sdelay $0x6  }
0xe6: {  	v42 =	vld [tilespmem:$0x1FF10]  }
0xe7: {  	v1 =	vld.idx.msk [tilespmem:v0+s30+$0x0], $0xffff;
	_ =	sdelay $0x4  }
0xe8: {  	v1 =	vadd.s32 v42, v1  }
0xe9: {  	[tilespmem:$0x910] =	vst v1  }
0xea: {  	v1 =	vld.idx.msk [tilespmem:v22+s15+$0x0], $0xffff;
	_ =	sdelay $0x4  }
0xeb: {  	[tilespmem:$0xA10] =	vst v1  }
0xec: {  	v1 =	vld.idx.msk [tilespmem:v22+s16+$0x0], $0xffff;
	_ =	sdelay $0x3  }
0xed: {  	v43 =	vld [tilespmem:$0x420]  }
0xee: {  	[tilespmem:$0xB10] =	vst v1  }
0xef: {  	v22 =	vld.idx.msk [tilespmem:v22+s17+$0x0], $0xffff;
	_ =	sdelay $0x3  }
0xf0: {  	[tilespmem:$0xD10] =	vst v0  }
0xf1: {  	[tilespmem:$0xC10] =	vst v22  }
0xf2: {  	v0 =	vld.idx.msk [tilespmem:v43+s3+$0x0], $0xffff;
	_ =	sdelay $0x6  }
0xf3: {  	v44 =	vld [tilespmem:$0x1FF20]  }
0xf4: {  	v22 =	vld.idx.msk [tilespmem:v0+s30+$0x0], $0xffff;
	_ =	sdelay $0x4  }
0xf5: {  	v22 =	vadd.s32 v44, v22  }
0xf6: {  	[tilespmem:$0x920] =	vst v22  }
0xf7: {  	v22 =	vld.idx.msk [tilespmem:v43+s15+$0x0], $0xffff;
	_ =	sdelay $0x4  }
0xf8: {  	[tilespmem:$0xA20] =	vst v22  }
0xf9: {  	v22 =	vld.idx.msk [tilespmem:v43+s16+$0x0], $0xffff;
	_ =	sdelay $0x4  }
0xfa: {  	[tilespmem:$0xB20] =	vst v22;
	v22 =	vld [tilespmem:$0x430];
	_ =	sdelay $0x1  }
0xfb: {  	v1 =	vld.idx.msk [tilespmem:v43+s17+$0x0], $0xffff;
	_ =	sdelay $0x3  }
0xfc: {  	[tilespmem:$0xD20] =	vst v0  }
0xfd: {  	[tilespmem:$0xC20] =	vst v1  }
0xfe: {  	v0 =	vld.idx.msk [tilespmem:v22+s3+$0x0], $0xffff;
	_ =	sdelay $0x6  }
0xff: {  	v45 =	vld [tilespmem:$0x1FF30]  }
0x100: {  	v1 =	vld.idx.msk [tilespmem:v0+s30+$0x0], $0xffff;
	_ =	sdelay $0x4  }
0x101: {  	v1 =	vadd.s32 v45, v1  }
0x102: {  	[tilespmem:$0x930] =	vst v1  }
0x103: {  	v1 =	vld.idx.msk [tilespmem:v22+s15+$0x0], $0xffff;
	_ =	sdelay $0x4  }
0x104: {  	[tilespmem:$0xA30] =	vst v1  }
0x105: {  	v1 =	vld.idx.msk [tilespmem:v22+s16+$0x0], $0xffff;
	_ =	sdelay $0x3  }
0x106: {  	v46 =	vld [tilespmem:$0x440]  }
0x107: {  	[tilespmem:$0xB30] =	vst v1  }
0x108: {  	v22 =	vld.idx.msk [tilespmem:v22+s17+$0x0], $0xffff;
	_ =	sdelay $0x3  }
0x109: {  	[tilespmem:$0xD30] =	vst v0  }
0x10a: {  	[tilespmem:$0xC30] =	vst v22  }
0x10b: {  	v0 =	vld.idx.msk [tilespmem:v46+s3+$0x0], $0xffff;
	_ =	sdelay $0x6  }
0x10c: {  	v47 =	vld [tilespmem:$0x1FF40]  }
0x10d: {  	v22 =	vld.idx.msk [tilespmem:v0+s30+$0x0], $0xffff;
	_ =	sdelay $0x4  }
0x10e: {  	v22 =	vadd.s32 v47, v22  }
0x10f: {  	[tilespmem:$0x940] =	vst v22  }
0x110: {  	v22 =	vld.idx.msk [tilespmem:v46+s15+$0x0], $0xffff;
	_ =	sdelay $0x4  }
0x111: {  	[tilespmem:$0xA40] =	vst v22  }
0x112: {  	v22 =	vld.idx.msk [tilespmem:v46+s16+$0x0], $0xffff;
	_ =	sdelay $0x4  }
0x113: {  	[tilespmem:$0xB40] =	vst v22;
	v22 =	vld [tilespmem:$0x450];
	_ =	sdelay $0x1  }
0x114: {  	v1 =	vld.idx.msk [tilespmem:v46+s17+$0x0], $0xffff;
	_ =	sdelay $0x3  }
0x115: {  	[tilespmem:$0xD40] =	vst v0  }
0x116: {  	[tilespmem:$0xC40] =	vst v1  }
0x117: {  	v0 =	vld.idx.msk [tilespmem:v22+s3+$0x0], $0xffff;
	_ =	sdelay $0x6  }
0x118: {  	v48 =	vld [tilespmem:$0x1FF50]  }
0x119: {  	v1 =	vld.idx.msk [tilespmem:v0+s30+$0x0], $0xffff;
	_ =	sdelay $0x4  }
0x11a: {  	v1 =	vadd.s32 v48, v1  }
0x11b: {  	[tilespmem:$0x950] =	vst v1  }
0x11c: {  	v1 =	vld.idx.msk [tilespmem:v22+s15+$0x0], $0xffff;
	_ =	sdelay $0x4  }
0x11d: {  	[tilespmem:$0xA50] =	vst v1  }
0x11e: {  	v1 =	vld.idx.msk [tilespmem:v22+s16+$0x0], $0xffff;
	_ =	sdelay $0x3  }
0x11f: {  	v49 =	vld [tilespmem:$0x460]  }
0x120: {  	[tilespmem:$0xB50] =	vst v1  }
0x121: {  	v22 =	vld.idx.msk [tilespmem:v22+s17+$0x0], $0xffff;
	_ =	sdelay $0x3  }
0x122: {  	[tilespmem:$0xD50] =	vst v0  }
0x123: {  	[tilespmem:$0xC50] =	vst v22  }
0x124: {  	v0 =	vld.idx.msk [tilespmem:v49+s3+$0x0], $0xffff;
	_ =	sdelay $0x6  }
0x125: {  	v50 =	vld [tilespmem:$0x1FF60]  }
0x126: {  	v22 =	vld.idx.msk [tilespmem:v0+s30+$0x0], $0xffff;
	_ =	sdelay $0x4  }
0x127: {  	v22 =	vadd.s32 v50, v22  }
0x128: {  	[tilespmem:$0x960] =	vst v22  }
0x129: {  	v22 =	vld.idx.msk [tilespmem:v49+s15+$0x0], $0xffff;
	_ =	sdelay $0x4  }
0x12a: {  	[tilespmem:$0xA60] =	vst v22  }
0x12b: {  	v22 =	vld.idx.msk [tilespmem:v49+s16+$0x0], $0xffff;
	_ =	sdelay $0x4  }
0x12c: {  	[tilespmem:$0xB60] =	vst v22;
	v22 =	vld [tilespmem:$0x470];
	_ =	sdelay $0x1  }
0x12d: {  	v1 =	vld.idx.msk [tilespmem:v49+s17+$0x0], $0xffff;
	_ =	sdelay $0x3  }
0x12e: {  	[tilespmem:$0xD60] =	vst v0  }
0x12f: {  	[tilespmem:$0xC60] =	vst v1  }
0x130: {  	v0 =	vld.idx.msk [tilespmem:v22+s3+$0x0], $0xffff;
	_ =	sdelay $0x6  }
0x131: {  	v51 =	vld [tilespmem:$0x1FF70]  }
0x132: {  	v1 =	vld.idx.msk [tilespmem:v0+s30+$0x0], $0xffff;
	_ =	sdelay $0x4  }
0x133: {  	v1 =	vadd.s32 v51, v1  }
0x134: {  	[tilespmem:$0x970] =	vst v1  }
0x135: {  	v1 =	vld.idx.msk [tilespmem:v22+s15+$0x0], $0xffff;
	_ =	sdelay $0x4  }
0x136: {  	[tilespmem:$0xA70] =	vst v1  }
0x137: {  	v1 =	vld.idx.msk [tilespmem:v22+s16+$0x0], $0xffff;
	_ =	sdelay $0x3  }
0x138: {  	v52 =	vld [tilespmem:$0x480]  }
0x139: {  	[tilespmem:$0xB70] =	vst v1  }
0x13a: {  	v22 =	vld.idx.msk [tilespmem:v22+s17+$0x0], $0xffff;
	_ =	sdelay $0x3  }
0x13b: {  	[tilespmem:$0xD70] =	vst v0  }
0x13c: {  	[tilespmem:$0xC70] =	vst v22  }
0x13d: {  	v0 =	vld.idx.msk [tilespmem:v52+s3+$0x0], $0xffff;
	_ =	sdelay $0x6  }
0x13e: {  	v53 =	vld [tilespmem:$0x1FF80]  }
0x13f: {  	v22 =	vld.idx.msk [tilespmem:v0+s30+$0x0], $0xffff;
	_ =	sdelay $0x4  }
0x140: {  	v22 =	vadd.s32 v53, v22  }
0x141: {  	[tilespmem:$0x980] =	vst v22  }
0x142: {  	v22 =	vld.idx.msk [tilespmem:v52+s15+$0x0], $0xffff;
	_ =	sdelay $0x4  }
0x143: {  	[tilespmem:$0xA80] =	vst v22  }
0x144: {  	v22 =	vld.idx.msk [tilespmem:v52+s16+$0x0], $0xffff;
	_ =	sdelay $0x4  }
0x145: {  	[tilespmem:$0xB80] =	vst v22;
	v22 =	vld [tilespmem:$0x490];
	_ =	sdelay $0x1  }
0x146: {  	v1 =	vld.idx.msk [tilespmem:v52+s17+$0x0], $0xffff;
	_ =	sdelay $0x3  }
0x147: {  	[tilespmem:$0xD80] =	vst v0  }
0x148: {  	[tilespmem:$0xC80] =	vst v1  }
0x149: {  	v0 =	vld.idx.msk [tilespmem:v22+s3+$0x0], $0xffff;
	_ =	sdelay $0x6  }
0x14a: {  	v54 =	vld [tilespmem:$0x1FF90]  }
0x14b: {  	v1 =	vld.idx.msk [tilespmem:v0+s30+$0x0], $0xffff;
	_ =	sdelay $0x4  }
0x14c: {  	v1 =	vadd.s32 v54, v1  }
0x14d: {  	[tilespmem:$0x990] =	vst v1  }
0x14e: {  	v1 =	vld.idx.msk [tilespmem:v22+s15+$0x0], $0xffff;
	_ =	sdelay $0x4  }
0x14f: {  	[tilespmem:$0xA90] =	vst v1  }
0x150: {  	v1 =	vld.idx.msk [tilespmem:v22+s16+$0x0], $0xffff;
	_ =	sdelay $0x3  }
0x151: {  	v55 =	vld [tilespmem:$0x4A0]  }
0x152: {  	[tilespmem:$0xB90] =	vst v1  }
0x153: {  	v22 =	vld.idx.msk [tilespmem:v22+s17+$0x0], $0xffff;
	_ =	sdelay $0x3  }
0x154: {  	[tilespmem:$0xD90] =	vst v0  }
0x155: {  	[tilespmem:$0xC90] =	vst v22  }
0x156: {  	v0 =	vld.idx.msk [tilespmem:v55+s3+$0x0], $0xffff;
	_ =	sdelay $0x6  }
0x157: {  	v56 =	vld [tilespmem:$0x1FFA0]  }
0x158: {  	v22 =	vld.idx.msk [tilespmem:v0+s30+$0x0], $0xffff;
	_ =	sdelay $0x4  }
0x159: {  	v22 =	vadd.s32 v56, v22  }
0x15a: {  	[tilespmem:$0x9A0] =	vst v22  }
0x15b: {  	v22 =	vld.idx.msk [tilespmem:v55+s15+$0x0], $0xffff;
	_ =	sdelay $0x4  }
0x15c: {  	[tilespmem:$0xAA0] =	vst v22  }
0x15d: {  	v22 =	vld.idx.msk [tilespmem:v55+s16+$0x0], $0xffff;
	_ =	sdelay $0x4  }
0x15e: {  	[tilespmem:$0xBA0] =	vst v22;
	v22 =	vld [tilespmem:$0x4B0];
	_ =	sdelay $0x1  }
0x15f: {  	v1 =	vld.idx.msk [tilespmem:v55+s17+$0x0], $0xffff;
	_ =	sdelay $0x3  }
0x160: {  	[tilespmem:$0xDA0] =	vst v0  }
0x161: {  	[tilespmem:$0xCA0] =	vst v1  }
0x162: {  	v0 =	vld.idx.msk [tilespmem:v22+s3+$0x0], $0xffff;
	_ =	sdelay $0x6  }
0x163: {  	v57 =	vld [tilespmem:$0x1FFB0]  }
0x164: {  	v1 =	vld.idx.msk [tilespmem:v0+s30+$0x0], $0xffff;
	_ =	sdelay $0x4  }
0x165: {  	v1 =	vadd.s32 v57, v1  }
0x166: {  	[tilespmem:$0x9B0] =	vst v1  }
0x167: {  	v1 =	vld.idx.msk [tilespmem:v22+s15+$0x0], $0xffff;
	_ =	sdelay $0x4  }
0x168: {  	[tilespmem:$0xAB0] =	vst v1  }
0x169: {  	v1 =	vld.idx.msk [tilespmem:v22+s16+$0x0], $0xffff;
	_ =	sdelay $0x3  }
0x16a: {  	v58 =	vld [tilespmem:$0x4C0]  }
0x16b: {  	[tilespmem:$0xBB0] =	vst v1  }
0x16c: {  	v22 =	vld.idx.msk [tilespmem:v22+s17+$0x0], $0xffff;
	_ =	sdelay $0x3  }
0x16d: {  	[tilespmem:$0xDB0] =	vst v0  }
0x16e: {  	[tilespmem:$0xCB0] =	vst v22  }
0x16f: {  	v0 =	vld.idx.msk [tilespmem:v58+s3+$0x0], $0xffff;
	_ =	sdelay $0x6  }
0x170: {  	v59 =	vld [tilespmem:$0x1FFC0]  }
0x171: {  	v22 =	vld.idx.msk [tilespmem:v0+s30+$0x0], $0xffff;
	_ =	sdelay $0x4  }
0x172: {  	v22 =	vadd.s32 v59, v22  }
0x173: {  	[tilespmem:$0x9C0] =	vst v22  }
0x174: {  	v22 =	vld.idx.msk [tilespmem:v58+s15+$0x0], $0xffff;
	_ =	sdelay $0x4  }
0x175: {  	[tilespmem:$0xAC0] =	vst v22  }
0x176: {  	v22 =	vld.idx.msk [tilespmem:v58+s16+$0x0], $0xffff;
	_ =	sdelay $0x4  }
0x177: {  	[tilespmem:$0xBC0] =	vst v22;
	v22 =	vld [tilespmem:$0x4D0];
	_ =	sdelay $0x1  }
0x178: {  	v1 =	vld.idx.msk [tilespmem:v58+s17+$0x0], $0xffff;
	_ =	sdelay $0x3  }
0x179: {  	[tilespmem:$0xDC0] =	vst v0  }
0x17a: {  	[tilespmem:$0xCC0] =	vst v1  }
0x17b: {  	v0 =	vld.idx.msk [tilespmem:v22+s3+$0x0], $0xffff;
	_ =	sdelay $0x6  }
0x17c: {  	v60 =	vld [tilespmem:$0x1FFD0]  }
0x17d: {  	v1 =	vld.idx.msk [tilespmem:v0+s30+$0x0], $0xffff;
	_ =	sdelay $0x4  }
0x17e: {  	v1 =	vadd.s32 v60, v1  }
0x17f: {  	[tilespmem:$0x9D0] =	vst v1  }
0x180: {  	v1 =	vld.idx.msk [tilespmem:v22+s15+$0x0], $0xffff;
	_ =	sdelay $0x4  }
0x181: {  	[tilespmem:$0xAD0] =	vst v1  }
0x182: {  	v1 =	vld.idx.msk [tilespmem:v22+s16+$0x0], $0xffff;
	_ =	sdelay $0x3  }
0x183: {  	v61 =	vld [tilespmem:$0x4E0]  }
0x184: {  	[tilespmem:$0xBD0] =	vst v1  }
0x185: {  	v22 =	vld.idx.msk [tilespmem:v22+s17+$0x0], $0xffff;
	_ =	sdelay $0x3  }
0x186: {  	[tilespmem:$0xDD0] =	vst v0  }
0x187: {  	[tilespmem:$0xCD0] =	vst v22  }
0x188: {  	v0 =	vld.idx.msk [tilespmem:v61+s3+$0x0], $0xffff;
	_ =	sdelay $0x6  }
0x189: {  	v62 =	vld [tilespmem:$0x1FFE0]  }
0x18a: {  	v22 =	vld.idx.msk [tilespmem:v0+s30+$0x0], $0xffff;
	_ =	sdelay $0x4  }
0x18b: {  	v22 =	vadd.s32 v62, v22  }
0x18c: {  	[tilespmem:$0x9E0] =	vst v22  }
0x18d: {  	v22 =	vld.idx.msk [tilespmem:v61+s15+$0x0], $0xffff;
	_ =	sdelay $0x4  }
0x18e: {  	[tilespmem:$0xAE0] =	vst v22  }
0x18f: {  	v22 =	vld.idx.msk [tilespmem:v61+s16+$0x0], $0xffff;
	_ =	sdelay $0x4  }
0x190: {  	[tilespmem:$0xBE0] =	vst v22;
	v22 =	vld [tilespmem:$0x4F0];
	_ =	sdelay $0x1  }
0x191: {  	v1 =	vld.idx.msk [tilespmem:v61+s17+$0x0], $0xffff;
	_ =	sdelay $0x3  }
0x192: {  	[tilespmem:$0xDE0] =	vst v0  }
0x193: {  	[tilespmem:$0xCE0] =	vst v1  }
0x194: {  	v0 =	vld.idx.msk [tilespmem:v22+s3+$0x0], $0xffff;
	_ =	sdelay $0x6  }
0x195: {  	v63 =	vld [tilespmem:$0x1FFF0]  }
0x196: {  	v1 =	vld.idx.msk [tilespmem:v0+s30+$0x0], $0xffff;
	_ =	sdelay $0x4  }
0x197: {  	v1 =	vadd.s32 v63, v1  }
0x198: {  	[tilespmem:$0x9F0] =	vst v1  }
0x199: {  	v1 =	vld.idx.msk [tilespmem:v22+s15+$0x0], $0xffff;
	_ =	sdelay $0x4  }
0x19a: {  	[tilespmem:$0xAF0] =	vst v1  }
0x19b: {  	v1 =	vld.idx.msk [tilespmem:v22+s16+$0x0], $0xffff;
	_ =	sdelay $0x4  }
0x19c: {  	[tilespmem:$0xBF0] =	vst v1  }
0x19d: {  	v1 =	vld.idx.msk [tilespmem:v22+s17+$0x0], $0xffff;
	_ =	sdelay $0x3  }
0x19e: {  	[tilespmem:$0xDF0] =	vst v0  }
0x19f: {  	s12 =	simm.s32 $0xD00;
	s4 =	rddreg [dreg:$0xd];
	[tilespmem:$0xCF0] =	vst v1  }
0x1a0: {  	[hbm4b:s4+s31] =	stream.indirect.scatter [tilespmem:s12], [sflag:$0x7], $0x1, s1, s31, $0xb8;
	[tilespmem:$0x19130] =	vst v63  }
0x1a1: {  	s11 =	simm.s32 $0xD80  }
0x1a2: {  	[hbm4b:s4+s31] =	stream.indirect.scatter [tilespmem:s11], [sflag:$0x7], $0x1, s26, s31, $0xb8;
	[tilespmem:$0x19130] =	vst v63  }
0x1a3: {  	s12 =	simm.s32 $0xA00;
	s11 =	simm.s32 $0x1100  }
0x1a4: {  	[tilespmem:s11], [sflag:$0x1] =	stream.indirect.gather [hbm4b:s0+s31], $0x80, s12, s31, $0xb8;
	[tilespmem:$0x19130] =	vst v63  }
0x1a5: {  	s4 =	simm.s32 $0xB00;
	s12 =	simm.s32 $0x5100  }
0x1a6: {  	[tilespmem:s12], [sflag:$0x2] =	stream.indirect.gather [hbm4b:s0+s31], $0x80, s4, s31, $0xb8;
	[tilespmem:$0x19130] =	vst v63  }
0x1a7: {  	s10 =	simm.s32 $0xC00;
	s4 =	simm.s32 $0x9100  }
0x1a8: {  	[tilespmem:s4], [sflag:$0x3] =	stream.indirect.gather [hbm4b:s0+s31], $0x80, s10, s31, $0xb8;
	[tilespmem:$0x19130] =	vst v63  }
0x1a9: {  	s10 =	simm.s32 $0xA80  }
0x1aa: {  	[tilespmem:s5], [sflag:$0x4] =	stream.indirect.gather [hbm4b:s0+s31], $0x80, s10, s31, $0xb8;
	[tilespmem:$0x19130] =	vst v63  }
0x1ab: {  	s10 =	simm.s32 $0xB80  }
0x1ac: {  	[tilespmem:s6], [sflag:$0x5] =	stream.indirect.gather [hbm4b:s0+s31], $0x80, s10, s31, $0xb8;
	[tilespmem:$0x19130] =	vst v63  }
0x1ad: {  	s10 =	simm.s32 $0xC80  }
0x1ae: {  	[tilespmem:s7], [sflag:$0x6] =	stream.indirect.gather [hbm4b:s0+s31], $0x80, s10, s31, $0xb8;
	[tilespmem:$0x19130] =	vst v63  }
0x1af: {  	_ =	swait.ge [sflag:s13], $0x4000  }
0x1b0: {  	[sflag:s13] =	ssyncset.done $0x0  }
0x1b1: {  	s10 =	rddreg [dreg:$0xa];
	[sflag:s13] =	ssyncadd.s32 $0xFFFFC000  }
0x1b2: {  	[hbm4b:s10+s31] =	stream.indirect.scatter [tilespmem:s11], [sflag:$0x1], $0x80, s1, s31, $0xb8;
	[tilespmem:$0x19130] =	vst v63  }
0x1b3: {  	_ =	swait.ge [sflag:s28], $0x4000  }
0x1b4: {  	[sflag:s28] =	ssyncset.done $0x0  }
0x1b5: {  	s11 =	rddreg [dreg:$0xb];
	[sflag:s28] =	ssyncadd.s32 $0xFFFFC000  }
0x1b6: {  	[hbm4b:s11+s31] =	stream.indirect.scatter [tilespmem:s12], [sflag:$0x2], $0x80, s1, s31, $0xb8;
	[tilespmem:$0x19130] =	vst v63  }
0x1b7: {  	_ =	swait.ge [sflag:s29], $0x4000  }
0x1b8: {  	[sflag:s29] =	ssyncset.done $0x0  }
0x1b9: {  	s12 =	rddreg [dreg:$0xc];
	[sflag:s29] =	ssyncadd.s32 $0xFFFFC000  }
0x1ba: {  	[hbm4b:s12+s31] =	stream.indirect.scatter [tilespmem:s4], [sflag:$0x3], $0x80, s1, s31, $0xb8;
	[tilespmem:$0x19130] =	vst v63  }
0x1bb: {  	_ =	swait.ge [sflag:s14], $0x4000  }
0x1bc: {  	[sflag:s14] =	ssyncset.done $0x0  }
0x1bd: {  	[sflag:s14] =	ssyncadd.s32 $0xFFFFC000  }
0x1be: {  	[hbm4b:s10+s31] =	stream.indirect.scatter [tilespmem:s5], [sflag:$0x4], $0x80, s26, s31, $0xb8;
	[tilespmem:$0x19130] =	vst v63  }
0x1bf: {  	_ =	swait.ge [sflag:s2], $0x4000  }
0x1c0: {  	[sflag:s2] =	ssyncset.done $0x0  }
0x1c1: {  	[sflag:s2] =	ssyncadd.s32 $0xFFFFC000  }
0x1c2: {  	[hbm4b:s11+s31] =	stream.indirect.scatter [tilespmem:s6], [sflag:$0x5], $0x80, s26, s31, $0xb8;
	[tilespmem:$0x19130] =	vst v63  }
0x1c3: {  	_ =	swait.ge [sflag:s8], $0x4000  }
0x1c4: {  	[sflag:s8] =	ssyncset.done $0x0  }
0x1c5: {  	[sflag:s8] =	ssyncadd.s32 $0xFFFFC000  }
0x1c6: {  	[hbm4b:s12+s31] =	stream.indirect.scatter [tilespmem:s7], [sflag:$0x6], $0x80, s26, s31, $0xb8;
	[tilespmem:$0x19130] =	vst v63  }
0x1c7: {  	_ =	swait.ge [sflag:s13], $0x4000  }
0x1c8: {  	[sflag:s13] =	ssyncset.done $0x0  }
0x1c9: {  	[sflag:s13] =	ssyncadd.s32 $0xFFFFC000  }
0x1ca: {  	_ =	swait.ge [sflag:s28], $0x4000  }
0x1cb: {  	[sflag:s28] =	ssyncset.done $0x0  }
0x1cc: {  	[sflag:s28] =	ssyncadd.s32 $0xFFFFC000  }
0x1cd: {  	_ =	swait.ge [sflag:s29], $0x4000  }
0x1ce: {  	[sflag:s29] =	ssyncset.done $0x0  }
0x1cf: {  	[sflag:s29] =	ssyncadd.s32 $0xFFFFC000  }
0x1d0: {  	_ =	swait.ge [sflag:s14], $0x4000  }
0x1d1: {  	[sflag:s14] =	ssyncset.done $0x0  }
0x1d2: {  	[sflag:s14] =	ssyncadd.s32 $0xFFFFC000  }
0x1d3: {  	_ =	swait.ge [sflag:s2], $0x4000  }
0x1d4: {  	[sflag:s2] =	ssyncset.done $0x0  }
0x1d5: {  	[sflag:s2] =	ssyncadd.s32 $0xFFFFC000  }
0x1d6: {  	_ =	swait.ge [sflag:s8], $0x4000  }
0x1d7: {  	[sflag:s8] =	ssyncset.done $0x0  }
0x1d8: {  	[sflag:s8] =	ssyncadd.s32 $0xFFFFC000  }
0x1d9: {  	_ =	swait.ge [sflag:s18], $0x80  }
0x1da: {  	[sflag:s18] =	ssyncset.done $0x0  }
0x1db: {  	[sflag:s18] =	ssyncadd.s32 $0xFFFFFF80  }
0x1dc: {  	_ =	swait.ge [sflag:s18], $0x80  }
0x1dd: {  	s9 =	sadd.s32 $0x1, s9;
	s12 =	rddreg [dreg:$0x9]  }
0x1de: {  	p1 =	sne.s32 s9, s12  }
.Ltmp2:
0x1df: {  	_ = 	snop;
	(pc) =	sbr.rel @p1 .LBB2_1-.Ltmp2, $3  }
0x1e0: {  	_ =	sdelay $0x1  }
0x1e1: {  	[sflag:s18] =	ssyncset.done $0x0  }
0x1e2: {  	[sflag:s18] =	ssyncadd.s32 $0xFFFFFF80  }
0x1e3: {  	_ =	sfence.sel $0x180000  }
0x1e4: {  	[bflag:$0x0] =	sbarrier.arrive $0xFFFF  }
0x1e5: {  	_ =	strace $0x9000004A  }
0x1e6: {  	[bflag:$0x2] =	sbarrier.arrive $0xFFFF  }
0x1e7: {  	s0 =	rddreg [dreg:$0x3]  }
0x1e8: {  	s0 =	sadd.s32 @!p0 $0x100000, s0  }
0x1e9: {  	[sflag:s0] =	ssyncadd.tile.s32 @!p0 $0x1;
	_ =	shalt  }
.Lfunc_end2:
_tile_overlayer_lowered:
.L_overlay_start_2:
0x1ea: {  	(tag) =	ssettag $0x2  }
0x1eb: {  	s0 =	rddreg [dreg:$0x0];
	s2 =	stileid.u32  }
0x1ec: {  	s1 =	rddreg [dreg:$0x1];
	p0 =	sne.s32 s2, $0x0  }
0x1ed: {  	s3 =	rddreg [dreg:$0x2];
	[bflag:$0x3] =	sbarrier.arrive $0xFFFF;
	s2 =	simm.s32 @!p0 $0x1C08  }
0x1ee: {  	[timem:s3], [sflag:s2] =	dma.local @!p0 [hbm:s0], s1  }
0x1ef: {  	s0 =	simm.s32 @!p0 $0x8  }
0x1f0: {  	_ =	swait.ge @!p0 [sflag:s0], s1  }
0x1f1: {  	s1 =	ssub.s32 @!p0 $0x0, s1;
	[sflag:s0] =	ssyncset.done @!p0 $0x0  }
0x1f2: {  	[sflag:s0] =	ssyncadd.s32 @!p0 s1  }
0x1f3: {  	[bflag:$0x3] =	sbarrier.arrive $0xFFFF  }
0x1f4: {  	_ =	shalt  }

// kernel: kernel.9.cloned.1.call-start
scs
__scs_entry_jumppad:
0x0: {  	(pc) =	sbr.rel $0x88, $3  }
0x1: {  	(tag) =	ssettag $0x0;
	lr =	simm.s32 $0x1  }
0x2: {  	[smem:$0x3F9A] =	sst lr;
	_ =	strace $0xD0000000  }
0x3: {  	_ = 	snop  }
0x4: {  	_ = 	snop  }
0x5: {  	_ = 	snop  }
0x6: {  	_ = 	snop  }
0x7: {  	_ = 	snop  }
__scs_overlays_trampoline_lowered:
0x8: {  	[smem:$0x3FA9] =	sst s0  }
0x9: {  	[smem:$0x3FAA] =	sst s1  }
0xa: {  	[smem:$0x3FAB] =	sst s2  }
0xb: {  	[smem:$0x3FAC] =	sst s3  }
0xc: {  	[smem:$0x3FAD] =	sst s4  }
0xd: {  	[smem:$0x3FAE] =	sst s5  }
0xe: {  	[smem:$0x3FAF] =	sst s6  }
0xf: {  	[smem:$0x3FB0] =	sst s7  }
0x10: {  	[smem:$0x3FB1] =	sst s8  }
0x11: {  	[smem:$0x3FB2] =	sst s9;
	s0 =	simm.s32 @!p0 $0x0  }
0x12: {  	s1 =	sld [smem:$0x3F98];
	s0 =	simm.s32 @p0 $0x1  }
0x13: {  	[smem:$0x3FB3] =	sst s0;
	s0 =	simm.s32 @!p1 $0x0  }
0x14: {  	s2 =	sld [smem:$0x3F97];
	s0 =	simm.s32 @p1 $0x1  }
0x15: {  	[smem:$0x3FB4] =	sst s0;
	s0 =	simm.s32 @!p2 $0x0  }
0x16: {  	s3 =	sld [smem:$0x3FDB];
	s0 =	simm.s32 @p2 $0x1  }
0x17: {  	s4 =	simm.s32 $0x1BF5;
	[smem:$0x3FB6] =	sst s0  }
0x18: {  	s0 =	sld [smem:$0x3F99];
	_ =	swait.ge [sflag:s4], $0x0  }
0x19: {  	s7 =	sld [smem:$0x3F9A]  }
0x1a: {  	s8 =	sadd.s32 $0xFFFFE003, lr  }
0x1b: {  	s9 =	sadd.s32 $0xFFFFFEF7, lr;
	s5 =	simm.s32 $0xFFFFFFFF;
	p2 =	slt.u32 s8, $0xFFFFF086  }
0x1c: {  	p1 =	slt.u32 s9, $0xF7A;
	s5 =	simm.s32 @!p2 $0x0  }
0x1d: {  	s5 =	simm.s32 @p1 $0x1;
	p0 =	seq.s32 s7, s2  }
0x1e: {  	s7 =	smul.u32 @!p0 $0xF7A, s2;
	p2 =	seq.s32 @!p0 s5, $0x0  }
0x1f: {  	s9 =	smul.u32 $0xF7A, s1;
	s8 =	simm.s32 @!p0 $0x1BF5;
	p2 =	por !p2, p0  }
0x20: {  	[sflag:s8] =	ssyncset.s32 @!p0 $0xFFFFF086;
	s6 =	sadd.s32 @!p0 s3, s7;
	s7 =	simm.s32 @!p0 $0x108  }
0x21: {  	s3 =	sadd.s32 s3, s9;
	s6 =	sadd.s32 @!p0 $0x88, s6;
	s7 =	simm.s32 @p2 $0x1082  }
0x22: {  	[simem:s7], [sflag:s8] =	dma.local @!p0 [hbm:s6], $0xF7A  }
0x23: {  	s9 =	sor.u32 $0xD0000000, s2;
	s6 =	simm.s32 $0x108;
	_ =	swait.ge @!p0 [sflag:s8], $0x0  }
0x24: {  	s3 =	sadd.s32 $0x88, s3;
	s6 =	simm.s32 @!p1 $0x1082;
	[sflag:s4] =	ssyncset.s32 $0xFFFFF086  }
0x25: {  	[simem:s6], [sflag:s4] =	dma.local [hbm:s3], $0xF7A  }
0x26: {  	[smem:$0x3F9A] =	sst s1;
	(tag) =	ssettag s2;
	_ =	strace s9  }
0x27: {  	s1 =	sld [smem:$0x3FAA]  }
0x28: {  	s2 =	sld [smem:$0x3FAB]  }
0x29: {  	s4 =	sld [smem:$0x3FAD]  }
0x2a: {  	p0 =	seq.s32 s5, $0x0;
	s5 =	sld [smem:$0x3FAE]  }
0x2b: {  	s6 =	sld [smem:$0x3FAF]  }
0x2c: {  	s7 =	sld [smem:$0x3FB0]  }
0x2d: {  	s3 =	simm.s32 $0x108;
	s8 =	sld [smem:$0x3FB1]  }
0x2e: {  	s3 =	simm.s32 @!p0 $0x1082;
	s9 =	sld [smem:$0x3FB2]  }
0x2f: {  	lr =	sadd.s32 s0, s3;
	s0 =	sld [smem:$0x3FA9]  }
0x30: {  	s3 =	sld [smem:$0x3FAC]  }
0x31: {  	[smem:$0x3FB5] =	sst s10  }
0x32: {  	s10 =	sld [smem:$0x3FB3];
	_ =	sdelay $0x3  }
0x33: {  	p0 =	seq.s32 s10, $0x1;
	s10 =	sld [smem:$0x3FB5];
	_ =	sdelay $0x3  }
0x34: {  	[smem:$0x3FB5] =	sst s10  }
0x35: {  	s10 =	sld [smem:$0x3FB4];
	_ =	sdelay $0x3  }
0x36: {  	p1 =	seq.s32 s10, $0x1;
	s10 =	sld [smem:$0x3FB5];
	_ =	sdelay $0x3  }
0x37: {  	[smem:$0x3FB5] =	sst s10  }
0x38: {  	s10 =	sld [smem:$0x3FB6]  }
0x39: {  	_ = 	snop;
	(pc) =	sbr.ind lr, $3  }
0x3a: {  	_ = 	snop  }
0x3b: {  	_ = 	snop  }
0x3c: {  	p2 =	seq.s32 s10, $0x1;
	s10 =	sld [smem:$0x3FB5]  }
0x3d: {  	_ =	shalt  }
0x3e: {  	_ =	shalt  }
0x3f: {  	_ =	shalt  }
0x40: {  	_ =	shalt  }
0x41: {  	_ =	shalt  }
0x42: {  	_ =	shalt  }
0x43: {  	_ =	shalt  }
0x44: {  	_ =	shalt  }
0x45: {  	_ =	shalt  }
0x46: {  	_ =	shalt  }
0x47: {  	_ =	shalt  }
0x48: {  	_ =	shalt  }
0x49: {  	_ =	shalt  }
0x4a: {  	_ =	shalt  }
0x4b: {  	_ =	shalt  }
0x4c: {  	_ =	shalt  }
0x4d: {  	_ =	shalt  }
0x4e: {  	_ =	shalt  }
0x4f: {  	_ =	shalt  }
0x50: {  	_ =	shalt  }
0x51: {  	_ =	shalt  }
0x52: {  	_ =	shalt  }
0x53: {  	_ =	shalt  }
0x54: {  	_ =	shalt  }
0x55: {  	_ =	shalt  }
0x56: {  	_ =	shalt  }
0x57: {  	_ =	shalt  }
0x58: {  	_ =	shalt  }
0x59: {  	_ =	shalt  }
0x5a: {  	_ =	shalt  }
0x5b: {  	_ =	shalt  }
0x5c: {  	_ =	shalt  }
0x5d: {  	_ =	shalt  }
0x5e: {  	_ =	shalt  }
0x5f: {  	_ =	shalt  }
0x60: {  	_ =	shalt  }
0x61: {  	_ =	shalt  }
0x62: {  	_ =	shalt  }
0x63: {  	_ =	shalt  }
0x64: {  	_ =	shalt  }
0x65: {  	_ =	shalt  }
0x66: {  	_ =	shalt  }
0x67: {  	_ =	shalt  }
0x68: {  	_ =	shalt  }
0x69: {  	_ =	shalt  }
0x6a: {  	_ =	shalt  }
0x6b: {  	_ =	shalt  }
0x6c: {  	_ =	shalt  }
0x6d: {  	_ =	shalt  }
0x6e: {  	_ =	shalt  }
0x6f: {  	_ =	shalt  }
0x70: {  	_ =	shalt  }
0x71: {  	_ =	shalt  }
0x72: {  	_ =	shalt  }
0x73: {  	_ =	shalt  }
0x74: {  	_ =	shalt  }
0x75: {  	_ =	shalt  }
0x76: {  	_ =	shalt  }
0x77: {  	_ =	shalt  }
0x78: {  	_ =	shalt  }
0x79: {  	_ =	shalt  }
0x7a: {  	_ =	shalt  }
0x7b: {  	_ =	shalt  }
0x7c: {  	_ =	shalt  }
0x7d: {  	_ =	shalt  }
0x7e: {  	_ =	shalt  }
0x7f: {  	_ =	shalt  }
0x80: {  	_ =	shalt  }
0x81: {  	_ =	shalt  }
0x82: {  	_ =	shalt  }
0x83: {  	_ =	shalt  }
0x84: {  	_ =	shalt  }
0x85: {  	_ =	shalt  }
0x86: {  	_ =	shalt  }
0x87: {  	_ =	shalt  }
.Lfunc_end0:
.L_simem_size_0:
called_computation.1_lowered:
.L_overlay_start_0:
0x88: {  	s2 =	sld [smem:$0x3FD9]  }
0x89: {  	s3 =	sld [smem:$0x3FFE];
	_ =	sdelay $0x1  }
0x8a: {  	s1 =	srdreg.scid  }
0x8b: {  	s0 =	sand.u32 $0x1, s1  }
0x8c: {  	s17 =	sshll.u32 s0, $0xA;
	s2 =	sadd.s32 s3, s2  }
0x8d: {  	s2 =	sadd.s32 s2, s17  }
0x8e: {  	[smem:$0x3FC1] =	sst s2  }
0x8f: {  	_ = 	snop  }
0x90: {  	s2 =	sld [smem:$0x3FC9];
	(tm) =	ssettm $0x1  }
0x91: {  	s18 =	sld [smem:$0x3FFB];
	_ =	sdelay $0x3  }
0x92: {  	_ =	strace s18  }
0x93: {  	s3 =	sld [smem:$0x3FFC];
	_ =	sdelay $0x3  }
0x94: {  	_ =	strace s3  }
0x95: {  	s3 =	sld [smem:$0x3FFD];
	_ =	sdelay $0x3  }
0x96: {  	_ =	strace s3  }
0x97: {  	_ =	strace $0x8FFFFFFF  }
0x98: {  	s19 =	sld [smem:$0x3FDB];
	_ =	sdelay $0x1  }
0x99: {  	s4 =	simm.s32 $_scs_section_size  }
0x9a: {  	s5 =	simm.s32 $_size__tile_overlayer_lowered;
	s6 =	simm.s32 $_tile_overlayer_lowered  }
0x9b: {  	s22 =	simm.s32 $0x1BFF;
	s21 =	sshll.u32 s6, $0x1;
	s3 =	sadd.s32 s4, s19  }
0x9c: {  	s7 =	simm.s32 $0x0;
	s20 =	sshll.u32 s5, $0x1;
	s5 =	sadd.s32 s21, s3  }
0x9d: {  	[timem:s7], [sflag:s22] =	dma.local [hbm:s5], s20  }
0x9e: {  	_ =	swait.ge [sflag:s22], s20  }
0x9f: {  	s4 =	ssub.s32 $0x0, s20;
	[sflag:s22] =	ssyncset.done $0x0  }
0xa0: {  	[sflag:s22] =	ssyncadd.s32 s4;
	_ =	sdelay $0x1  }
0xa1: {  	s23 =	simm.s32 $0x1B8B  }
0xa2: {  	_ =	swait.ge [sflag:s23], $0x1  }
0xa3: {  	[sflag:s23] =	ssyncset.done $0x0  }
0xa4: {  	s25 =	simm.s32 $0x1B8E;
	s24 =	sld [smem:$0x3FFE];
	[sflag:s23] =	ssyncadd.s32 $0xFFFFFFFF  }
0xa5: {  	s26 =	simm.s32 $execute0_lowered;
	[smem:$0x3FD2] =	sst s25  }
0xa6: {  	s5 =	sshll.u32 s26, $0x1;
	_ =	strace $0x80000046;
	[dreg:$0x1] =	wrdreg $0xFFFFFFFF  }
0xa7: {  	s28 =	simm.s32 $_size_execute0_lowered;
	s3 =	sadd.s32 s3, s5;
	[dreg:$0x0] =	wrdreg $0x0  }
0xa8: {  	s5 =	sshll.u32 s28, $0x1;
	[dreg:$0x2] =	wrdreg s3  }
0xa9: {  	[dreg:$0x3] =	wrdreg s5  }
0xaa: {  	[dreg:$0x4] =	wrdreg $0xC0  }
0xab: {  	_ =	task [dreg:s7], $0x5FFFF  }
0xac: {  	[dreg:$0x1] =	wrdreg $0xFFFFFFFF  }
0xad: {  	[dreg:$0x0] =	wrdreg $0x60  }
0xae: {  	[dreg:$0x2] =	wrdreg s2  }
0xaf: {  	[dreg:$0x3] =	wrdreg s24  }
0xb0: {  	[dreg:$0x4] =	wrdreg $0x191000  }
0xb1: {  	[dreg:$0x5] =	wrdreg $0xA  }
0xb2: {  	_ =	task.clear_ibuf [dreg:s7], $0x6FFFF;
	_ =	strace $0x90000046  }
0xb3: {  	s29 =	simm.s32 $0xA;
	_ =	strace $0x80000048  }
0xb4: {  	_ =	swait.ge [sflag:s29], $0x1  }
0xb5: {  	[sflag:s29] =	ssyncadd.s32 $0xFFFFFFFF  }
0xb6: {  	_ =	strace $0x90000048  }
0xb7: {  	_ =	sfence  }
0xb8: {  	s30 =	sld [smem:$0x0];
	_ =	sdelay $0x2  }
0xb9: {  	s31 =	sshll.u32 s1, $0xD;
	s1 =	sshrl.u32 s1, $0x2  }
0xba: {  	s3 =	sand.u32 $0x4000, s31;
	s1 =	sadd.s32 s1, s30  }
0xbb: {  	s0 =	sor.u32 s3, s0;
	s1 =	sshll.u32 s1, $0x11  }
0xbc: {  	s0 =	sor.u32 s1, s0  }
0xbd: {  	s0 =	sadd.s32 $0x8F2B, s0  }
0xbe: {  	[sflag:s0] =	ssyncadd.remote.s32 $0x1  }
0xbf: {  	_ =	sfence.sel $0xFFFF  }
0xc0: {  	[dreg:$0x0] =	wrdreg $0xFFFFFFFF;
	(pc) =	sbr.abs _section_cstart, $3  }
0xc1: {  	[dreg:$0x1] =	wrdreg $0xFFFFFFFF  }
0xc2: {  	_ =	task.clear_ibuf [dreg:s7], $0x2FFFF;
	_ =	strace $0x9FFFFFFF  }
0xc3: {  	(tm) =	ssettm $0x7FFFFFFF  }
tec
execute0_lowered:
.L_overlay_start_1:
0x0: {  	(tag) =	ssettag $0x1  }
0x1: {  	s0 =	rddreg [dreg:$0x0];
	s1 =	srdreg.scid  }
0x2: {  	s7 =	rddreg [dreg:$0x1];
	s2 =	stileid.u32  }
0x3: {  	s12 =	rddreg [dreg:$0x2];
	s3 =	simm.s32 $0x0;
	s13 =	simm.s32 $0x1  }
0x4: {  	s14 =	simm.s32 $0x1;
	s15 =	simm.s32 $0x1;
	s16 =	simm.s32 $0x1  }
0x5: {  	s17 =	simm.s32 $0x1;
	s18 =	simm.s32 $0x1;
	s28 =	simm.s32 $0x2  }
0x6: {  	s29 =	simm.s32 $0x3;
	s30 =	simm.s32 $0x880;
	s31 =	simm.s32 $0x80  }
0x7: {  	s5 =	simm.s32 $0xD100;
	s6 =	simm.s32 $0x11100;
	s8 =	sand.u32 $0x1, s1  }
0x8: {  	v14 =	vimm.s32 $0xEDCBA987;
	s4 =	sshll.u32 s2, $0x8;
	[smem:$0x7FF] =	sst s3;
	s19 =	sadd.s32 $0x4A00, s7  }
0x9: {  	s20 =	sadd.s32 $0x24A00, s7;
	s21 =	sadd.s32 $0x44A00, s7;
	s22 =	sadd.s32 $0x64A00, s7;
	v17 =	vunpack.c.l.s4.s8 v14  }
0xa: {  	s11 =	smul.u32 $0xC0, s2;
	_ =	strace $0x80000047;
	[dreg:$0xa] =	wrdreg s19  }
0xb: {  	p0 =	sne.s32 s2, $0x0;
	p1 =	sgt.u32 s2, $0x1;
	[dreg:$0xb] =	wrdreg s20;
	v20 =	vunpack.c.0.s8.s32 v17;
	v17 =	vlaneseq.u32  }
0xc: {  	s1 =	sshll.u32 s8, $0xC;
	[dreg:$0xc] =	wrdreg s21;
	s8 =	ssub.s32 $0x2, s8;
	v49 =	vor.u32 $0x10, v17  }
0xd: {  	[dreg:$0xd] =	wrdreg s22;
	s19 =	simm.s32 $0x680;
	s20 =	simm.s32 $0x700;
	v50 =	vor.u32 $0x20, v17;
	[tilespmem:$0x1FF10] =	vst v49  }
0xe: {  	v12 =	vimm.s32 $0xFFEDCBA9;
	s21 =	simm.s32 $0x780;
	s22 =	simm.s32 $0x580;
	s4 =	sor.u32 s4, s1;
	v51 =	vor.u32 $0x30, v17;
	[tilespmem:$0x1FF20] =	vst v50  }
0xf: {  	v15 =	vunpack.c.l.s4.s8 v12;
	s10 =	sshrl.u32 s8, $0x1;
	s26 =	sshrl.u32 s11, $0x2;
	s11 =	simm.s32 $0x1;
	v52 =	vor.u32 $0x40, v17;
	[tilespmem:$0x1FF30] =	vst v51  }
0x10: {  	s4 =	sshrl.u32 s4, $0x3;
	s8 =	ssub.s32 s8, s10;
	s10 =	simm.s32 $0x1;
	v53 =	vor.u32 $0x50, v17;
	[tilespmem:$0x1FF40] =	vst v52  }
0x11: {  	v18 =	vunpack.c.0.s8.s32 v15;
	v15 =	vmov s1;
	s1 =	simm.s32 $0x900;
	v54 =	vor.u32 $0x60, v17;
	s9 =	sadd.s32 s4, s7;
	s10 =	simm.s32 @!p1 $0x0;
	[tilespmem:$0x1FF50] =	vst v53  }
0x12: {  	v55 =	vor.u32 $0x70, v17;
	p1 =	sgt.u32 s2, $0x2;
	s8 =	smax.u32 s8, $0x1;
	[tilespmem:$0x1FF60] =	vst v54;
	s7 =	simm.s32 $0x15100  }
0x13: {  	v56 =	vor.u32 $0x80, v17;
	[tilespmem:$0x1FF70] =	vst v55;
	s23 =	sadd.s32 $0x3A00, s9;
	s24 =	sadd.s32 $0x2E00, s9;
	[dreg:$0x9] =	wrdreg s8  }
0x14: {  	v57 =	vor.u32 $0x90, v17;
	[tilespmem:$0x1FF80] =	vst v56;
	s25 =	sadd.s32 $0x2A00, s9;
	s9 =	sadd.s32 $0x3E00, s9;
	[dreg:$0x4] =	wrdreg s23  }
0x15: {  	v58 =	vor.u32 $0xA0, v17;
	[tilespmem:$0x1FF90] =	vst v57;
	s11 =	simm.s32 @!p1 $0x0;
	p1 =	sgt.u32 s2, $0x3;
	[dreg:$0x5] =	wrdreg s24  }
0x16: {  	v59 =	vor.u32 $0xB0, v17;
	[tilespmem:$0x1FFA0] =	vst v58;
	v40 =	vmov s10;
	s10 =	simm.s32 $0x1;
	s8 =	simm.s32 $0x6;
	[dreg:$0x6] =	wrdreg s25  }
0x17: {  	v60 =	vor.u32 $0xC0, v17;
	[tilespmem:$0x1FFB0] =	vst v59;
	[dreg:$0x7] =	wrdreg s9;
	s9 =	sadd.s32 s26, s12;
	s12 =	simm.s32 $0x1  }
0x18: {  	v61 =	vor.u32 $0xD0, v17;
	[tilespmem:$0x1FFC0] =	vst v60;
	v41 =	vmov s11;
	s11 =	simm.s32 $0x1;
	s23 =	simm.s32 $0x800;
	s24 =	simm.s32 $0x400  }
0x19: {  	v62 =	vor.u32 $0xE0, v17;
	[tilespmem:$0x1FFD0] =	vst v61;
	s25 =	simm.s32 $0x8;
	s12 =	simm.s32 @!p1 $0x0;
	p1 =	sgt.u32 s2, $0x4  }
0x1a: {  	v63 =	vor.u32 $0xF0, v17;
	[tilespmem:$0x1FFE0] =	vst v62;
	s26 =	simm.s32 $0x980;
	s13 =	simm.s32 @!p1 $0x0;
	p1 =	sgt.u32 s2, $0x5  }
0x1b: {  	[tilespmem:$0x1FFF0] =	vst v63;
	[dreg:$0x8] =	wrdreg s9;
	s14 =	simm.s32 @!p1 $0x0;
	p1 =	sgt.u32 s2, $0x6  }
0x1c: {  	v13 =	vimm.s32 $0x87654321;
	[tilespmem:$0x1FE80] =	vst v40;
	s9 =	simm.s32 $0x1;
	s15 =	simm.s32 @!p1 $0x0;
	p1 =	sgt.u32 s2, $0x7  }
0x1d: {  	v16 =	vimm.s32 $0x65432100;
	v13 =	vunpack.c.l.s4.s8 v13;
	[tilespmem:$0x1FE90] =	vst v41;
	s9 =	simm.s32 @!p0 $0x0;
	v42 =	vmov s12;
	s16 =	simm.s32 @!p1 $0x0;
	p1 =	sgt.u32 s2, $0x8  }
0x1e: {  	vm0 =	vmmov $0x1;
	v16 =	vunpack.c.l.s4.s8 v16;
	v0 =	vmov s9;
	s9 =	simm.s32 $0x1;
	[tilespmem:$0x1FEA0] =	vst v42;
	s17 =	simm.s32 @!p1 $0x0;
	p1 =	sgt.u32 s2, $0x9  }
0x1f: {  	vm1 =	vcmask $0x3F3C;
	v19 =	vunpack.c.0.s8.s32 v13;
	v43 =	vmov s13;
	s13 =	simm.s32 $0x1;
	[tilespmem:$0x1FE70] =	vst v0;
	s18 =	simm.s32 @!p1 $0x0;
	p1 =	sgt.u32 s2, $0xA  }
0x20: {  	v21 =	vunpack.c.0.s8.s32 v16;
	v16 =	vimm.s32 $0x0;
	[tilespmem:$0x1FEB0] =	vst v43;
	v44 =	vmov s14;
	s14 =	simm.s32 $0x4;
	s9 =	simm.s32 @!p1 $0x0;
	p1 =	sgt.u32 s2, $0xB  }
0x21: {  	v19 =	vcombine.low v19, v18;
	v18 =	vand.u32 $0xF, v20;
	[tilespmem:$0x1FEC0] =	vst v44;
	v45 =	vmov s15;
	s15 =	simm.s32 $0x100;
	s10 =	simm.s32 @!p1 $0x0;
	p1 =	sgt.u32 s2, $0xC  }
0x22: {  	v20 =	vor.u32 $0x80000000, v17;
	[tilespmem:$0x1FED0] =	vst v45;
	v46 =	vmov s16;
	v10 =	vmov s9;
	s9 =	simm.s32 $0x1;
	s11 =	simm.s32 @!p1 $0x0;
	p1 =	sgt.u32 s2, $0xD  }
0x23: {  	v18 =	vcombine.low v21, v18;
	v21 =	vadd.s32 $0x1, v17;
	[tilespmem:$0x1FEE0] =	vst v46;
	v47 =	vmov s17;
	s9 =	simm.s32 @!p1 $0x0;
	p1 =	seq.s32 s2, $0xF;
	s2 =	simm.s32 $0x1  }
0x24: {  	v19 =	vand.u32 $0xF, v19;
	s16 =	simm.s32 $0x200;
	s17 =	simm.s32 $0x300;
	[tilespmem:$0x1FEF0] =	vst v47;
	v48 =	vmov s18;
	v11 =	vmov s10;
	s2 =	simm.s32 @!p1 $0x0  }
0x25: {  	s18 =	simm.s32 $0x7;
	[tilespmem:$0x1FF00] =	vst v48;
	v12 =	vmov s11;
	v13 =	vmov s9;
	s9 =	simm.s32 $0x0;
	v14 =	vmov s2;
	s2 =	simm.s32 $0x5  }
.LBB2_1:
0x26: {  	s10 =	rddreg [dreg:$0x4]  }
0x27: {  	[tilespmem:s3], [sflag:$0x7] =	stream.linear.gather [hbm4b:s10+s3], $0x100, $0x38;
	[tilespmem:$0x19130] =	vst v63  }
0x28: {  	s4 =	rddreg [dreg:$0x5]  }
0x29: {  	[tilespmem:s15], [sflag:$0x1] =	stream.linear.gather [hbm4b:s4+s3], $0x100, $0x38;
	[tilespmem:$0x19130] =	vst v63  }
0x2a: {  	s11 =	rddreg [dreg:$0x6]  }
0x2b: {  	[tilespmem:s16], [sflag:$0x2] =	stream.linear.gather [hbm4b:s11+s3], $0x100, $0x38;
	[tilespmem:$0x19130] =	vst v63  }
0x2c: {  	s12 =	rddreg [dreg:$0x7]  }
0x2d: {  	[tilespmem:s17], [sflag:$0x3] =	stream.linear.gather [hbm4b:s12+s3], $0x100, $0x38;
	[tilespmem:$0x19130] =	vst v63  }
0x2e: {  	_ =	swait.ge [sflag:s18], $0x100  }
0x2f: {  	[sflag:s18] =	ssyncset.done $0x0  }
0x30: {  	[sflag:s18] =	ssyncadd.s32 $0xFFFFFF00  }
0x31: {  	[tilespmem:$0x780] =	vst v16  }
0x32: {  	[tilespmem:$0x790] =	vst v16  }
0x33: {  	[tilespmem:$0x7A0] =	vst v16  }
0x34: {  	v37 =	vld [tilespmem:s3+$0x0];
	_ =	sdelay $0x4  }
0x35: {  	v37 =	vxor.u32 $0x80000000, v37  }
0x36: {  	(xrf1) =	vsort.ascd.msk.u32 $0xffff, v37, v17;
	_ =	sdelay $0xd  }
0x37: {  	v37, v38, _ =	vpop (xrf1)  }
0x38: {  	v39 =	vxor.u32 $0x80000000, v37  }
0x39: {  	[tilespmem:$0x680] =	vst v39  }
0x3a: {  	v60 =	vld.idx.msk [tilespmem:v18+s19+$0x0], $0xffff;
	_ =	sdelay $0x4  }
0x3b: {  	vm2 =	vne.s32 v39, v60  }
0x3c: {  	vm3 =	vmor vm2, vm0  }
0x3d: {  	v61 =	vsel vm3, $0x1, v16  }
0x3e: {  	[tilespmem:$0x700] =	vst v61  }
0x3f: {  	v40 =	vnsel vm2, $0x80000000, v20;
	v37 =	vld.idx.msk [tilespmem:v19+s20+$0x0], $0xffff  }
0x40: {  	(xrf0) =	vmax.scan.msk.u32 $0xffff, v40;
	_ =	sdelay $0x2  }
0x41: {  	v62 =	vld.idx.msk [tilespmem:v39+s21+$0x0], $0xffff  }
0x42: {  	vm2 =	veq.s32 v37, $0x1  }
0x43: {  	vm2 =	vmor vm2, vm1  }
0x44: {  	v63, _, _ =	vpop (xrf0)  }
0x45: {  	v37 =	vxor.u32 $0x80000000, v63  }
0x46: {  	v40 =	vsub.s32 v62, v37;
	v37 =	vadd.s32 s3, v38;
	_ =	sdelay $0x1  }
0x47: {  	v41 =	vadd.s32 v21, v40  }
0x48: {  	s10 =	simm.s32 $0x10;
	s11 =	simm.s32 $0x0;
	v38 =	vadd.s32 v17, v40;
	[tilespmem:v39+s21+$0x0] =	vst.idx.msk vm2, v41  }
.LBB2_2:
0x49: {  	p1 =	sne.s32 s10, $0xF0  }
0x4a: {  	[tilespmem:v37+s22+$0x0] =	vst.idx.msk $0xffff, v38;
	s11 =	sadd.s32 $0x10, s11;
	s12 =	smov.u32 s10;
	s10 =	sadd.s32 $0x10, s10  }
0x4b: {  	v37 =	vld [tilespmem:s11+$0x0];
	_ =	sdelay $0x4  }
0x4c: {  	v37 =	vxor.u32 $0x80000000, v37  }
0x4d: {  	(xrf1) =	vsort.ascd.msk.u32 $0xffff, v37, v17;
	_ =	sdelay $0xd  }
0x4e: {  	v37, v38, _ =	vpop (xrf1)  }
0x4f: {  	v39 =	vxor.u32 $0x80000000, v37  }
0x50: {  	[tilespmem:$0x680] =	vst v39  }
0x51: {  	v37 =	vld.idx.msk [tilespmem:v18+s19+$0x0], $0xffff;
	_ =	sdelay $0x5  }
0x52: {  	vm2 =	vne.s32 v39, v37  }
0x53: {  	vm3 =	vmor vm2, vm0;
	v37 =	vnsel vm2, $0x80000000, v20  }
0x54: {  	v40 =	vsel vm3, $0x1, v16;
	(xrf0) =	vmax.scan.msk.u32 $0xffff, v37  }
0x55: {  	[tilespmem:$0x700] =	vst v40  }
0x56: {  	v37 =	vld.idx.msk [tilespmem:v19+s20+$0x0], $0xffff  }
0x57: {  	v40 =	vld.idx.msk [tilespmem:v39+s21+$0x0], $0xffff;
	_ =	sdelay $0x2  }
0x58: {  	v41, _, _ =	vpop (xrf0)  }
0x59: {  	v41 =	vxor.u32 $0x80000000, v41  }
0x5a: {  	vm2 =	veq.s32 v37, $0x1  }
0x5b: {  	v40 =	vsub.s32 v40, v41;
	vm2 =	vmor vm2, vm1;
	_ =	sdelay $0x1  }
.Ltmp0:
0x5c: {  	v37 =	vadd.s32 s12, v38;
	(pc) =	sbr.rel @p1 .LBB2_2-.Ltmp0, $3  }
0x5d: {  	_ =	sdelay $0x1  }
0x5e: {  	v41 =	vadd.s32 v21, v40  }
0x5f: {  	v38 =	vadd.s32 v17, v40;
	[tilespmem:v39+s21+$0x0] =	vst.idx.msk vm2, v41  }
0x60: {  	_ =	sdelay $0x3  }
0x61: {  	[tilespmem:v37+s22+$0x0] =	vst.idx.msk $0xffff, v38  }
0x62: {  	v37 =	vld [tilespmem:$0x780]  }
0x63: {  	v38 =	vld [tilespmem:$0x790];
	_ =	sdelay $0x1  }
0x64: {  	v39 =	vld [tilespmem:$0x7A0];
	_ =	sdelay $0x1  }
0x65: {  	(xrf0) =	vadd.scan.msk.s32 $0xffff, v37  }
0x66: {  	(xrf0) =	vadd.scan.msk.s32 $0xffff, v38;
	_ =	sdelay $0x1  }
0x67: {  	(xrf0) =	vadd.scan.msk.s32 $0xffff, v39;
	_ =	sdelay $0x2  }
0x68: {  	v40, _, _ =	vpop (xrf0)  }
0x69: {  	v41, _, _ =	vpop (xrf0)  }
0x6a: {  	v42 =	vbroadcast v40, $0xF;
	v43 =	vadd.s32 v40, v41  }
0x6b: {  	v44 =	vsub.s32 v40, v37;
	v60 =	vsub.s32 v41, v38;
	v61, _, _ =	vpop (xrf0);
	v62 =	vbroadcast v43, $0xF  }
0x6c: {  	[tilespmem:$0x800] =	vst v44;
	v40 =	vadd.s32 v42, v60;
	v63 =	vsub.s32 v61, v39  }
0x6d: {  	[tilespmem:$0x810] =	vst v40;
	v37 =	vadd.s32 v63, v62  }
0x6e: {  	s10 =	simm.s32 $0x0;
	s11 =	simm.s32 $0x580;
	s12 =	simm.s32 $0x0;
	[tilespmem:$0x820] =	vst v37  }
.LBB2_4:
0x6f: {  	v38 =	vld [tilespmem:s10+$0x0];
	_ =	sdelay $0x6  }
0x70: {  	v39 =	vld [tilespmem:s11+$0x0]  }
0x71: {  	v38 =	vld.idx.msk [tilespmem:v38+s23+$0x0], $0xffff;
	_ =	sdelay $0x4  }
0x72: {  	p1 =	sne.s32 s12, $0xF0;
	v38 =	vadd.s32 v39, v38  }
.Ltmp1:
0x73: {  	_ = 	snop;
	(pc) =	sbr.rel @p1 .LBB2_4-.Ltmp1, $3  }
0x74: {  	_ =	sdelay $0x1  }
0x75: {  	v63 =	vor.u32 s12, v17  }
0x76: {  	s10 =	sadd.s32 $0x10, s10;
	s11 =	sadd.s32 $0x10, s11;
	s12 =	sadd.s32 $0x10, s12;
	[tilespmem:v38+s24+$0x0] =	vst.idx.msk $0xffff, v63  }
0x77: {  	s10 =	rddreg [dreg:$0x8]  }
0x78: {  	[spmem:s10] =	stream.linear.scatter [tilespmem:s21], [sflag:$0x8], $0x30, $0x38;
	[tilespmem:$0x19130] =	vst v63  }
0x79: {  	_ =	swait.ge [sflag:s25], $0x30  }
0x7a: {  	[sflag:s25] =	ssyncset.done $0x0  }
0x7b: {  	[sflag:s25] =	ssyncadd.s32 $0xFFFFFFD0  }
0x7c: {  	[bflag:$0x0] =	sbarrier.arrive $0xFFFF  }
0x7d: {  	s11 =	simm.s32 $0xE00;
	s4 =	rddreg [dreg:$0x2]  }
0x7e: {  	[tilespmem:s11], [sflag:$0x8] =	stream.linear.gather [spmem:s4], $0x300, $0x38;
	[tilespmem:$0x19130] =	vst v63  }
0x7f: {  	_ =	swait.ge [sflag:s25], $0x300  }
0x80: {  	v2 =	vld [tilespmem:$0x1FE70]  }
0x81: {  	v3 =	vld [tilespmem:$0x1FE80]  }
0x82: {  	v4 =	vld [tilespmem:$0x1FE90]  }
0x83: {  	v5 =	vld [tilespmem:$0x1FEA0]  }
0x84: {  	v6 =	vld [tilespmem:$0x1FEB0]  }
0x85: {  	v7 =	vld [tilespmem:$0x1FEC0]  }
0x86: {  	[sflag:s25] =	ssyncset.done $0x0;
	v8 =	vld [tilespmem:$0x1FED0]  }
0x87: {  	v9 =	vld [tilespmem:$0x1FEE0];
	[sflag:s25] =	ssyncadd.s32 $0xFFFFFD00  }
0x88: {  	v45 =	vld [tilespmem:$0xE00]  }
0x89: {  	v46 =	vld [tilespmem:$0xE10]  }
0x8a: {  	v47 =	vld [tilespmem:$0xE20]  }
0x8b: {  	v48 =	vld [tilespmem:$0xE30]  }
0x8c: {  	v49 =	vld [tilespmem:$0xE40]  }
0x8d: {  	v50 =	vld [tilespmem:$0xE50]  }
0x8e: {  	v51 =	vld [tilespmem:$0xE60]  }
0x8f: {  	v52 =	vld [tilespmem:$0xE70]  }
0x90: {  	v53 =	vld [tilespmem:$0xE80]  }
0x91: {  	v54 =	vld [tilespmem:$0xE90]  }
0x92: {  	v55 =	vld [tilespmem:$0xEA0]  }
0x93: {  	v56 =	vld [tilespmem:$0xEC0]  }
0x94: {  	v57 =	vld [tilespmem:$0xED0]  }
0x95: {  	v58 =	vld [tilespmem:$0xEF0]  }
0x96: {  	v59 =	vld [tilespmem:$0xF00]  }
0x97: {  	v60 =	vld [tilespmem:$0xF20]  }
0x98: {  	v61 =	vld [tilespmem:$0xF30]  }
0x99: {  	v62 =	vld [tilespmem:$0xF50]  }
0x9a: {  	v63 =	vld [tilespmem:$0xF60]  }
0x9b: {  	v22 =	vld [tilespmem:$0xF80]  }
0x9c: {  	v44 =	vsub.s32 v15, v44;
	v40 =	vsub.s32 v15, v40;
	v28 =	vld [tilespmem:$0x1040]  }
0x9d: {  	v37 =	vsub.s32 v15, v37;
	v36 =	vld [tilespmem:$0xEB0];
	v38 =	vadd.s32 v45, v48;
	v39 =	vadd.s32 v46, v49  }
0x9e: {  	v23 =	vld [tilespmem:$0xF90];
	v45 =	vmul.u32 v2, v45;
	v46 =	vmul.u32 v2, v46;
	v35 =	vadd.s32 v47, v50  }
0x9f: {  	v24 =	vld [tilespmem:$0xFB0];
	v48 =	vmul.u32 v3, v48;
	v49 =	vmul.u32 v3, v49;
	v38 =	vadd.s32 v51, v38  }
0xa0: {  	v0 =	vld [tilespmem:$0xEE0];
	v39 =	vadd.s32 v52, v39;
	v35 =	vadd.s32 v53, v35;
	v51 =	vmul.u32 v4, v51  }
0xa1: {  	v43 =	vld [tilespmem:$0xFC0];
	v52 =	vmul.u32 v4, v52;
	v4 =	vmul.u32 v4, v53;
	v53 =	vmul.u32 v12, v28  }
0xa2: {  	v1 =	vld [tilespmem:$0xF10];
	v38 =	vadd.s32 v54, v38;
	v39 =	vadd.s32 v55, v39;
	v35 =	vadd.s32 v36, v35  }
0xa3: {  	v25 =	vld [tilespmem:$0xFE0];
	v44 =	vadd.s32 v45, v44;
	v54 =	vmul.u32 v5, v54;
	v40 =	vadd.s32 v46, v40  }
0xa4: {  	v26 =	vld [tilespmem:$0xFF0];
	v36 =	vmul.u32 v5, v36;
	v38 =	vadd.s32 v56, v38;
	v39 =	vadd.s32 v57, v39  }
0xa5: {  	v27 =	vld [tilespmem:$0x1010];
	v35 =	vadd.s32 v0, v35;
	v44 =	vadd.s32 v48, v44;
	v56 =	vmul.u32 v6, v56  }
0xa6: {  	v41 =	vld [tilespmem:$0x1020];
	v40 =	vadd.s32 v49, v40;
	v0 =	vmul.u32 v6, v0;
	v38 =	vadd.s32 v58, v38  }
0xa7: {  	v29 =	vld [tilespmem:$0x1050];
	v39 =	vadd.s32 v59, v39;
	v35 =	vadd.s32 v1, v35;
	v44 =	vadd.s32 v51, v44  }
0xa8: {  	v30 =	vld [tilespmem:$0x1070];
	v58 =	vmul.u32 v7, v58;
	v40 =	vadd.s32 v52, v40;
	v52 =	vmul.u32 v5, v55  }
0xa9: {  	v33 =	vld [tilespmem:$0x10D0];
	v55 =	vmul.u32 v2, v47;
	v2 =	vmul.u32 v7, v59;
	v47 =	vmul.u32 v9, v63  }
0xaa: {  	v34 =	vld [tilespmem:$0x10E0];
	v1 =	vmul.u32 v7, v1;
	v38 =	vadd.s32 v60, v38;
	v39 =	vadd.s32 v61, v39  }
0xab: {  	v45 =	vld [tilespmem:$0xFA0];
	v44 =	vadd.s32 v54, v44;
	v60 =	vmul.u32 v8, v60;
	v42 =	vadd.s32 v62, v38  }
0xac: {  	v38 =	vld [tilespmem:$0x1080];
	v31 =	vadd.s32 v63, v39;
	v44 =	vadd.s32 v56, v44;
	v42 =	vadd.s32 v22, v42  }
0xad: {  	v39 =	vld [tilespmem:$0x10A0];
	v62 =	vmul.u32 v9, v62;
	v31 =	vadd.s32 v23, v31;
	v32 =	vadd.s32 v24, v42  }
0xae: {  	v40 =	vadd.s32 v52, v40;
	v42 =	vld [tilespmem:$0x10B0];
	v31 =	vadd.s32 v43, v31;
	v32 =	vadd.s32 v25, v32  }
0xaf: {  	v51 =	vld [tilespmem:$0x1000];
	v37 =	vadd.s32 v55, v37;
	v31 =	vadd.s32 v26, v31;
	v32 =	vadd.s32 v27, v32  }
0xb0: {  	v56 =	vld [tilespmem:$0x1060];
	v44 =	vadd.s32 v58, v44;
	v31 =	vadd.s32 v41, v31;
	v32 =	vadd.s32 v28, v32  }
0xb1: {  	v58 =	vld [tilespmem:$0x1090];
	v44 =	vadd.s32 v60, v44;
	v31 =	vadd.s32 v29, v31;
	v32 =	vadd.s32 v30, v32  }
0xb2: {  	v60 =	vld [tilespmem:$0x1FEF0];
	v44 =	vadd.s32 v62, v44;
	v31 =	vadd.s32 v38, v31;
	v32 =	vadd.s32 v39, v32  }
0xb3: {  	v62 =	vmul.u32 v6, v57;
	v31 =	vadd.s32 v42, v31;
	v32 =	vadd.s32 v33, v32;
	v33 =	vld [tilespmem:$0xF40]  }
0xb4: {  	v63 =	vmul.u32 v13, v30;
	v25 =	vmul.u32 v10, v25;
	v31 =	vadd.s32 v34, v31;
	v34 =	vld [tilespmem:$0xF70]  }
0xb5: {  	v57 =	vld [tilespmem:$0x1FF00];
	v26 =	vmul.u32 v10, v26;
	v27 =	vmul.u32 v11, v27;
	v52 =	vadd.s32 v62, v40  }
0xb6: {  	v48 =	vld [tilespmem:$0xFD0];
	v62 =	vmul.u32 v3, v50;
	v3 =	vmul.u32 v8, v61;
	v61 =	vmul.u32 v10, v51  }
0xb7: {  	v5 =	vmul.u32 v12, v56;
	v6 =	vmul.u32 v13, v38;
	v7 =	vmul.u32 v13, v58  }
0xb8: {  	v54 =	vld [tilespmem:$0x1030];
	v30 =	vmul.u32 v14, v39;
	v22 =	vmul.u32 v60, v22;
	v35 =	vadd.s32 v33, v35  }
0xb9: {  	v23 =	vmul.u32 v60, v23;
	v55 =	vmul.u32 v60, v45;
	v35 =	vadd.s32 v34, v35  }
0xba: {  	v60 =	vmul.u32 v11, v41;
	v24 =	vmul.u32 v57, v24;
	v35 =	vadd.s32 v45, v35  }
0xbb: {  	v46 =	vld [tilespmem:$0x10C0];
	v50 =	vmul.u32 v57, v43;
	v59 =	vmul.u32 v57, v48;
	v35 =	vadd.s32 v48, v35  }
0xbc: {  	v49 =	vld [tilespmem:$0x10F0];
	v22 =	vadd.s32 v22, v44;
	v44 =	vadd.s32 v62, v37;
	v35 =	vadd.s32 v51, v35  }
0xbd: {  	v62 =	vmul.u32 v12, v29;
	v22 =	vadd.s32 v24, v22;
	v35 =	vadd.s32 v54, v35  }
0xbe: {  	v24 =	vadd.s32 v2, v52;
	v22 =	vadd.s32 v25, v22;
	v35 =	vadd.s32 v56, v35  }
0xbf: {  	v24 =	vadd.s32 v3, v24;
	v25 =	vadd.s32 v4, v44;
	v35 =	vadd.s32 v58, v35  }
0xc0: {  	v4 =	vmul.u32 v11, v54;
	v25 =	vadd.s32 v36, v25;
	v35 =	vadd.s32 v46, v35  }
0xc1: {  	v0 =	vadd.s32 v0, v25;
	v35 =	vadd.s32 v49, v35;
	v49 =	vmul.u32 v8, v33  }
0xc2: {  	(xrf0) =	vadd.scan.msk.s32 $0xffff, v32;
	v24 =	vadd.s32 v47, v24;
	v52 =	vmul.u32 v9, v34;
	v0 =	vadd.s32 v1, v0  }
0xc3: {  	v22 =	vadd.s32 v27, v22;
	v23 =	vadd.s32 v23, v24;
	v0 =	vadd.s32 v49, v0  }
0xc4: {  	(xrf0) =	vadd.scan.msk.s32 $0xffff, v31;
	v22 =	vadd.s32 v53, v22;
	v23 =	vadd.s32 v50, v23;
	v0 =	vadd.s32 v52, v0  }
0xc5: {  	v22 =	vadd.s32 v63, v22;
	v34 =	vmul.u32 v14, v46;
	v0 =	vadd.s32 v55, v0  }
0xc6: {  	v23 =	vadd.s32 v26, v23;
	v22 =	vadd.s32 v30, v22;
	(xrf0) =	vadd.scan.msk.s32 $0xffff, v35;
	v0 =	vadd.s32 v59, v0  }
0xc7: {  	v23 =	vadd.s32 v60, v23;
	v22 =	vsub.s32 v22, v32;
	v0 =	vadd.s32 v61, v0  }
0xc8: {  	v36, _, _ =	vpop (xrf0);
	v23 =	vadd.s32 v62, v23;
	v33 =	vmul.u32 v14, v42;
	v0 =	vadd.s32 v4, v0  }
0xc9: {  	v38 =	vbroadcast v36, $0xF;
	v23 =	vadd.s32 v6, v23;
	v0 =	vadd.s32 v5, v0  }
0xca: {  	v37, _, _ =	vpop (xrf0);
	v22 =	vadd.s32 v36, v22;
	v23 =	vadd.s32 v33, v23;
	v0 =	vadd.s32 v7, v0  }
0xcb: {  	v24 =	vadd.s32 v36, v37;
	v23 =	vsub.s32 v23, v31;
	v0 =	vadd.s32 v34, v0  }
0xcc: {  	v24 =	vbroadcast v24, $0xF;
	v23 =	vadd.s32 v37, v23;
	v39, _, _ =	vpop (xrf0);
	v0 =	vsub.s32 v0, v35  }
0xcd: {  	[tilespmem:$0x880] =	vst v22;
	v1 =	vadd.s32 v38, v23;
	v0 =	vadd.s32 v39, v0  }
0xce: {  	[tilespmem:$0x890] =	vst v1;
	v0 =	vadd.s32 v24, v0  }
0xcf: {  	[tilespmem:$0x8A0] =	vst v0  }
0xd0: {  	_ =	swait.ge [sflag:s13], $0x100  }
0xd1: {  	[sflag:s13] =	ssyncset.done $0x0  }
0xd2: {  	[sflag:s13] =	ssyncadd.s32 $0xFFFFFF00  }
0xd3: {  	_ =	swait.ge [sflag:s28], $0x100  }
0xd4: {  	[sflag:s28] =	ssyncset.done $0x0  }
0xd5: {  	[sflag:s28] =	ssyncadd.s32 $0xFFFFFF00  }
0xd6: {  	_ =	swait.ge [sflag:s29], $0x100  }
0xd7: {  	[sflag:s29] =	ssyncset.done $0x0  }
0xd8: {  	[sflag:s29] =	ssyncadd.s32 $0xFFFFFF00  }
0xd9: {  	v40 =	vld [tilespmem:$0x400];
	_ =	sdelay $0x7  }
0xda: {  	v41 =	vld.idx.msk [tilespmem:v40+s3+$0x0], $0xffff;
	_ =	sdelay $0x7  }
0xdb: {  	v22 =	vld.idx.msk [tilespmem:v41+s30+$0x0], $0xffff;
	_ =	sdelay $0x4  }
0xdc: {  	v22 =	vadd.s32 v17, v22  }
0xdd: {  	[tilespmem:$0x900] =	vst v22  }
0xde: {  	v22 =	vld.idx.msk [tilespmem:v40+s15+$0x0], $0xffff;
	_ =	sdelay $0x4  }
0xdf: {  	[tilespmem:$0xA00] =	vst v22  }
0xe0: {  	v22 =	vld.idx.msk [tilespmem:v40+s16+$0x0], $0xffff;
	_ =	sdelay $0x4  }
0xe1: {  	[tilespmem:$0xB00] =	vst v22;
	v22 =	vld [tilespmem:$0x410];
	_ =	sdelay $0x1  }
0xe2: {  	v0 =	vld.idx.msk [tilespmem:v40+s17+$0x0], $0xffff;
	_ =	sdelay $0x3  }
0xe3: {  	[tilespmem:$0xD00] =	vst v41  }
0xe4: {  	[tilespmem:$0xC00] =	vst v0  }
0xe5: {  	v0 =	vld.idx.msk [tilespmem:v22+s3+$0x0], $0xffff;
	_ =	sdelay $0x6  }
0xe6: {  	v42 =	vld [tilespmem:$0x1FF10]  }
0xe7: {  	v1 =	vld.idx.msk [tilespmem:v0+s30+$0x0], $0xffff;
	_ =	sdelay $0x4  }
0xe8: {  	v1 =	vadd.s32 v42, v1  }
0xe9: {  	[tilespmem:$0x910] =	vst v1  }
0xea: {  	v1 =	vld.idx.msk [tilespmem:v22+s15+$0x0], $0xffff;
	_ =	sdelay $0x4  }
0xeb: {  	[tilespmem:$0xA10] =	vst v1  }
0xec: {  	v1 =	vld.idx.msk [tilespmem:v22+s16+$0x0], $0xffff;
	_ =	sdelay $0x3  }
0xed: {  	v43 =	vld [tilespmem:$0x420]  }
0xee: {  	[tilespmem:$0xB10] =	vst v1  }
0xef: {  	v22 =	vld.idx.msk [tilespmem:v22+s17+$0x0], $0xffff;
	_ =	sdelay $0x3  }
0xf0: {  	[tilespmem:$0xD10] =	vst v0  }
0xf1: {  	[tilespmem:$0xC10] =	vst v22  }
0xf2: {  	v0 =	vld.idx.msk [tilespmem:v43+s3+$0x0], $0xffff;
	_ =	sdelay $0x6  }
0xf3: {  	v44 =	vld [tilespmem:$0x1FF20]  }
0xf4: {  	v22 =	vld.idx.msk [tilespmem:v0+s30+$0x0], $0xffff;
	_ =	sdelay $0x4  }
0xf5: {  	v22 =	vadd.s32 v44, v22  }
0xf6: {  	[tilespmem:$0x920] =	vst v22  }
0xf7: {  	v22 =	vld.idx.msk [tilespmem:v43+s15+$0x0], $0xffff;
	_ =	sdelay $0x4  }
0xf8: {  	[tilespmem:$0xA20] =	vst v22  }
0xf9: {  	v22 =	vld.idx.msk [tilespmem:v43+s16+$0x0], $0xffff;
	_ =	sdelay $0x4  }
0xfa: {  	[tilespmem:$0xB20] =	vst v22;
	v22 =	vld [tilespmem:$0x430];
	_ =	sdelay $0x1  }
0xfb: {  	v1 =	vld.idx.msk [tilespmem:v43+s17+$0x0], $0xffff;
	_ =	sdelay $0x3  }
0xfc: {  	[tilespmem:$0xD20] =	vst v0  }
0xfd: {  	[tilespmem:$0xC20] =	vst v1  }
0xfe: {  	v0 =	vld.idx.msk [tilespmem:v22+s3+$0x0], $0xffff;
	_ =	sdelay $0x6  }
0xff: {  	v45 =	vld [tilespmem:$0x1FF30]  }
0x100: {  	v1 =	vld.idx.msk [tilespmem:v0+s30+$0x0], $0xffff;
	_ =	sdelay $0x4  }
0x101: {  	v1 =	vadd.s32 v45, v1  }
0x102: {  	[tilespmem:$0x930] =	vst v1  }
0x103: {  	v1 =	vld.idx.msk [tilespmem:v22+s15+$0x0], $0xffff;
	_ =	sdelay $0x4  }
0x104: {  	[tilespmem:$0xA30] =	vst v1  }
0x105: {  	v1 =	vld.idx.msk [tilespmem:v22+s16+$0x0], $0xffff;
	_ =	sdelay $0x3  }
0x106: {  	v46 =	vld [tilespmem:$0x440]  }
0x107: {  	[tilespmem:$0xB30] =	vst v1  }
0x108: {  	v22 =	vld.idx.msk [tilespmem:v22+s17+$0x0], $0xffff;
	_ =	sdelay $0x3  }
0x109: {  	[tilespmem:$0xD30] =	vst v0  }
0x10a: {  	[tilespmem:$0xC30] =	vst v22  }
0x10b: {  	v0 =	vld.idx.msk [tilespmem:v46+s3+$0x0], $0xffff;
	_ =	sdelay $0x6  }
0x10c: {  	v47 =	vld [tilespmem:$0x1FF40]  }
0x10d: {  	v22 =	vld.idx.msk [tilespmem:v0+s30+$0x0], $0xffff;
	_ =	sdelay $0x4  }
0x10e: {  	v22 =	vadd.s32 v47, v22  }
0x10f: {  	[tilespmem:$0x940] =	vst v22  }
0x110: {  	v22 =	vld.idx.msk [tilespmem:v46+s15+$0x0], $0xffff;
	_ =	sdelay $0x4  }
0x111: {  	[tilespmem:$0xA40] =	vst v22  }
0x112: {  	v22 =	vld.idx.msk [tilespmem:v46+s16+$0x0], $0xffff;
	_ =	sdelay $0x4  }
0x113: {  	[tilespmem:$0xB40] =	vst v22;
	v22 =	vld [tilespmem:$0x450];
	_ =	sdelay $0x1  }
0x114: {  	v1 =	vld.idx.msk [tilespmem:v46+s17+$0x0], $0xffff;
	_ =	sdelay $0x3  }
0x115: {  	[tilespmem:$0xD40] =	vst v0  }
0x116: {  	[tilespmem:$0xC40] =	vst v1  }
0x117: {  	v0 =	vld.idx.msk [tilespmem:v22+s3+$0x0], $0xffff;
	_ =	sdelay $0x6  }
0x118: {  	v48 =	vld [tilespmem:$0x1FF50]  }
0x119: {  	v1 =	vld.idx.msk [tilespmem:v0+s30+$0x0], $0xffff;
	_ =	sdelay $0x4  }
0x11a: {  	v1 =	vadd.s32 v48, v1  }
0x11b: {  	[tilespmem:$0x950] =	vst v1  }
0x11c: {  	v1 =	vld.idx.msk [tilespmem:v22+s15+$0x0], $0xffff;
	_ =	sdelay $0x4  }
0x11d: {  	[tilespmem:$0xA50] =	vst v1  }
0x11e: {  	v1 =	vld.idx.msk [tilespmem:v22+s16+$0x0], $0xffff;
	_ =	sdelay $0x3  }
0x11f: {  	v49 =	vld [tilespmem:$0x460]  }
0x120: {  	[tilespmem:$0xB50] =	vst v1  }
0x121: {  	v22 =	vld.idx.msk [tilespmem:v22+s17+$0x0], $0xffff;
	_ =	sdelay $0x3  }
0x122: {  	[tilespmem:$0xD50] =	vst v0  }
0x123: {  	[tilespmem:$0xC50] =	vst v22  }
0x124: {  	v0 =	vld.idx.msk [tilespmem:v49+s3+$0x0], $0xffff;
	_ =	sdelay $0x6  }
0x125: {  	v50 =	vld [tilespmem:$0x1FF60]  }
0x126: {  	v22 =	vld.idx.msk [tilespmem:v0+s30+$0x0], $0xffff;
	_ =	sdelay $0x4  }
0x127: {  	v22 =	vadd.s32 v50, v22  }
0x128: {  	[tilespmem:$0x960] =	vst v22  }
0x129: {  	v22 =	vld.idx.msk [tilespmem:v49+s15+$0x0], $0xffff;
	_ =	sdelay $0x4  }
0x12a: {  	[tilespmem:$0xA60] =	vst v22  }
0x12b: {  	v22 =	vld.idx.msk [tilespmem:v49+s16+$0x0], $0xffff;
	_ =	sdelay $0x4  }
0x12c: {  	[tilespmem:$0xB60] =	vst v22;
	v22 =	vld [tilespmem:$0x470];
	_ =	sdelay $0x1  }
0x12d: {  	v1 =	vld.idx.msk [tilespmem:v49+s17+$0x0], $0xffff;
	_ =	sdelay $0x3  }
0x12e: {  	[tilespmem:$0xD60] =	vst v0  }
0x12f: {  	[tilespmem:$0xC60] =	vst v1  }
0x130: {  	v0 =	vld.idx.msk [tilespmem:v22+s3+$0x0], $0xffff;
	_ =	sdelay $0x6  }
0x131: {  	v51 =	vld [tilespmem:$0x1FF70]  }
0x132: {  	v1 =	vld.idx.msk [tilespmem:v0+s30+$0x0], $0xffff;
	_ =	sdelay $0x4  }
0x133: {  	v1 =	vadd.s32 v51, v1  }
0x134: {  	[tilespmem:$0x970] =	vst v1  }
0x135: {  	v1 =	vld.idx.msk [tilespmem:v22+s15+$0x0], $0xffff;
	_ =	sdelay $0x4  }
0x136: {  	[tilespmem:$0xA70] =	vst v1  }
0x137: {  	v1 =	vld.idx.msk [tilespmem:v22+s16+$0x0], $0xffff;
	_ =	sdelay $0x3  }
0x138: {  	v52 =	vld [tilespmem:$0x480]  }
0x139: {  	[tilespmem:$0xB70] =	vst v1  }
0x13a: {  	v22 =	vld.idx.msk [tilespmem:v22+s17+$0x0], $0xffff;
	_ =	sdelay $0x3  }
0x13b: {  	[tilespmem:$0xD70] =	vst v0  }
0x13c: {  	[tilespmem:$0xC70] =	vst v22  }
0x13d: {  	v0 =	vld.idx.msk [tilespmem:v52+s3+$0x0], $0xffff;
	_ =	sdelay $0x6  }
0x13e: {  	v53 =	vld [tilespmem:$0x1FF80]  }
0x13f: {  	v22 =	vld.idx.msk [tilespmem:v0+s30+$0x0], $0xffff;
	_ =	sdelay $0x4  }
0x140: {  	v22 =	vadd.s32 v53, v22  }
0x141: {  	[tilespmem:$0x980] =	vst v22  }
0x142: {  	v22 =	vld.idx.msk [tilespmem:v52+s15+$0x0], $0xffff;
	_ =	sdelay $0x4  }
0x143: {  	[tilespmem:$0xA80] =	vst v22  }
0x144: {  	v22 =	vld.idx.msk [tilespmem:v52+s16+$0x0], $0xffff;
	_ =	sdelay $0x4  }
0x145: {  	[tilespmem:$0xB80] =	vst v22;
	v22 =	vld [tilespmem:$0x490];
	_ =	sdelay $0x1  }
0x146: {  	v1 =	vld.idx.msk [tilespmem:v52+s17+$0x0], $0xffff;
	_ =	sdelay $0x3  }
0x147: {  	[tilespmem:$0xD80] =	vst v0  }
0x148: {  	[tilespmem:$0xC80] =	vst v1  }
0x149: {  	v0 =	vld.idx.msk [tilespmem:v22+s3+$0x0], $0xffff;
	_ =	sdelay $0x6  }
0x14a: {  	v54 =	vld [tilespmem:$0x1FF90]  }
0x14b: {  	v1 =	vld.idx.msk [tilespmem:v0+s30+$0x0], $0xffff;
	_ =	sdelay $0x4  }
0x14c: {  	v1 =	vadd.s32 v54, v1  }
0x14d: {  	[tilespmem:$0x990] =	vst v1  }
0x14e: {  	v1 =	vld.idx.msk [tilespmem:v22+s15+$0x0], $0xffff;
	_ =	sdelay $0x4  }
0x14f: {  	[tilespmem:$0xA90] =	vst v1  }
0x150: {  	v1 =	vld.idx.msk [tilespmem:v22+s16+$0x0], $0xffff;
	_ =	sdelay $0x3  }
0x151: {  	v55 =	vld [tilespmem:$0x4A0]  }
0x152: {  	[tilespmem:$0xB90] =	vst v1  }
0x153: {  	v22 =	vld.idx.msk [tilespmem:v22+s17+$0x0], $0xffff;
	_ =	sdelay $0x3  }
0x154: {  	[tilespmem:$0xD90] =	vst v0  }
0x155: {  	[tilespmem:$0xC90] =	vst v22  }
0x156: {  	v0 =	vld.idx.msk [tilespmem:v55+s3+$0x0], $0xffff;
	_ =	sdelay $0x6  }
0x157: {  	v56 =	vld [tilespmem:$0x1FFA0]  }
0x158: {  	v22 =	vld.idx.msk [tilespmem:v0+s30+$0x0], $0xffff;
	_ =	sdelay $0x4  }
0x159: {  	v22 =	vadd.s32 v56, v22  }
0x15a: {  	[tilespmem:$0x9A0] =	vst v22  }
0x15b: {  	v22 =	vld.idx.msk [tilespmem:v55+s15+$0x0], $0xffff;
	_ =	sdelay $0x4  }
0x15c: {  	[tilespmem:$0xAA0] =	vst v22  }
0x15d: {  	v22 =	vld.idx.msk [tilespmem:v55+s16+$0x0], $0xffff;
	_ =	sdelay $0x4  }
0x15e: {  	[tilespmem:$0xBA0] =	vst v22;
	v22 =	vld [tilespmem:$0x4B0];
	_ =	sdelay $0x1  }
0x15f: {  	v1 =	vld.idx.msk [tilespmem:v55+s17+$0x0], $0xffff;
	_ =	sdelay $0x3  }
0x160: {  	[tilespmem:$0xDA0] =	vst v0  }
0x161: {  	[tilespmem:$0xCA0] =	vst v1  }
0x162: {  	v0 =	vld.idx.msk [tilespmem:v22+s3+$0x0], $0xffff;
	_ =	sdelay $0x6  }
0x163: {  	v57 =	vld [tilespmem:$0x1FFB0]  }
0x164: {  	v1 =	vld.idx.msk [tilespmem:v0+s30+$0x0], $0xffff;
	_ =	sdelay $0x4  }
0x165: {  	v1 =	vadd.s32 v57, v1  }
0x166: {  	[tilespmem:$0x9B0] =	vst v1  }
0x167: {  	v1 =	vld.idx.msk [tilespmem:v22+s15+$0x0], $0xffff;
	_ =	sdelay $0x4  }
0x168: {  	[tilespmem:$0xAB0] =	vst v1  }
0x169: {  	v1 =	vld.idx.msk [tilespmem:v22+s16+$0x0], $0xffff;
	_ =	sdelay $0x3  }
0x16a: {  	v58 =	vld [tilespmem:$0x4C0]  }
0x16b: {  	[tilespmem:$0xBB0] =	vst v1  }
0x16c: {  	v22 =	vld.idx.msk [tilespmem:v22+s17+$0x0], $0xffff;
	_ =	sdelay $0x3  }
0x16d: {  	[tilespmem:$0xDB0] =	vst v0  }
0x16e: {  	[tilespmem:$0xCB0] =	vst v22  }
0x16f: {  	v0 =	vld.idx.msk [tilespmem:v58+s3+$0x0], $0xffff;
	_ =	sdelay $0x6  }
0x170: {  	v59 =	vld [tilespmem:$0x1FFC0]  }
0x171: {  	v22 =	vld.idx.msk [tilespmem:v0+s30+$0x0], $0xffff;
	_ =	sdelay $0x4  }
0x172: {  	v22 =	vadd.s32 v59, v22  }
0x173: {  	[tilespmem:$0x9C0] =	vst v22  }
0x174: {  	v22 =	vld.idx.msk [tilespmem:v58+s15+$0x0], $0xffff;
	_ =	sdelay $0x4  }
0x175: {  	[tilespmem:$0xAC0] =	vst v22  }
0x176: {  	v22 =	vld.idx.msk [tilespmem:v58+s16+$0x0], $0xffff;
	_ =	sdelay $0x4  }
0x177: {  	[tilespmem:$0xBC0] =	vst v22;
	v22 =	vld [tilespmem:$0x4D0];
	_ =	sdelay $0x1  }
0x178: {  	v1 =	vld.idx.msk [tilespmem:v58+s17+$0x0], $0xffff;
	_ =	sdelay $0x3  }
0x179: {  	[tilespmem:$0xDC0] =	vst v0  }
0x17a: {  	[tilespmem:$0xCC0] =	vst v1  }
0x17b: {  	v0 =	vld.idx.msk [tilespmem:v22+s3+$0x0], $0xffff;
	_ =	sdelay $0x6  }
0x17c: {  	v60 =	vld [tilespmem:$0x1FFD0]  }
0x17d: {  	v1 =	vld.idx.msk [tilespmem:v0+s30+$0x0], $0xffff;
	_ =	sdelay $0x4  }
0x17e: {  	v1 =	vadd.s32 v60, v1  }
0x17f: {  	[tilespmem:$0x9D0] =	vst v1  }
0x180: {  	v1 =	vld.idx.msk [tilespmem:v22+s15+$0x0], $0xffff;
	_ =	sdelay $0x4  }
0x181: {  	[tilespmem:$0xAD0] =	vst v1  }
0x182: {  	v1 =	vld.idx.msk [tilespmem:v22+s16+$0x0], $0xffff;
	_ =	sdelay $0x3  }
0x183: {  	v61 =	vld [tilespmem:$0x4E0]  }
0x184: {  	[tilespmem:$0xBD0] =	vst v1  }
0x185: {  	v22 =	vld.idx.msk [tilespmem:v22+s17+$0x0], $0xffff;
	_ =	sdelay $0x3  }
0x186: {  	[tilespmem:$0xDD0] =	vst v0  }
0x187: {  	[tilespmem:$0xCD0] =	vst v22  }
0x188: {  	v0 =	vld.idx.msk [tilespmem:v61+s3+$0x0], $0xffff;
	_ =	sdelay $0x6  }
0x189: {  	v62 =	vld [tilespmem:$0x1FFE0]  }
0x18a: {  	v22 =	vld.idx.msk [tilespmem:v0+s30+$0x0], $0xffff;
	_ =	sdelay $0x4  }
0x18b: {  	v22 =	vadd.s32 v62, v22  }
0x18c: {  	[tilespmem:$0x9E0] =	vst v22  }
0x18d: {  	v22 =	vld.idx.msk [tilespmem:v61+s15+$0x0], $0xffff;
	_ =	sdelay $0x4  }
0x18e: {  	[tilespmem:$0xAE0] =	vst v22  }
0x18f: {  	v22 =	vld.idx.msk [tilespmem:v61+s16+$0x0], $0xffff;
	_ =	sdelay $0x4  }
0x190: {  	[tilespmem:$0xBE0] =	vst v22;
	v22 =	vld [tilespmem:$0x4F0];
	_ =	sdelay $0x1  }
0x191: {  	v1 =	vld.idx.msk [tilespmem:v61+s17+$0x0], $0xffff;
	_ =	sdelay $0x3  }
0x192: {  	[tilespmem:$0xDE0] =	vst v0  }
0x193: {  	[tilespmem:$0xCE0] =	vst v1  }
0x194: {  	v0 =	vld.idx.msk [tilespmem:v22+s3+$0x0], $0xffff;
	_ =	sdelay $0x6  }
0x195: {  	v63 =	vld [tilespmem:$0x1FFF0]  }
0x196: {  	v1 =	vld.idx.msk [tilespmem:v0+s30+$0x0], $0xffff;
	_ =	sdelay $0x4  }
0x197: {  	v1 =	vadd.s32 v63, v1  }
0x198: {  	[tilespmem:$0x9F0] =	vst v1  }
0x199: {  	v1 =	vld.idx.msk [tilespmem:v22+s15+$0x0], $0xffff;
	_ =	sdelay $0x4  }
0x19a: {  	[tilespmem:$0xAF0] =	vst v1  }
0x19b: {  	v1 =	vld.idx.msk [tilespmem:v22+s16+$0x0], $0xffff;
	_ =	sdelay $0x4  }
0x19c: {  	[tilespmem:$0xBF0] =	vst v1  }
0x19d: {  	v1 =	vld.idx.msk [tilespmem:v22+s17+$0x0], $0xffff;
	_ =	sdelay $0x3  }
0x19e: {  	[tilespmem:$0xDF0] =	vst v0  }
0x19f: {  	s12 =	simm.s32 $0xD00;
	s4 =	rddreg [dreg:$0xd];
	[tilespmem:$0xCF0] =	vst v1  }
0x1a0: {  	[hbm4b:s4+s31] =	stream.indirect.scatter [tilespmem:s12], [sflag:$0x7], $0x1, s1, s31, $0xb8;
	[tilespmem:$0x19130] =	vst v63  }
0x1a1: {  	s11 =	simm.s32 $0xD80  }
0x1a2: {  	[hbm4b:s4+s31] =	stream.indirect.scatter [tilespmem:s11], [sflag:$0x7], $0x1, s26, s31, $0xb8;
	[tilespmem:$0x19130] =	vst v63  }
0x1a3: {  	s12 =	simm.s32 $0xA00;
	s11 =	simm.s32 $0x1100  }
0x1a4: {  	[tilespmem:s11], [sflag:$0x1] =	stream.indirect.gather [hbm4b:s0+s31], $0x80, s12, s31, $0xb8;
	[tilespmem:$0x19130] =	vst v63  }
0x1a5: {  	s4 =	simm.s32 $0xB00;
	s12 =	simm.s32 $0x5100  }
0x1a6: {  	[tilespmem:s12], [sflag:$0x2] =	stream.indirect.gather [hbm4b:s0+s31], $0x80, s4, s31, $0xb8;
	[tilespmem:$0x19130] =	vst v63  }
0x1a7: {  	s10 =	simm.s32 $0xC00;
	s4 =	simm.s32 $0x9100  }
0x1a8: {  	[tilespmem:s4], [sflag:$0x3] =	stream.indirect.gather [hbm4b:s0+s31], $0x80, s10, s31, $0xb8;
	[tilespmem:$0x19130] =	vst v63  }
0x1a9: {  	s10 =	simm.s32 $0xA80  }
0x1aa: {  	[tilespmem:s5], [sflag:$0x4] =	stream.indirect.gather [hbm4b:s0+s31], $0x80, s10, s31, $0xb8;
	[tilespmem:$0x19130] =	vst v63  }
0x1ab: {  	s10 =	simm.s32 $0xB80  }
0x1ac: {  	[tilespmem:s6], [sflag:$0x5] =	stream.indirect.gather [hbm4b:s0+s31], $0x80, s10, s31, $0xb8;
	[tilespmem:$0x19130] =	vst v63  }
0x1ad: {  	s10 =	simm.s32 $0xC80  }
0x1ae: {  	[tilespmem:s7], [sflag:$0x6] =	stream.indirect.gather [hbm4b:s0+s31], $0x80, s10, s31, $0xb8;
	[tilespmem:$0x19130] =	vst v63  }
0x1af: {  	_ =	swait.ge [sflag:s13], $0x4000  }
0x1b0: {  	[sflag:s13] =	ssyncset.done $0x0  }
0x1b1: {  	s10 =	rddreg [dreg:$0xa];
	[sflag:s13] =	ssyncadd.s32 $0xFFFFC000  }
0x1b2: {  	[hbm4b:s10+s31] =	stream.indirect.scatter [tilespmem:s11], [sflag:$0x1], $0x80, s1, s31, $0xb8;
	[tilespmem:$0x19130] =	vst v63  }
0x1b3: {  	_ =	swait.ge [sflag:s28], $0x4000  }
0x1b4: {  	[sflag:s28] =	ssyncset.done $0x0  }
0x1b5: {  	s11 =	rddreg [dreg:$0xb];
	[sflag:s28] =	ssyncadd.s32 $0xFFFFC000  }
0x1b6: {  	[hbm4b:s11+s31] =	stream.indirect.scatter [tilespmem:s12], [sflag:$0x2], $0x80, s1, s31, $0xb8;
	[tilespmem:$0x19130] =	vst v63  }
0x1b7: {  	_ =	swait.ge [sflag:s29], $0x4000  }
0x1b8: {  	[sflag:s29] =	ssyncset.done $0x0  }
0x1b9: {  	s12 =	rddreg [dreg:$0xc];
	[sflag:s29] =	ssyncadd.s32 $0xFFFFC000  }
0x1ba: {  	[hbm4b:s12+s31] =	stream.indirect.scatter [tilespmem:s4], [sflag:$0x3], $0x80, s1, s31, $0xb8;
	[tilespmem:$0x19130] =	vst v63  }
0x1bb: {  	_ =	swait.ge [sflag:s14], $0x4000  }
0x1bc: {  	[sflag:s14] =	ssyncset.done $0x0  }
0x1bd: {  	[sflag:s14] =	ssyncadd.s32 $0xFFFFC000  }
0x1be: {  	[hbm4b:s10+s31] =	stream.indirect.scatter [tilespmem:s5], [sflag:$0x4], $0x80, s26, s31, $0xb8;
	[tilespmem:$0x19130] =	vst v63  }
0x1bf: {  	_ =	swait.ge [sflag:s2], $0x4000  }
0x1c0: {  	[sflag:s2] =	ssyncset.done $0x0  }
0x1c1: {  	[sflag:s2] =	ssyncadd.s32 $0xFFFFC000  }
0x1c2: {  	[hbm4b:s11+s31] =	stream.indirect.scatter [tilespmem:s6], [sflag:$0x5], $0x80, s26, s31, $0xb8;
	[tilespmem:$0x19130] =	vst v63  }
0x1c3: {  	_ =	swait.ge [sflag:s8], $0x4000  }
0x1c4: {  	[sflag:s8] =	ssyncset.done $0x0  }
0x1c5: {  	[sflag:s8] =	ssyncadd.s32 $0xFFFFC000  }
0x1c6: {  	[hbm4b:s12+s31] =	stream.indirect.scatter [tilespmem:s7], [sflag:$0x6], $0x80, s26, s31, $0xb8;
	[tilespmem:$0x19130] =	vst v63  }
0x1c7: {  	_ =	swait.ge [sflag:s13], $0x4000  }
0x1c8: {  	[sflag:s13] =	ssyncset.done $0x0  }
0x1c9: {  	[sflag:s13] =	ssyncadd.s32 $0xFFFFC000  }
0x1ca: {  	_ =	swait.ge [sflag:s28], $0x4000  }
0x1cb: {  	[sflag:s28] =	ssyncset.done $0x0  }
0x1cc: {  	[sflag:s28] =	ssyncadd.s32 $0xFFFFC000  }
0x1cd: {  	_ =	swait.ge [sflag:s29], $0x4000  }
0x1ce: {  	[sflag:s29] =	ssyncset.done $0x0  }
0x1cf: {  	[sflag:s29] =	ssyncadd.s32 $0xFFFFC000  }
0x1d0: {  	_ =	swait.ge [sflag:s14], $0x4000  }
0x1d1: {  	[sflag:s14] =	ssyncset.done $0x0  }
0x1d2: {  	[sflag:s14] =	ssyncadd.s32 $0xFFFFC000  }
0x1d3: {  	_ =	swait.ge [sflag:s2], $0x4000  }
0x1d4: {  	[sflag:s2] =	ssyncset.done $0x0  }
0x1d5: {  	[sflag:s2] =	ssyncadd.s32 $0xFFFFC000  }
0x1d6: {  	_ =	swait.ge [sflag:s8], $0x4000  }
0x1d7: {  	[sflag:s8] =	ssyncset.done $0x0  }
0x1d8: {  	[sflag:s8] =	ssyncadd.s32 $0xFFFFC000  }
0x1d9: {  	_ =	swait.ge [sflag:s18], $0x80  }
0x1da: {  	[sflag:s18] =	ssyncset.done $0x0  }
0x1db: {  	[sflag:s18] =	ssyncadd.s32 $0xFFFFFF80  }
0x1dc: {  	_ =	swait.ge [sflag:s18], $0x80  }
0x1dd: {  	s9 =	sadd.s32 $0x1, s9;
	s12 =	rddreg [dreg:$0x9]  }
0x1de: {  	p1 =	sne.s32 s9, s12  }
.Ltmp2:
0x1df: {  	_ = 	snop;
	(pc) =	sbr.rel @p1 .LBB2_1-.Ltmp2, $3  }
0x1e0: {  	_ =	sdelay $0x1  }
0x1e1: {  	[sflag:s18] =	ssyncset.done $0x0  }
0x1e2: {  	[sflag:s18] =	ssyncadd.s32 $0xFFFFFF80  }
0x1e3: {  	_ =	sfence.sel $0x180000  }
0x1e4: {  	[bflag:$0x0] =	sbarrier.arrive $0xFFFF  }
0x1e5: {  	_ =	strace $0x90000047  }
0x1e6: {  	[bflag:$0x2] =	sbarrier.arrive $0xFFFF  }
0x1e7: {  	s0 =	rddreg [dreg:$0x3]  }
0x1e8: {  	s0 =	sadd.s32 @!p0 $0x100000, s0  }
0x1e9: {  	[sflag:s0] =	ssyncadd.tile.s32 @!p0 $0x1;
	_ =	shalt  }
.Lfunc_end2:
_tile_overlayer_lowered:
.L_overlay_start_2:
0x1ea: {  	(tag) =	ssettag $0x2  }
0x1eb: {  	s0 =	rddreg [dreg:$0x0];
	s2 =	stileid.u32  }
0x1ec: {  	s1 =	rddreg [dreg:$0x1];
	p0 =	sne.s32 s2, $0x0  }
0x1ed: {  	s3 =	rddreg [dreg:$0x2];
	[bflag:$0x3] =	sbarrier.arrive $0xFFFF;
	s2 =	simm.s32 @!p0 $0x1C08  }
0x1ee: {  	[timem:s3], [sflag:s2] =	dma.local @!p0 [hbm:s0], s1  }
0x1ef: {  	s0 =	simm.s32 @!p0 $0x8  }
0x1f0: {  	_ =	swait.ge @!p0 [sflag:s0], s1  }
0x1f1: {  	s1 =	ssub.s32 @!p0 $0x0, s1;
	[sflag:s0] =	ssyncset.done @!p0 $0x0  }
0x1f2: {  	[sflag:s0] =	ssyncadd.s32 @!p0 s1  }
0x1f3: {  	[bflag:$0x3] =	sbarrier.arrive $0xFFFF  }
0x1f4: {  	_ =	shalt  }

</sc_bundles>
